<compile_context>
chip_gen: v7x
topology: tpu7x:2x2x1
jax: 0.10.2.dev20260603
libtpu: 0.0.44.dev20260713+nightly
codegen_flags: <defaults>
</compile_context>

<pallas_src>
import jax
import jax.numpy as jnp
from jax import lax
from jax.experimental import pallas as pl
from jax.experimental.pallas import tpu as pltpu, tpu_sc as plsc

_NW = 32
_BANDS = 8
_ROWS = 64
_W = 512
_MSLABS = 16 * _BANDS // _NW
_NB = 3
_CB = 8
_NCOPY = 80 // _CB


def _sigmoid_inplace(buf):
    def row(r, carry):
        for j in range(_W // 16):
            sl = pl.ds(j * 16, 16)
            v = buf[r, sl]
            buf[r, sl] = 1.0 / (1.0 + jnp.exp(-v))
        return carry

    lax.fori_loop(0, _ROWS, row, 0)


def _sc_body(m_hbm, o_hbm, b0, b1, b2, i0, i1, i2, o0, o1, o2):
    bufs = (b0, b1, b2)
    sin = (i0, i1, i2)
    sout = (o0, o1, o2)
    c = lax.axis_index("c")
    s = lax.axis_index("s")
    wid = s * 2 + c

    jobs = []
    for k in range(_MSLABS):
        idx = wid * _MSLABS + k
        ch = idx // _BANDS
        band = idx % _BANDS
        jobs.append((ch, band))

    def in_cp(job, b):
        ch, band = job
        return pltpu.make_async_copy(
            m_hbm.at[ch, pl.ds(band * _ROWS, _ROWS), :], bufs[b], sin[b]
        )

    def out_cp(job, b):
        ch, band = job
        return pltpu.make_async_copy(
            bufs[b], o_hbm.at[ch + 80, pl.ds(band * _ROWS, _ROWS), :], sout[b]
        )

    n = len(jobs)
    in_cp(jobs[0], 0).start()
    in_cp(jobs[1], 1).start()
    for k in range(n):
        b = k % _NB
        in_cp(jobs[k], b).wait()
        _sigmoid_inplace(bufs[b])
        out_cp(jobs[k], b).start()
        if k + 2 < n:
            b2 = (k + 2) % _NB
            if k >= 1:
                out_cp(jobs[k - 1], b2).wait()
            in_cp(jobs[k + 2], b2).start()
    for k in (n - 3, n - 2, n - 1):
        if k >= 0:
            out_cp(jobs[k], k % _NB).wait()


def _tc_copy(x_ref, o1_ref, out_ref):
    out_ref[...] = x_ref[...]


def kernel(x, mask):
    C, H, W = x.shape
    mesh = plsc.VectorSubcoreMesh(core_axis_name="c", subcore_axis_name="s")
    o1 = pl.kernel(
        _sc_body,
        mesh=mesh,
        out_type=jax.ShapeDtypeStruct(x.shape, x.dtype),
        compiler_params=pltpu.CompilerParams(use_tc_tiling_on_sc=True),
        scratch_types=[
            pltpu.VMEM((_ROWS, _W), jnp.float32),
            pltpu.VMEM((_ROWS, _W), jnp.float32),
            pltpu.VMEM((_ROWS, _W), jnp.float32),
            pltpu.SemaphoreType.DMA,
            pltpu.SemaphoreType.DMA,
            pltpu.SemaphoreType.DMA,
            pltpu.SemaphoreType.DMA,
            pltpu.SemaphoreType.DMA,
            pltpu.SemaphoreType.DMA,
        ],
    )(mask)
    return pl.pallas_call(
        _tc_copy,
        grid=(_NCOPY,),
        in_specs=[
            pl.BlockSpec((_CB, H, W), lambda c: (c, 0, 0)),
            pl.BlockSpec(memory_space=pltpu.MemorySpace.HBM),
        ],
        out_specs=pl.BlockSpec((_CB, H, W), lambda c: (c, 0, 0)),
        out_shape=jax.ShapeDtypeStruct((C, H, W), x.dtype),
        input_output_aliases={1: 0},
    )(x, o1)

# --- scband reference (transcript-rebuilt; emitter-appended) ---
"""Pipeline reference for scband-trainable-boundary-43851616092495 (READ-ONLY COPY).

The authoritative reference and input builder live on the scoring server;
editing this copy changes nothing except your own understanding.
"""

import jax, jax.numpy as jnp
import numpy as np


def setup_inputs(seed: int = 0) -> dict:
    key = jax.random.key(seed)
    k1, k2 = jax.random.split(key)
    x = jax.random.normal(k1, (96, 512, 512), dtype=jnp.float32)
    mask = jax.random.normal(k2, (16, 512, 512), dtype=jnp.float32)
    return {"x": x, "mask": mask}


def reference(x, mask):
    # trainable_boundary.__call__: overwrite the last m_channels of x with
    # limit_function(mask) (limit_function = jax.nn.sigmoid)
    m_channels = mask.shape[0]
    x_masked = x.at[-m_channels:].set(jax.nn.sigmoid(mask))
    return x_masked

if __name__ == "__main__":
    import jax
    _d = setup_inputs()
    print(jax.jit(kernel)(*tuple(_d.values())))

</pallas_src>

<mosaic_0001>
#map = affine_map<(d0, d1) -> (0, 0, 0)>
module attributes {stable_mosaic.version = 14 : i64} {
  func.func @_sc_body(%arg0: i32, %arg1: i32, %arg2: memref<16x512x512xf32, #tpu.memory_space<hbm>>, %arg3: memref<96x512x512xf32, #tpu.memory_space<hbm>>, %arg4: memref<64x512xf32, #tpu.memory_space<vmem>>, %arg5: memref<64x512xf32, #tpu.memory_space<vmem>>, %arg6: memref<64x512xf32, #tpu.memory_space<vmem>>, %arg7: memref<!tpu.dma_semaphore, #tpu.memory_space<semaphore_mem>>, %arg8: memref<!tpu.dma_semaphore, #tpu.memory_space<semaphore_mem>>, %arg9: memref<!tpu.dma_semaphore, #tpu.memory_space<semaphore_mem>>, %arg10: memref<!tpu.dma_semaphore, #tpu.memory_space<semaphore_mem>>, %arg11: memref<!tpu.dma_semaphore, #tpu.memory_space<semaphore_mem>>, %arg12: memref<!tpu.dma_semaphore, #tpu.memory_space<semaphore_mem>>) attributes {dimension_semantics = [#tpu.dimension_semantics<core_parallel>, #tpu.dimension_semantics<subcore_parallel>], iteration_bounds = array<i64: 2, 16>, scalar_prefetch = 0 : i64, scratch_operands = 9 : i64, tpu.core_type = #tpu.core_type<sc_vector_subcore>, window_params = [{transform_indices = #map}, {transform_indices = #map}]} {
    %mul3A = arith.constant 2 : i32
    %mul3A_0 = arith.muli %arg1, %mul3A : i32
    %add3A = arith.addi %mul3A_0, %arg0 : i32
    %mul3A_1 = arith.constant 4 : i32
    %mul3A_2 = arith.muli %add3A, %mul3A_1 : i32
    %add3A_3 = arith.constant 0 : i32
    %add3A_4 = arith.addi %mul3A_2, %add3A_3 : i32
    %jit3A = arith.constant 8 : i32
    %div3A = arith.divsi %add3A_4, %jit3A : i32
    %sign3A = arith.constant 0 : i32
    %sign3A_5 = arith.cmpi sgt, %add3A_4, %sign3A : i32
    %sign3A_6 = arith.extui %sign3A_5 : i1 to i32
    %sign3A_7 = arith.constant 0 : i32
    %sign3A_8 = arith.cmpi slt, %add3A_4, %sign3A_7 : i32
    %sign3A_9 = arith.extui %sign3A_8 : i1 to i32
    %sign3A_10 = arith.subi %sign3A_6, %sign3A_9 : i32
    %sign3A_11 = arith.constant 0 : i32
    %sign3A_12 = arith.cmpi sgt, %jit3A, %sign3A_11 : i32
    %sign3A_13 = arith.extui %sign3A_12 : i1 to i32
    %sign3A_14 = arith.constant 0 : i32
    %sign3A_15 = arith.cmpi slt, %jit3A, %sign3A_14 : i32
    %sign3A_16 = arith.extui %sign3A_15 : i1 to i32
    %sign3A_17 = arith.subi %sign3A_13, %sign3A_16 : i32
    %ne3A = arith.cmpi ne, %sign3A_10, %sign3A_17 : i32
    %rem3A = arith.remsi %add3A_4, %jit3A : i32
    %ne3A_18 = arith.constant 0 : i32
    %ne3A_19 = arith.cmpi ne, %rem3A, %ne3A_18 : i32
    %and3A = arith.andi %ne3A, %ne3A_19 : i1
    %sub3A = arith.constant 1 : i32
    %sub3A_20 = arith.subi %div3A, %sub3A : i32
    %select_n3A = arith.select %and3A, %sub3A_20, %div3A : i32
    %jit3A_21 = arith.constant 8 : i32
    %eq3A = arith.constant 0 : i32
    %eq3A_22 = arith.cmpi eq, %jit3A_21, %eq3A : i32
    %jit3A_23 = arith.constant 1 : i32
    %select_n3A_24 = arith.select %eq3A_22, %jit3A_23, %jit3A_21 : i32
    %rem3A_25 = arith.remsi %add3A_4, %select_n3A_24 : i32
    %ne3A_26 = arith.constant 0 : i32
    %ne3A_27 = arith.cmpi ne, %rem3A_25, %ne3A_26 : i32
    %lt3A = arith.constant 0 : i32
    %lt3A_28 = arith.cmpi slt, %rem3A_25, %lt3A : i32
    %lt3A_29 = arith.constant 0 : i32
    %lt3A_30 = arith.cmpi slt, %select_n3A_24, %lt3A_29 : i32
    %ne3A_31 = arith.xori %lt3A_28, %lt3A_30 : i1
    %and3A_32 = arith.andi %ne3A_31, %ne3A_27 : i1
    %add3A_33 = arith.addi %rem3A_25, %select_n3A_24 : i32
    %select_n3A_34 = arith.select %and3A_32, %add3A_33, %rem3A_25 : i32
    %mul3A_35 = arith.constant 4 : i32
    %mul3A_36 = arith.muli %add3A, %mul3A_35 : i32
    %add3A_37 = arith.constant 1 : i32
    %add3A_38 = arith.addi %mul3A_36, %add3A_37 : i32
    %jit3A_39 = arith.constant 8 : i32
    %div3A_40 = arith.divsi %add3A_38, %jit3A_39 : i32
    %sign3A_41 = arith.constant 0 : i32
    %sign3A_42 = arith.cmpi sgt, %add3A_38, %sign3A_41 : i32
    %sign3A_43 = arith.extui %sign3A_42 : i1 to i32
    %sign3A_44 = arith.constant 0 : i32
    %sign3A_45 = arith.cmpi slt, %add3A_38, %sign3A_44 : i32
    %sign3A_46 = arith.extui %sign3A_45 : i1 to i32
    %sign3A_47 = arith.subi %sign3A_43, %sign3A_46 : i32
    %sign3A_48 = arith.constant 0 : i32
    %sign3A_49 = arith.cmpi sgt, %jit3A_39, %sign3A_48 : i32
    %sign3A_50 = arith.extui %sign3A_49 : i1 to i32
    %sign3A_51 = arith.constant 0 : i32
    %sign3A_52 = arith.cmpi slt, %jit3A_39, %sign3A_51 : i32
    %sign3A_53 = arith.extui %sign3A_52 : i1 to i32
    %sign3A_54 = arith.subi %sign3A_50, %sign3A_53 : i32
    %ne3A_55 = arith.cmpi ne, %sign3A_47, %sign3A_54 : i32
    %rem3A_56 = arith.remsi %add3A_38, %jit3A_39 : i32
    %ne3A_57 = arith.constant 0 : i32
    %ne3A_58 = arith.cmpi ne, %rem3A_56, %ne3A_57 : i32
    %and3A_59 = arith.andi %ne3A_55, %ne3A_58 : i1
    %sub3A_60 = arith.constant 1 : i32
    %sub3A_61 = arith.subi %div3A_40, %sub3A_60 : i32
    %select_n3A_62 = arith.select %and3A_59, %sub3A_61, %div3A_40 : i32
    %jit3A_63 = arith.constant 8 : i32
    %eq3A_64 = arith.constant 0 : i32
    %eq3A_65 = arith.cmpi eq, %jit3A_63, %eq3A_64 : i32
    %jit3A_66 = arith.constant 1 : i32
    %select_n3A_67 = arith.select %eq3A_65, %jit3A_66, %jit3A_63 : i32
    %rem3A_68 = arith.remsi %add3A_38, %select_n3A_67 : i32
    %ne3A_69 = arith.constant 0 : i32
    %ne3A_70 = arith.cmpi ne, %rem3A_68, %ne3A_69 : i32
    %lt3A_71 = arith.constant 0 : i32
    %lt3A_72 = arith.cmpi slt, %rem3A_68, %lt3A_71 : i32
    %lt3A_73 = arith.constant 0 : i32
    %lt3A_74 = arith.cmpi slt, %select_n3A_67, %lt3A_73 : i32
    %ne3A_75 = arith.xori %lt3A_72, %lt3A_74 : i1
    %and3A_76 = arith.andi %ne3A_75, %ne3A_70 : i1
    %add3A_77 = arith.addi %rem3A_68, %select_n3A_67 : i32
    %select_n3A_78 = arith.select %and3A_76, %add3A_77, %rem3A_68 : i32
    %mul3A_79 = arith.constant 4 : i32
    %mul3A_80 = arith.muli %add3A, %mul3A_79 : i32
    %add3A_81 = arith.constant 2 : i32
    %add3A_82 = arith.addi %mul3A_80, %add3A_81 : i32
    %jit3A_83 = arith.constant 8 : i32
    %div3A_84 = arith.divsi %add3A_82, %jit3A_83 : i32
    %sign3A_85 = arith.constant 0 : i32
    %sign3A_86 = arith.cmpi sgt, %add3A_82, %sign3A_85 : i32
    %sign3A_87 = arith.extui %sign3A_86 : i1 to i32
    %sign3A_88 = arith.constant 0 : i32
    %sign3A_89 = arith.cmpi slt, %add3A_82, %sign3A_88 : i32
    %sign3A_90 = arith.extui %sign3A_89 : i1 to i32
    %sign3A_91 = arith.subi %sign3A_87, %sign3A_90 : i32
    %sign3A_92 = arith.constant 0 : i32
    %sign3A_93 = arith.cmpi sgt, %jit3A_83, %sign3A_92 : i32
    %sign3A_94 = arith.extui %sign3A_93 : i1 to i32
    %sign3A_95 = arith.constant 0 : i32
    %sign3A_96 = arith.cmpi slt, %jit3A_83, %sign3A_95 : i32
    %sign3A_97 = arith.extui %sign3A_96 : i1 to i32
    %sign3A_98 = arith.subi %sign3A_94, %sign3A_97 : i32
    %ne3A_99 = arith.cmpi ne, %sign3A_91, %sign3A_98 : i32
    %rem3A_100 = arith.remsi %add3A_82, %jit3A_83 : i32
    %ne3A_101 = arith.constant 0 : i32
    %ne3A_102 = arith.cmpi ne, %rem3A_100, %ne3A_101 : i32
    %and3A_103 = arith.andi %ne3A_99, %ne3A_102 : i1
    %sub3A_104 = arith.constant 1 : i32
    %sub3A_105 = arith.subi %div3A_84, %sub3A_104 : i32
    %select_n3A_106 = arith.select %and3A_103, %sub3A_105, %div3A_84 : i32
    %jit3A_107 = arith.constant 8 : i32
    %eq3A_108 = arith.constant 0 : i32
    %eq3A_109 = arith.cmpi eq, %jit3A_107, %eq3A_108 : i32
    %jit3A_110 = arith.constant 1 : i32
    %select_n3A_111 = arith.select %eq3A_109, %jit3A_110, %jit3A_107 : i32
    %rem3A_112 = arith.remsi %add3A_82, %select_n3A_111 : i32
    %ne3A_113 = arith.constant 0 : i32
    %ne3A_114 = arith.cmpi ne, %rem3A_112, %ne3A_113 : i32
    %lt3A_115 = arith.constant 0 : i32
    %lt3A_116 = arith.cmpi slt, %rem3A_112, %lt3A_115 : i32
    %lt3A_117 = arith.constant 0 : i32
    %lt3A_118 = arith.cmpi slt, %select_n3A_111, %lt3A_117 : i32
    %ne3A_119 = arith.xori %lt3A_116, %lt3A_118 : i1
    %and3A_120 = arith.andi %ne3A_119, %ne3A_114 : i1
    %add3A_121 = arith.addi %rem3A_112, %select_n3A_111 : i32
    %select_n3A_122 = arith.select %and3A_120, %add3A_121, %rem3A_112 : i32
    %mul3A_123 = arith.constant 4 : i32
    %mul3A_124 = arith.muli %add3A, %mul3A_123 : i32
    %add3A_125 = arith.constant 3 : i32
    %add3A_126 = arith.addi %mul3A_124, %add3A_125 : i32
    %jit3A_127 = arith.constant 8 : i32
    %div3A_128 = arith.divsi %add3A_126, %jit3A_127 : i32
    %sign3A_129 = arith.constant 0 : i32
    %sign3A_130 = arith.cmpi sgt, %add3A_126, %sign3A_129 : i32
    %sign3A_131 = arith.extui %sign3A_130 : i1 to i32
    %sign3A_132 = arith.constant 0 : i32
    %sign3A_133 = arith.cmpi slt, %add3A_126, %sign3A_132 : i32
    %sign3A_134 = arith.extui %sign3A_133 : i1 to i32
    %sign3A_135 = arith.subi %sign3A_131, %sign3A_134 : i32
    %sign3A_136 = arith.constant 0 : i32
    %sign3A_137 = arith.cmpi sgt, %jit3A_127, %sign3A_136 : i32
    %sign3A_138 = arith.extui %sign3A_137 : i1 to i32
    %sign3A_139 = arith.constant 0 : i32
    %sign3A_140 = arith.cmpi slt, %jit3A_127, %sign3A_139 : i32
    %sign3A_141 = arith.extui %sign3A_140 : i1 to i32
    %sign3A_142 = arith.subi %sign3A_138, %sign3A_141 : i32
    %ne3A_143 = arith.cmpi ne, %sign3A_135, %sign3A_142 : i32
    %rem3A_144 = arith.remsi %add3A_126, %jit3A_127 : i32
    %ne3A_145 = arith.constant 0 : i32
    %ne3A_146 = arith.cmpi ne, %rem3A_144, %ne3A_145 : i32
    %and3A_147 = arith.andi %ne3A_143, %ne3A_146 : i1
    %sub3A_148 = arith.constant 1 : i32
    %sub3A_149 = arith.subi %div3A_128, %sub3A_148 : i32
    %select_n3A_150 = arith.select %and3A_147, %sub3A_149, %div3A_128 : i32
    %jit3A_151 = arith.constant 8 : i32
    %eq3A_152 = arith.constant 0 : i32
    %eq3A_153 = arith.cmpi eq, %jit3A_151, %eq3A_152 : i32
    %jit3A_154 = arith.constant 1 : i32
    %select_n3A_155 = arith.select %eq3A_153, %jit3A_154, %jit3A_151 : i32
    %rem3A_156 = arith.remsi %add3A_126, %select_n3A_155 : i32
    %ne3A_157 = arith.constant 0 : i32
    %ne3A_158 = arith.cmpi ne, %rem3A_156, %ne3A_157 : i32
    %lt3A_159 = arith.constant 0 : i32
    %lt3A_160 = arith.cmpi slt, %rem3A_156, %lt3A_159 : i32
    %lt3A_161 = arith.constant 0 : i32
    %lt3A_162 = arith.cmpi slt, %select_n3A_155, %lt3A_161 : i32
    %ne3A_163 = arith.xori %lt3A_160, %lt3A_162 : i1
    %and3A_164 = arith.andi %ne3A_163, %ne3A_158 : i1
    %add3A_165 = arith.addi %rem3A_156, %select_n3A_155 : i32
    %select_n3A_166 = arith.select %and3A_164, %add3A_165, %rem3A_156 : i32
    %mul3A_167 = arith.constant 64 : i32
    %mul3A_168 = arith.muli %select_n3A_34, %mul3A_167 : i32
    %dma_start3A = arith.constant 0 : i32
    %dma_start3A_169 = tpu.memref_slice %arg2[%select_n3A, %mul3A_168, %dma_start3A] : memref<16x512x512xf32, #tpu.memory_space<hbm>> -> memref<1x64x512xf32, #tpu.memory_space<hbm>>
    %dma_start3A_170 = tpu.memref_squeeze %dma_start3A_169 : memref<1x64x512xf32, #tpu.memory_space<hbm>> -> memref<64x512xf32, #tpu.memory_space<hbm>>
    %dma_start3A_171 = arith.constant 0 : i32
    %dma_start3A_172 = tpu.memref_slice %arg2[%select_n3A, %mul3A_168, %dma_start3A_171] : memref<16x512x512xf32, #tpu.memory_space<hbm>> -> memref<1x64x512xf32, #tpu.memory_space<hbm>>
    %dma_start3A_173 = tpu.memref_squeeze %dma_start3A_172 : memref<1x64x512xf32, #tpu.memory_space<hbm>> -> memref<64x512xf32, #tpu.memory_space<hbm>>
    tpu.enqueue_dma source(%dma_start3A_173 : memref<64x512xf32, #tpu.memory_space<hbm>>) target(%arg4 : memref<64x512xf32, #tpu.memory_space<vmem>>) target_semaphore(%arg7 : memref<!tpu.dma_semaphore, #tpu.memory_space<semaphore_mem>>)
    %mul3A_174 = arith.constant 64 : i32
    %mul3A_175 = arith.muli %select_n3A_78, %mul3A_174 : i32
    %dma_start3A_176 = arith.constant 0 : i32
    %dma_start3A_177 = tpu.memref_slice %arg2[%select_n3A_62, %mul3A_175, %dma_start3A_176] : memref<16x512x512xf32, #tpu.memory_space<hbm>> -> memref<1x64x512xf32, #tpu.memory_space<hbm>>
    %dma_start3A_178 = tpu.memref_squeeze %dma_start3A_177 : memref<1x64x512xf32, #tpu.memory_space<hbm>> -> memref<64x512xf32, #tpu.memory_space<hbm>>
    %dma_start3A_179 = arith.constant 0 : i32
    %dma_start3A_180 = tpu.memref_slice %arg2[%select_n3A_62, %mul3A_175, %dma_start3A_179] : memref<16x512x512xf32, #tpu.memory_space<hbm>> -> memref<1x64x512xf32, #tpu.memory_space<hbm>>
    %dma_start3A_181 = tpu.memref_squeeze %dma_start3A_180 : memref<1x64x512xf32, #tpu.memory_space<hbm>> -> memref<64x512xf32, #tpu.memory_space<hbm>>
    tpu.enqueue_dma source(%dma_start3A_181 : memref<64x512xf32, #tpu.memory_space<hbm>>) target(%arg5 : memref<64x512xf32, #tpu.memory_space<vmem>>) target_semaphore(%arg8 : memref<!tpu.dma_semaphore, #tpu.memory_space<semaphore_mem>>)
    %mul3A_182 = arith.constant 64 : i32
    %mul3A_183 = arith.muli %select_n3A_34, %mul3A_182 : i32
    %dma_wait3A = arith.constant 0 : i32
    %dma_wait3A_184 = tpu.memref_slice %arg2[%select_n3A, %mul3A_183, %dma_wait3A] : memref<16x512x512xf32, #tpu.memory_space<hbm>> -> memref<1x64x512xf32, #tpu.memory_space<hbm>>
    %dma_wait3A_185 = tpu.memref_squeeze %dma_wait3A_184 : memref<1x64x512xf32, #tpu.memory_space<hbm>> -> memref<64x512xf32, #tpu.memory_space<hbm>>
    %dma_wait3A_186 = arith.constant 0 : i32
    %dma_wait3A_187 = tpu.memref_slice %arg2[%select_n3A, %mul3A_183, %dma_wait3A_186] : memref<16x512x512xf32, #tpu.memory_space<hbm>> -> memref<1x64x512xf32, #tpu.memory_space<hbm>>
    %dma_wait3A_188 = tpu.memref_squeeze %dma_wait3A_187 : memref<1x64x512xf32, #tpu.memory_space<hbm>> -> memref<64x512xf32, #tpu.memory_space<hbm>>
    tpu.wait_dma2 semaphore(%arg7 : memref<!tpu.dma_semaphore, #tpu.memory_space<semaphore_mem>>) src(%dma_wait3A_188 : memref<64x512xf32, #tpu.memory_space<hbm>>) dst(%arg4 : memref<64x512xf32, #tpu.memory_space<vmem>>)
    %scan3A = arith.constant 0 : i32
    %scan3A_189 = arith.constant 0 : i32
    %scan3A_190 = arith.constant 64 : i32
    %scan3A_191 = arith.addi %scan3A_189, %scan3A_190 : i32
    %scan3A_192 = arith.constant 1 : i32
    scf.for %scan3A_332 = %scan3A_189 to %scan3A_191 step %scan3A_192  : i32 {
      %get3A = arith.index_cast %scan3A_332 : i32 to index
      %get3A_333 = arith.constant 0 : index
      %get3A_334 = tpu.vector_load %arg4[%get3A, %get3A_333] {strides = array<i32>} : memref<64x512xf32, #tpu.memory_space<vmem>>, vector<1x16xf32>,
      %get3A_335 = vector.shape_cast %get3A_334 : vector<1x16xf32> to vector<16xf32>
      %neg3A = arith.constant 0.000000e+00 : f32
      %neg3A_336 = vector.broadcast %neg3A : f32 to vector<16xf32>
      %neg3A_337 = arith.subf %neg3A_336, %get3A_335 : vector<16xf32>
      %exp3A = math.exp %neg3A_337 : vector<16xf32>
      %add3A_338 = arith.constant 1.000000e+00 : f32
      %add3A_339 = vector.broadcast %add3A_338 : f32 to vector<16xf32>
      %add3A_340 = arith.addf %add3A_339, %exp3A : vector<16xf32>
      %div3A_341 = arith.constant 1.000000e+00 : f32
      %div3A_342 = vector.broadcast %div3A_341 : f32 to vector<16xf32>
      %div3A_343 = arith.divf %div3A_342, %add3A_340 : vector<16xf32>
      %swap3A = arith.index_cast %scan3A_332 : i32 to index
      %swap3A_344 = arith.constant 0 : index
      %swap3A_345 = tpu.vector_load %arg4[%swap3A, %swap3A_344] {strides = array<i32>} : memref<64x512xf32, #tpu.memory_space<vmem>>, vector<1x16xf32>,
      %swap3A_346 = vector.shape_cast %swap3A_345 : vector<1x16xf32> to vector<16xf32>
      %swap3A_347 = vector.shape_cast %div3A_343 : vector<16xf32> to vector<1x16xf32>
      tpu.vector_store %arg4[%swap3A, %swap3A_344], %swap3A_347 {strides = array<i32>} : memref<64x512xf32, #tpu.memory_space<vmem>>, vector<1x16xf32>,
      %get3A_348 = arith.index_cast %scan3A_332 : i32 to index
      %get3A_349 = arith.constant 16 : index
      %get3A_350 = tpu.vector_load %arg4[%get3A_348, %get3A_349] {strides = array<i32>} : memref<64x512xf32, #tpu.memory_space<vmem>>, vector<1x16xf32>,
      %get3A_351 = vector.shape_cast %get3A_350 : vector<1x16xf32> to vector<16xf32>
      %neg3A_352 = arith.constant 0.000000e+00 : f32
      %neg3A_353 = vector.broadcast %neg3A_352 : f32 to vector<16xf32>
      %neg3A_354 = arith.subf %neg3A_353, %get3A_351 : vector<16xf32>
      %exp3A_355 = math.exp %neg3A_354 : vector<16xf32>
      %add3A_356 = arith.constant 1.000000e+00 : f32
      %add3A_357 = vector.broadcast %add3A_356 : f32 to vector<16xf32>
      %add3A_358 = arith.addf %add3A_357, %exp3A_355 : vector<16xf32>
      %div3A_359 = arith.constant 1.000000e+00 : f32
      %div3A_360 = vector.broadcast %div3A_359 : f32 to vector<16xf32>
      %div3A_361 = arith.divf %div3A_360, %add3A_358 : vector<16xf32>
      %swap3A_362 = arith.index_cast %scan3A_332 : i32 to index
      %swap3A_363 = arith.constant 16 : index
      %swap3A_364 = tpu.vector_load %arg4[%swap3A_362, %swap3A_363] {strides = array<i32>} : memref<64x512xf32, #tpu.memory_space<vmem>>, vector<1x16xf32>,
      %swap3A_365 = vector.shape_cast %swap3A_364 : vector<1x16xf32> to vector<16xf32>
      %swap3A_366 = vector.shape_cast %div3A_361 : vector<16xf32> to vector<1x16xf32>
      tpu.vector_store %arg4[%swap3A_362, %swap3A_363], %swap3A_366 {strides = array<i32>} : memref<64x512xf32, #tpu.memory_space<vmem>>, vector<1x16xf32>,
      %get3A_367 = arith.index_cast %scan3A_332 : i32 to index
      %get3A_368 = arith.constant 32 : index
      %get3A_369 = tpu.vector_load %arg4[%get3A_367, %get3A_368] {strides = array<i32>} : memref<64x512xf32, #tpu.memory_space<vmem>>, vector<1x16xf32>,
      %get3A_370 = vector.shape_cast %get3A_369 : vector<1x16xf32> to vector<16xf32>
      %neg3A_371 = arith.constant 0.000000e+00 : f32
      %neg3A_372 = vector.broadcast %neg3A_371 : f32 to vector<16xf32>
      %neg3A_373 = arith.subf %neg3A_372, %get3A_370 : vector<16xf32>
      %exp3A_374 = math.exp %neg3A_373 : vector<16xf32>
      %add3A_375 = arith.constant 1.000000e+00 : f32
      %add3A_376 = vector.broadcast %add3A_375 : f32 to vector<16xf32>
      %add3A_377 = arith.addf %add3A_376, %exp3A_374 : vector<16xf32>
      %div3A_378 = arith.constant 1.000000e+00 : f32
      %div3A_379 = vector.broadcast %div3A_378 : f32 to vector<16xf32>
      %div3A_380 = arith.divf %div3A_379, %add3A_377 : vector<16xf32>
      %swap3A_381 = arith.index_cast %scan3A_332 : i32 to index
      %swap3A_382 = arith.constant 32 : index
      %swap3A_383 = tpu.vector_load %arg4[%swap3A_381, %swap3A_382] {strides = array<i32>} : memref<64x512xf32, #tpu.memory_space<vmem>>, vector<1x16xf32>,
      %swap3A_384 = vector.shape_cast %swap3A_383 : vector<1x16xf32> to vector<16xf32>
      %swap3A_385 = vector.shape_cast %div3A_380 : vector<16xf32> to vector<1x16xf32>
      tpu.vector_store %arg4[%swap3A_381, %swap3A_382], %swap3A_385 {strides = array<i32>} : memref<64x512xf32, #tpu.memory_space<vmem>>, vector<1x16xf32>,
      %get3A_386 = arith.index_cast %scan3A_332 : i32 to index
      %get3A_387 = arith.constant 48 : index
      %get3A_388 = tpu.vector_load %arg4[%get3A_386, %get3A_387] {strides = array<i32>} : memref<64x512xf32, #tpu.memory_space<vmem>>, vector<1x16xf32>,
      %get3A_389 = vector.shape_cast %get3A_388 : vector<1x16xf32> to vector<16xf32>
      %neg3A_390 = arith.constant 0.000000e+00 : f32
      %neg3A_391 = vector.broadcast %neg3A_390 : f32 to vector<16xf32>
      %neg3A_392 = arith.subf %neg3A_391, %get3A_389 : vector<16xf32>
      %exp3A_393 = math.exp %neg3A_392 : vector<16xf32>
      %add3A_394 = arith.constant 1.000000e+00 : f32
      %add3A_395 = vector.broadcast %add3A_394 : f32 to vector<16xf32>
      %add3A_396 = arith.addf %add3A_395, %exp3A_393 : vector<16xf32>
      %div3A_397 = arith.constant 1.000000e+00 : f32
      %div3A_398 = vector.broadcast %div3A_397 : f32 to vector<16xf32>
      %div3A_399 = arith.divf %div3A_398, %add3A_396 : vector<16xf32>
      %swap3A_400 = arith.index_cast %scan3A_332 : i32 to index
      %swap3A_401 = arith.constant 48 : index
      %swap3A_402 = tpu.vector_load %arg4[%swap3A_400, %swap3A_401] {strides = array<i32>} : memref<64x512xf32, #tpu.memory_space<vmem>>, vector<1x16xf32>,
      %swap3A_403 = vector.shape_cast %swap3A_402 : vector<1x16xf32> to vector<16xf32>
      %swap3A_404 = vector.shape_cast %div3A_399 : vector<16xf32> to vector<1x16xf32>
      tpu.vector_store %arg4[%swap3A_400, %swap3A_401], %swap3A_404 {strides = array<i32>} : memref<64x512xf32, #tpu.memory_space<vmem>>, vector<1x16xf32>,
      %get3A_405 = arith.index_cast %scan3A_332 : i32 to index
      %get3A_406 = arith.constant 64 : index
      %get3A_407 = tpu.vector_load %arg4[%get3A_405, %get3A_406] {strides = array<i32>} : memref<64x512xf32, #tpu.memory_space<vmem>>, vector<1x16xf32>,
      %get3A_408 = vector.shape_cast %get3A_407 : vector<1x16xf32> to vector<16xf32>
      %neg3A_409 = arith.constant 0.000000e+00 : f32
      %neg3A_410 = vector.broadcast %neg3A_409 : f32 to vector<16xf32>
      %neg3A_411 = arith.subf %neg3A_410, %get3A_408 : vector<16xf32>
      %exp3A_412 = math.exp %neg3A_411 : vector<16xf32>
      %add3A_413 = arith.constant 1.000000e+00 : f32
      %add3A_414 = vector.broadcast %add3A_413 : f32 to vector<16xf32>
      %add3A_415 = arith.addf %add3A_414, %exp3A_412 : vector<16xf32>
      %div3A_416 = arith.constant 1.000000e+00 : f32
      %div3A_417 = vector.broadcast %div3A_416 : f32 to vector<16xf32>
      %div3A_418 = arith.divf %div3A_417, %add3A_415 : vector<16xf32>
      %swap3A_419 = arith.index_cast %scan3A_332 : i32 to index
      %swap3A_420 = arith.constant 64 : index
      %swap3A_421 = tpu.vector_load %arg4[%swap3A_419, %swap3A_420] {strides = array<i32>} : memref<64x512xf32, #tpu.memory_space<vmem>>, vector<1x16xf32>,
      %swap3A_422 = vector.shape_cast %swap3A_421 : vector<1x16xf32> to vector<16xf32>
      %swap3A_423 = vector.shape_cast %div3A_418 : vector<16xf32> to vector<1x16xf32>
      tpu.vector_store %arg4[%swap3A_419, %swap3A_420], %swap3A_423 {strides = array<i32>} : memref<64x512xf32, #tpu.memory_space<vmem>>, vector<1x16xf32>,
      %get3A_424 = arith.index_cast %scan3A_332 : i32 to index
      %get3A_425 = arith.constant 80 : index
      %get3A_426 = tpu.vector_load %arg4[%get3A_424, %get3A_425] {strides = array<i32>} : memref<64x512xf32, #tpu.memory_space<vmem>>, vector<1x16xf32>,
      %get3A_427 = vector.shape_cast %get3A_426 : vector<1x16xf32> to vector<16xf32>
      %neg3A_428 = arith.constant 0.000000e+00 : f32
      %neg3A_429 = vector.broadcast %neg3A_428 : f32 to vector<16xf32>
      %neg3A_430 = arith.subf %neg3A_429, %get3A_427 : vector<16xf32>
      %exp3A_431 = math.exp %neg3A_430 : vector<16xf32>
      %add3A_432 = arith.constant 1.000000e+00 : f32
      %add3A_433 = vector.broadcast %add3A_432 : f32 to vector<16xf32>
      %add3A_434 = arith.addf %add3A_433, %exp3A_431 : vector<16xf32>
      %div3A_435 = arith.constant 1.000000e+00 : f32
      %div3A_436 = vector.broadcast %div3A_435 : f32 to vector<16xf32>
      %div3A_437 = arith.divf %div3A_436, %add3A_434 : vector<16xf32>
      %swap3A_438 = arith.index_cast %scan3A_332 : i32 to index
      %swap3A_439 = arith.constant 80 : index
      %swap3A_440 = tpu.vector_load %arg4[%swap3A_438, %swap3A_439] {strides = array<i32>} : memref<64x512xf32, #tpu.memory_space<vmem>>, vector<1x16xf32>,
      %swap3A_441 = vector.shape_cast %swap3A_440 : vector<1x16xf32> to vector<16xf32>
      %swap3A_442 = vector.shape_cast %div3A_437 : vector<16xf32> to vector<1x16xf32>
      tpu.vector_store %arg4[%swap3A_438, %swap3A_439], %swap3A_442 {strides = array<i32>} : memref<64x512xf32, #tpu.memory_space<vmem>>, vector<1x16xf32>,
      %get3A_443 = arith.index_cast %scan3A_332 : i32 to index
      %get3A_444 = arith.constant 96 : index
      %get3A_445 = tpu.vector_load %arg4[%get3A_443, %get3A_444] {strides = array<i32>} : memref<64x512xf32, #tpu.memory_space<vmem>>, vector<1x16xf32>,
      %get3A_446 = vector.shape_cast %get3A_445 : vector<1x16xf32> to vector<16xf32>
      %neg3A_447 = arith.constant 0.000000e+00 : f32
      %neg3A_448 = vector.broadcast %neg3A_447 : f32 to vector<16xf32>
      %neg3A_449 = arith.subf %neg3A_448, %get3A_446 : vector<16xf32>
      %exp3A_450 = math.exp %neg3A_449 : vector<16xf32>
      %add3A_451 = arith.constant 1.000000e+00 : f32
      %add3A_452 = vector.broadcast %add3A_451 : f32 to vector<16xf32>
      %add3A_453 = arith.addf %add3A_452, %exp3A_450 : vector<16xf32>
      %div3A_454 = arith.constant 1.000000e+00 : f32
      %div3A_455 = vector.broadcast %div3A_454 : f32 to vector<16xf32>
      %div3A_456 = arith.divf %div3A_455, %add3A_453 : vector<16xf32>
      %swap3A_457 = arith.index_cast %scan3A_332 : i32 to index
      %swap3A_458 = arith.constant 96 : index
      %swap3A_459 = tpu.vector_load %arg4[%swap3A_457, %swap3A_458] {strides = array<i32>} : memref<64x512xf32, #tpu.memory_space<vmem>>, vector<1x16xf32>,
      %swap3A_460 = vector.shape_cast %swap3A_459 : vector<1x16xf32> to vector<16xf32>
      %swap3A_461 = vector.shape_cast %div3A_456 : vector<16xf32> to vector<1x16xf32>
      tpu.vector_store %arg4[%swap3A_457, %swap3A_458], %swap3A_461 {strides = array<i32>} : memref<64x512xf32, #tpu.memory_space<vmem>>, vector<1x16xf32>,
      %get3A_462 = arith.index_cast %scan3A_332 : i32 to index
      %get3A_463 = arith.constant 112 : index
      %get3A_464 = tpu.vector_load %arg4[%get3A_462, %get3A_463] {strides = array<i32>} : memref<64x512xf32, #tpu.memory_space<vmem>>, vector<1x16xf32>,
      %get3A_465 = vector.shape_cast %get3A_464 : vector<1x16xf32> to vector<16xf32>
      %neg3A_466 = arith.constant 0.000000e+00 : f32
      %neg3A_467 = vector.broadcast %neg3A_466 : f32 to vector<16xf32>
      %neg3A_468 = arith.subf %neg3A_467, %get3A_465 : vector<16xf32>
      %exp3A_469 = math.exp %neg3A_468 : vector<16xf32>
      %add3A_470 = arith.constant 1.000000e+00 : f32
      %add3A_471 = vector.broadcast %add3A_470 : f32 to vector<16xf32>
      %add3A_472 = arith.addf %add3A_471, %exp3A_469 : vector<16xf32>
      %div3A_473 = arith.constant 1.000000e+00 : f32
      %div3A_474 = vector.broadcast %div3A_473 : f32 to vector<16xf32>
      %div3A_475 = arith.divf %div3A_474, %add3A_472 : vector<16xf32>
      %swap3A_476 = arith.index_cast %scan3A_332 : i32 to index
      %swap3A_477 = arith.constant 112 : index
      %swap3A_478 = tpu.vector_load %arg4[%swap3A_476, %swap3A_477] {strides = array<i32>} : memref<64x512xf32, #tpu.memory_space<vmem>>, vector<1x16xf32>,
      %swap3A_479 = vector.shape_cast %swap3A_478 : vector<1x16xf32> to vector<16xf32>
      %swap3A_480 = vector.shape_cast %div3A_475 : vector<16xf32> to vector<1x16xf32>
      tpu.vector_store %arg4[%swap3A_476, %swap3A_477], %swap3A_480 {strides = array<i32>} : memref<64x512xf32, #tpu.memory_space<vmem>>, vector<1x16xf32>,
      %get3A_481 = arith.index_cast %scan3A_332 : i32 to index
      %get3A_482 = arith.constant 128 : index
      %get3A_483 = tpu.vector_load %arg4[%get3A_481, %get3A_482] {strides = array<i32>} : memref<64x512xf32, #tpu.memory_space<vmem>>, vector<1x16xf32>,
      %get3A_484 = vector.shape_cast %get3A_483 : vector<1x16xf32> to vector<16xf32>
      %neg3A_485 = arith.constant 0.000000e+00 : f32
      %neg3A_486 = vector.broadcast %neg3A_485 : f32 to vector<16xf32>
      %neg3A_487 = arith.subf %neg3A_486, %get3A_484 : vector<16xf32>
      %exp3A_488 = math.exp %neg3A_487 : vector<16xf32>
      %add3A_489 = arith.constant 1.000000e+00 : f32
      %add3A_490 = vector.broadcast %add3A_489 : f32 to vector<16xf32>
      %add3A_491 = arith.addf %add3A_490, %exp3A_488 : vector<16xf32>
      %div3A_492 = arith.constant 1.000000e+00 : f32
      %div3A_493 = vector.broadcast %div3A_492 : f32 to vector<16xf32>
      %div3A_494 = arith.divf %div3A_493, %add3A_491 : vector<16xf32>
      %swap3A_495 = arith.index_cast %scan3A_332 : i32 to index
      %swap3A_496 = arith.constant 128 : index
      %swap3A_497 = tpu.vector_load %arg4[%swap3A_495, %swap3A_496] {strides = array<i32>} : memref<64x512xf32, #tpu.memory_space<vmem>>, vector<1x16xf32>,
      %swap3A_498 = vector.shape_cast %swap3A_497 : vector<1x16xf32> to vector<16xf32>
      %swap3A_499 = vector.shape_cast %div3A_494 : vector<16xf32> to vector<1x16xf32>
      tpu.vector_store %arg4[%swap3A_495, %swap3A_496], %swap3A_499 {strides = array<i32>} : memref<64x512xf32, #tpu.memory_space<vmem>>, vector<1x16xf32>,
      %get3A_500 = arith.index_cast %scan3A_332 : i32 to index
      %get3A_501 = arith.constant 144 : index
      %get3A_502 = tpu.vector_load %arg4[%get3A_500, %get3A_501] {strides = array<i32>} : memref<64x512xf32, #tpu.memory_space<vmem>>, vector<1x16xf32>,
      %get3A_503 = vector.shape_cast %get3A_502 : vector<1x16xf32> to vector<16xf32>
      %neg3A_504 = arith.constant 0.000000e+00 : f32
      %neg3A_505 = vector.broadcast %neg3A_504 : f32 to vector<16xf32>
      %neg3A_506 = arith.subf %neg3A_505, %get3A_503 : vector<16xf32>
      %exp3A_507 = math.exp %neg3A_506 : vector<16xf32>
      %add3A_508 = arith.constant 1.000000e+00 : f32
      %add3A_509 = vector.broadcast %add3A_508 : f32 to vector<16xf32>
      %add3A_510 = arith.addf %add3A_509, %exp3A_507 : vector<16xf32>
      %div3A_511 = arith.constant 1.000000e+00 : f32
      %div3A_512 = vector.broadcast %div3A_511 : f32 to vector<16xf32>
      %div3A_513 = arith.divf %div3A_512, %add3A_510 : vector<16xf32>
      %swap3A_514 = arith.index_cast %scan3A_332 : i32 to index
      %swap3A_515 = arith.constant 144 : index
      %swap3A_516 = tpu.vector_load %arg4[%swap3A_514, %swap3A_515] {strides = array<i32>} : memref<64x512xf32, #tpu.memory_space<vmem>>, vector<1x16xf32>,
      %swap3A_517 = vector.shape_cast %swap3A_516 : vector<1x16xf32> to vector<16xf32>
      %swap3A_518 = vector.shape_cast %div3A_513 : vector<16xf32> to vector<1x16xf32>
      tpu.vector_store %arg4[%swap3A_514, %swap3A_515], %swap3A_518 {strides = array<i32>} : memref<64x512xf32, #tpu.memory_space<vmem>>, vector<1x16xf32>,
      %get3A_519 = arith.index_cast %scan3A_332 : i32 to index
      %get3A_520 = arith.constant 160 : index
      %get3A_521 = tpu.vector_load %arg4[%get3A_519, %get3A_520] {strides = array<i32>} : memref<64x512xf32, #tpu.memory_space<vmem>>, vector<1x16xf32>,
      %get3A_522 = vector.shape_cast %get3A_521 : vector<1x16xf32> to vector<16xf32>
      %neg3A_523 = arith.constant 0.000000e+00 : f32
      %neg3A_524 = vector.broadcast %neg3A_523 : f32 to vector<16xf32>
      %neg3A_525 = arith.subf %neg3A_524, %get3A_522 : vector<16xf32>
      %exp3A_526 = math.exp %neg3A_525 : vector<16xf32>
      %add3A_527 = arith.constant 1.000000e+00 : f32
      %add3A_528 = vector.broadcast %add3A_527 : f32 to vector<16xf32>
      %add3A_529 = arith.addf %add3A_528, %exp3A_526 : vector<16xf32>
      %div3A_530 = arith.constant 1.000000e+00 : f32
      %div3A_531 = vector.broadcast %div3A_530 : f32 to vector<16xf32>
      %div3A_532 = arith.divf %div3A_531, %add3A_529 : vector<16xf32>
      %swap3A_533 = arith.index_cast %scan3A_332 : i32 to index
      %swap3A_534 = arith.constant 160 : index
      %swap3A_535 = tpu.vector_load %arg4[%swap3A_533, %swap3A_534] {strides = array<i32>} : memref<64x512xf32, #tpu.memory_space<vmem>>, vector<1x16xf32>,
      %swap3A_536 = vector.shape_cast %swap3A_535 : vector<1x16xf32> to vector<16xf32>
      %swap3A_537 = vector.shape_cast %div3A_532 : vector<16xf32> to vector<1x16xf32>
      tpu.vector_store %arg4[%swap3A_533, %swap3A_534], %swap3A_537 {strides = array<i32>} : memref<64x512xf32, #tpu.memory_space<vmem>>, vector<1x16xf32>,
      %get3A_538 = arith.index_cast %scan3A_332 : i32 to index
      %get3A_539 = arith.constant 176 : index
      %get3A_540 = tpu.vector_load %arg4[%get3A_538, %get3A_539] {strides = array<i32>} : memref<64x512xf32, #tpu.memory_space<vmem>>, vector<1x16xf32>,
      %get3A_541 = vector.shape_cast %get3A_540 : vector<1x16xf32> to vector<16xf32>
      %neg3A_542 = arith.constant 0.000000e+00 : f32
      %neg3A_543 = vector.broadcast %neg3A_542 : f32 to vector<16xf32>
      %neg3A_544 = arith.subf %neg3A_543, %get3A_541 : vector<16xf32>
      %exp3A_545 = math.exp %neg3A_544 : vector<16xf32>
      %add3A_546 = arith.constant 1.000000e+00 : f32
      %add3A_547 = vector.broadcast %add3A_546 : f32 to vector<16xf32>
      %add3A_548 = arith.addf %add3A_547, %exp3A_545 : vector<16xf32>
      %div3A_549 = arith.constant 1.000000e+00 : f32
      %div3A_550 = vector.broadcast %div3A_549 : f32 to vector<16xf32>
      %div3A_551 = arith.divf %div3A_550, %add3A_548 : vector<16xf32>
      %swap3A_552 = arith.index_cast %scan3A_332 : i32 to index
      %swap3A_553 = arith.constant 176 : index
      %swap3A_554 = tpu.vector_load %arg4[%swap3A_552, %swap3A_553] {strides = array<i32>} : memref<64x512xf32, #tpu.memory_space<vmem>>, vector<1x16xf32>,
      %swap3A_555 = vector.shape_cast %swap3A_554 : vector<1x16xf32> to vector<16xf32>
      %swap3A_556 = vector.shape_cast %div3A_551 : vector<16xf32> to vector<1x16xf32>
      tpu.vector_store %arg4[%swap3A_552, %swap3A_553], %swap3A_556 {strides = array<i32>} : memref<64x512xf32, #tpu.memory_space<vmem>>, vector<1x16xf32>,
      %get3A_557 = arith.index_cast %scan3A_332 : i32 to index
      %get3A_558 = arith.constant 192 : index
      %get3A_559 = tpu.vector_load %arg4[%get3A_557, %get3A_558] {strides = array<i32>} : memref<64x512xf32, #tpu.memory_space<vmem>>, vector<1x16xf32>,
      %get3A_560 = vector.shape_cast %get3A_559 : vector<1x16xf32> to vector<16xf32>
      %neg3A_561 = arith.constant 0.000000e+00 : f32
      %neg3A_562 = vector.broadcast %neg3A_561 : f32 to vector<16xf32>
      %neg3A_563 = arith.subf %neg3A_562, %get3A_560 : vector<16xf32>
      %exp3A_564 = math.exp %neg3A_563 : vector<16xf32>
      %add3A_565 = arith.constant 1.000000e+00 : f32
      %add3A_566 = vector.broadcast %add3A_565 : f32 to vector<16xf32>
      %add3A_567 = arith.addf %add3A_566, %exp3A_564 : vector<16xf32>
      %div3A_568 = arith.constant 1.000000e+00 : f32
      %div3A_569 = vector.broadcast %div3A_568 : f32 to vector<16xf32>
      %div3A_570 = arith.divf %div3A_569, %add3A_567 : vector<16xf32>
      %swap3A_571 = arith.index_cast %scan3A_332 : i32 to index
      %swap3A_572 = arith.constant 192 : index
      %swap3A_573 = tpu.vector_load %arg4[%swap3A_571, %swap3A_572] {strides = array<i32>} : memref<64x512xf32, #tpu.memory_space<vmem>>, vector<1x16xf32>,
      %swap3A_574 = vector.shape_cast %swap3A_573 : vector<1x16xf32> to vector<16xf32>
      %swap3A_575 = vector.shape_cast %div3A_570 : vector<16xf32> to vector<1x16xf32>
      tpu.vector_store %arg4[%swap3A_571, %swap3A_572], %swap3A_575 {strides = array<i32>} : memref<64x512xf32, #tpu.memory_space<vmem>>, vector<1x16xf32>,
      %get3A_576 = arith.index_cast %scan3A_332 : i32 to index
      %get3A_577 = arith.constant 208 : index
      %get3A_578 = tpu.vector_load %arg4[%get3A_576, %get3A_577] {strides = array<i32>} : memref<64x512xf32, #tpu.memory_space<vmem>>, vector<1x16xf32>,
      %get3A_579 = vector.shape_cast %get3A_578 : vector<1x16xf32> to vector<16xf32>
      %neg3A_580 = arith.constant 0.000000e+00 : f32
      %neg3A_581 = vector.broadcast %neg3A_580 : f32 to vector<16xf32>
      %neg3A_582 = arith.subf %neg3A_581, %get3A_579 : vector<16xf32>
      %exp3A_583 = math.exp %neg3A_582 : vector<16xf32>
      %add3A_584 = arith.constant 1.000000e+00 : f32
      %add3A_585 = vector.broadcast %add3A_584 : f32 to vector<16xf32>
      %add3A_586 = arith.addf %add3A_585, %exp3A_583 : vector<16xf32>
      %div3A_587 = arith.constant 1.000000e+00 : f32
      %div3A_588 = vector.broadcast %div3A_587 : f32 to vector<16xf32>
      %div3A_589 = arith.divf %div3A_588, %add3A_586 : vector<16xf32>
      %swap3A_590 = arith.index_cast %scan3A_332 : i32 to index
      %swap3A_591 = arith.constant 208 : index
      %swap3A_592 = tpu.vector_load %arg4[%swap3A_590, %swap3A_591] {strides = array<i32>} : memref<64x512xf32, #tpu.memory_space<vmem>>, vector<1x16xf32>,
      %swap3A_593 = vector.shape_cast %swap3A_592 : vector<1x16xf32> to vector<16xf32>
      %swap3A_594 = vector.shape_cast %div3A_589 : vector<16xf32> to vector<1x16xf32>
      tpu.vector_store %arg4[%swap3A_590, %swap3A_591], %swap3A_594 {strides = array<i32>} : memref<64x512xf32, #tpu.memory_space<vmem>>, vector<1x16xf32>,
      %get3A_595 = arith.index_cast %scan3A_332 : i32 to index
      %get3A_596 = arith.constant 224 : index
      %get3A_597 = tpu.vector_load %arg4[%get3A_595, %get3A_596] {strides = array<i32>} : memref<64x512xf32, #tpu.memory_space<vmem>>, vector<1x16xf32>,
      %get3A_598 = vector.shape_cast %get3A_597 : vector<1x16xf32> to vector<16xf32>
      %neg3A_599 = arith.constant 0.000000e+00 : f32
      %neg3A_600 = vector.broadcast %neg3A_599 : f32 to vector<16xf32>
      %neg3A_601 = arith.subf %neg3A_600, %get3A_598 : vector<16xf32>
      %exp3A_602 = math.exp %neg3A_601 : vector<16xf32>
      %add3A_603 = arith.constant 1.000000e+00 : f32
      %add3A_604 = vector.broadcast %add3A_603 : f32 to vector<16xf32>
      %add3A_605 = arith.addf %add3A_604, %exp3A_602 : vector<16xf32>
      %div3A_606 = arith.constant 1.000000e+00 : f32
      %div3A_607 = vector.broadcast %div3A_606 : f32 to vector<16xf32>
      %div3A_608 = arith.divf %div3A_607, %add3A_605 : vector<16xf32>
      %swap3A_609 = arith.index_cast %scan3A_332 : i32 to index
      %swap3A_610 = arith.constant 224 : index
      %swap3A_611 = tpu.vector_load %arg4[%swap3A_609, %swap3A_610] {strides = array<i32>} : memref<64x512xf32, #tpu.memory_space<vmem>>, vector<1x16xf32>,
      %swap3A_612 = vector.shape_cast %swap3A_611 : vector<1x16xf32> to vector<16xf32>
      %swap3A_613 = vector.shape_cast %div3A_608 : vector<16xf32> to vector<1x16xf32>
      tpu.vector_store %arg4[%swap3A_609, %swap3A_610], %swap3A_613 {strides = array<i32>} : memref<64x512xf32, #tpu.memory_space<vmem>>, vector<1x16xf32>,
      %get3A_614 = arith.index_cast %scan3A_332 : i32 to index
      %get3A_615 = arith.constant 240 : index
      %get3A_616 = tpu.vector_load %arg4[%get3A_614, %get3A_615] {strides = array<i32>} : memref<64x512xf32, #tpu.memory_space<vmem>>, vector<1x16xf32>,
      %get3A_617 = vector.shape_cast %get3A_616 : vector<1x16xf32> to vector<16xf32>
      %neg3A_618 = arith.constant 0.000000e+00 : f32
      %neg3A_619 = vector.broadcast %neg3A_618 : f32 to vector<16xf32>
      %neg3A_620 = arith.subf %neg3A_619, %get3A_617 : vector<16xf32>
      %exp3A_621 = math.exp %neg3A_620 : vector<16xf32>
      %add3A_622 = arith.constant 1.000000e+00 : f32
      %add3A_623 = vector.broadcast %add3A_622 : f32 to vector<16xf32>
      %add3A_624 = arith.addf %add3A_623, %exp3A_621 : vector<16xf32>
      %div3A_625 = arith.constant 1.000000e+00 : f32
      %div3A_626 = vector.broadcast %div3A_625 : f32 to vector<16xf32>
      %div3A_627 = arith.divf %div3A_626, %add3A_624 : vector<16xf32>
      %swap3A_628 = arith.index_cast %scan3A_332 : i32 to index
      %swap3A_629 = arith.constant 240 : index
      %swap3A_630 = tpu.vector_load %arg4[%swap3A_628, %swap3A_629] {strides = array<i32>} : memref<64x512xf32, #tpu.memory_space<vmem>>, vector<1x16xf32>,
      %swap3A_631 = vector.shape_cast %swap3A_630 : vector<1x16xf32> to vector<16xf32>
      %swap3A_632 = vector.shape_cast %div3A_627 : vector<16xf32> to vector<1x16xf32>
      tpu.vector_store %arg4[%swap3A_628, %swap3A_629], %swap3A_632 {strides = array<i32>} : memref<64x512xf32, #tpu.memory_space<vmem>>, vector<1x16xf32>,
      %get3A_633 = arith.index_cast %scan3A_332 : i32 to index
      %get3A_634 = arith.constant 256 : index
      %get3A_635 = tpu.vector_load %arg4[%get3A_633, %get3A_634] {strides = array<i32>} : memref<64x512xf32, #tpu.memory_space<vmem>>, vector<1x16xf32>,
      %get3A_636 = vector.shape_cast %get3A_635 : vector<1x16xf32> to vector<16xf32>
      %neg3A_637 = arith.constant 0.000000e+00 : f32
      %neg3A_638 = vector.broadcast %neg3A_637 : f32 to vector<16xf32>
      %neg3A_639 = arith.subf %neg3A_638, %get3A_636 : vector<16xf32>
      %exp3A_640 = math.exp %neg3A_639 : vector<16xf32>
      %add3A_641 = arith.constant 1.000000e+00 : f32
      %add3A_642 = vector.broadcast %add3A_641 : f32 to vector<16xf32>
      %add3A_643 = arith.addf %add3A_642, %exp3A_640 : vector<16xf32>
      %div3A_644 = arith.constant 1.000000e+00 : f32
      %div3A_645 = vector.broadcast %div3A_644 : f32 to vector<16xf32>
      %div3A_646 = arith.divf %div3A_645, %add3A_643 : vector<16xf32>
      %swap3A_647 = arith.index_cast %scan3A_332 : i32 to index
      %swap3A_648 = arith.constant 256 : index
      %swap3A_649 = tpu.vector_load %arg4[%swap3A_647, %swap3A_648] {strides = array<i32>} : memref<64x512xf32, #tpu.memory_space<vmem>>, vector<1x16xf32>,
      %swap3A_650 = vector.shape_cast %swap3A_649 : vector<1x16xf32> to vector<16xf32>
      %swap3A_651 = vector.shape_cast %div3A_646 : vector<16xf32> to vector<1x16xf32>
      tpu.vector_store %arg4[%swap3A_647, %swap3A_648], %swap3A_651 {strides = array<i32>} : memref<64x512xf32, #tpu.memory_space<vmem>>, vector<1x16xf32>,
      %get3A_652 = arith.index_cast %scan3A_332 : i32 to index
      %get3A_653 = arith.constant 272 : index
      %get3A_654 = tpu.vector_load %arg4[%get3A_652, %get3A_653] {strides = array<i32>} : memref<64x512xf32, #tpu.memory_space<vmem>>, vector<1x16xf32>,
      %get3A_655 = vector.shape_cast %get3A_654 : vector<1x16xf32> to vector<16xf32>
      %neg3A_656 = arith.constant 0.000000e+00 : f32
      %neg3A_657 = vector.broadcast %neg3A_656 : f32 to vector<16xf32>
      %neg3A_658 = arith.subf %neg3A_657, %get3A_655 : vector<16xf32>
      %exp3A_659 = math.exp %neg3A_658 : vector<16xf32>
      %add3A_660 = arith.constant 1.000000e+00 : f32
      %add3A_661 = vector.broadcast %add3A_660 : f32 to vector<16xf32>
      %add3A_662 = arith.addf %add3A_661, %exp3A_659 : vector<16xf32>
      %div3A_663 = arith.constant 1.000000e+00 : f32
      %div3A_664 = vector.broadcast %div3A_663 : f32 to vector<16xf32>
      %div3A_665 = arith.divf %div3A_664, %add3A_662 : vector<16xf32>
      %swap3A_666 = arith.index_cast %scan3A_332 : i32 to index
      %swap3A_667 = arith.constant 272 : index
      %swap3A_668 = tpu.vector_load %arg4[%swap3A_666, %swap3A_667] {strides = array<i32>} : memref<64x512xf32, #tpu.memory_space<vmem>>, vector<1x16xf32>,
      %swap3A_669 = vector.shape_cast %swap3A_668 : vector<1x16xf32> to vector<16xf32>
      %swap3A_670 = vector.shape_cast %div3A_665 : vector<16xf32> to vector<1x16xf32>
      tpu.vector_store %arg4[%swap3A_666, %swap3A_667], %swap3A_670 {strides = array<i32>} : memref<64x512xf32, #tpu.memory_space<vmem>>, vector<1x16xf32>,
      %get3A_671 = arith.index_cast %scan3A_332 : i32 to index
      %get3A_672 = arith.constant 288 : index
      %get3A_673 = tpu.vector_load %arg4[%get3A_671, %get3A_672] {strides = array<i32>} : memref<64x512xf32, #tpu.memory_space<vmem>>, vector<1x16xf32>,
      %get3A_674 = vector.shape_cast %get3A_673 : vector<1x16xf32> to vector<16xf32>
      %neg3A_675 = arith.constant 0.000000e+00 : f32
      %neg3A_676 = vector.broadcast %neg3A_675 : f32 to vector<16xf32>
      %neg3A_677 = arith.subf %neg3A_676, %get3A_674 : vector<16xf32>
      %exp3A_678 = math.exp %neg3A_677 : vector<16xf32>
      %add3A_679 = arith.constant 1.000000e+00 : f32
      %add3A_680 = vector.broadcast %add3A_679 : f32 to vector<16xf32>
      %add3A_681 = arith.addf %add3A_680, %exp3A_678 : vector<16xf32>
      %div3A_682 = arith.constant 1.000000e+00 : f32
      %div3A_683 = vector.broadcast %div3A_682 : f32 to vector<16xf32>
      %div3A_684 = arith.divf %div3A_683, %add3A_681 : vector<16xf32>
      %swap3A_685 = arith.index_cast %scan3A_332 : i32 to index
      %swap3A_686 = arith.constant 288 : index
      %swap3A_687 = tpu.vector_load %arg4[%swap3A_685, %swap3A_686] {strides = array<i32>} : memref<64x512xf32, #tpu.memory_space<vmem>>, vector<1x16xf32>,
      %swap3A_688 = vector.shape_cast %swap3A_687 : vector<1x16xf32> to vector<16xf32>
      %swap3A_689 = vector.shape_cast %div3A_684 : vector<16xf32> to vector<1x16xf32>
      tpu.vector_store %arg4[%swap3A_685, %swap3A_686], %swap3A_689 {strides = array<i32>} : memref<64x512xf32, #tpu.memory_space<vmem>>, vector<1x16xf32>,
      %get3A_690 = arith.index_cast %scan3A_332 : i32 to index
      %get3A_691 = arith.constant 304 : index
      %get3A_692 = tpu.vector_load %arg4[%get3A_690, %get3A_691] {strides = array<i32>} : memref<64x512xf32, #tpu.memory_space<vmem>>, vector<1x16xf32>,
      %get3A_693 = vector.shape_cast %get3A_692 : vector<1x16xf32> to vector<16xf32>
      %neg3A_694 = arith.constant 0.000000e+00 : f32
      %neg3A_695 = vector.broadcast %neg3A_694 : f32 to vector<16xf32>
      %neg3A_696 = arith.subf %neg3A_695, %get3A_693 : vector<16xf32>
      %exp3A_697 = math.exp %neg3A_696 : vector<16xf32>
      %add3A_698 = arith.constant 1.000000e+00 : f32
      %add3A_699 = vector.broadcast %add3A_698 : f32 to vector<16xf32>
      %add3A_700 = arith.addf %add3A_699, %exp3A_697 : vector<16xf32>
      %div3A_701 = arith.constant 1.000000e+00 : f32
      %div3A_702 = vector.broadcast %div3A_701 : f32 to vector<16xf32>
      %div3A_703 = arith.divf %div3A_702, %add3A_700 : vector<16xf32>
      %swap3A_704 = arith.index_cast %scan3A_332 : i32 to index
      %swap3A_705 = arith.constant 304 : index
      %swap3A_706 = tpu.vector_load %arg4[%swap3A_704, %swap3A_705] {strides = array<i32>} : memref<64x512xf32, #tpu.memory_space<vmem>>, vector<1x16xf32>,
      %swap3A_707 = vector.shape_cast %swap3A_706 : vector<1x16xf32> to vector<16xf32>
      %swap3A_708 = vector.shape_cast %div3A_703 : vector<16xf32> to vector<1x16xf32>
      tpu.vector_store %arg4[%swap3A_704, %swap3A_705], %swap3A_708 {strides = array<i32>} : memref<64x512xf32, #tpu.memory_space<vmem>>, vector<1x16xf32>,
      %get3A_709 = arith.index_cast %scan3A_332 : i32 to index
      %get3A_710 = arith.constant 320 : index
      %get3A_711 = tpu.vector_load %arg4[%get3A_709, %get3A_710] {strides = array<i32>} : memref<64x512xf32, #tpu.memory_space<vmem>>, vector<1x16xf32>,
      %get3A_712 = vector.shape_cast %get3A_711 : vector<1x16xf32> to vector<16xf32>
      %neg3A_713 = arith.constant 0.000000e+00 : f32
      %neg3A_714 = vector.broadcast %neg3A_713 : f32 to vector<16xf32>
      %neg3A_715 = arith.subf %neg3A_714, %get3A_712 : vector<16xf32>
      %exp3A_716 = math.exp %neg3A_715 : vector<16xf32>
      %add3A_717 = arith.constant 1.000000e+00 : f32
      %add3A_718 = vector.broadcast %add3A_717 : f32 to vector<16xf32>
      %add3A_719 = arith.addf %add3A_718, %exp3A_716 : vector<16xf32>
      %div3A_720 = arith.constant 1.000000e+00 : f32
      %div3A_721 = vector.broadcast %div3A_720 : f32 to vector<16xf32>
      %div3A_722 = arith.divf %div3A_721, %add3A_719 : vector<16xf32>
      %swap3A_723 = arith.index_cast %scan3A_332 : i32 to index
      %swap3A_724 = arith.constant 320 : index
      %swap3A_725 = tpu.vector_load %arg4[%swap3A_723, %swap3A_724] {strides = array<i32>} : memref<64x512xf32, #tpu.memory_space<vmem>>, vector<1x16xf32>,
      %swap3A_726 = vector.shape_cast %swap3A_725 : vector<1x16xf32> to vector<16xf32>
      %swap3A_727 = vector.shape_cast %div3A_722 : vector<16xf32> to vector<1x16xf32>
      tpu.vector_store %arg4[%swap3A_723, %swap3A_724], %swap3A_727 {strides = array<i32>} : memref<64x512xf32, #tpu.memory_space<vmem>>, vector<1x16xf32>,
      %get3A_728 = arith.index_cast %scan3A_332 : i32 to index
      %get3A_729 = arith.constant 336 : index
      %get3A_730 = tpu.vector_load %arg4[%get3A_728, %get3A_729] {strides = array<i32>} : memref<64x512xf32, #tpu.memory_space<vmem>>, vector<1x16xf32>,
      %get3A_731 = vector.shape_cast %get3A_730 : vector<1x16xf32> to vector<16xf32>
      %neg3A_732 = arith.constant 0.000000e+00 : f32
      %neg3A_733 = vector.broadcast %neg3A_732 : f32 to vector<16xf32>
      %neg3A_734 = arith.subf %neg3A_733, %get3A_731 : vector<16xf32>
      %exp3A_735 = math.exp %neg3A_734 : vector<16xf32>
      %add3A_736 = arith.constant 1.000000e+00 : f32
      %add3A_737 = vector.broadcast %add3A_736 : f32 to vector<16xf32>
      %add3A_738 = arith.addf %add3A_737, %exp3A_735 : vector<16xf32>
      %div3A_739 = arith.constant 1.000000e+00 : f32
      %div3A_740 = vector.broadcast %div3A_739 : f32 to vector<16xf32>
      %div3A_741 = arith.divf %div3A_740, %add3A_738 : vector<16xf32>
      %swap3A_742 = arith.index_cast %scan3A_332 : i32 to index
      %swap3A_743 = arith.constant 336 : index
      %swap3A_744 = tpu.vector_load %arg4[%swap3A_742, %swap3A_743] {strides = array<i32>} : memref<64x512xf32, #tpu.memory_space<vmem>>, vector<1x16xf32>,
      %swap3A_745 = vector.shape_cast %swap3A_744 : vector<1x16xf32> to vector<16xf32>
      %swap3A_746 = vector.shape_cast %div3A_741 : vector<16xf32> to vector<1x16xf32>
      tpu.vector_store %arg4[%swap3A_742, %swap3A_743], %swap3A_746 {strides = array<i32>} : memref<64x512xf32, #tpu.memory_space<vmem>>, vector<1x16xf32>,
      %get3A_747 = arith.index_cast %scan3A_332 : i32 to index
      %get3A_748 = arith.constant 352 : index
      %get3A_749 = tpu.vector_load %arg4[%get3A_747, %get3A_748] {strides = array<i32>} : memref<64x512xf32, #tpu.memory_space<vmem>>, vector<1x16xf32>,
      %get3A_750 = vector.shape_cast %get3A_749 : vector<1x16xf32> to vector<16xf32>
      %neg3A_751 = arith.constant 0.000000e+00 : f32
      %neg3A_752 = vector.broadcast %neg3A_751 : f32 to vector<16xf32>
      %neg3A_753 = arith.subf %neg3A_752, %get3A_750 : vector<16xf32>
      %exp3A_754 = math.exp %neg3A_753 : vector<16xf32>
      %add3A_755 = arith.constant 1.000000e+00 : f32
      %add3A_756 = vector.broadcast %add3A_755 : f32 to vector<16xf32>
      %add3A_757 = arith.addf %add3A_756, %exp3A_754 : vector<16xf32>
      %div3A_758 = arith.constant 1.000000e+00 : f32
      %div3A_759 = vector.broadcast %div3A_758 : f32 to vector<16xf32>
      %div3A_760 = arith.divf %div3A_759, %add3A_757 : vector<16xf32>
      %swap3A_761 = arith.index_cast %scan3A_332 : i32 to index
      %swap3A_762 = arith.constant 352 : index
      %swap3A_763 = tpu.vector_load %arg4[%swap3A_761, %swap3A_762] {strides = array<i32>} : memref<64x512xf32, #tpu.memory_space<vmem>>, vector<1x16xf32>,
      %swap3A_764 = vector.shape_cast %swap3A_763 : vector<1x16xf32> to vector<16xf32>
      %swap3A_765 = vector.shape_cast %div3A_760 : vector<16xf32> to vector<1x16xf32>
      tpu.vector_store %arg4[%swap3A_761, %swap3A_762], %swap3A_765 {strides = array<i32>} : memref<64x512xf32, #tpu.memory_space<vmem>>, vector<1x16xf32>,
      %get3A_766 = arith.index_cast %scan3A_332 : i32 to index
      %get3A_767 = arith.constant 368 : index
      %get3A_768 = tpu.vector_load %arg4[%get3A_766, %get3A_767] {strides = array<i32>} : memref<64x512xf32, #tpu.memory_space<vmem>>, vector<1x16xf32>,
      %get3A_769 = vector.shape_cast %get3A_768 : vector<1x16xf32> to vector<16xf32>
      %neg3A_770 = arith.constant 0.000000e+00 : f32
      %neg3A_771 = vector.broadcast %neg3A_770 : f32 to vector<16xf32>
      %neg3A_772 = arith.subf %neg3A_771, %get3A_769 : vector<16xf32>
      %exp3A_773 = math.exp %neg3A_772 : vector<16xf32>
      %add3A_774 = arith.constant 1.000000e+00 : f32
      %add3A_775 = vector.broadcast %add3A_774 : f32 to vector<16xf32>
      %add3A_776 = arith.addf %add3A_775, %exp3A_773 : vector<16xf32>
      %div3A_777 = arith.constant 1.000000e+00 : f32
      %div3A_778 = vector.broadcast %div3A_777 : f32 to vector<16xf32>
      %div3A_779 = arith.divf %div3A_778, %add3A_776 : vector<16xf32>
      %swap3A_780 = arith.index_cast %scan3A_332 : i32 to index
      %swap3A_781 = arith.constant 368 : index
      %swap3A_782 = tpu.vector_load %arg4[%swap3A_780, %swap3A_781] {strides = array<i32>} : memref<64x512xf32, #tpu.memory_space<vmem>>, vector<1x16xf32>,
      %swap3A_783 = vector.shape_cast %swap3A_782 : vector<1x16xf32> to vector<16xf32>
      %swap3A_784 = vector.shape_cast %div3A_779 : vector<16xf32> to vector<1x16xf32>
      tpu.vector_store %arg4[%swap3A_780, %swap3A_781], %swap3A_784 {strides = array<i32>} : memref<64x512xf32, #tpu.memory_space<vmem>>, vector<1x16xf32>,
      %get3A_785 = arith.index_cast %scan3A_332 : i32 to index
      %get3A_786 = arith.constant 384 : index
      %get3A_787 = tpu.vector_load %arg4[%get3A_785, %get3A_786] {strides = array<i32>} : memref<64x512xf32, #tpu.memory_space<vmem>>, vector<1x16xf32>,
      %get3A_788 = vector.shape_cast %get3A_787 : vector<1x16xf32> to vector<16xf32>
      %neg3A_789 = arith.constant 0.000000e+00 : f32
      %neg3A_790 = vector.broadcast %neg3A_789 : f32 to vector<16xf32>
      %neg3A_791 = arith.subf %neg3A_790, %get3A_788 : vector<16xf32>
      %exp3A_792 = math.exp %neg3A_791 : vector<16xf32>
      %add3A_793 = arith.constant 1.000000e+00 : f32
      %add3A_794 = vector.broadcast %add3A_793 : f32 to vector<16xf32>
      %add3A_795 = arith.addf %add3A_794, %exp3A_792 : vector<16xf32>
      %div3A_796 = arith.constant 1.000000e+00 : f32
      %div3A_797 = vector.broadcast %div3A_796 : f32 to vector<16xf32>
      %div3A_798 = arith.divf %div3A_797, %add3A_795 : vector<16xf32>
      %swap3A_799 = arith.index_cast %scan3A_332 : i32 to index
      %swap3A_800 = arith.constant 384 : index
      %swap3A_801 = tpu.vector_load %arg4[%swap3A_799, %swap3A_800] {strides = array<i32>} : memref<64x512xf32, #tpu.memory_space<vmem>>, vector<1x16xf32>,
      %swap3A_802 = vector.shape_cast %swap3A_801 : vector<1x16xf32> to vector<16xf32>
      %swap3A_803 = vector.shape_cast %div3A_798 : vector<16xf32> to vector<1x16xf32>
      tpu.vector_store %arg4[%swap3A_799, %swap3A_800], %swap3A_803 {strides = array<i32>} : memref<64x512xf32, #tpu.memory_space<vmem>>, vector<1x16xf32>,
      %get3A_804 = arith.index_cast %scan3A_332 : i32 to index
      %get3A_805 = arith.constant 400 : index
      %get3A_806 = tpu.vector_load %arg4[%get3A_804, %get3A_805] {strides = array<i32>} : memref<64x512xf32, #tpu.memory_space<vmem>>, vector<1x16xf32>,
      %get3A_807 = vector.shape_cast %get3A_806 : vector<1x16xf32> to vector<16xf32>
      %neg3A_808 = arith.constant 0.000000e+00 : f32
      %neg3A_809 = vector.broadcast %neg3A_808 : f32 to vector<16xf32>
      %neg3A_810 = arith.subf %neg3A_809, %get3A_807 : vector<16xf32>
      %exp3A_811 = math.exp %neg3A_810 : vector<16xf32>
      %add3A_812 = arith.constant 1.000000e+00 : f32
      %add3A_813 = vector.broadcast %add3A_812 : f32 to vector<16xf32>
      %add3A_814 = arith.addf %add3A_813, %exp3A_811 : vector<16xf32>
      %div3A_815 = arith.constant 1.000000e+00 : f32
      %div3A_816 = vector.broadcast %div3A_815 : f32 to vector<16xf32>
      %div3A_817 = arith.divf %div3A_816, %add3A_814 : vector<16xf32>
      %swap3A_818 = arith.index_cast %scan3A_332 : i32 to index
      %swap3A_819 = arith.constant 400 : index
      %swap3A_820 = tpu.vector_load %arg4[%swap3A_818, %swap3A_819] {strides = array<i32>} : memref<64x512xf32, #tpu.memory_space<vmem>>, vector<1x16xf32>,
      %swap3A_821 = vector.shape_cast %swap3A_820 : vector<1x16xf32> to vector<16xf32>
      %swap3A_822 = vector.shape_cast %div3A_817 : vector<16xf32> to vector<1x16xf32>
      tpu.vector_store %arg4[%swap3A_818, %swap3A_819], %swap3A_822 {strides = array<i32>} : memref<64x512xf32, #tpu.memory_space<vmem>>, vector<1x16xf32>,
      %get3A_823 = arith.index_cast %scan3A_332 : i32 to index
      %get3A_824 = arith.constant 416 : index
      %get3A_825 = tpu.vector_load %arg4[%get3A_823, %get3A_824] {strides = array<i32>} : memref<64x512xf32, #tpu.memory_space<vmem>>, vector<1x16xf32>,
      %get3A_826 = vector.shape_cast %get3A_825 : vector<1x16xf32> to vector<16xf32>
      %neg3A_827 = arith.constant 0.000000e+00 : f32
      %neg3A_828 = vector.broadcast %neg3A_827 : f32 to vector<16xf32>
      %neg3A_829 = arith.subf %neg3A_828, %get3A_826 : vector<16xf32>
      %exp3A_830 = math.exp %neg3A_829 : vector<16xf32>
      %add3A_831 = arith.constant 1.000000e+00 : f32
      %add3A_832 = vector.broadcast %add3A_831 : f32 to vector<16xf32>
      %add3A_833 = arith.addf %add3A_832, %exp3A_830 : vector<16xf32>
      %div3A_834 = arith.constant 1.000000e+00 : f32
      %div3A_835 = vector.broadcast %div3A_834 : f32 to vector<16xf32>
      %div3A_836 = arith.divf %div3A_835, %add3A_833 : vector<16xf32>
      %swap3A_837 = arith.index_cast %scan3A_332 : i32 to index
      %swap3A_838 = arith.constant 416 : index
      %swap3A_839 = tpu.vector_load %arg4[%swap3A_837, %swap3A_838] {strides = array<i32>} : memref<64x512xf32, #tpu.memory_space<vmem>>, vector<1x16xf32>,
      %swap3A_840 = vector.shape_cast %swap3A_839 : vector<1x16xf32> to vector<16xf32>
      %swap3A_841 = vector.shape_cast %div3A_836 : vector<16xf32> to vector<1x16xf32>
      tpu.vector_store %arg4[%swap3A_837, %swap3A_838], %swap3A_841 {strides = array<i32>} : memref<64x512xf32, #tpu.memory_space<vmem>>, vector<1x16xf32>,
      %get3A_842 = arith.index_cast %scan3A_332 : i32 to index
      %get3A_843 = arith.constant 432 : index
      %get3A_844 = tpu.vector_load %arg4[%get3A_842, %get3A_843] {strides = array<i32>} : memref<64x512xf32, #tpu.memory_space<vmem>>, vector<1x16xf32>,
      %get3A_845 = vector.shape_cast %get3A_844 : vector<1x16xf32> to vector<16xf32>
      %neg3A_846 = arith.constant 0.000000e+00 : f32
      %neg3A_847 = vector.broadcast %neg3A_846 : f32 to vector<16xf32>
      %neg3A_848 = arith.subf %neg3A_847, %get3A_845 : vector<16xf32>
      %exp3A_849 = math.exp %neg3A_848 : vector<16xf32>
      %add3A_850 = arith.constant 1.000000e+00 : f32
      %add3A_851 = vector.broadcast %add3A_850 : f32 to vector<16xf32>
      %add3A_852 = arith.addf %add3A_851, %exp3A_849 : vector<16xf32>
      %div3A_853 = arith.constant 1.000000e+00 : f32
      %div3A_854 = vector.broadcast %div3A_853 : f32 to vector<16xf32>
      %div3A_855 = arith.divf %div3A_854, %add3A_852 : vector<16xf32>
      %swap3A_856 = arith.index_cast %scan3A_332 : i32 to index
      %swap3A_857 = arith.constant 432 : index
      %swap3A_858 = tpu.vector_load %arg4[%swap3A_856, %swap3A_857] {strides = array<i32>} : memref<64x512xf32, #tpu.memory_space<vmem>>, vector<1x16xf32>,
      %swap3A_859 = vector.shape_cast %swap3A_858 : vector<1x16xf32> to vector<16xf32>
      %swap3A_860 = vector.shape_cast %div3A_855 : vector<16xf32> to vector<1x16xf32>
      tpu.vector_store %arg4[%swap3A_856, %swap3A_857], %swap3A_860 {strides = array<i32>} : memref<64x512xf32, #tpu.memory_space<vmem>>, vector<1x16xf32>,
      %get3A_861 = arith.index_cast %scan3A_332 : i32 to index
      %get3A_862 = arith.constant 448 : index
      %get3A_863 = tpu.vector_load %arg4[%get3A_861, %get3A_862] {strides = array<i32>} : memref<64x512xf32, #tpu.memory_space<vmem>>, vector<1x16xf32>,
      %get3A_864 = vector.shape_cast %get3A_863 : vector<1x16xf32> to vector<16xf32>
      %neg3A_865 = arith.constant 0.000000e+00 : f32
      %neg3A_866 = vector.broadcast %neg3A_865 : f32 to vector<16xf32>
      %neg3A_867 = arith.subf %neg3A_866, %get3A_864 : vector<16xf32>
      %exp3A_868 = math.exp %neg3A_867 : vector<16xf32>
      %add3A_869 = arith.constant 1.000000e+00 : f32
      %add3A_870 = vector.broadcast %add3A_869 : f32 to vector<16xf32>
      %add3A_871 = arith.addf %add3A_870, %exp3A_868 : vector<16xf32>
      %div3A_872 = arith.constant 1.000000e+00 : f32
      %div3A_873 = vector.broadcast %div3A_872 : f32 to vector<16xf32>
      %div3A_874 = arith.divf %div3A_873, %add3A_871 : vector<16xf32>
      %swap3A_875 = arith.index_cast %scan3A_332 : i32 to index
      %swap3A_876 = arith.constant 448 : index
      %swap3A_877 = tpu.vector_load %arg4[%swap3A_875, %swap3A_876] {strides = array<i32>} : memref<64x512xf32, #tpu.memory_space<vmem>>, vector<1x16xf32>,
      %swap3A_878 = vector.shape_cast %swap3A_877 : vector<1x16xf32> to vector<16xf32>
      %swap3A_879 = vector.shape_cast %div3A_874 : vector<16xf32> to vector<1x16xf32>
      tpu.vector_store %arg4[%swap3A_875, %swap3A_876], %swap3A_879 {strides = array<i32>} : memref<64x512xf32, #tpu.memory_space<vmem>>, vector<1x16xf32>,
      %get3A_880 = arith.index_cast %scan3A_332 : i32 to index
      %get3A_881 = arith.constant 464 : index
      %get3A_882 = tpu.vector_load %arg4[%get3A_880, %get3A_881] {strides = array<i32>} : memref<64x512xf32, #tpu.memory_space<vmem>>, vector<1x16xf32>,
      %get3A_883 = vector.shape_cast %get3A_882 : vector<1x16xf32> to vector<16xf32>
      %neg3A_884 = arith.constant 0.000000e+00 : f32
      %neg3A_885 = vector.broadcast %neg3A_884 : f32 to vector<16xf32>
      %neg3A_886 = arith.subf %neg3A_885, %get3A_883 : vector<16xf32>
      %exp3A_887 = math.exp %neg3A_886 : vector<16xf32>
      %add3A_888 = arith.constant 1.000000e+00 : f32
      %add3A_889 = vector.broadcast %add3A_888 : f32 to vector<16xf32>
      %add3A_890 = arith.addf %add3A_889, %exp3A_887 : vector<16xf32>
      %div3A_891 = arith.constant 1.000000e+00 : f32
      %div3A_892 = vector.broadcast %div3A_891 : f32 to vector<16xf32>
      %div3A_893 = arith.divf %div3A_892, %add3A_890 : vector<16xf32>
      %swap3A_894 = arith.index_cast %scan3A_332 : i32 to index
      %swap3A_895 = arith.constant 464 : index
      %swap3A_896 = tpu.vector_load %arg4[%swap3A_894, %swap3A_895] {strides = array<i32>} : memref<64x512xf32, #tpu.memory_space<vmem>>, vector<1x16xf32>,
      %swap3A_897 = vector.shape_cast %swap3A_896 : vector<1x16xf32> to vector<16xf32>
      %swap3A_898 = vector.shape_cast %div3A_893 : vector<16xf32> to vector<1x16xf32>
      tpu.vector_store %arg4[%swap3A_894, %swap3A_895], %swap3A_898 {strides = array<i32>} : memref<64x512xf32, #tpu.memory_space<vmem>>, vector<1x16xf32>,
      %get3A_899 = arith.index_cast %scan3A_332 : i32 to index
      %get3A_900 = arith.constant 480 : index
      %get3A_901 = tpu.vector_load %arg4[%get3A_899, %get3A_900] {strides = array<i32>} : memref<64x512xf32, #tpu.memory_space<vmem>>, vector<1x16xf32>,
      %get3A_902 = vector.shape_cast %get3A_901 : vector<1x16xf32> to vector<16xf32>
      %neg3A_903 = arith.constant 0.000000e+00 : f32
      %neg3A_904 = vector.broadcast %neg3A_903 : f32 to vector<16xf32>
      %neg3A_905 = arith.subf %neg3A_904, %get3A_902 : vector<16xf32>
      %exp3A_906 = math.exp %neg3A_905 : vector<16xf32>
      %add3A_907 = arith.constant 1.000000e+00 : f32
      %add3A_908 = vector.broadcast %add3A_907 : f32 to vector<16xf32>
      %add3A_909 = arith.addf %add3A_908, %exp3A_906 : vector<16xf32>
      %div3A_910 = arith.constant 1.000000e+00 : f32
      %div3A_911 = vector.broadcast %div3A_910 : f32 to vector<16xf32>
      %div3A_912 = arith.divf %div3A_911, %add3A_909 : vector<16xf32>
      %swap3A_913 = arith.index_cast %scan3A_332 : i32 to index
      %swap3A_914 = arith.constant 480 : index
      %swap3A_915 = tpu.vector_load %arg4[%swap3A_913, %swap3A_914] {strides = array<i32>} : memref<64x512xf32, #tpu.memory_space<vmem>>, vector<1x16xf32>,
      %swap3A_916 = vector.shape_cast %swap3A_915 : vector<1x16xf32> to vector<16xf32>
      %swap3A_917 = vector.shape_cast %div3A_912 : vector<16xf32> to vector<1x16xf32>
      tpu.vector_store %arg4[%swap3A_913, %swap3A_914], %swap3A_917 {strides = array<i32>} : memref<64x512xf32, #tpu.memory_space<vmem>>, vector<1x16xf32>,
      %get3A_918 = arith.index_cast %scan3A_332 : i32 to index
      %get3A_919 = arith.constant 496 : index
      %get3A_920 = tpu.vector_load %arg4[%get3A_918, %get3A_919] {strides = array<i32>} : memref<64x512xf32, #tpu.memory_space<vmem>>, vector<1x16xf32>,
      %get3A_921 = vector.shape_cast %get3A_920 : vector<1x16xf32> to vector<16xf32>
      %neg3A_922 = arith.constant 0.000000e+00 : f32
      %neg3A_923 = vector.broadcast %neg3A_922 : f32 to vector<16xf32>
      %neg3A_924 = arith.subf %neg3A_923, %get3A_921 : vector<16xf32>
      %exp3A_925 = math.exp %neg3A_924 : vector<16xf32>
      %add3A_926 = arith.constant 1.000000e+00 : f32
      %add3A_927 = vector.broadcast %add3A_926 : f32 to vector<16xf32>
      %add3A_928 = arith.addf %add3A_927, %exp3A_925 : vector<16xf32>
      %div3A_929 = arith.constant 1.000000e+00 : f32
      %div3A_930 = vector.broadcast %div3A_929 : f32 to vector<16xf32>
      %div3A_931 = arith.divf %div3A_930, %add3A_928 : vector<16xf32>
      %swap3A_932 = arith.index_cast %scan3A_332 : i32 to index
      %swap3A_933 = arith.constant 496 : index
      %swap3A_934 = tpu.vector_load %arg4[%swap3A_932, %swap3A_933] {strides = array<i32>} : memref<64x512xf32, #tpu.memory_space<vmem>>, vector<1x16xf32>,
      %swap3A_935 = vector.shape_cast %swap3A_934 : vector<1x16xf32> to vector<16xf32>
      %swap3A_936 = vector.shape_cast %div3A_931 : vector<16xf32> to vector<1x16xf32>
      tpu.vector_store %arg4[%swap3A_932, %swap3A_933], %swap3A_936 {strides = array<i32>} : memref<64x512xf32, #tpu.memory_space<vmem>>, vector<1x16xf32>,
    }
    %scan3A_193 = arith.constant 64 : i32
    %add3A_194 = arith.constant 80 : i32
    %add3A_195 = arith.addi %select_n3A, %add3A_194 : i32
    %mul3A_196 = arith.constant 64 : i32
    %mul3A_197 = arith.muli %select_n3A_34, %mul3A_196 : i32
    %dma_start3A_198 = arith.constant 0 : i32
    %dma_start3A_199 = tpu.memref_slice %arg3[%add3A_195, %mul3A_197, %dma_start3A_198] : memref<96x512x512xf32, #tpu.memory_space<hbm>> -> memref<1x64x512xf32, #tpu.memory_space<hbm>>
    %dma_start3A_200 = tpu.memref_squeeze %dma_start3A_199 : memref<1x64x512xf32, #tpu.memory_space<hbm>> -> memref<64x512xf32, #tpu.memory_space<hbm>>
    %dma_start3A_201 = arith.constant 0 : i32
    %dma_start3A_202 = tpu.memref_slice %arg3[%add3A_195, %mul3A_197, %dma_start3A_201] : memref<96x512x512xf32, #tpu.memory_space<hbm>> -> memref<1x64x512xf32, #tpu.memory_space<hbm>>
    %dma_start3A_203 = tpu.memref_squeeze %dma_start3A_202 : memref<1x64x512xf32, #tpu.memory_space<hbm>> -> memref<64x512xf32, #tpu.memory_space<hbm>>
    tpu.enqueue_dma source(%arg4 : memref<64x512xf32, #tpu.memory_space<vmem>>) target(%dma_start3A_203 : memref<64x512xf32, #tpu.memory_space<hbm>>) target_semaphore(%arg10 : memref<!tpu.dma_semaphore, #tpu.memory_space<semaphore_mem>>)
    %mul3A_204 = arith.constant 64 : i32
    %mul3A_205 = arith.muli %select_n3A_122, %mul3A_204 : i32
    %dma_start3A_206 = arith.constant 0 : i32
    %dma_start3A_207 = tpu.memref_slice %arg2[%select_n3A_106, %mul3A_205, %dma_start3A_206] : memref<16x512x512xf32, #tpu.memory_space<hbm>> -> memref<1x64x512xf32, #tpu.memory_space<hbm>>
    %dma_start3A_208 = tpu.memref_squeeze %dma_start3A_207 : memref<1x64x512xf32, #tpu.memory_space<hbm>> -> memref<64x512xf32, #tpu.memory_space<hbm>>
    %dma_start3A_209 = arith.constant 0 : i32
    %dma_start3A_210 = tpu.memref_slice %arg2[%select_n3A_106, %mul3A_205, %dma_start3A_209] : memref<16x512x512xf32, #tpu.memory_space<hbm>> -> memref<1x64x512xf32, #tpu.memory_space<hbm>>
    %dma_start3A_211 = tpu.memref_squeeze %dma_start3A_210 : memref<1x64x512xf32, #tpu.memory_space<hbm>> -> memref<64x512xf32, #tpu.memory_space<hbm>>
    tpu.enqueue_dma source(%dma_start3A_211 : memref<64x512xf32, #tpu.memory_space<hbm>>) target(%arg6 : memref<64x512xf32, #tpu.memory_space<vmem>>) target_semaphore(%arg9 : memref<!tpu.dma_semaphore, #tpu.memory_space<semaphore_mem>>)
    %mul3A_212 = arith.constant 64 : i32
    %mul3A_213 = arith.muli %select_n3A_78, %mul3A_212 : i32
    %dma_wait3A_214 = arith.constant 0 : i32
    %dma_wait3A_215 = tpu.memref_slice %arg2[%select_n3A_62, %mul3A_213, %dma_wait3A_214] : memref<16x512x512xf32, #tpu.memory_space<hbm>> -> memref<1x64x512xf32, #tpu.memory_space<hbm>>
    %dma_wait3A_216 = tpu.memref_squeeze %dma_wait3A_215 : memref<1x64x512xf32, #tpu.memory_space<hbm>> -> memref<64x512xf32, #tpu.memory_space<hbm>>
    %dma_wait3A_217 = arith.constant 0 : i32
    %dma_wait3A_218 = tpu.memref_slice %arg2[%select_n3A_62, %mul3A_213, %dma_wait3A_217] : memref<16x512x512xf32, #tpu.memory_space<hbm>> -> memref<1x64x512xf32, #tpu.memory_space<hbm>>
    %dma_wait3A_219 = tpu.memref_squeeze %dma_wait3A_218 : memref<1x64x512xf32, #tpu.memory_space<hbm>> -> memref<64x512xf32, #tpu.memory_space<hbm>>
    tpu.wait_dma2 semaphore(%arg8 : memref<!tpu.dma_semaphore, #tpu.memory_space<semaphore_mem>>) src(%dma_wait3A_219 : memref<64x512xf32, #tpu.memory_space<hbm>>) dst(%arg5 : memref<64x512xf32, #tpu.memory_space<vmem>>)
    %scan3A_220 = arith.constant 0 : i32
    %scan3A_221 = arith.constant 0 : i32
    %scan3A_222 = arith.constant 64 : i32
    %scan3A_223 = arith.addi %scan3A_221, %scan3A_222 : i32
    %scan3A_224 = arith.constant 1 : i32
    scf.for %scan3A_332 = %scan3A_221 to %scan3A_223 step %scan3A_224  : i32 {
      %get3A = arith.index_cast %scan3A_332 : i32 to index
      %get3A_333 = arith.constant 0 : index
      %get3A_334 = tpu.vector_load %arg5[%get3A, %get3A_333] {strides = array<i32>} : memref<64x512xf32, #tpu.memory_space<vmem>>, vector<1x16xf32>,
      %get3A_335 = vector.shape_cast %get3A_334 : vector<1x16xf32> to vector<16xf32>
      %neg3A = arith.constant 0.000000e+00 : f32
      %neg3A_336 = vector.broadcast %neg3A : f32 to vector<16xf32>
      %neg3A_337 = arith.subf %neg3A_336, %get3A_335 : vector<16xf32>
      %exp3A = math.exp %neg3A_337 : vector<16xf32>
      %add3A_338 = arith.constant 1.000000e+00 : f32
      %add3A_339 = vector.broadcast %add3A_338 : f32 to vector<16xf32>
      %add3A_340 = arith.addf %add3A_339, %exp3A : vector<16xf32>
      %div3A_341 = arith.constant 1.000000e+00 : f32
      %div3A_342 = vector.broadcast %div3A_341 : f32 to vector<16xf32>
      %div3A_343 = arith.divf %div3A_342, %add3A_340 : vector<16xf32>
      %swap3A = arith.index_cast %scan3A_332 : i32 to index
      %swap3A_344 = arith.constant 0 : index
      %swap3A_345 = tpu.vector_load %arg5[%swap3A, %swap3A_344] {strides = array<i32>} : memref<64x512xf32, #tpu.memory_space<vmem>>, vector<1x16xf32>,
      %swap3A_346 = vector.shape_cast %swap3A_345 : vector<1x16xf32> to vector<16xf32>
      %swap3A_347 = vector.shape_cast %div3A_343 : vector<16xf32> to vector<1x16xf32>
      tpu.vector_store %arg5[%swap3A, %swap3A_344], %swap3A_347 {strides = array<i32>} : memref<64x512xf32, #tpu.memory_space<vmem>>, vector<1x16xf32>,
      %get3A_348 = arith.index_cast %scan3A_332 : i32 to index
      %get3A_349 = arith.constant 16 : index
      %get3A_350 = tpu.vector_load %arg5[%get3A_348, %get3A_349] {strides = array<i32>} : memref<64x512xf32, #tpu.memory_space<vmem>>, vector<1x16xf32>,
      %get3A_351 = vector.shape_cast %get3A_350 : vector<1x16xf32> to vector<16xf32>
      %neg3A_352 = arith.constant 0.000000e+00 : f32
      %neg3A_353 = vector.broadcast %neg3A_352 : f32 to vector<16xf32>
      %neg3A_354 = arith.subf %neg3A_353, %get3A_351 : vector<16xf32>
      %exp3A_355 = math.exp %neg3A_354 : vector<16xf32>
      %add3A_356 = arith.constant 1.000000e+00 : f32
      %add3A_357 = vector.broadcast %add3A_356 : f32 to vector<16xf32>
      %add3A_358 = arith.addf %add3A_357, %exp3A_355 : vector<16xf32>
      %div3A_359 = arith.constant 1.000000e+00 : f32
      %div3A_360 = vector.broadcast %div3A_359 : f32 to vector<16xf32>
      %div3A_361 = arith.divf %div3A_360, %add3A_358 : vector<16xf32>
      %swap3A_362 = arith.index_cast %scan3A_332 : i32 to index
      %swap3A_363 = arith.constant 16 : index
      %swap3A_364 = tpu.vector_load %arg5[%swap3A_362, %swap3A_363] {strides = array<i32>} : memref<64x512xf32, #tpu.memory_space<vmem>>, vector<1x16xf32>,
      %swap3A_365 = vector.shape_cast %swap3A_364 : vector<1x16xf32> to vector<16xf32>
      %swap3A_366 = vector.shape_cast %div3A_361 : vector<16xf32> to vector<1x16xf32>
      tpu.vector_store %arg5[%swap3A_362, %swap3A_363], %swap3A_366 {strides = array<i32>} : memref<64x512xf32, #tpu.memory_space<vmem>>, vector<1x16xf32>,
      %get3A_367 = arith.index_cast %scan3A_332 : i32 to index
      %get3A_368 = arith.constant 32 : index
      %get3A_369 = tpu.vector_load %arg5[%get3A_367, %get3A_368] {strides = array<i32>} : memref<64x512xf32, #tpu.memory_space<vmem>>, vector<1x16xf32>,
      %get3A_370 = vector.shape_cast %get3A_369 : vector<1x16xf32> to vector<16xf32>
      %neg3A_371 = arith.constant 0.000000e+00 : f32
      %neg3A_372 = vector.broadcast %neg3A_371 : f32 to vector<16xf32>
      %neg3A_373 = arith.subf %neg3A_372, %get3A_370 : vector<16xf32>
      %exp3A_374 = math.exp %neg3A_373 : vector<16xf32>
      %add3A_375 = arith.constant 1.000000e+00 : f32
      %add3A_376 = vector.broadcast %add3A_375 : f32 to vector<16xf32>
      %add3A_377 = arith.addf %add3A_376, %exp3A_374 : vector<16xf32>
      %div3A_378 = arith.constant 1.000000e+00 : f32
      %div3A_379 = vector.broadcast %div3A_378 : f32 to vector<16xf32>
      %div3A_380 = arith.divf %div3A_379, %add3A_377 : vector<16xf32>
      %swap3A_381 = arith.index_cast %scan3A_332 : i32 to index
      %swap3A_382 = arith.constant 32 : index
      %swap3A_383 = tpu.vector_load %arg5[%swap3A_381, %swap3A_382] {strides = array<i32>} : memref<64x512xf32, #tpu.memory_space<vmem>>, vector<1x16xf32>,
      %swap3A_384 = vector.shape_cast %swap3A_383 : vector<1x16xf32> to vector<16xf32>
      %swap3A_385 = vector.shape_cast %div3A_380 : vector<16xf32> to vector<1x16xf32>
      tpu.vector_store %arg5[%swap3A_381, %swap3A_382], %swap3A_385 {strides = array<i32>} : memref<64x512xf32, #tpu.memory_space<vmem>>, vector<1x16xf32>,
      %get3A_386 = arith.index_cast %scan3A_332 : i32 to index
      %get3A_387 = arith.constant 48 : index
      %get3A_388 = tpu.vector_load %arg5[%get3A_386, %get3A_387] {strides = array<i32>} : memref<64x512xf32, #tpu.memory_space<vmem>>, vector<1x16xf32>,
      %get3A_389 = vector.shape_cast %get3A_388 : vector<1x16xf32> to vector<16xf32>
      %neg3A_390 = arith.constant 0.000000e+00 : f32
      %neg3A_391 = vector.broadcast %neg3A_390 : f32 to vector<16xf32>
      %neg3A_392 = arith.subf %neg3A_391, %get3A_389 : vector<16xf32>
      %exp3A_393 = math.exp %neg3A_392 : vector<16xf32>
      %add3A_394 = arith.constant 1.000000e+00 : f32
      %add3A_395 = vector.broadcast %add3A_394 : f32 to vector<16xf32>
      %add3A_396 = arith.addf %add3A_395, %exp3A_393 : vector<16xf32>
      %div3A_397 = arith.constant 1.000000e+00 : f32
      %div3A_398 = vector.broadcast %div3A_397 : f32 to vector<16xf32>
      %div3A_399 = arith.divf %div3A_398, %add3A_396 : vector<16xf32>
      %swap3A_400 = arith.index_cast %scan3A_332 : i32 to index
      %swap3A_401 = arith.constant 48 : index
      %swap3A_402 = tpu.vector_load %arg5[%swap3A_400, %swap3A_401] {strides = array<i32>} : memref<64x512xf32, #tpu.memory_space<vmem>>, vector<1x16xf32>,
      %swap3A_403 = vector.shape_cast %swap3A_402 : vector<1x16xf32> to vector<16xf32>
      %swap3A_404 = vector.shape_cast %div3A_399 : vector<16xf32> to vector<1x16xf32>
      tpu.vector_store %arg5[%swap3A_400, %swap3A_401], %swap3A_404 {strides = array<i32>} : memref<64x512xf32, #tpu.memory_space<vmem>>, vector<1x16xf32>,
      %get3A_405 = arith.index_cast %scan3A_332 : i32 to index
      %get3A_406 = arith.constant 64 : index
      %get3A_407 = tpu.vector_load %arg5[%get3A_405, %get3A_406] {strides = array<i32>} : memref<64x512xf32, #tpu.memory_space<vmem>>, vector<1x16xf32>,
      %get3A_408 = vector.shape_cast %get3A_407 : vector<1x16xf32> to vector<16xf32>
      %neg3A_409 = arith.constant 0.000000e+00 : f32
      %neg3A_410 = vector.broadcast %neg3A_409 : f32 to vector<16xf32>
      %neg3A_411 = arith.subf %neg3A_410, %get3A_408 : vector<16xf32>
      %exp3A_412 = math.exp %neg3A_411 : vector<16xf32>
      %add3A_413 = arith.constant 1.000000e+00 : f32
      %add3A_414 = vector.broadcast %add3A_413 : f32 to vector<16xf32>
      %add3A_415 = arith.addf %add3A_414, %exp3A_412 : vector<16xf32>
      %div3A_416 = arith.constant 1.000000e+00 : f32
      %div3A_417 = vector.broadcast %div3A_416 : f32 to vector<16xf32>
      %div3A_418 = arith.divf %div3A_417, %add3A_415 : vector<16xf32>
      %swap3A_419 = arith.index_cast %scan3A_332 : i32 to index
      %swap3A_420 = arith.constant 64 : index
      %swap3A_421 = tpu.vector_load %arg5[%swap3A_419, %swap3A_420] {strides = array<i32>} : memref<64x512xf32, #tpu.memory_space<vmem>>, vector<1x16xf32>,
      %swap3A_422 = vector.shape_cast %swap3A_421 : vector<1x16xf32> to vector<16xf32>
      %swap3A_423 = vector.shape_cast %div3A_418 : vector<16xf32> to vector<1x16xf32>
      tpu.vector_store %arg5[%swap3A_419, %swap3A_420], %swap3A_423 {strides = array<i32>} : memref<64x512xf32, #tpu.memory_space<vmem>>, vector<1x16xf32>,
      %get3A_424 = arith.index_cast %scan3A_332 : i32 to index
      %get3A_425 = arith.constant 80 : index
      %get3A_426 = tpu.vector_load %arg5[%get3A_424, %get3A_425] {strides = array<i32>} : memref<64x512xf32, #tpu.memory_space<vmem>>, vector<1x16xf32>,
      %get3A_427 = vector.shape_cast %get3A_426 : vector<1x16xf32> to vector<16xf32>
      %neg3A_428 = arith.constant 0.000000e+00 : f32
      %neg3A_429 = vector.broadcast %neg3A_428 : f32 to vector<16xf32>
      %neg3A_430 = arith.subf %neg3A_429, %get3A_427 : vector<16xf32>
      %exp3A_431 = math.exp %neg3A_430 : vector<16xf32>
      %add3A_432 = arith.constant 1.000000e+00 : f32
      %add3A_433 = vector.broadcast %add3A_432 : f32 to vector<16xf32>
      %add3A_434 = arith.addf %add3A_433, %exp3A_431 : vector<16xf32>
      %div3A_435 = arith.constant 1.000000e+00 : f32
      %div3A_436 = vector.broadcast %div3A_435 : f32 to vector<16xf32>
      %div3A_437 = arith.divf %div3A_436, %add3A_434 : vector<16xf32>
      %swap3A_438 = arith.index_cast %scan3A_332 : i32 to index
      %swap3A_439 = arith.constant 80 : index
      %swap3A_440 = tpu.vector_load %arg5[%swap3A_438, %swap3A_439] {strides = array<i32>} : memref<64x512xf32, #tpu.memory_space<vmem>>, vector<1x16xf32>,
      %swap3A_441 = vector.shape_cast %swap3A_440 : vector<1x16xf32> to vector<16xf32>
      %swap3A_442 = vector.shape_cast %div3A_437 : vector<16xf32> to vector<1x16xf32>
      tpu.vector_store %arg5[%swap3A_438, %swap3A_439], %swap3A_442 {strides = array<i32>} : memref<64x512xf32, #tpu.memory_space<vmem>>, vector<1x16xf32>,
      %get3A_443 = arith.index_cast %scan3A_332 : i32 to index
      %get3A_444 = arith.constant 96 : index
      %get3A_445 = tpu.vector_load %arg5[%get3A_443, %get3A_444] {strides = array<i32>} : memref<64x512xf32, #tpu.memory_space<vmem>>, vector<1x16xf32>,
      %get3A_446 = vector.shape_cast %get3A_445 : vector<1x16xf32> to vector<16xf32>
      %neg3A_447 = arith.constant 0.000000e+00 : f32
      %neg3A_448 = vector.broadcast %neg3A_447 : f32 to vector<16xf32>
      %neg3A_449 = arith.subf %neg3A_448, %get3A_446 : vector<16xf32>
      %exp3A_450 = math.exp %neg3A_449 : vector<16xf32>
      %add3A_451 = arith.constant 1.000000e+00 : f32
      %add3A_452 = vector.broadcast %add3A_451 : f32 to vector<16xf32>
      %add3A_453 = arith.addf %add3A_452, %exp3A_450 : vector<16xf32>
      %div3A_454 = arith.constant 1.000000e+00 : f32
      %div3A_455 = vector.broadcast %div3A_454 : f32 to vector<16xf32>
      %div3A_456 = arith.divf %div3A_455, %add3A_453 : vector<16xf32>
      %swap3A_457 = arith.index_cast %scan3A_332 : i32 to index
      %swap3A_458 = arith.constant 96 : index
      %swap3A_459 = tpu.vector_load %arg5[%swap3A_457, %swap3A_458] {strides = array<i32>} : memref<64x512xf32, #tpu.memory_space<vmem>>, vector<1x16xf32>,
      %swap3A_460 = vector.shape_cast %swap3A_459 : vector<1x16xf32> to vector<16xf32>
      %swap3A_461 = vector.shape_cast %div3A_456 : vector<16xf32> to vector<1x16xf32>
      tpu.vector_store %arg5[%swap3A_457, %swap3A_458], %swap3A_461 {strides = array<i32>} : memref<64x512xf32, #tpu.memory_space<vmem>>, vector<1x16xf32>,
      %get3A_462 = arith.index_cast %scan3A_332 : i32 to index
      %get3A_463 = arith.constant 112 : index
      %get3A_464 = tpu.vector_load %arg5[%get3A_462, %get3A_463] {strides = array<i32>} : memref<64x512xf32, #tpu.memory_space<vmem>>, vector<1x16xf32>,
      %get3A_465 = vector.shape_cast %get3A_464 : vector<1x16xf32> to vector<16xf32>
      %neg3A_466 = arith.constant 0.000000e+00 : f32
      %neg3A_467 = vector.broadcast %neg3A_466 : f32 to vector<16xf32>
      %neg3A_468 = arith.subf %neg3A_467, %get3A_465 : vector<16xf32>
      %exp3A_469 = math.exp %neg3A_468 : vector<16xf32>
      %add3A_470 = arith.constant 1.000000e+00 : f32
      %add3A_471 = vector.broadcast %add3A_470 : f32 to vector<16xf32>
      %add3A_472 = arith.addf %add3A_471, %exp3A_469 : vector<16xf32>
      %div3A_473 = arith.constant 1.000000e+00 : f32
      %div3A_474 = vector.broadcast %div3A_473 : f32 to vector<16xf32>
      %div3A_475 = arith.divf %div3A_474, %add3A_472 : vector<16xf32>
      %swap3A_476 = arith.index_cast %scan3A_332 : i32 to index
      %swap3A_477 = arith.constant 112 : index
      %swap3A_478 = tpu.vector_load %arg5[%swap3A_476, %swap3A_477] {strides = array<i32>} : memref<64x512xf32, #tpu.memory_space<vmem>>, vector<1x16xf32>,
      %swap3A_479 = vector.shape_cast %swap3A_478 : vector<1x16xf32> to vector<16xf32>
      %swap3A_480 = vector.shape_cast %div3A_475 : vector<16xf32> to vector<1x16xf32>
      tpu.vector_store %arg5[%swap3A_476, %swap3A_477], %swap3A_480 {strides = array<i32>} : memref<64x512xf32, #tpu.memory_space<vmem>>, vector<1x16xf32>,
      %get3A_481 = arith.index_cast %scan3A_332 : i32 to index
      %get3A_482 = arith.constant 128 : index
      %get3A_483 = tpu.vector_load %arg5[%get3A_481, %get3A_482] {strides = array<i32>} : memref<64x512xf32, #tpu.memory_space<vmem>>, vector<1x16xf32>,
      %get3A_484 = vector.shape_cast %get3A_483 : vector<1x16xf32> to vector<16xf32>
      %neg3A_485 = arith.constant 0.000000e+00 : f32
      %neg3A_486 = vector.broadcast %neg3A_485 : f32 to vector<16xf32>
      %neg3A_487 = arith.subf %neg3A_486, %get3A_484 : vector<16xf32>
      %exp3A_488 = math.exp %neg3A_487 : vector<16xf32>
      %add3A_489 = arith.constant 1.000000e+00 : f32
      %add3A_490 = vector.broadcast %add3A_489 : f32 to vector<16xf32>
      %add3A_491 = arith.addf %add3A_490, %exp3A_488 : vector<16xf32>
      %div3A_492 = arith.constant 1.000000e+00 : f32
      %div3A_493 = vector.broadcast %div3A_492 : f32 to vector<16xf32>
      %div3A_494 = arith.divf %div3A_493, %add3A_491 : vector<16xf32>
      %swap3A_495 = arith.index_cast %scan3A_332 : i32 to index
      %swap3A_496 = arith.constant 128 : index
      %swap3A_497 = tpu.vector_load %arg5[%swap3A_495, %swap3A_496] {strides = array<i32>} : memref<64x512xf32, #tpu.memory_space<vmem>>, vector<1x16xf32>,
      %swap3A_498 = vector.shape_cast %swap3A_497 : vector<1x16xf32> to vector<16xf32>
      %swap3A_499 = vector.shape_cast %div3A_494 : vector<16xf32> to vector<1x16xf32>
      tpu.vector_store %arg5[%swap3A_495, %swap3A_496], %swap3A_499 {strides = array<i32>} : memref<64x512xf32, #tpu.memory_space<vmem>>, vector<1x16xf32>,
      %get3A_500 = arith.index_cast %scan3A_332 : i32 to index
      %get3A_501 = arith.constant 144 : index
      %get3A_502 = tpu.vector_load %arg5[%get3A_500, %get3A_501] {strides = array<i32>} : memref<64x512xf32, #tpu.memory_space<vmem>>, vector<1x16xf32>,
      %get3A_503 = vector.shape_cast %get3A_502 : vector<1x16xf32> to vector<16xf32>
      %neg3A_504 = arith.constant 0.000000e+00 : f32
      %neg3A_505 = vector.broadcast %neg3A_504 : f32 to vector<16xf32>
      %neg3A_506 = arith.subf %neg3A_505, %get3A_503 : vector<16xf32>
      %exp3A_507 = math.exp %neg3A_506 : vector<16xf32>
      %add3A_508 = arith.constant 1.000000e+00 : f32
      %add3A_509 = vector.broadcast %add3A_508 : f32 to vector<16xf32>
      %add3A_510 = arith.addf %add3A_509, %exp3A_507 : vector<16xf32>
      %div3A_511 = arith.constant 1.000000e+00 : f32
      %div3A_512 = vector.broadcast %div3A_511 : f32 to vector<16xf32>
      %div3A_513 = arith.divf %div3A_512, %add3A_510 : vector<16xf32>
      %swap3A_514 = arith.index_cast %scan3A_332 : i32 to index
      %swap3A_515 = arith.constant 144 : index
      %swap3A_516 = tpu.vector_load %arg5[%swap3A_514, %swap3A_515] {strides = array<i32>} : memref<64x512xf32, #tpu.memory_space<vmem>>, vector<1x16xf32>,
      %swap3A_517 = vector.shape_cast %swap3A_516 : vector<1x16xf32> to vector<16xf32>
      %swap3A_518 = vector.shape_cast %div3A_513 : vector<16xf32> to vector<1x16xf32>
      tpu.vector_store %arg5[%swap3A_514, %swap3A_515], %swap3A_518 {strides = array<i32>} : memref<64x512xf32, #tpu.memory_space<vmem>>, vector<1x16xf32>,
      %get3A_519 = arith.index_cast %scan3A_332 : i32 to index
      %get3A_520 = arith.constant 160 : index
      %get3A_521 = tpu.vector_load %arg5[%get3A_519, %get3A_520] {strides = array<i32>} : memref<64x512xf32, #tpu.memory_space<vmem>>, vector<1x16xf32>,
      %get3A_522 = vector.shape_cast %get3A_521 : vector<1x16xf32> to vector<16xf32>
      %neg3A_523 = arith.constant 0.000000e+00 : f32
      %neg3A_524 = vector.broadcast %neg3A_523 : f32 to vector<16xf32>
      %neg3A_525 = arith.subf %neg3A_524, %get3A_522 : vector<16xf32>
      %exp3A_526 = math.exp %neg3A_525 : vector<16xf32>
      %add3A_527 = arith.constant 1.000000e+00 : f32
      %add3A_528 = vector.broadcast %add3A_527 : f32 to vector<16xf32>
      %add3A_529 = arith.addf %add3A_528, %exp3A_526 : vector<16xf32>
      %div3A_530 = arith.constant 1.000000e+00 : f32
      %div3A_531 = vector.broadcast %div3A_530 : f32 to vector<16xf32>
      %div3A_532 = arith.divf %div3A_531, %add3A_529 : vector<16xf32>
      %swap3A_533 = arith.index_cast %scan3A_332 : i32 to index
      %swap3A_534 = arith.constant 160 : index
      %swap3A_535 = tpu.vector_load %arg5[%swap3A_533, %swap3A_534] {strides = array<i32>} : memref<64x512xf32, #tpu.memory_space<vmem>>, vector<1x16xf32>,
      %swap3A_536 = vector.shape_cast %swap3A_535 : vector<1x16xf32> to vector<16xf32>
      %swap3A_537 = vector.shape_cast %div3A_532 : vector<16xf32> to vector<1x16xf32>
      tpu.vector_store %arg5[%swap3A_533, %swap3A_534], %swap3A_537 {strides = array<i32>} : memref<64x512xf32, #tpu.memory_space<vmem>>, vector<1x16xf32>,
      %get3A_538 = arith.index_cast %scan3A_332 : i32 to index
      %get3A_539 = arith.constant 176 : index
      %get3A_540 = tpu.vector_load %arg5[%get3A_538, %get3A_539] {strides = array<i32>} : memref<64x512xf32, #tpu.memory_space<vmem>>, vector<1x16xf32>,
      %get3A_541 = vector.shape_cast %get3A_540 : vector<1x16xf32> to vector<16xf32>
      %neg3A_542 = arith.constant 0.000000e+00 : f32
      %neg3A_543 = vector.broadcast %neg3A_542 : f32 to vector<16xf32>
      %neg3A_544 = arith.subf %neg3A_543, %get3A_541 : vector<16xf32>
      %exp3A_545 = math.exp %neg3A_544 : vector<16xf32>
      %add3A_546 = arith.constant 1.000000e+00 : f32
      %add3A_547 = vector.broadcast %add3A_546 : f32 to vector<16xf32>
      %add3A_548 = arith.addf %add3A_547, %exp3A_545 : vector<16xf32>
      %div3A_549 = arith.constant 1.000000e+00 : f32
      %div3A_550 = vector.broadcast %div3A_549 : f32 to vector<16xf32>
      %div3A_551 = arith.divf %div3A_550, %add3A_548 : vector<16xf32>
      %swap3A_552 = arith.index_cast %scan3A_332 : i32 to index
      %swap3A_553 = arith.constant 176 : index
      %swap3A_554 = tpu.vector_load %arg5[%swap3A_552, %swap3A_553] {strides = array<i32>} : memref<64x512xf32, #tpu.memory_space<vmem>>, vector<1x16xf32>,
      %swap3A_555 = vector.shape_cast %swap3A_554 : vector<1x16xf32> to vector<16xf32>
      %swap3A_556 = vector.shape_cast %div3A_551 : vector<16xf32> to vector<1x16xf32>
      tpu.vector_store %arg5[%swap3A_552, %swap3A_553], %swap3A_556 {strides = array<i32>} : memref<64x512xf32, #tpu.memory_space<vmem>>, vector<1x16xf32>,
      %get3A_557 = arith.index_cast %scan3A_332 : i32 to index
      %get3A_558 = arith.constant 192 : index
      %get3A_559 = tpu.vector_load %arg5[%get3A_557, %get3A_558] {strides = array<i32>} : memref<64x512xf32, #tpu.memory_space<vmem>>, vector<1x16xf32>,
      %get3A_560 = vector.shape_cast %get3A_559 : vector<1x16xf32> to vector<16xf32>
      %neg3A_561 = arith.constant 0.000000e+00 : f32
      %neg3A_562 = vector.broadcast %neg3A_561 : f32 to vector<16xf32>
      %neg3A_563 = arith.subf %neg3A_562, %get3A_560 : vector<16xf32>
      %exp3A_564 = math.exp %neg3A_563 : vector<16xf32>
      %add3A_565 = arith.constant 1.000000e+00 : f32
      %add3A_566 = vector.broadcast %add3A_565 : f32 to vector<16xf32>
      %add3A_567 = arith.addf %add3A_566, %exp3A_564 : vector<16xf32>
      %div3A_568 = arith.constant 1.000000e+00 : f32
      %div3A_569 = vector.broadcast %div3A_568 : f32 to vector<16xf32>
      %div3A_570 = arith.divf %div3A_569, %add3A_567 : vector<16xf32>
      %swap3A_571 = arith.index_cast %scan3A_332 : i32 to index
      %swap3A_572 = arith.constant 192 : index
      %swap3A_573 = tpu.vector_load %arg5[%swap3A_571, %swap3A_572] {strides = array<i32>} : memref<64x512xf32, #tpu.memory_space<vmem>>, vector<1x16xf32>,
      %swap3A_574 = vector.shape_cast %swap3A_573 : vector<1x16xf32> to vector<16xf32>
      %swap3A_575 = vector.shape_cast %div3A_570 : vector<16xf32> to vector<1x16xf32>
      tpu.vector_store %arg5[%swap3A_571, %swap3A_572], %swap3A_575 {strides = array<i32>} : memref<64x512xf32, #tpu.memory_space<vmem>>, vector<1x16xf32>,
      %get3A_576 = arith.index_cast %scan3A_332 : i32 to index
      %get3A_577 = arith.constant 208 : index
      %get3A_578 = tpu.vector_load %arg5[%get3A_576, %get3A_577] {strides = array<i32>} : memref<64x512xf32, #tpu.memory_space<vmem>>, vector<1x16xf32>,
      %get3A_579 = vector.shape_cast %get3A_578 : vector<1x16xf32> to vector<16xf32>
      %neg3A_580 = arith.constant 0.000000e+00 : f32
      %neg3A_581 = vector.broadcast %neg3A_580 : f32 to vector<16xf32>
      %neg3A_582 = arith.subf %neg3A_581, %get3A_579 : vector<16xf32>
      %exp3A_583 = math.exp %neg3A_582 : vector<16xf32>
      %add3A_584 = arith.constant 1.000000e+00 : f32
      %add3A_585 = vector.broadcast %add3A_584 : f32 to vector<16xf32>
      %add3A_586 = arith.addf %add3A_585, %exp3A_583 : vector<16xf32>
      %div3A_587 = arith.constant 1.000000e+00 : f32
      %div3A_588 = vector.broadcast %div3A_587 : f32 to vector<16xf32>
      %div3A_589 = arith.divf %div3A_588, %add3A_586 : vector<16xf32>
      %swap3A_590 = arith.index_cast %scan3A_332 : i32 to index
      %swap3A_591 = arith.constant 208 : index
      %swap3A_592 = tpu.vector_load %arg5[%swap3A_590, %swap3A_591] {strides = array<i32>} : memref<64x512xf32, #tpu.memory_space<vmem>>, vector<1x16xf32>,
      %swap3A_593 = vector.shape_cast %swap3A_592 : vector<1x16xf32> to vector<16xf32>
      %swap3A_594 = vector.shape_cast %div3A_589 : vector<16xf32> to vector<1x16xf32>
      tpu.vector_store %arg5[%swap3A_590, %swap3A_591], %swap3A_594 {strides = array<i32>} : memref<64x512xf32, #tpu.memory_space<vmem>>, vector<1x16xf32>,
      %get3A_595 = arith.index_cast %scan3A_332 : i32 to index
      %get3A_596 = arith.constant 224 : index
      %get3A_597 = tpu.vector_load %arg5[%get3A_595, %get3A_596] {strides = array<i32>} : memref<64x512xf32, #tpu.memory_space<vmem>>, vector<1x16xf32>,
      %get3A_598 = vector.shape_cast %get3A_597 : vector<1x16xf32> to vector<16xf32>
      %neg3A_599 = arith.constant 0.000000e+00 : f32
      %neg3A_600 = vector.broadcast %neg3A_599 : f32 to vector<16xf32>
      %neg3A_601 = arith.subf %neg3A_600, %get3A_598 : vector<16xf32>
      %exp3A_602 = math.exp %neg3A_601 : vector<16xf32>
      %add3A_603 = arith.constant 1.000000e+00 : f32
      %add3A_604 = vector.broadcast %add3A_603 : f32 to vector<16xf32>
      %add3A_605 = arith.addf %add3A_604, %exp3A_602 : vector<16xf32>
      %div3A_606 = arith.constant 1.000000e+00 : f32
      %div3A_607 = vector.broadcast %div3A_606 : f32 to vector<16xf32>
      %div3A_608 = arith.divf %div3A_607, %add3A_605 : vector<16xf32>
      %swap3A_609 = arith.index_cast %scan3A_332 : i32 to index
      %swap3A_610 = arith.constant 224 : index
      %swap3A_611 = tpu.vector_load %arg5[%swap3A_609, %swap3A_610] {strides = array<i32>} : memref<64x512xf32, #tpu.memory_space<vmem>>, vector<1x16xf32>,
      %swap3A_612 = vector.shape_cast %swap3A_611 : vector<1x16xf32> to vector<16xf32>
      %swap3A_613 = vector.shape_cast %div3A_608 : vector<16xf32> to vector<1x16xf32>
      tpu.vector_store %arg5[%swap3A_609, %swap3A_610], %swap3A_613 {strides = array<i32>} : memref<64x512xf32, #tpu.memory_space<vmem>>, vector<1x16xf32>,
      %get3A_614 = arith.index_cast %scan3A_332 : i32 to index
      %get3A_615 = arith.constant 240 : index
      %get3A_616 = tpu.vector_load %arg5[%get3A_614, %get3A_615] {strides = array<i32>} : memref<64x512xf32, #tpu.memory_space<vmem>>, vector<1x16xf32>,
      %get3A_617 = vector.shape_cast %get3A_616 : vector<1x16xf32> to vector<16xf32>
      %neg3A_618 = arith.constant 0.000000e+00 : f32
      %neg3A_619 = vector.broadcast %neg3A_618 : f32 to vector<16xf32>
      %neg3A_620 = arith.subf %neg3A_619, %get3A_617 : vector<16xf32>
      %exp3A_621 = math.exp %neg3A_620 : vector<16xf32>
      %add3A_622 = arith.constant 1.000000e+00 : f32
      %add3A_623 = vector.broadcast %add3A_622 : f32 to vector<16xf32>
      %add3A_624 = arith.addf %add3A_623, %exp3A_621 : vector<16xf32>
      %div3A_625 = arith.constant 1.000000e+00 : f32
      %div3A_626 = vector.broadcast %div3A_625 : f32 to vector<16xf32>
      %div3A_627 = arith.divf %div3A_626, %add3A_624 : vector<16xf32>
      %swap3A_628 = arith.index_cast %scan3A_332 : i32 to index
      %swap3A_629 = arith.constant 240 : index
      %swap3A_630 = tpu.vector_load %arg5[%swap3A_628, %swap3A_629] {strides = array<i32>} : memref<64x512xf32, #tpu.memory_space<vmem>>, vector<1x16xf32>,
      %swap3A_631 = vector.shape_cast %swap3A_630 : vector<1x16xf32> to vector<16xf32>
      %swap3A_632 = vector.shape_cast %div3A_627 : vector<16xf32> to vector<1x16xf32>
      tpu.vector_store %arg5[%swap3A_628, %swap3A_629], %swap3A_632 {strides = array<i32>} : memref<64x512xf32, #tpu.memory_space<vmem>>, vector<1x16xf32>,
      %get3A_633 = arith.index_cast %scan3A_332 : i32 to index
      %get3A_634 = arith.constant 256 : index
      %get3A_635 = tpu.vector_load %arg5[%get3A_633, %get3A_634] {strides = array<i32>} : memref<64x512xf32, #tpu.memory_space<vmem>>, vector<1x16xf32>,
      %get3A_636 = vector.shape_cast %get3A_635 : vector<1x16xf32> to vector<16xf32>
      %neg3A_637 = arith.constant 0.000000e+00 : f32
      %neg3A_638 = vector.broadcast %neg3A_637 : f32 to vector<16xf32>
      %neg3A_639 = arith.subf %neg3A_638, %get3A_636 : vector<16xf32>
      %exp3A_640 = math.exp %neg3A_639 : vector<16xf32>
      %add3A_641 = arith.constant 1.000000e+00 : f32
      %add3A_642 = vector.broadcast %add3A_641 : f32 to vector<16xf32>
      %add3A_643 = arith.addf %add3A_642, %exp3A_640 : vector<16xf32>
      %div3A_644 = arith.constant 1.000000e+00 : f32
      %div3A_645 = vector.broadcast %div3A_644 : f32 to vector<16xf32>
      %div3A_646 = arith.divf %div3A_645, %add3A_643 : vector<16xf32>
      %swap3A_647 = arith.index_cast %scan3A_332 : i32 to index
      %swap3A_648 = arith.constant 256 : index
      %swap3A_649 = tpu.vector_load %arg5[%swap3A_647, %swap3A_648] {strides = array<i32>} : memref<64x512xf32, #tpu.memory_space<vmem>>, vector<1x16xf32>,
      %swap3A_650 = vector.shape_cast %swap3A_649 : vector<1x16xf32> to vector<16xf32>
      %swap3A_651 = vector.shape_cast %div3A_646 : vector<16xf32> to vector<1x16xf32>
      tpu.vector_store %arg5[%swap3A_647, %swap3A_648], %swap3A_651 {strides = array<i32>} : memref<64x512xf32, #tpu.memory_space<vmem>>, vector<1x16xf32>,
      %get3A_652 = arith.index_cast %scan3A_332 : i32 to index
      %get3A_653 = arith.constant 272 : index
      %get3A_654 = tpu.vector_load %arg5[%get3A_652, %get3A_653] {strides = array<i32>} : memref<64x512xf32, #tpu.memory_space<vmem>>, vector<1x16xf32>,
      %get3A_655 = vector.shape_cast %get3A_654 : vector<1x16xf32> to vector<16xf32>
      %neg3A_656 = arith.constant 0.000000e+00 : f32
      %neg3A_657 = vector.broadcast %neg3A_656 : f32 to vector<16xf32>
      %neg3A_658 = arith.subf %neg3A_657, %get3A_655 : vector<16xf32>
      %exp3A_659 = math.exp %neg3A_658 : vector<16xf32>
      %add3A_660 = arith.constant 1.000000e+00 : f32
      %add3A_661 = vector.broadcast %add3A_660 : f32 to vector<16xf32>
      %add3A_662 = arith.addf %add3A_661, %exp3A_659 : vector<16xf32>
      %div3A_663 = arith.constant 1.000000e+00 : f32
      %div3A_664 = vector.broadcast %div3A_663 : f32 to vector<16xf32>
      %div3A_665 = arith.divf %div3A_664, %add3A_662 : vector<16xf32>
      %swap3A_666 = arith.index_cast %scan3A_332 : i32 to index
      %swap3A_667 = arith.constant 272 : index
      %swap3A_668 = tpu.vector_load %arg5[%swap3A_666, %swap3A_667] {strides = array<i32>} : memref<64x512xf32, #tpu.memory_space<vmem>>, vector<1x16xf32>,
      %swap3A_669 = vector.shape_cast %swap3A_668 : vector<1x16xf32> to vector<16xf32>
      %swap3A_670 = vector.shape_cast %div3A_665 : vector<16xf32> to vector<1x16xf32>
      tpu.vector_store %arg5[%swap3A_666, %swap3A_667], %swap3A_670 {strides = array<i32>} : memref<64x512xf32, #tpu.memory_space<vmem>>, vector<1x16xf32>,
      %get3A_671 = arith.index_cast %scan3A_332 : i32 to index
      %get3A_672 = arith.constant 288 : index
      %get3A_673 = tpu.vector_load %arg5[%get3A_671, %get3A_672] {strides = array<i32>} : memref<64x512xf32, #tpu.memory_space<vmem>>, vector<1x16xf32>,
      %get3A_674 = vector.shape_cast %get3A_673 : vector<1x16xf32> to vector<16xf32>
      %neg3A_675 = arith.constant 0.000000e+00 : f32
      %neg3A_676 = vector.broadcast %neg3A_675 : f32 to vector<16xf32>
      %neg3A_677 = arith.subf %neg3A_676, %get3A_674 : vector<16xf32>
      %exp3A_678 = math.exp %neg3A_677 : vector<16xf32>
      %add3A_679 = arith.constant 1.000000e+00 : f32
      %add3A_680 = vector.broadcast %add3A_679 : f32 to vector<16xf32>
      %add3A_681 = arith.addf %add3A_680, %exp3A_678 : vector<16xf32>
      %div3A_682 = arith.constant 1.000000e+00 : f32
      %div3A_683 = vector.broadcast %div3A_682 : f32 to vector<16xf32>
      %div3A_684 = arith.divf %div3A_683, %add3A_681 : vector<16xf32>
      %swap3A_685 = arith.index_cast %scan3A_332 : i32 to index
      %swap3A_686 = arith.constant 288 : index
      %swap3A_687 = tpu.vector_load %arg5[%swap3A_685, %swap3A_686] {strides = array<i32>} : memref<64x512xf32, #tpu.memory_space<vmem>>, vector<1x16xf32>,
      %swap3A_688 = vector.shape_cast %swap3A_687 : vector<1x16xf32> to vector<16xf32>
      %swap3A_689 = vector.shape_cast %div3A_684 : vector<16xf32> to vector<1x16xf32>
      tpu.vector_store %arg5[%swap3A_685, %swap3A_686], %swap3A_689 {strides = array<i32>} : memref<64x512xf32, #tpu.memory_space<vmem>>, vector<1x16xf32>,
      %get3A_690 = arith.index_cast %scan3A_332 : i32 to index
      %get3A_691 = arith.constant 304 : index
      %get3A_692 = tpu.vector_load %arg5[%get3A_690, %get3A_691] {strides = array<i32>} : memref<64x512xf32, #tpu.memory_space<vmem>>, vector<1x16xf32>,
      %get3A_693 = vector.shape_cast %get3A_692 : vector<1x16xf32> to vector<16xf32>
      %neg3A_694 = arith.constant 0.000000e+00 : f32
      %neg3A_695 = vector.broadcast %neg3A_694 : f32 to vector<16xf32>
      %neg3A_696 = arith.subf %neg3A_695, %get3A_693 : vector<16xf32>
      %exp3A_697 = math.exp %neg3A_696 : vector<16xf32>
      %add3A_698 = arith.constant 1.000000e+00 : f32
      %add3A_699 = vector.broadcast %add3A_698 : f32 to vector<16xf32>
      %add3A_700 = arith.addf %add3A_699, %exp3A_697 : vector<16xf32>
      %div3A_701 = arith.constant 1.000000e+00 : f32
      %div3A_702 = vector.broadcast %div3A_701 : f32 to vector<16xf32>
      %div3A_703 = arith.divf %div3A_702, %add3A_700 : vector<16xf32>
      %swap3A_704 = arith.index_cast %scan3A_332 : i32 to index
      %swap3A_705 = arith.constant 304 : index
      %swap3A_706 = tpu.vector_load %arg5[%swap3A_704, %swap3A_705] {strides = array<i32>} : memref<64x512xf32, #tpu.memory_space<vmem>>, vector<1x16xf32>,
      %swap3A_707 = vector.shape_cast %swap3A_706 : vector<1x16xf32> to vector<16xf32>
      %swap3A_708 = vector.shape_cast %div3A_703 : vector<16xf32> to vector<1x16xf32>
      tpu.vector_store %arg5[%swap3A_704, %swap3A_705], %swap3A_708 {strides = array<i32>} : memref<64x512xf32, #tpu.memory_space<vmem>>, vector<1x16xf32>,
      %get3A_709 = arith.index_cast %scan3A_332 : i32 to index
      %get3A_710 = arith.constant 320 : index
      %get3A_711 = tpu.vector_load %arg5[%get3A_709, %get3A_710] {strides = array<i32>} : memref<64x512xf32, #tpu.memory_space<vmem>>, vector<1x16xf32>,
      %get3A_712 = vector.shape_cast %get3A_711 : vector<1x16xf32> to vector<16xf32>
      %neg3A_713 = arith.constant 0.000000e+00 : f32
      %neg3A_714 = vector.broadcast %neg3A_713 : f32 to vector<16xf32>
      %neg3A_715 = arith.subf %neg3A_714, %get3A_712 : vector<16xf32>
      %exp3A_716 = math.exp %neg3A_715 : vector<16xf32>
      %add3A_717 = arith.constant 1.000000e+00 : f32
      %add3A_718 = vector.broadcast %add3A_717 : f32 to vector<16xf32>
      %add3A_719 = arith.addf %add3A_718, %exp3A_716 : vector<16xf32>
      %div3A_720 = arith.constant 1.000000e+00 : f32
      %div3A_721 = vector.broadcast %div3A_720 : f32 to vector<16xf32>
      %div3A_722 = arith.divf %div3A_721, %add3A_719 : vector<16xf32>
      %swap3A_723 = arith.index_cast %scan3A_332 : i32 to index
      %swap3A_724 = arith.constant 320 : index
      %swap3A_725 = tpu.vector_load %arg5[%swap3A_723, %swap3A_724] {strides = array<i32>} : memref<64x512xf32, #tpu.memory_space<vmem>>, vector<1x16xf32>,
      %swap3A_726 = vector.shape_cast %swap3A_725 : vector<1x16xf32> to vector<16xf32>
      %swap3A_727 = vector.shape_cast %div3A_722 : vector<16xf32> to vector<1x16xf32>
      tpu.vector_store %arg5[%swap3A_723, %swap3A_724], %swap3A_727 {strides = array<i32>} : memref<64x512xf32, #tpu.memory_space<vmem>>, vector<1x16xf32>,
      %get3A_728 = arith.index_cast %scan3A_332 : i32 to index
      %get3A_729 = arith.constant 336 : index
      %get3A_730 = tpu.vector_load %arg5[%get3A_728, %get3A_729] {strides = array<i32>} : memref<64x512xf32, #tpu.memory_space<vmem>>, vector<1x16xf32>,
      %get3A_731 = vector.shape_cast %get3A_730 : vector<1x16xf32> to vector<16xf32>
      %neg3A_732 = arith.constant 0.000000e+00 : f32
      %neg3A_733 = vector.broadcast %neg3A_732 : f32 to vector<16xf32>
      %neg3A_734 = arith.subf %neg3A_733, %get3A_731 : vector<16xf32>
      %exp3A_735 = math.exp %neg3A_734 : vector<16xf32>
      %add3A_736 = arith.constant 1.000000e+00 : f32
      %add3A_737 = vector.broadcast %add3A_736 : f32 to vector<16xf32>
      %add3A_738 = arith.addf %add3A_737, %exp3A_735 : vector<16xf32>
      %div3A_739 = arith.constant 1.000000e+00 : f32
      %div3A_740 = vector.broadcast %div3A_739 : f32 to vector<16xf32>
      %div3A_741 = arith.divf %div3A_740, %add3A_738 : vector<16xf32>
      %swap3A_742 = arith.index_cast %scan3A_332 : i32 to index
      %swap3A_743 = arith.constant 336 : index
      %swap3A_744 = tpu.vector_load %arg5[%swap3A_742, %swap3A_743] {strides = array<i32>} : memref<64x512xf32, #tpu.memory_space<vmem>>, vector<1x16xf32>,
      %swap3A_745 = vector.shape_cast %swap3A_744 : vector<1x16xf32> to vector<16xf32>
      %swap3A_746 = vector.shape_cast %div3A_741 : vector<16xf32> to vector<1x16xf32>
      tpu.vector_store %arg5[%swap3A_742, %swap3A_743], %swap3A_746 {strides = array<i32>} : memref<64x512xf32, #tpu.memory_space<vmem>>, vector<1x16xf32>,
      %get3A_747 = arith.index_cast %scan3A_332 : i32 to index
      %get3A_748 = arith.constant 352 : index
      %get3A_749 = tpu.vector_load %arg5[%get3A_747, %get3A_748] {strides = array<i32>} : memref<64x512xf32, #tpu.memory_space<vmem>>, vector<1x16xf32>,
      %get3A_750 = vector.shape_cast %get3A_749 : vector<1x16xf32> to vector<16xf32>
      %neg3A_751 = arith.constant 0.000000e+00 : f32
      %neg3A_752 = vector.broadcast %neg3A_751 : f32 to vector<16xf32>
      %neg3A_753 = arith.subf %neg3A_752, %get3A_750 : vector<16xf32>
      %exp3A_754 = math.exp %neg3A_753 : vector<16xf32>
      %add3A_755 = arith.constant 1.000000e+00 : f32
      %add3A_756 = vector.broadcast %add3A_755 : f32 to vector<16xf32>
      %add3A_757 = arith.addf %add3A_756, %exp3A_754 : vector<16xf32>
      %div3A_758 = arith.constant 1.000000e+00 : f32
      %div3A_759 = vector.broadcast %div3A_758 : f32 to vector<16xf32>
      %div3A_760 = arith.divf %div3A_759, %add3A_757 : vector<16xf32>
      %swap3A_761 = arith.index_cast %scan3A_332 : i32 to index
      %swap3A_762 = arith.constant 352 : index
      %swap3A_763 = tpu.vector_load %arg5[%swap3A_761, %swap3A_762] {strides = array<i32>} : memref<64x512xf32, #tpu.memory_space<vmem>>, vector<1x16xf32>,
      %swap3A_764 = vector.shape_cast %swap3A_763 : vector<1x16xf32> to vector<16xf32>
      %swap3A_765 = vector.shape_cast %div3A_760 : vector<16xf32> to vector<1x16xf32>
      tpu.vector_store %arg5[%swap3A_761, %swap3A_762], %swap3A_765 {strides = array<i32>} : memref<64x512xf32, #tpu.memory_space<vmem>>, vector<1x16xf32>,
      %get3A_766 = arith.index_cast %scan3A_332 : i32 to index
      %get3A_767 = arith.constant 368 : index
      %get3A_768 = tpu.vector_load %arg5[%get3A_766, %get3A_767] {strides = array<i32>} : memref<64x512xf32, #tpu.memory_space<vmem>>, vector<1x16xf32>,
      %get3A_769 = vector.shape_cast %get3A_768 : vector<1x16xf32> to vector<16xf32>
      %neg3A_770 = arith.constant 0.000000e+00 : f32
      %neg3A_771 = vector.broadcast %neg3A_770 : f32 to vector<16xf32>
      %neg3A_772 = arith.subf %neg3A_771, %get3A_769 : vector<16xf32>
      %exp3A_773 = math.exp %neg3A_772 : vector<16xf32>
      %add3A_774 = arith.constant 1.000000e+00 : f32
      %add3A_775 = vector.broadcast %add3A_774 : f32 to vector<16xf32>
      %add3A_776 = arith.addf %add3A_775, %exp3A_773 : vector<16xf32>
      %div3A_777 = arith.constant 1.000000e+00 : f32
      %div3A_778 = vector.broadcast %div3A_777 : f32 to vector<16xf32>
      %div3A_779 = arith.divf %div3A_778, %add3A_776 : vector<16xf32>
      %swap3A_780 = arith.index_cast %scan3A_332 : i32 to index
      %swap3A_781 = arith.constant 368 : index
      %swap3A_782 = tpu.vector_load %arg5[%swap3A_780, %swap3A_781] {strides = array<i32>} : memref<64x512xf32, #tpu.memory_space<vmem>>, vector<1x16xf32>,
      %swap3A_783 = vector.shape_cast %swap3A_782 : vector<1x16xf32> to vector<16xf32>
      %swap3A_784 = vector.shape_cast %div3A_779 : vector<16xf32> to vector<1x16xf32>
      tpu.vector_store %arg5[%swap3A_780, %swap3A_781], %swap3A_784 {strides = array<i32>} : memref<64x512xf32, #tpu.memory_space<vmem>>, vector<1x16xf32>,
      %get3A_785 = arith.index_cast %scan3A_332 : i32 to index
      %get3A_786 = arith.constant 384 : index
      %get3A_787 = tpu.vector_load %arg5[%get3A_785, %get3A_786] {strides = array<i32>} : memref<64x512xf32, #tpu.memory_space<vmem>>, vector<1x16xf32>,
      %get3A_788 = vector.shape_cast %get3A_787 : vector<1x16xf32> to vector<16xf32>
      %neg3A_789 = arith.constant 0.000000e+00 : f32
      %neg3A_790 = vector.broadcast %neg3A_789 : f32 to vector<16xf32>
      %neg3A_791 = arith.subf %neg3A_790, %get3A_788 : vector<16xf32>
      %exp3A_792 = math.exp %neg3A_791 : vector<16xf32>
      %add3A_793 = arith.constant 1.000000e+00 : f32
      %add3A_794 = vector.broadcast %add3A_793 : f32 to vector<16xf32>
      %add3A_795 = arith.addf %add3A_794, %exp3A_792 : vector<16xf32>
      %div3A_796 = arith.constant 1.000000e+00 : f32
      %div3A_797 = vector.broadcast %div3A_796 : f32 to vector<16xf32>
      %div3A_798 = arith.divf %div3A_797, %add3A_795 : vector<16xf32>
      %swap3A_799 = arith.index_cast %scan3A_332 : i32 to index
      %swap3A_800 = arith.constant 384 : index
      %swap3A_801 = tpu.vector_load %arg5[%swap3A_799, %swap3A_800] {strides = array<i32>} : memref<64x512xf32, #tpu.memory_space<vmem>>, vector<1x16xf32>,
      %swap3A_802 = vector.shape_cast %swap3A_801 : vector<1x16xf32> to vector<16xf32>
      %swap3A_803 = vector.shape_cast %div3A_798 : vector<16xf32> to vector<1x16xf32>
      tpu.vector_store %arg5[%swap3A_799, %swap3A_800], %swap3A_803 {strides = array<i32>} : memref<64x512xf32, #tpu.memory_space<vmem>>, vector<1x16xf32>,
      %get3A_804 = arith.index_cast %scan3A_332 : i32 to index
      %get3A_805 = arith.constant 400 : index
      %get3A_806 = tpu.vector_load %arg5[%get3A_804, %get3A_805] {strides = array<i32>} : memref<64x512xf32, #tpu.memory_space<vmem>>, vector<1x16xf32>,
      %get3A_807 = vector.shape_cast %get3A_806 : vector<1x16xf32> to vector<16xf32>
      %neg3A_808 = arith.constant 0.000000e+00 : f32
      %neg3A_809 = vector.broadcast %neg3A_808 : f32 to vector<16xf32>
      %neg3A_810 = arith.subf %neg3A_809, %get3A_807 : vector<16xf32>
      %exp3A_811 = math.exp %neg3A_810 : vector<16xf32>
      %add3A_812 = arith.constant 1.000000e+00 : f32
      %add3A_813 = vector.broadcast %add3A_812 : f32 to vector<16xf32>
      %add3A_814 = arith.addf %add3A_813, %exp3A_811 : vector<16xf32>
      %div3A_815 = arith.constant 1.000000e+00 : f32
      %div3A_816 = vector.broadcast %div3A_815 : f32 to vector<16xf32>
      %div3A_817 = arith.divf %div3A_816, %add3A_814 : vector<16xf32>
      %swap3A_818 = arith.index_cast %scan3A_332 : i32 to index
      %swap3A_819 = arith.constant 400 : index
      %swap3A_820 = tpu.vector_load %arg5[%swap3A_818, %swap3A_819] {strides = array<i32>} : memref<64x512xf32, #tpu.memory_space<vmem>>, vector<1x16xf32>,
      %swap3A_821 = vector.shape_cast %swap3A_820 : vector<1x16xf32> to vector<16xf32>
      %swap3A_822 = vector.shape_cast %div3A_817 : vector<16xf32> to vector<1x16xf32>
      tpu.vector_store %arg5[%swap3A_818, %swap3A_819], %swap3A_822 {strides = array<i32>} : memref<64x512xf32, #tpu.memory_space<vmem>>, vector<1x16xf32>,
      %get3A_823 = arith.index_cast %scan3A_332 : i32 to index
      %get3A_824 = arith.constant 416 : index
      %get3A_825 = tpu.vector_load %arg5[%get3A_823, %get3A_824] {strides = array<i32>} : memref<64x512xf32, #tpu.memory_space<vmem>>, vector<1x16xf32>,
      %get3A_826 = vector.shape_cast %get3A_825 : vector<1x16xf32> to vector<16xf32>
      %neg3A_827 = arith.constant 0.000000e+00 : f32
      %neg3A_828 = vector.broadcast %neg3A_827 : f32 to vector<16xf32>
      %neg3A_829 = arith.subf %neg3A_828, %get3A_826 : vector<16xf32>
      %exp3A_830 = math.exp %neg3A_829 : vector<16xf32>
      %add3A_831 = arith.constant 1.000000e+00 : f32
      %add3A_832 = vector.broadcast %add3A_831 : f32 to vector<16xf32>
      %add3A_833 = arith.addf %add3A_832, %exp3A_830 : vector<16xf32>
      %div3A_834 = arith.constant 1.000000e+00 : f32
      %div3A_835 = vector.broadcast %div3A_834 : f32 to vector<16xf32>
      %div3A_836 = arith.divf %div3A_835, %add3A_833 : vector<16xf32>
      %swap3A_837 = arith.index_cast %scan3A_332 : i32 to index
      %swap3A_838 = arith.constant 416 : index
      %swap3A_839 = tpu.vector_load %arg5[%swap3A_837, %swap3A_838] {strides = array<i32>} : memref<64x512xf32, #tpu.memory_space<vmem>>, vector<1x16xf32>,
      %swap3A_840 = vector.shape_cast %swap3A_839 : vector<1x16xf32> to vector<16xf32>
      %swap3A_841 = vector.shape_cast %div3A_836 : vector<16xf32> to vector<1x16xf32>
      tpu.vector_store %arg5[%swap3A_837, %swap3A_838], %swap3A_841 {strides = array<i32>} : memref<64x512xf32, #tpu.memory_space<vmem>>, vector<1x16xf32>,
      %get3A_842 = arith.index_cast %scan3A_332 : i32 to index
      %get3A_843 = arith.constant 432 : index
      %get3A_844 = tpu.vector_load %arg5[%get3A_842, %get3A_843] {strides = array<i32>} : memref<64x512xf32, #tpu.memory_space<vmem>>, vector<1x16xf32>,
      %get3A_845 = vector.shape_cast %get3A_844 : vector<1x16xf32> to vector<16xf32>
      %neg3A_846 = arith.constant 0.000000e+00 : f32
      %neg3A_847 = vector.broadcast %neg3A_846 : f32 to vector<16xf32>
      %neg3A_848 = arith.subf %neg3A_847, %get3A_845 : vector<16xf32>
      %exp3A_849 = math.exp %neg3A_848 : vector<16xf32>
      %add3A_850 = arith.constant 1.000000e+00 : f32
      %add3A_851 = vector.broadcast %add3A_850 : f32 to vector<16xf32>
      %add3A_852 = arith.addf %add3A_851, %exp3A_849 : vector<16xf32>
      %div3A_853 = arith.constant 1.000000e+00 : f32
      %div3A_854 = vector.broadcast %div3A_853 : f32 to vector<16xf32>
      %div3A_855 = arith.divf %div3A_854, %add3A_852 : vector<16xf32>
      %swap3A_856 = arith.index_cast %scan3A_332 : i32 to index
      %swap3A_857 = arith.constant 432 : index
      %swap3A_858 = tpu.vector_load %arg5[%swap3A_856, %swap3A_857] {strides = array<i32>} : memref<64x512xf32, #tpu.memory_space<vmem>>, vector<1x16xf32>,
      %swap3A_859 = vector.shape_cast %swap3A_858 : vector<1x16xf32> to vector<16xf32>
      %swap3A_860 = vector.shape_cast %div3A_855 : vector<16xf32> to vector<1x16xf32>
      tpu.vector_store %arg5[%swap3A_856, %swap3A_857], %swap3A_860 {strides = array<i32>} : memref<64x512xf32, #tpu.memory_space<vmem>>, vector<1x16xf32>,
      %get3A_861 = arith.index_cast %scan3A_332 : i32 to index
      %get3A_862 = arith.constant 448 : index
      %get3A_863 = tpu.vector_load %arg5[%get3A_861, %get3A_862] {strides = array<i32>} : memref<64x512xf32, #tpu.memory_space<vmem>>, vector<1x16xf32>,
      %get3A_864 = vector.shape_cast %get3A_863 : vector<1x16xf32> to vector<16xf32>
      %neg3A_865 = arith.constant 0.000000e+00 : f32
      %neg3A_866 = vector.broadcast %neg3A_865 : f32 to vector<16xf32>
      %neg3A_867 = arith.subf %neg3A_866, %get3A_864 : vector<16xf32>
      %exp3A_868 = math.exp %neg3A_867 : vector<16xf32>
      %add3A_869 = arith.constant 1.000000e+00 : f32
      %add3A_870 = vector.broadcast %add3A_869 : f32 to vector<16xf32>
      %add3A_871 = arith.addf %add3A_870, %exp3A_868 : vector<16xf32>
      %div3A_872 = arith.constant 1.000000e+00 : f32
      %div3A_873 = vector.broadcast %div3A_872 : f32 to vector<16xf32>
      %div3A_874 = arith.divf %div3A_873, %add3A_871 : vector<16xf32>
      %swap3A_875 = arith.index_cast %scan3A_332 : i32 to index
      %swap3A_876 = arith.constant 448 : index
      %swap3A_877 = tpu.vector_load %arg5[%swap3A_875, %swap3A_876] {strides = array<i32>} : memref<64x512xf32, #tpu.memory_space<vmem>>, vector<1x16xf32>,
      %swap3A_878 = vector.shape_cast %swap3A_877 : vector<1x16xf32> to vector<16xf32>
      %swap3A_879 = vector.shape_cast %div3A_874 : vector<16xf32> to vector<1x16xf32>
      tpu.vector_store %arg5[%swap3A_875, %swap3A_876], %swap3A_879 {strides = array<i32>} : memref<64x512xf32, #tpu.memory_space<vmem>>, vector<1x16xf32>,
      %get3A_880 = arith.index_cast %scan3A_332 : i32 to index
      %get3A_881 = arith.constant 464 : index
      %get3A_882 = tpu.vector_load %arg5[%get3A_880, %get3A_881] {strides = array<i32>} : memref<64x512xf32, #tpu.memory_space<vmem>>, vector<1x16xf32>,
      %get3A_883 = vector.shape_cast %get3A_882 : vector<1x16xf32> to vector<16xf32>
      %neg3A_884 = arith.constant 0.000000e+00 : f32
      %neg3A_885 = vector.broadcast %neg3A_884 : f32 to vector<16xf32>
      %neg3A_886 = arith.subf %neg3A_885, %get3A_883 : vector<16xf32>
      %exp3A_887 = math.exp %neg3A_886 : vector<16xf32>
      %add3A_888 = arith.constant 1.000000e+00 : f32
      %add3A_889 = vector.broadcast %add3A_888 : f32 to vector<16xf32>
      %add3A_890 = arith.addf %add3A_889, %exp3A_887 : vector<16xf32>
      %div3A_891 = arith.constant 1.000000e+00 : f32
      %div3A_892 = vector.broadcast %div3A_891 : f32 to vector<16xf32>
      %div3A_893 = arith.divf %div3A_892, %add3A_890 : vector<16xf32>
      %swap3A_894 = arith.index_cast %scan3A_332 : i32 to index
      %swap3A_895 = arith.constant 464 : index
      %swap3A_896 = tpu.vector_load %arg5[%swap3A_894, %swap3A_895] {strides = array<i32>} : memref<64x512xf32, #tpu.memory_space<vmem>>, vector<1x16xf32>,
      %swap3A_897 = vector.shape_cast %swap3A_896 : vector<1x16xf32> to vector<16xf32>
      %swap3A_898 = vector.shape_cast %div3A_893 : vector<16xf32> to vector<1x16xf32>
      tpu.vector_store %arg5[%swap3A_894, %swap3A_895], %swap3A_898 {strides = array<i32>} : memref<64x512xf32, #tpu.memory_space<vmem>>, vector<1x16xf32>,
      %get3A_899 = arith.index_cast %scan3A_332 : i32 to index
      %get3A_900 = arith.constant 480 : index
      %get3A_901 = tpu.vector_load %arg5[%get3A_899, %get3A_900] {strides = array<i32>} : memref<64x512xf32, #tpu.memory_space<vmem>>, vector<1x16xf32>,
      %get3A_902 = vector.shape_cast %get3A_901 : vector<1x16xf32> to vector<16xf32>
      %neg3A_903 = arith.constant 0.000000e+00 : f32
      %neg3A_904 = vector.broadcast %neg3A_903 : f32 to vector<16xf32>
      %neg3A_905 = arith.subf %neg3A_904, %get3A_902 : vector<16xf32>
      %exp3A_906 = math.exp %neg3A_905 : vector<16xf32>
      %add3A_907 = arith.constant 1.000000e+00 : f32
      %add3A_908 = vector.broadcast %add3A_907 : f32 to vector<16xf32>
      %add3A_909 = arith.addf %add3A_908, %exp3A_906 : vector<16xf32>
      %div3A_910 = arith.constant 1.000000e+00 : f32
      %div3A_911 = vector.broadcast %div3A_910 : f32 to vector<16xf32>
      %div3A_912 = arith.divf %div3A_911, %add3A_909 : vector<16xf32>
      %swap3A_913 = arith.index_cast %scan3A_332 : i32 to index
      %swap3A_914 = arith.constant 480 : index
      %swap3A_915 = tpu.vector_load %arg5[%swap3A_913, %swap3A_914] {strides = array<i32>} : memref<64x512xf32, #tpu.memory_space<vmem>>, vector<1x16xf32>,
      %swap3A_916 = vector.shape_cast %swap3A_915 : vector<1x16xf32> to vector<16xf32>
      %swap3A_917 = vector.shape_cast %div3A_912 : vector<16xf32> to vector<1x16xf32>
      tpu.vector_store %arg5[%swap3A_913, %swap3A_914], %swap3A_917 {strides = array<i32>} : memref<64x512xf32, #tpu.memory_space<vmem>>, vector<1x16xf32>,
      %get3A_918 = arith.index_cast %scan3A_332 : i32 to index
      %get3A_919 = arith.constant 496 : index
      %get3A_920 = tpu.vector_load %arg5[%get3A_918, %get3A_919] {strides = array<i32>} : memref<64x512xf32, #tpu.memory_space<vmem>>, vector<1x16xf32>,
      %get3A_921 = vector.shape_cast %get3A_920 : vector<1x16xf32> to vector<16xf32>
      %neg3A_922 = arith.constant 0.000000e+00 : f32
      %neg3A_923 = vector.broadcast %neg3A_922 : f32 to vector<16xf32>
      %neg3A_924 = arith.subf %neg3A_923, %get3A_921 : vector<16xf32>
      %exp3A_925 = math.exp %neg3A_924 : vector<16xf32>
      %add3A_926 = arith.constant 1.000000e+00 : f32
      %add3A_927 = vector.broadcast %add3A_926 : f32 to vector<16xf32>
      %add3A_928 = arith.addf %add3A_927, %exp3A_925 : vector<16xf32>
      %div3A_929 = arith.constant 1.000000e+00 : f32
      %div3A_930 = vector.broadcast %div3A_929 : f32 to vector<16xf32>
      %div3A_931 = arith.divf %div3A_930, %add3A_928 : vector<16xf32>
      %swap3A_932 = arith.index_cast %scan3A_332 : i32 to index
      %swap3A_933 = arith.constant 496 : index
      %swap3A_934 = tpu.vector_load %arg5[%swap3A_932, %swap3A_933] {strides = array<i32>} : memref<64x512xf32, #tpu.memory_space<vmem>>, vector<1x16xf32>,
      %swap3A_935 = vector.shape_cast %swap3A_934 : vector<1x16xf32> to vector<16xf32>
      %swap3A_936 = vector.shape_cast %div3A_931 : vector<16xf32> to vector<1x16xf32>
      tpu.vector_store %arg5[%swap3A_932, %swap3A_933], %swap3A_936 {strides = array<i32>} : memref<64x512xf32, #tpu.memory_space<vmem>>, vector<1x16xf32>,
    }
    %scan3A_225 = arith.constant 64 : i32
    %add3A_226 = arith.constant 80 : i32
    %add3A_227 = arith.addi %select_n3A_62, %add3A_226 : i32
    %mul3A_228 = arith.constant 64 : i32
    %mul3A_229 = arith.muli %select_n3A_78, %mul3A_228 : i32
    %dma_start3A_230 = arith.constant 0 : i32
    %dma_start3A_231 = tpu.memref_slice %arg3[%add3A_227, %mul3A_229, %dma_start3A_230] : memref<96x512x512xf32, #tpu.memory_space<hbm>> -> memref<1x64x512xf32, #tpu.memory_space<hbm>>
    %dma_start3A_232 = tpu.memref_squeeze %dma_start3A_231 : memref<1x64x512xf32, #tpu.memory_space<hbm>> -> memref<64x512xf32, #tpu.memory_space<hbm>>
    %dma_start3A_233 = arith.constant 0 : i32
    %dma_start3A_234 = tpu.memref_slice %arg3[%add3A_227, %mul3A_229, %dma_start3A_233] : memref<96x512x512xf32, #tpu.memory_space<hbm>> -> memref<1x64x512xf32, #tpu.memory_space<hbm>>
    %dma_start3A_235 = tpu.memref_squeeze %dma_start3A_234 : memref<1x64x512xf32, #tpu.memory_space<hbm>> -> memref<64x512xf32, #tpu.memory_space<hbm>>
    tpu.enqueue_dma source(%arg5 : memref<64x512xf32, #tpu.memory_space<vmem>>) target(%dma_start3A_235 : memref<64x512xf32, #tpu.memory_space<hbm>>) target_semaphore(%arg11 : memref<!tpu.dma_semaphore, #tpu.memory_space<semaphore_mem>>)
    %add3A_236 = arith.constant 80 : i32
    %add3A_237 = arith.addi %select_n3A, %add3A_236 : i32
    %mul3A_238 = arith.constant 64 : i32
    %mul3A_239 = arith.muli %select_n3A_34, %mul3A_238 : i32
    %dma_wait3A_240 = arith.constant 0 : i32
    %dma_wait3A_241 = tpu.memref_slice %arg3[%add3A_237, %mul3A_239, %dma_wait3A_240] : memref<96x512x512xf32, #tpu.memory_space<hbm>> -> memref<1x64x512xf32, #tpu.memory_space<hbm>>
    %dma_wait3A_242 = tpu.memref_squeeze %dma_wait3A_241 : memref<1x64x512xf32, #tpu.memory_space<hbm>> -> memref<64x512xf32, #tpu.memory_space<hbm>>
    %dma_wait3A_243 = arith.constant 0 : i32
    %dma_wait3A_244 = tpu.memref_slice %arg3[%add3A_237, %mul3A_239, %dma_wait3A_243] : memref<96x512x512xf32, #tpu.memory_space<hbm>> -> memref<1x64x512xf32, #tpu.memory_space<hbm>>
    %dma_wait3A_245 = tpu.memref_squeeze %dma_wait3A_244 : memref<1x64x512xf32, #tpu.memory_space<hbm>> -> memref<64x512xf32, #tpu.memory_space<hbm>>
    tpu.wait_dma2 semaphore(%arg10 : memref<!tpu.dma_semaphore, #tpu.memory_space<semaphore_mem>>) src(%arg4 : memref<64x512xf32, #tpu.memory_space<vmem>>) dst(%dma_wait3A_245 : memref<64x512xf32, #tpu.memory_space<hbm>>)
    %mul3A_246 = arith.constant 64 : i32
    %mul3A_247 = arith.muli %select_n3A_166, %mul3A_246 : i32
    %dma_start3A_248 = arith.constant 0 : i32
    %dma_start3A_249 = tpu.memref_slice %arg2[%select_n3A_150, %mul3A_247, %dma_start3A_248] : memref<16x512x512xf32, #tpu.memory_space<hbm>> -> memref<1x64x512xf32, #tpu.memory_space<hbm>>
    %dma_start3A_250 = tpu.memref_squeeze %dma_start3A_249 : memref<1x64x512xf32, #tpu.memory_space<hbm>> -> memref<64x512xf32, #tpu.memory_space<hbm>>
    %dma_start3A_251 = arith.constant 0 : i32
    %dma_start3A_252 = tpu.memref_slice %arg2[%select_n3A_150, %mul3A_247, %dma_start3A_251] : memref<16x512x512xf32, #tpu.memory_space<hbm>> -> memref<1x64x512xf32, #tpu.memory_space<hbm>>
    %dma_start3A_253 = tpu.memref_squeeze %dma_start3A_252 : memref<1x64x512xf32, #tpu.memory_space<hbm>> -> memref<64x512xf32, #tpu.memory_space<hbm>>
    tpu.enqueue_dma source(%dma_start3A_253 : memref<64x512xf32, #tpu.memory_space<hbm>>) target(%arg4 : memref<64x512xf32, #tpu.memory_space<vmem>>) target_semaphore(%arg7 : memref<!tpu.dma_semaphore, #tpu.memory_space<semaphore_mem>>)
    %mul3A_254 = arith.constant 64 : i32
    %mul3A_255 = arith.muli %select_n3A_122, %mul3A_254 : i32
    %dma_wait3A_256 = arith.constant 0 : i32
    %dma_wait3A_257 = tpu.memref_slice %arg2[%select_n3A_106, %mul3A_255, %dma_wait3A_256] : memref<16x512x512xf32, #tpu.memory_space<hbm>> -> memref<1x64x512xf32, #tpu.memory_space<hbm>>
    %dma_wait3A_258 = tpu.memref_squeeze %dma_wait3A_257 : memref<1x64x512xf32, #tpu.memory_space<hbm>> -> memref<64x512xf32, #tpu.memory_space<hbm>>
    %dma_wait3A_259 = arith.constant 0 : i32
    %dma_wait3A_260 = tpu.memref_slice %arg2[%select_n3A_106, %mul3A_255, %dma_wait3A_259] : memref<16x512x512xf32, #tpu.memory_space<hbm>> -> memref<1x64x512xf32, #tpu.memory_space<hbm>>
    %dma_wait3A_261 = tpu.memref_squeeze %dma_wait3A_260 : memref<1x64x512xf32, #tpu.memory_space<hbm>> -> memref<64x512xf32, #tpu.memory_space<hbm>>
    tpu.wait_dma2 semaphore(%arg9 : memref<!tpu.dma_semaphore, #tpu.memory_space<semaphore_mem>>) src(%dma_wait3A_261 : memref<64x512xf32, #tpu.memory_space<hbm>>) dst(%arg6 : memref<64x512xf32, #tpu.memory_space<vmem>>)
    %scan3A_262 = arith.constant 0 : i32
    %scan3A_263 = arith.constant 0 : i32
    %scan3A_264 = arith.constant 64 : i32
    %scan3A_265 = arith.addi %scan3A_263, %scan3A_264 : i32
    %scan3A_266 = arith.constant 1 : i32
    scf.for %scan3A_332 = %scan3A_263 to %scan3A_265 step %scan3A_266  : i32 {
      %get3A = arith.index_cast %scan3A_332 : i32 to index
      %get3A_333 = arith.constant 0 : index
      %get3A_334 = tpu.vector_load %arg6[%get3A, %get3A_333] {strides = array<i32>} : memref<64x512xf32, #tpu.memory_space<vmem>>, vector<1x16xf32>,
      %get3A_335 = vector.shape_cast %get3A_334 : vector<1x16xf32> to vector<16xf32>
      %neg3A = arith.constant 0.000000e+00 : f32
      %neg3A_336 = vector.broadcast %neg3A : f32 to vector<16xf32>
      %neg3A_337 = arith.subf %neg3A_336, %get3A_335 : vector<16xf32>
      %exp3A = math.exp %neg3A_337 : vector<16xf32>
      %add3A_338 = arith.constant 1.000000e+00 : f32
      %add3A_339 = vector.broadcast %add3A_338 : f32 to vector<16xf32>
      %add3A_340 = arith.addf %add3A_339, %exp3A : vector<16xf32>
      %div3A_341 = arith.constant 1.000000e+00 : f32
      %div3A_342 = vector.broadcast %div3A_341 : f32 to vector<16xf32>
      %div3A_343 = arith.divf %div3A_342, %add3A_340 : vector<16xf32>
      %swap3A = arith.index_cast %scan3A_332 : i32 to index
      %swap3A_344 = arith.constant 0 : index
      %swap3A_345 = tpu.vector_load %arg6[%swap3A, %swap3A_344] {strides = array<i32>} : memref<64x512xf32, #tpu.memory_space<vmem>>, vector<1x16xf32>,
      %swap3A_346 = vector.shape_cast %swap3A_345 : vector<1x16xf32> to vector<16xf32>
      %swap3A_347 = vector.shape_cast %div3A_343 : vector<16xf32> to vector<1x16xf32>
      tpu.vector_store %arg6[%swap3A, %swap3A_344], %swap3A_347 {strides = array<i32>} : memref<64x512xf32, #tpu.memory_space<vmem>>, vector<1x16xf32>,
      %get3A_348 = arith.index_cast %scan3A_332 : i32 to index
      %get3A_349 = arith.constant 16 : index
      %get3A_350 = tpu.vector_load %arg6[%get3A_348, %get3A_349] {strides = array<i32>} : memref<64x512xf32, #tpu.memory_space<vmem>>, vector<1x16xf32>,
      %get3A_351 = vector.shape_cast %get3A_350 : vector<1x16xf32> to vector<16xf32>
      %neg3A_352 = arith.constant 0.000000e+00 : f32
      %neg3A_353 = vector.broadcast %neg3A_352 : f32 to vector<16xf32>
      %neg3A_354 = arith.subf %neg3A_353, %get3A_351 : vector<16xf32>
      %exp3A_355 = math.exp %neg3A_354 : vector<16xf32>
      %add3A_356 = arith.constant 1.000000e+00 : f32
      %add3A_357 = vector.broadcast %add3A_356 : f32 to vector<16xf32>
      %add3A_358 = arith.addf %add3A_357, %exp3A_355 : vector<16xf32>
      %div3A_359 = arith.constant 1.000000e+00 : f32
      %div3A_360 = vector.broadcast %div3A_359 : f32 to vector<16xf32>
      %div3A_361 = arith.divf %div3A_360, %add3A_358 : vector<16xf32>
      %swap3A_362 = arith.index_cast %scan3A_332 : i32 to index
      %swap3A_363 = arith.constant 16 : index
      %swap3A_364 = tpu.vector_load %arg6[%swap3A_362, %swap3A_363] {strides = array<i32>} : memref<64x512xf32, #tpu.memory_space<vmem>>, vector<1x16xf32>,
      %swap3A_365 = vector.shape_cast %swap3A_364 : vector<1x16xf32> to vector<16xf32>
      %swap3A_366 = vector.shape_cast %div3A_361 : vector<16xf32> to vector<1x16xf32>
      tpu.vector_store %arg6[%swap3A_362, %swap3A_363], %swap3A_366 {strides = array<i32>} : memref<64x512xf32, #tpu.memory_space<vmem>>, vector<1x16xf32>,
      %get3A_367 = arith.index_cast %scan3A_332 : i32 to index
      %get3A_368 = arith.constant 32 : index
      %get3A_369 = tpu.vector_load %arg6[%get3A_367, %get3A_368] {strides = array<i32>} : memref<64x512xf32, #tpu.memory_space<vmem>>, vector<1x16xf32>,
      %get3A_370 = vector.shape_cast %get3A_369 : vector<1x16xf32> to vector<16xf32>
      %neg3A_371 = arith.constant 0.000000e+00 : f32
      %neg3A_372 = vector.broadcast %neg3A_371 : f32 to vector<16xf32>
      %neg3A_373 = arith.subf %neg3A_372, %get3A_370 : vector<16xf32>
      %exp3A_374 = math.exp %neg3A_373 : vector<16xf32>
      %add3A_375 = arith.constant 1.000000e+00 : f32
      %add3A_376 = vector.broadcast %add3A_375 : f32 to vector<16xf32>
      %add3A_377 = arith.addf %add3A_376, %exp3A_374 : vector<16xf32>
      %div3A_378 = arith.constant 1.000000e+00 : f32
      %div3A_379 = vector.broadcast %div3A_378 : f32 to vector<16xf32>
      %div3A_380 = arith.divf %div3A_379, %add3A_377 : vector<16xf32>
      %swap3A_381 = arith.index_cast %scan3A_332 : i32 to index
      %swap3A_382 = arith.constant 32 : index
      %swap3A_383 = tpu.vector_load %arg6[%swap3A_381, %swap3A_382] {strides = array<i32>} : memref<64x512xf32, #tpu.memory_space<vmem>>, vector<1x16xf32>,
      %swap3A_384 = vector.shape_cast %swap3A_383 : vector<1x16xf32> to vector<16xf32>
      %swap3A_385 = vector.shape_cast %div3A_380 : vector<16xf32> to vector<1x16xf32>
      tpu.vector_store %arg6[%swap3A_381, %swap3A_382], %swap3A_385 {strides = array<i32>} : memref<64x512xf32, #tpu.memory_space<vmem>>, vector<1x16xf32>,
      %get3A_386 = arith.index_cast %scan3A_332 : i32 to index
      %get3A_387 = arith.constant 48 : index
      %get3A_388 = tpu.vector_load %arg6[%get3A_386, %get3A_387] {strides = array<i32>} : memref<64x512xf32, #tpu.memory_space<vmem>>, vector<1x16xf32>,
      %get3A_389 = vector.shape_cast %get3A_388 : vector<1x16xf32> to vector<16xf32>
      %neg3A_390 = arith.constant 0.000000e+00 : f32
      %neg3A_391 = vector.broadcast %neg3A_390 : f32 to vector<16xf32>
      %neg3A_392 = arith.subf %neg3A_391, %get3A_389 : vector<16xf32>
      %exp3A_393 = math.exp %neg3A_392 : vector<16xf32>
      %add3A_394 = arith.constant 1.000000e+00 : f32
      %add3A_395 = vector.broadcast %add3A_394 : f32 to vector<16xf32>
      %add3A_396 = arith.addf %add3A_395, %exp3A_393 : vector<16xf32>
      %div3A_397 = arith.constant 1.000000e+00 : f32
      %div3A_398 = vector.broadcast %div3A_397 : f32 to vector<16xf32>
      %div3A_399 = arith.divf %div3A_398, %add3A_396 : vector<16xf32>
      %swap3A_400 = arith.index_cast %scan3A_332 : i32 to index
      %swap3A_401 = arith.constant 48 : index
      %swap3A_402 = tpu.vector_load %arg6[%swap3A_400, %swap3A_401] {strides = array<i32>} : memref<64x512xf32, #tpu.memory_space<vmem>>, vector<1x16xf32>,
      %swap3A_403 = vector.shape_cast %swap3A_402 : vector<1x16xf32> to vector<16xf32>
      %swap3A_404 = vector.shape_cast %div3A_399 : vector<16xf32> to vector<1x16xf32>
      tpu.vector_store %arg6[%swap3A_400, %swap3A_401], %swap3A_404 {strides = array<i32>} : memref<64x512xf32, #tpu.memory_space<vmem>>, vector<1x16xf32>,
      %get3A_405 = arith.index_cast %scan3A_332 : i32 to index
      %get3A_406 = arith.constant 64 : index
      %get3A_407 = tpu.vector_load %arg6[%get3A_405, %get3A_406] {strides = array<i32>} : memref<64x512xf32, #tpu.memory_space<vmem>>, vector<1x16xf32>,
      %get3A_408 = vector.shape_cast %get3A_407 : vector<1x16xf32> to vector<16xf32>
      %neg3A_409 = arith.constant 0.000000e+00 : f32
      %neg3A_410 = vector.broadcast %neg3A_409 : f32 to vector<16xf32>
      %neg3A_411 = arith.subf %neg3A_410, %get3A_408 : vector<16xf32>
      %exp3A_412 = math.exp %neg3A_411 : vector<16xf32>
      %add3A_413 = arith.constant 1.000000e+00 : f32
      %add3A_414 = vector.broadcast %add3A_413 : f32 to vector<16xf32>
      %add3A_415 = arith.addf %add3A_414, %exp3A_412 : vector<16xf32>
      %div3A_416 = arith.constant 1.000000e+00 : f32
      %div3A_417 = vector.broadcast %div3A_416 : f32 to vector<16xf32>
      %div3A_418 = arith.divf %div3A_417, %add3A_415 : vector<16xf32>
      %swap3A_419 = arith.index_cast %scan3A_332 : i32 to index
      %swap3A_420 = arith.constant 64 : index
      %swap3A_421 = tpu.vector_load %arg6[%swap3A_419, %swap3A_420] {strides = array<i32>} : memref<64x512xf32, #tpu.memory_space<vmem>>, vector<1x16xf32>,
      %swap3A_422 = vector.shape_cast %swap3A_421 : vector<1x16xf32> to vector<16xf32>
      %swap3A_423 = vector.shape_cast %div3A_418 : vector<16xf32> to vector<1x16xf32>
      tpu.vector_store %arg6[%swap3A_419, %swap3A_420], %swap3A_423 {strides = array<i32>} : memref<64x512xf32, #tpu.memory_space<vmem>>, vector<1x16xf32>,
      %get3A_424 = arith.index_cast %scan3A_332 : i32 to index
      %get3A_425 = arith.constant 80 : index
      %get3A_426 = tpu.vector_load %arg6[%get3A_424, %get3A_425] {strides = array<i32>} : memref<64x512xf32, #tpu.memory_space<vmem>>, vector<1x16xf32>,
      %get3A_427 = vector.shape_cast %get3A_426 : vector<1x16xf32> to vector<16xf32>
      %neg3A_428 = arith.constant 0.000000e+00 : f32
      %neg3A_429 = vector.broadcast %neg3A_428 : f32 to vector<16xf32>
      %neg3A_430 = arith.subf %neg3A_429, %get3A_427 : vector<16xf32>
      %exp3A_431 = math.exp %neg3A_430 : vector<16xf32>
      %add3A_432 = arith.constant 1.000000e+00 : f32
      %add3A_433 = vector.broadcast %add3A_432 : f32 to vector<16xf32>
      %add3A_434 = arith.addf %add3A_433, %exp3A_431 : vector<16xf32>
      %div3A_435 = arith.constant 1.000000e+00 : f32
      %div3A_436 = vector.broadcast %div3A_435 : f32 to vector<16xf32>
      %div3A_437 = arith.divf %div3A_436, %add3A_434 : vector<16xf32>
      %swap3A_438 = arith.index_cast %scan3A_332 : i32 to index
      %swap3A_439 = arith.constant 80 : index
      %swap3A_440 = tpu.vector_load %arg6[%swap3A_438, %swap3A_439] {strides = array<i32>} : memref<64x512xf32, #tpu.memory_space<vmem>>, vector<1x16xf32>,
      %swap3A_441 = vector.shape_cast %swap3A_440 : vector<1x16xf32> to vector<16xf32>
      %swap3A_442 = vector.shape_cast %div3A_437 : vector<16xf32> to vector<1x16xf32>
      tpu.vector_store %arg6[%swap3A_438, %swap3A_439], %swap3A_442 {strides = array<i32>} : memref<64x512xf32, #tpu.memory_space<vmem>>, vector<1x16xf32>,
      %get3A_443 = arith.index_cast %scan3A_332 : i32 to index
      %get3A_444 = arith.constant 96 : index
      %get3A_445 = tpu.vector_load %arg6[%get3A_443, %get3A_444] {strides = array<i32>} : memref<64x512xf32, #tpu.memory_space<vmem>>, vector<1x16xf32>,
      %get3A_446 = vector.shape_cast %get3A_445 : vector<1x16xf32> to vector<16xf32>
      %neg3A_447 = arith.constant 0.000000e+00 : f32
      %neg3A_448 = vector.broadcast %neg3A_447 : f32 to vector<16xf32>
      %neg3A_449 = arith.subf %neg3A_448, %get3A_446 : vector<16xf32>
      %exp3A_450 = math.exp %neg3A_449 : vector<16xf32>
      %add3A_451 = arith.constant 1.000000e+00 : f32
      %add3A_452 = vector.broadcast %add3A_451 : f32 to vector<16xf32>
      %add3A_453 = arith.addf %add3A_452, %exp3A_450 : vector<16xf32>
      %div3A_454 = arith.constant 1.000000e+00 : f32
      %div3A_455 = vector.broadcast %div3A_454 : f32 to vector<16xf32>
      %div3A_456 = arith.divf %div3A_455, %add3A_453 : vector<16xf32>
      %swap3A_457 = arith.index_cast %scan3A_332 : i32 to index
      %swap3A_458 = arith.constant 96 : index
      %swap3A_459 = tpu.vector_load %arg6[%swap3A_457, %swap3A_458] {strides = array<i32>} : memref<64x512xf32, #tpu.memory_space<vmem>>, vector<1x16xf32>,
      %swap3A_460 = vector.shape_cast %swap3A_459 : vector<1x16xf32> to vector<16xf32>
      %swap3A_461 = vector.shape_cast %div3A_456 : vector<16xf32> to vector<1x16xf32>
      tpu.vector_store %arg6[%swap3A_457, %swap3A_458], %swap3A_461 {strides = array<i32>} : memref<64x512xf32, #tpu.memory_space<vmem>>, vector<1x16xf32>,
      %get3A_462 = arith.index_cast %scan3A_332 : i32 to index
      %get3A_463 = arith.constant 112 : index
      %get3A_464 = tpu.vector_load %arg6[%get3A_462, %get3A_463] {strides = array<i32>} : memref<64x512xf32, #tpu.memory_space<vmem>>, vector<1x16xf32>,
      %get3A_465 = vector.shape_cast %get3A_464 : vector<1x16xf32> to vector<16xf32>
      %neg3A_466 = arith.constant 0.000000e+00 : f32
      %neg3A_467 = vector.broadcast %neg3A_466 : f32 to vector<16xf32>
      %neg3A_468 = arith.subf %neg3A_467, %get3A_465 : vector<16xf32>
      %exp3A_469 = math.exp %neg3A_468 : vector<16xf32>
      %add3A_470 = arith.constant 1.000000e+00 : f32
      %add3A_471 = vector.broadcast %add3A_470 : f32 to vector<16xf32>
      %add3A_472 = arith.addf %add3A_471, %exp3A_469 : vector<16xf32>
      %div3A_473 = arith.constant 1.000000e+00 : f32
      %div3A_474 = vector.broadcast %div3A_473 : f32 to vector<16xf32>
      %div3A_475 = arith.divf %div3A_474, %add3A_472 : vector<16xf32>
      %swap3A_476 = arith.index_cast %scan3A_332 : i32 to index
      %swap3A_477 = arith.constant 112 : index
      %swap3A_478 = tpu.vector_load %arg6[%swap3A_476, %swap3A_477] {strides = array<i32>} : memref<64x512xf32, #tpu.memory_space<vmem>>, vector<1x16xf32>,
      %swap3A_479 = vector.shape_cast %swap3A_478 : vector<1x16xf32> to vector<16xf32>
      %swap3A_480 = vector.shape_cast %div3A_475 : vector<16xf32> to vector<1x16xf32>
      tpu.vector_store %arg6[%swap3A_476, %swap3A_477], %swap3A_480 {strides = array<i32>} : memref<64x512xf32, #tpu.memory_space<vmem>>, vector<1x16xf32>,
      %get3A_481 = arith.index_cast %scan3A_332 : i32 to index
      %get3A_482 = arith.constant 128 : index
      %get3A_483 = tpu.vector_load %arg6[%get3A_481, %get3A_482] {strides = array<i32>} : memref<64x512xf32, #tpu.memory_space<vmem>>, vector<1x16xf32>,
      %get3A_484 = vector.shape_cast %get3A_483 : vector<1x16xf32> to vector<16xf32>
      %neg3A_485 = arith.constant 0.000000e+00 : f32
      %neg3A_486 = vector.broadcast %neg3A_485 : f32 to vector<16xf32>
      %neg3A_487 = arith.subf %neg3A_486, %get3A_484 : vector<16xf32>
      %exp3A_488 = math.exp %neg3A_487 : vector<16xf32>
      %add3A_489 = arith.constant 1.000000e+00 : f32
      %add3A_490 = vector.broadcast %add3A_489 : f32 to vector<16xf32>
      %add3A_491 = arith.addf %add3A_490, %exp3A_488 : vector<16xf32>
      %div3A_492 = arith.constant 1.000000e+00 : f32
      %div3A_493 = vector.broadcast %div3A_492 : f32 to vector<16xf32>
      %div3A_494 = arith.divf %div3A_493, %add3A_491 : vector<16xf32>
      %swap3A_495 = arith.index_cast %scan3A_332 : i32 to index
      %swap3A_496 = arith.constant 128 : index
      %swap3A_497 = tpu.vector_load %arg6[%swap3A_495, %swap3A_496] {strides = array<i32>} : memref<64x512xf32, #tpu.memory_space<vmem>>, vector<1x16xf32>,
      %swap3A_498 = vector.shape_cast %swap3A_497 : vector<1x16xf32> to vector<16xf32>
      %swap3A_499 = vector.shape_cast %div3A_494 : vector<16xf32> to vector<1x16xf32>
      tpu.vector_store %arg6[%swap3A_495, %swap3A_496], %swap3A_499 {strides = array<i32>} : memref<64x512xf32, #tpu.memory_space<vmem>>, vector<1x16xf32>,
      %get3A_500 = arith.index_cast %scan3A_332 : i32 to index
      %get3A_501 = arith.constant 144 : index
      %get3A_502 = tpu.vector_load %arg6[%get3A_500, %get3A_501] {strides = array<i32>} : memref<64x512xf32, #tpu.memory_space<vmem>>, vector<1x16xf32>,
      %get3A_503 = vector.shape_cast %get3A_502 : vector<1x16xf32> to vector<16xf32>
      %neg3A_504 = arith.constant 0.000000e+00 : f32
      %neg3A_505 = vector.broadcast %neg3A_504 : f32 to vector<16xf32>
      %neg3A_506 = arith.subf %neg3A_505, %get3A_503 : vector<16xf32>
      %exp3A_507 = math.exp %neg3A_506 : vector<16xf32>
      %add3A_508 = arith.constant 1.000000e+00 : f32
      %add3A_509 = vector.broadcast %add3A_508 : f32 to vector<16xf32>
      %add3A_510 = arith.addf %add3A_509, %exp3A_507 : vector<16xf32>
      %div3A_511 = arith.constant 1.000000e+00 : f32
      %div3A_512 = vector.broadcast %div3A_511 : f32 to vector<16xf32>
      %div3A_513 = arith.divf %div3A_512, %add3A_510 : vector<16xf32>
      %swap3A_514 = arith.index_cast %scan3A_332 : i32 to index
      %swap3A_515 = arith.constant 144 : index
      %swap3A_516 = tpu.vector_load %arg6[%swap3A_514, %swap3A_515] {strides = array<i32>} : memref<64x512xf32, #tpu.memory_space<vmem>>, vector<1x16xf32>,
      %swap3A_517 = vector.shape_cast %swap3A_516 : vector<1x16xf32> to vector<16xf32>
      %swap3A_518 = vector.shape_cast %div3A_513 : vector<16xf32> to vector<1x16xf32>
      tpu.vector_store %arg6[%swap3A_514, %swap3A_515], %swap3A_518 {strides = array<i32>} : memref<64x512xf32, #tpu.memory_space<vmem>>, vector<1x16xf32>,
      %get3A_519 = arith.index_cast %scan3A_332 : i32 to index
      %get3A_520 = arith.constant 160 : index
      %get3A_521 = tpu.vector_load %arg6[%get3A_519, %get3A_520] {strides = array<i32>} : memref<64x512xf32, #tpu.memory_space<vmem>>, vector<1x16xf32>,
      %get3A_522 = vector.shape_cast %get3A_521 : vector<1x16xf32> to vector<16xf32>
      %neg3A_523 = arith.constant 0.000000e+00 : f32
      %neg3A_524 = vector.broadcast %neg3A_523 : f32 to vector<16xf32>
      %neg3A_525 = arith.subf %neg3A_524, %get3A_522 : vector<16xf32>
      %exp3A_526 = math.exp %neg3A_525 : vector<16xf32>
      %add3A_527 = arith.constant 1.000000e+00 : f32
      %add3A_528 = vector.broadcast %add3A_527 : f32 to vector<16xf32>
      %add3A_529 = arith.addf %add3A_528, %exp3A_526 : vector<16xf32>
      %div3A_530 = arith.constant 1.000000e+00 : f32
      %div3A_531 = vector.broadcast %div3A_530 : f32 to vector<16xf32>
      %div3A_532 = arith.divf %div3A_531, %add3A_529 : vector<16xf32>
      %swap3A_533 = arith.index_cast %scan3A_332 : i32 to index
      %swap3A_534 = arith.constant 160 : index
      %swap3A_535 = tpu.vector_load %arg6[%swap3A_533, %swap3A_534] {strides = array<i32>} : memref<64x512xf32, #tpu.memory_space<vmem>>, vector<1x16xf32>,
      %swap3A_536 = vector.shape_cast %swap3A_535 : vector<1x16xf32> to vector<16xf32>
      %swap3A_537 = vector.shape_cast %div3A_532 : vector<16xf32> to vector<1x16xf32>
      tpu.vector_store %arg6[%swap3A_533, %swap3A_534], %swap3A_537 {strides = array<i32>} : memref<64x512xf32, #tpu.memory_space<vmem>>, vector<1x16xf32>,
      %get3A_538 = arith.index_cast %scan3A_332 : i32 to index
      %get3A_539 = arith.constant 176 : index
      %get3A_540 = tpu.vector_load %arg6[%get3A_538, %get3A_539] {strides = array<i32>} : memref<64x512xf32, #tpu.memory_space<vmem>>, vector<1x16xf32>,
      %get3A_541 = vector.shape_cast %get3A_540 : vector<1x16xf32> to vector<16xf32>
      %neg3A_542 = arith.constant 0.000000e+00 : f32
      %neg3A_543 = vector.broadcast %neg3A_542 : f32 to vector<16xf32>
      %neg3A_544 = arith.subf %neg3A_543, %get3A_541 : vector<16xf32>
      %exp3A_545 = math.exp %neg3A_544 : vector<16xf32>
      %add3A_546 = arith.constant 1.000000e+00 : f32
      %add3A_547 = vector.broadcast %add3A_546 : f32 to vector<16xf32>
      %add3A_548 = arith.addf %add3A_547, %exp3A_545 : vector<16xf32>
      %div3A_549 = arith.constant 1.000000e+00 : f32
      %div3A_550 = vector.broadcast %div3A_549 : f32 to vector<16xf32>
      %div3A_551 = arith.divf %div3A_550, %add3A_548 : vector<16xf32>
      %swap3A_552 = arith.index_cast %scan3A_332 : i32 to index
      %swap3A_553 = arith.constant 176 : index
      %swap3A_554 = tpu.vector_load %arg6[%swap3A_552, %swap3A_553] {strides = array<i32>} : memref<64x512xf32, #tpu.memory_space<vmem>>, vector<1x16xf32>,
      %swap3A_555 = vector.shape_cast %swap3A_554 : vector<1x16xf32> to vector<16xf32>
      %swap3A_556 = vector.shape_cast %div3A_551 : vector<16xf32> to vector<1x16xf32>
      tpu.vector_store %arg6[%swap3A_552, %swap3A_553], %swap3A_556 {strides = array<i32>} : memref<64x512xf32, #tpu.memory_space<vmem>>, vector<1x16xf32>,
      %get3A_557 = arith.index_cast %scan3A_332 : i32 to index
      %get3A_558 = arith.constant 192 : index
      %get3A_559 = tpu.vector_load %arg6[%get3A_557, %get3A_558] {strides = array<i32>} : memref<64x512xf32, #tpu.memory_space<vmem>>, vector<1x16xf32>,
      %get3A_560 = vector.shape_cast %get3A_559 : vector<1x16xf32> to vector<16xf32>
      %neg3A_561 = arith.constant 0.000000e+00 : f32
      %neg3A_562 = vector.broadcast %neg3A_561 : f32 to vector<16xf32>
      %neg3A_563 = arith.subf %neg3A_562, %get3A_560 : vector<16xf32>
      %exp3A_564 = math.exp %neg3A_563 : vector<16xf32>
      %add3A_565 = arith.constant 1.000000e+00 : f32
      %add3A_566 = vector.broadcast %add3A_565 : f32 to vector<16xf32>
      %add3A_567 = arith.addf %add3A_566, %exp3A_564 : vector<16xf32>
      %div3A_568 = arith.constant 1.000000e+00 : f32
      %div3A_569 = vector.broadcast %div3A_568 : f32 to vector<16xf32>
      %div3A_570 = arith.divf %div3A_569, %add3A_567 : vector<16xf32>
      %swap3A_571 = arith.index_cast %scan3A_332 : i32 to index
      %swap3A_572 = arith.constant 192 : index
      %swap3A_573 = tpu.vector_load %arg6[%swap3A_571, %swap3A_572] {strides = array<i32>} : memref<64x512xf32, #tpu.memory_space<vmem>>, vector<1x16xf32>,
      %swap3A_574 = vector.shape_cast %swap3A_573 : vector<1x16xf32> to vector<16xf32>
      %swap3A_575 = vector.shape_cast %div3A_570 : vector<16xf32> to vector<1x16xf32>
      tpu.vector_store %arg6[%swap3A_571, %swap3A_572], %swap3A_575 {strides = array<i32>} : memref<64x512xf32, #tpu.memory_space<vmem>>, vector<1x16xf32>,
      %get3A_576 = arith.index_cast %scan3A_332 : i32 to index
      %get3A_577 = arith.constant 208 : index
      %get3A_578 = tpu.vector_load %arg6[%get3A_576, %get3A_577] {strides = array<i32>} : memref<64x512xf32, #tpu.memory_space<vmem>>, vector<1x16xf32>,
      %get3A_579 = vector.shape_cast %get3A_578 : vector<1x16xf32> to vector<16xf32>
      %neg3A_580 = arith.constant 0.000000e+00 : f32
      %neg3A_581 = vector.broadcast %neg3A_580 : f32 to vector<16xf32>
      %neg3A_582 = arith.subf %neg3A_581, %get3A_579 : vector<16xf32>
      %exp3A_583 = math.exp %neg3A_582 : vector<16xf32>
      %add3A_584 = arith.constant 1.000000e+00 : f32
      %add3A_585 = vector.broadcast %add3A_584 : f32 to vector<16xf32>
      %add3A_586 = arith.addf %add3A_585, %exp3A_583 : vector<16xf32>
      %div3A_587 = arith.constant 1.000000e+00 : f32
      %div3A_588 = vector.broadcast %div3A_587 : f32 to vector<16xf32>
      %div3A_589 = arith.divf %div3A_588, %add3A_586 : vector<16xf32>
      %swap3A_590 = arith.index_cast %scan3A_332 : i32 to index
      %swap3A_591 = arith.constant 208 : index
      %swap3A_592 = tpu.vector_load %arg6[%swap3A_590, %swap3A_591] {strides = array<i32>} : memref<64x512xf32, #tpu.memory_space<vmem>>, vector<1x16xf32>,
      %swap3A_593 = vector.shape_cast %swap3A_592 : vector<1x16xf32> to vector<16xf32>
      %swap3A_594 = vector.shape_cast %div3A_589 : vector<16xf32> to vector<1x16xf32>
      tpu.vector_store %arg6[%swap3A_590, %swap3A_591], %swap3A_594 {strides = array<i32>} : memref<64x512xf32, #tpu.memory_space<vmem>>, vector<1x16xf32>,
      %get3A_595 = arith.index_cast %scan3A_332 : i32 to index
      %get3A_596 = arith.constant 224 : index
      %get3A_597 = tpu.vector_load %arg6[%get3A_595, %get3A_596] {strides = array<i32>} : memref<64x512xf32, #tpu.memory_space<vmem>>, vector<1x16xf32>,
      %get3A_598 = vector.shape_cast %get3A_597 : vector<1x16xf32> to vector<16xf32>
      %neg3A_599 = arith.constant 0.000000e+00 : f32
      %neg3A_600 = vector.broadcast %neg3A_599 : f32 to vector<16xf32>
      %neg3A_601 = arith.subf %neg3A_600, %get3A_598 : vector<16xf32>
      %exp3A_602 = math.exp %neg3A_601 : vector<16xf32>
      %add3A_603 = arith.constant 1.000000e+00 : f32
      %add3A_604 = vector.broadcast %add3A_603 : f32 to vector<16xf32>
      %add3A_605 = arith.addf %add3A_604, %exp3A_602 : vector<16xf32>
      %div3A_606 = arith.constant 1.000000e+00 : f32
      %div3A_607 = vector.broadcast %div3A_606 : f32 to vector<16xf32>
      %div3A_608 = arith.divf %div3A_607, %add3A_605 : vector<16xf32>
      %swap3A_609 = arith.index_cast %scan3A_332 : i32 to index
      %swap3A_610 = arith.constant 224 : index
      %swap3A_611 = tpu.vector_load %arg6[%swap3A_609, %swap3A_610] {strides = array<i32>} : memref<64x512xf32, #tpu.memory_space<vmem>>, vector<1x16xf32>,
      %swap3A_612 = vector.shape_cast %swap3A_611 : vector<1x16xf32> to vector<16xf32>
      %swap3A_613 = vector.shape_cast %div3A_608 : vector<16xf32> to vector<1x16xf32>
      tpu.vector_store %arg6[%swap3A_609, %swap3A_610], %swap3A_613 {strides = array<i32>} : memref<64x512xf32, #tpu.memory_space<vmem>>, vector<1x16xf32>,
      %get3A_614 = arith.index_cast %scan3A_332 : i32 to index
      %get3A_615 = arith.constant 240 : index
      %get3A_616 = tpu.vector_load %arg6[%get3A_614, %get3A_615] {strides = array<i32>} : memref<64x512xf32, #tpu.memory_space<vmem>>, vector<1x16xf32>,
      %get3A_617 = vector.shape_cast %get3A_616 : vector<1x16xf32> to vector<16xf32>
      %neg3A_618 = arith.constant 0.000000e+00 : f32
      %neg3A_619 = vector.broadcast %neg3A_618 : f32 to vector<16xf32>
      %neg3A_620 = arith.subf %neg3A_619, %get3A_617 : vector<16xf32>
      %exp3A_621 = math.exp %neg3A_620 : vector<16xf32>
      %add3A_622 = arith.constant 1.000000e+00 : f32
      %add3A_623 = vector.broadcast %add3A_622 : f32 to vector<16xf32>
      %add3A_624 = arith.addf %add3A_623, %exp3A_621 : vector<16xf32>
      %div3A_625 = arith.constant 1.000000e+00 : f32
      %div3A_626 = vector.broadcast %div3A_625 : f32 to vector<16xf32>
      %div3A_627 = arith.divf %div3A_626, %add3A_624 : vector<16xf32>
      %swap3A_628 = arith.index_cast %scan3A_332 : i32 to index
      %swap3A_629 = arith.constant 240 : index
      %swap3A_630 = tpu.vector_load %arg6[%swap3A_628, %swap3A_629] {strides = array<i32>} : memref<64x512xf32, #tpu.memory_space<vmem>>, vector<1x16xf32>,
      %swap3A_631 = vector.shape_cast %swap3A_630 : vector<1x16xf32> to vector<16xf32>
      %swap3A_632 = vector.shape_cast %div3A_627 : vector<16xf32> to vector<1x16xf32>
      tpu.vector_store %arg6[%swap3A_628, %swap3A_629], %swap3A_632 {strides = array<i32>} : memref<64x512xf32, #tpu.memory_space<vmem>>, vector<1x16xf32>,
      %get3A_633 = arith.index_cast %scan3A_332 : i32 to index
      %get3A_634 = arith.constant 256 : index
      %get3A_635 = tpu.vector_load %arg6[%get3A_633, %get3A_634] {strides = array<i32>} : memref<64x512xf32, #tpu.memory_space<vmem>>, vector<1x16xf32>,
      %get3A_636 = vector.shape_cast %get3A_635 : vector<1x16xf32> to vector<16xf32>
      %neg3A_637 = arith.constant 0.000000e+00 : f32
      %neg3A_638 = vector.broadcast %neg3A_637 : f32 to vector<16xf32>
      %neg3A_639 = arith.subf %neg3A_638, %get3A_636 : vector<16xf32>
      %exp3A_640 = math.exp %neg3A_639 : vector<16xf32>
      %add3A_641 = arith.constant 1.000000e+00 : f32
      %add3A_642 = vector.broadcast %add3A_641 : f32 to vector<16xf32>
      %add3A_643 = arith.addf %add3A_642, %exp3A_640 : vector<16xf32>
      %div3A_644 = arith.constant 1.000000e+00 : f32
      %div3A_645 = vector.broadcast %div3A_644 : f32 to vector<16xf32>
      %div3A_646 = arith.divf %div3A_645, %add3A_643 : vector<16xf32>
      %swap3A_647 = arith.index_cast %scan3A_332 : i32 to index
      %swap3A_648 = arith.constant 256 : index
      %swap3A_649 = tpu.vector_load %arg6[%swap3A_647, %swap3A_648] {strides = array<i32>} : memref<64x512xf32, #tpu.memory_space<vmem>>, vector<1x16xf32>,
      %swap3A_650 = vector.shape_cast %swap3A_649 : vector<1x16xf32> to vector<16xf32>
      %swap3A_651 = vector.shape_cast %div3A_646 : vector<16xf32> to vector<1x16xf32>
      tpu.vector_store %arg6[%swap3A_647, %swap3A_648], %swap3A_651 {strides = array<i32>} : memref<64x512xf32, #tpu.memory_space<vmem>>, vector<1x16xf32>,
      %get3A_652 = arith.index_cast %scan3A_332 : i32 to index
      %get3A_653 = arith.constant 272 : index
      %get3A_654 = tpu.vector_load %arg6[%get3A_652, %get3A_653] {strides = array<i32>} : memref<64x512xf32, #tpu.memory_space<vmem>>, vector<1x16xf32>,
      %get3A_655 = vector.shape_cast %get3A_654 : vector<1x16xf32> to vector<16xf32>
      %neg3A_656 = arith.constant 0.000000e+00 : f32
      %neg3A_657 = vector.broadcast %neg3A_656 : f32 to vector<16xf32>
      %neg3A_658 = arith.subf %neg3A_657, %get3A_655 : vector<16xf32>
      %exp3A_659 = math.exp %neg3A_658 : vector<16xf32>
      %add3A_660 = arith.constant 1.000000e+00 : f32
      %add3A_661 = vector.broadcast %add3A_660 : f32 to vector<16xf32>
      %add3A_662 = arith.addf %add3A_661, %exp3A_659 : vector<16xf32>
      %div3A_663 = arith.constant 1.000000e+00 : f32
      %div3A_664 = vector.broadcast %div3A_663 : f32 to vector<16xf32>
      %div3A_665 = arith.divf %div3A_664, %add3A_662 : vector<16xf32>
      %swap3A_666 = arith.index_cast %scan3A_332 : i32 to index
      %swap3A_667 = arith.constant 272 : index
      %swap3A_668 = tpu.vector_load %arg6[%swap3A_666, %swap3A_667] {strides = array<i32>} : memref<64x512xf32, #tpu.memory_space<vmem>>, vector<1x16xf32>,
      %swap3A_669 = vector.shape_cast %swap3A_668 : vector<1x16xf32> to vector<16xf32>
      %swap3A_670 = vector.shape_cast %div3A_665 : vector<16xf32> to vector<1x16xf32>
      tpu.vector_store %arg6[%swap3A_666, %swap3A_667], %swap3A_670 {strides = array<i32>} : memref<64x512xf32, #tpu.memory_space<vmem>>, vector<1x16xf32>,
      %get3A_671 = arith.index_cast %scan3A_332 : i32 to index
      %get3A_672 = arith.constant 288 : index
      %get3A_673 = tpu.vector_load %arg6[%get3A_671, %get3A_672] {strides = array<i32>} : memref<64x512xf32, #tpu.memory_space<vmem>>, vector<1x16xf32>,
      %get3A_674 = vector.shape_cast %get3A_673 : vector<1x16xf32> to vector<16xf32>
      %neg3A_675 = arith.constant 0.000000e+00 : f32
      %neg3A_676 = vector.broadcast %neg3A_675 : f32 to vector<16xf32>
      %neg3A_677 = arith.subf %neg3A_676, %get3A_674 : vector<16xf32>
      %exp3A_678 = math.exp %neg3A_677 : vector<16xf32>
      %add3A_679 = arith.constant 1.000000e+00 : f32
      %add3A_680 = vector.broadcast %add3A_679 : f32 to vector<16xf32>
      %add3A_681 = arith.addf %add3A_680, %exp3A_678 : vector<16xf32>
      %div3A_682 = arith.constant 1.000000e+00 : f32
      %div3A_683 = vector.broadcast %div3A_682 : f32 to vector<16xf32>
      %div3A_684 = arith.divf %div3A_683, %add3A_681 : vector<16xf32>
      %swap3A_685 = arith.index_cast %scan3A_332 : i32 to index
      %swap3A_686 = arith.constant 288 : index
      %swap3A_687 = tpu.vector_load %arg6[%swap3A_685, %swap3A_686] {strides = array<i32>} : memref<64x512xf32, #tpu.memory_space<vmem>>, vector<1x16xf32>,
      %swap3A_688 = vector.shape_cast %swap3A_687 : vector<1x16xf32> to vector<16xf32>
      %swap3A_689 = vector.shape_cast %div3A_684 : vector<16xf32> to vector<1x16xf32>
      tpu.vector_store %arg6[%swap3A_685, %swap3A_686], %swap3A_689 {strides = array<i32>} : memref<64x512xf32, #tpu.memory_space<vmem>>, vector<1x16xf32>,
      %get3A_690 = arith.index_cast %scan3A_332 : i32 to index
      %get3A_691 = arith.constant 304 : index
      %get3A_692 = tpu.vector_load %arg6[%get3A_690, %get3A_691] {strides = array<i32>} : memref<64x512xf32, #tpu.memory_space<vmem>>, vector<1x16xf32>,
      %get3A_693 = vector.shape_cast %get3A_692 : vector<1x16xf32> to vector<16xf32>
      %neg3A_694 = arith.constant 0.000000e+00 : f32
      %neg3A_695 = vector.broadcast %neg3A_694 : f32 to vector<16xf32>
      %neg3A_696 = arith.subf %neg3A_695, %get3A_693 : vector<16xf32>
      %exp3A_697 = math.exp %neg3A_696 : vector<16xf32>
      %add3A_698 = arith.constant 1.000000e+00 : f32
      %add3A_699 = vector.broadcast %add3A_698 : f32 to vector<16xf32>
      %add3A_700 = arith.addf %add3A_699, %exp3A_697 : vector<16xf32>
      %div3A_701 = arith.constant 1.000000e+00 : f32
      %div3A_702 = vector.broadcast %div3A_701 : f32 to vector<16xf32>
      %div3A_703 = arith.divf %div3A_702, %add3A_700 : vector<16xf32>
      %swap3A_704 = arith.index_cast %scan3A_332 : i32 to index
      %swap3A_705 = arith.constant 304 : index
      %swap3A_706 = tpu.vector_load %arg6[%swap3A_704, %swap3A_705] {strides = array<i32>} : memref<64x512xf32, #tpu.memory_space<vmem>>, vector<1x16xf32>,
      %swap3A_707 = vector.shape_cast %swap3A_706 : vector<1x16xf32> to vector<16xf32>
      %swap3A_708 = vector.shape_cast %div3A_703 : vector<16xf32> to vector<1x16xf32>
      tpu.vector_store %arg6[%swap3A_704, %swap3A_705], %swap3A_708 {strides = array<i32>} : memref<64x512xf32, #tpu.memory_space<vmem>>, vector<1x16xf32>,
      %get3A_709 = arith.index_cast %scan3A_332 : i32 to index
      %get3A_710 = arith.constant 320 : index
      %get3A_711 = tpu.vector_load %arg6[%get3A_709, %get3A_710] {strides = array<i32>} : memref<64x512xf32, #tpu.memory_space<vmem>>, vector<1x16xf32>,
      %get3A_712 = vector.shape_cast %get3A_711 : vector<1x16xf32> to vector<16xf32>
      %neg3A_713 = arith.constant 0.000000e+00 : f32
      %neg3A_714 = vector.broadcast %neg3A_713 : f32 to vector<16xf32>
      %neg3A_715 = arith.subf %neg3A_714, %get3A_712 : vector<16xf32>
      %exp3A_716 = math.exp %neg3A_715 : vector<16xf32>
      %add3A_717 = arith.constant 1.000000e+00 : f32
      %add3A_718 = vector.broadcast %add3A_717 : f32 to vector<16xf32>
      %add3A_719 = arith.addf %add3A_718, %exp3A_716 : vector<16xf32>
      %div3A_720 = arith.constant 1.000000e+00 : f32
      %div3A_721 = vector.broadcast %div3A_720 : f32 to vector<16xf32>
      %div3A_722 = arith.divf %div3A_721, %add3A_719 : vector<16xf32>
      %swap3A_723 = arith.index_cast %scan3A_332 : i32 to index
      %swap3A_724 = arith.constant 320 : index
      %swap3A_725 = tpu.vector_load %arg6[%swap3A_723, %swap3A_724] {strides = array<i32>} : memref<64x512xf32, #tpu.memory_space<vmem>>, vector<1x16xf32>,
      %swap3A_726 = vector.shape_cast %swap3A_725 : vector<1x16xf32> to vector<16xf32>
      %swap3A_727 = vector.shape_cast %div3A_722 : vector<16xf32> to vector<1x16xf32>
      tpu.vector_store %arg6[%swap3A_723, %swap3A_724], %swap3A_727 {strides = array<i32>} : memref<64x512xf32, #tpu.memory_space<vmem>>, vector<1x16xf32>,
      %get3A_728 = arith.index_cast %scan3A_332 : i32 to index
      %get3A_729 = arith.constant 336 : index
      %get3A_730 = tpu.vector_load %arg6[%get3A_728, %get3A_729] {strides = array<i32>} : memref<64x512xf32, #tpu.memory_space<vmem>>, vector<1x16xf32>,
      %get3A_731 = vector.shape_cast %get3A_730 : vector<1x16xf32> to vector<16xf32>
      %neg3A_732 = arith.constant 0.000000e+00 : f32
      %neg3A_733 = vector.broadcast %neg3A_732 : f32 to vector<16xf32>
      %neg3A_734 = arith.subf %neg3A_733, %get3A_731 : vector<16xf32>
      %exp3A_735 = math.exp %neg3A_734 : vector<16xf32>
      %add3A_736 = arith.constant 1.000000e+00 : f32
      %add3A_737 = vector.broadcast %add3A_736 : f32 to vector<16xf32>
      %add3A_738 = arith.addf %add3A_737, %exp3A_735 : vector<16xf32>
      %div3A_739 = arith.constant 1.000000e+00 : f32
      %div3A_740 = vector.broadcast %div3A_739 : f32 to vector<16xf32>
      %div3A_741 = arith.divf %div3A_740, %add3A_738 : vector<16xf32>
      %swap3A_742 = arith.index_cast %scan3A_332 : i32 to index
      %swap3A_743 = arith.constant 336 : index
      %swap3A_744 = tpu.vector_load %arg6[%swap3A_742, %swap3A_743] {strides = array<i32>} : memref<64x512xf32, #tpu.memory_space<vmem>>, vector<1x16xf32>,
      %swap3A_745 = vector.shape_cast %swap3A_744 : vector<1x16xf32> to vector<16xf32>
      %swap3A_746 = vector.shape_cast %div3A_741 : vector<16xf32> to vector<1x16xf32>
      tpu.vector_store %arg6[%swap3A_742, %swap3A_743], %swap3A_746 {strides = array<i32>} : memref<64x512xf32, #tpu.memory_space<vmem>>, vector<1x16xf32>,
      %get3A_747 = arith.index_cast %scan3A_332 : i32 to index
      %get3A_748 = arith.constant 352 : index
      %get3A_749 = tpu.vector_load %arg6[%get3A_747, %get3A_748] {strides = array<i32>} : memref<64x512xf32, #tpu.memory_space<vmem>>, vector<1x16xf32>,
      %get3A_750 = vector.shape_cast %get3A_749 : vector<1x16xf32> to vector<16xf32>
      %neg3A_751 = arith.constant 0.000000e+00 : f32
      %neg3A_752 = vector.broadcast %neg3A_751 : f32 to vector<16xf32>
      %neg3A_753 = arith.subf %neg3A_752, %get3A_750 : vector<16xf32>
      %exp3A_754 = math.exp %neg3A_753 : vector<16xf32>
      %add3A_755 = arith.constant 1.000000e+00 : f32
      %add3A_756 = vector.broadcast %add3A_755 : f32 to vector<16xf32>
      %add3A_757 = arith.addf %add3A_756, %exp3A_754 : vector<16xf32>
      %div3A_758 = arith.constant 1.000000e+00 : f32
      %div3A_759 = vector.broadcast %div3A_758 : f32 to vector<16xf32>
      %div3A_760 = arith.divf %div3A_759, %add3A_757 : vector<16xf32>
      %swap3A_761 = arith.index_cast %scan3A_332 : i32 to index
      %swap3A_762 = arith.constant 352 : index
      %swap3A_763 = tpu.vector_load %arg6[%swap3A_761, %swap3A_762] {strides = array<i32>} : memref<64x512xf32, #tpu.memory_space<vmem>>, vector<1x16xf32>,
      %swap3A_764 = vector.shape_cast %swap3A_763 : vector<1x16xf32> to vector<16xf32>
      %swap3A_765 = vector.shape_cast %div3A_760 : vector<16xf32> to vector<1x16xf32>
      tpu.vector_store %arg6[%swap3A_761, %swap3A_762], %swap3A_765 {strides = array<i32>} : memref<64x512xf32, #tpu.memory_space<vmem>>, vector<1x16xf32>,
      %get3A_766 = arith.index_cast %scan3A_332 : i32 to index
      %get3A_767 = arith.constant 368 : index
      %get3A_768 = tpu.vector_load %arg6[%get3A_766, %get3A_767] {strides = array<i32>} : memref<64x512xf32, #tpu.memory_space<vmem>>, vector<1x16xf32>,
      %get3A_769 = vector.shape_cast %get3A_768 : vector<1x16xf32> to vector<16xf32>
      %neg3A_770 = arith.constant 0.000000e+00 : f32
      %neg3A_771 = vector.broadcast %neg3A_770 : f32 to vector<16xf32>
      %neg3A_772 = arith.subf %neg3A_771, %get3A_769 : vector<16xf32>
      %exp3A_773 = math.exp %neg3A_772 : vector<16xf32>
      %add3A_774 = arith.constant 1.000000e+00 : f32
      %add3A_775 = vector.broadcast %add3A_774 : f32 to vector<16xf32>
      %add3A_776 = arith.addf %add3A_775, %exp3A_773 : vector<16xf32>
      %div3A_777 = arith.constant 1.000000e+00 : f32
      %div3A_778 = vector.broadcast %div3A_777 : f32 to vector<16xf32>
      %div3A_779 = arith.divf %div3A_778, %add3A_776 : vector<16xf32>
      %swap3A_780 = arith.index_cast %scan3A_332 : i32 to index
      %swap3A_781 = arith.constant 368 : index
      %swap3A_782 = tpu.vector_load %arg6[%swap3A_780, %swap3A_781] {strides = array<i32>} : memref<64x512xf32, #tpu.memory_space<vmem>>, vector<1x16xf32>,
      %swap3A_783 = vector.shape_cast %swap3A_782 : vector<1x16xf32> to vector<16xf32>
      %swap3A_784 = vector.shape_cast %div3A_779 : vector<16xf32> to vector<1x16xf32>
      tpu.vector_store %arg6[%swap3A_780, %swap3A_781], %swap3A_784 {strides = array<i32>} : memref<64x512xf32, #tpu.memory_space<vmem>>, vector<1x16xf32>,
      %get3A_785 = arith.index_cast %scan3A_332 : i32 to index
      %get3A_786 = arith.constant 384 : index
      %get3A_787 = tpu.vector_load %arg6[%get3A_785, %get3A_786] {strides = array<i32>} : memref<64x512xf32, #tpu.memory_space<vmem>>, vector<1x16xf32>,
      %get3A_788 = vector.shape_cast %get3A_787 : vector<1x16xf32> to vector<16xf32>
      %neg3A_789 = arith.constant 0.000000e+00 : f32
      %neg3A_790 = vector.broadcast %neg3A_789 : f32 to vector<16xf32>
      %neg3A_791 = arith.subf %neg3A_790, %get3A_788 : vector<16xf32>
      %exp3A_792 = math.exp %neg3A_791 : vector<16xf32>
      %add3A_793 = arith.constant 1.000000e+00 : f32
      %add3A_794 = vector.broadcast %add3A_793 : f32 to vector<16xf32>
      %add3A_795 = arith.addf %add3A_794, %exp3A_792 : vector<16xf32>
      %div3A_796 = arith.constant 1.000000e+00 : f32
      %div3A_797 = vector.broadcast %div3A_796 : f32 to vector<16xf32>
      %div3A_798 = arith.divf %div3A_797, %add3A_795 : vector<16xf32>
      %swap3A_799 = arith.index_cast %scan3A_332 : i32 to index
      %swap3A_800 = arith.constant 384 : index
      %swap3A_801 = tpu.vector_load %arg6[%swap3A_799, %swap3A_800] {strides = array<i32>} : memref<64x512xf32, #tpu.memory_space<vmem>>, vector<1x16xf32>,
      %swap3A_802 = vector.shape_cast %swap3A_801 : vector<1x16xf32> to vector<16xf32>
      %swap3A_803 = vector.shape_cast %div3A_798 : vector<16xf32> to vector<1x16xf32>
      tpu.vector_store %arg6[%swap3A_799, %swap3A_800], %swap3A_803 {strides = array<i32>} : memref<64x512xf32, #tpu.memory_space<vmem>>, vector<1x16xf32>,
      %get3A_804 = arith.index_cast %scan3A_332 : i32 to index
      %get3A_805 = arith.constant 400 : index
      %get3A_806 = tpu.vector_load %arg6[%get3A_804, %get3A_805] {strides = array<i32>} : memref<64x512xf32, #tpu.memory_space<vmem>>, vector<1x16xf32>,
      %get3A_807 = vector.shape_cast %get3A_806 : vector<1x16xf32> to vector<16xf32>
      %neg3A_808 = arith.constant 0.000000e+00 : f32
      %neg3A_809 = vector.broadcast %neg3A_808 : f32 to vector<16xf32>
      %neg3A_810 = arith.subf %neg3A_809, %get3A_807 : vector<16xf32>
      %exp3A_811 = math.exp %neg3A_810 : vector<16xf32>
      %add3A_812 = arith.constant 1.000000e+00 : f32
      %add3A_813 = vector.broadcast %add3A_812 : f32 to vector<16xf32>
      %add3A_814 = arith.addf %add3A_813, %exp3A_811 : vector<16xf32>
      %div3A_815 = arith.constant 1.000000e+00 : f32
      %div3A_816 = vector.broadcast %div3A_815 : f32 to vector<16xf32>
      %div3A_817 = arith.divf %div3A_816, %add3A_814 : vector<16xf32>
      %swap3A_818 = arith.index_cast %scan3A_332 : i32 to index
      %swap3A_819 = arith.constant 400 : index
      %swap3A_820 = tpu.vector_load %arg6[%swap3A_818, %swap3A_819] {strides = array<i32>} : memref<64x512xf32, #tpu.memory_space<vmem>>, vector<1x16xf32>,
      %swap3A_821 = vector.shape_cast %swap3A_820 : vector<1x16xf32> to vector<16xf32>
      %swap3A_822 = vector.shape_cast %div3A_817 : vector<16xf32> to vector<1x16xf32>
      tpu.vector_store %arg6[%swap3A_818, %swap3A_819], %swap3A_822 {strides = array<i32>} : memref<64x512xf32, #tpu.memory_space<vmem>>, vector<1x16xf32>,
      %get3A_823 = arith.index_cast %scan3A_332 : i32 to index
      %get3A_824 = arith.constant 416 : index
      %get3A_825 = tpu.vector_load %arg6[%get3A_823, %get3A_824] {strides = array<i32>} : memref<64x512xf32, #tpu.memory_space<vmem>>, vector<1x16xf32>,
      %get3A_826 = vector.shape_cast %get3A_825 : vector<1x16xf32> to vector<16xf32>
      %neg3A_827 = arith.constant 0.000000e+00 : f32
      %neg3A_828 = vector.broadcast %neg3A_827 : f32 to vector<16xf32>
      %neg3A_829 = arith.subf %neg3A_828, %get3A_826 : vector<16xf32>
      %exp3A_830 = math.exp %neg3A_829 : vector<16xf32>
      %add3A_831 = arith.constant 1.000000e+00 : f32
      %add3A_832 = vector.broadcast %add3A_831 : f32 to vector<16xf32>
      %add3A_833 = arith.addf %add3A_832, %exp3A_830 : vector<16xf32>
      %div3A_834 = arith.constant 1.000000e+00 : f32
      %div3A_835 = vector.broadcast %div3A_834 : f32 to vector<16xf32>
      %div3A_836 = arith.divf %div3A_835, %add3A_833 : vector<16xf32>
      %swap3A_837 = arith.index_cast %scan3A_332 : i32 to index
      %swap3A_838 = arith.constant 416 : index
      %swap3A_839 = tpu.vector_load %arg6[%swap3A_837, %swap3A_838] {strides = array<i32>} : memref<64x512xf32, #tpu.memory_space<vmem>>, vector<1x16xf32>,
      %swap3A_840 = vector.shape_cast %swap3A_839 : vector<1x16xf32> to vector<16xf32>
      %swap3A_841 = vector.shape_cast %div3A_836 : vector<16xf32> to vector<1x16xf32>
      tpu.vector_store %arg6[%swap3A_837, %swap3A_838], %swap3A_841 {strides = array<i32>} : memref<64x512xf32, #tpu.memory_space<vmem>>, vector<1x16xf32>,
      %get3A_842 = arith.index_cast %scan3A_332 : i32 to index
      %get3A_843 = arith.constant 432 : index
      %get3A_844 = tpu.vector_load %arg6[%get3A_842, %get3A_843] {strides = array<i32>} : memref<64x512xf32, #tpu.memory_space<vmem>>, vector<1x16xf32>,
      %get3A_845 = vector.shape_cast %get3A_844 : vector<1x16xf32> to vector<16xf32>
      %neg3A_846 = arith.constant 0.000000e+00 : f32
      %neg3A_847 = vector.broadcast %neg3A_846 : f32 to vector<16xf32>
      %neg3A_848 = arith.subf %neg3A_847, %get3A_845 : vector<16xf32>
      %exp3A_849 = math.exp %neg3A_848 : vector<16xf32>
      %add3A_850 = arith.constant 1.000000e+00 : f32
      %add3A_851 = vector.broadcast %add3A_850 : f32 to vector<16xf32>
      %add3A_852 = arith.addf %add3A_851, %exp3A_849 : vector<16xf32>
      %div3A_853 = arith.constant 1.000000e+00 : f32
      %div3A_854 = vector.broadcast %div3A_853 : f32 to vector<16xf32>
      %div3A_855 = arith.divf %div3A_854, %add3A_852 : vector<16xf32>
      %swap3A_856 = arith.index_cast %scan3A_332 : i32 to index
      %swap3A_857 = arith.constant 432 : index
      %swap3A_858 = tpu.vector_load %arg6[%swap3A_856, %swap3A_857] {strides = array<i32>} : memref<64x512xf32, #tpu.memory_space<vmem>>, vector<1x16xf32>,
      %swap3A_859 = vector.shape_cast %swap3A_858 : vector<1x16xf32> to vector<16xf32>
      %swap3A_860 = vector.shape_cast %div3A_855 : vector<16xf32> to vector<1x16xf32>
      tpu.vector_store %arg6[%swap3A_856, %swap3A_857], %swap3A_860 {strides = array<i32>} : memref<64x512xf32, #tpu.memory_space<vmem>>, vector<1x16xf32>,
      %get3A_861 = arith.index_cast %scan3A_332 : i32 to index
      %get3A_862 = arith.constant 448 : index
      %get3A_863 = tpu.vector_load %arg6[%get3A_861, %get3A_862] {strides = array<i32>} : memref<64x512xf32, #tpu.memory_space<vmem>>, vector<1x16xf32>,
      %get3A_864 = vector.shape_cast %get3A_863 : vector<1x16xf32> to vector<16xf32>
      %neg3A_865 = arith.constant 0.000000e+00 : f32
      %neg3A_866 = vector.broadcast %neg3A_865 : f32 to vector<16xf32>
      %neg3A_867 = arith.subf %neg3A_866, %get3A_864 : vector<16xf32>
      %exp3A_868 = math.exp %neg3A_867 : vector<16xf32>
      %add3A_869 = arith.constant 1.000000e+00 : f32
      %add3A_870 = vector.broadcast %add3A_869 : f32 to vector<16xf32>
      %add3A_871 = arith.addf %add3A_870, %exp3A_868 : vector<16xf32>
      %div3A_872 = arith.constant 1.000000e+00 : f32
      %div3A_873 = vector.broadcast %div3A_872 : f32 to vector<16xf32>
      %div3A_874 = arith.divf %div3A_873, %add3A_871 : vector<16xf32>
      %swap3A_875 = arith.index_cast %scan3A_332 : i32 to index
      %swap3A_876 = arith.constant 448 : index
      %swap3A_877 = tpu.vector_load %arg6[%swap3A_875, %swap3A_876] {strides = array<i32>} : memref<64x512xf32, #tpu.memory_space<vmem>>, vector<1x16xf32>,
      %swap3A_878 = vector.shape_cast %swap3A_877 : vector<1x16xf32> to vector<16xf32>
      %swap3A_879 = vector.shape_cast %div3A_874 : vector<16xf32> to vector<1x16xf32>
      tpu.vector_store %arg6[%swap3A_875, %swap3A_876], %swap3A_879 {strides = array<i32>} : memref<64x512xf32, #tpu.memory_space<vmem>>, vector<1x16xf32>,
      %get3A_880 = arith.index_cast %scan3A_332 : i32 to index
      %get3A_881 = arith.constant 464 : index
      %get3A_882 = tpu.vector_load %arg6[%get3A_880, %get3A_881] {strides = array<i32>} : memref<64x512xf32, #tpu.memory_space<vmem>>, vector<1x16xf32>,
      %get3A_883 = vector.shape_cast %get3A_882 : vector<1x16xf32> to vector<16xf32>
      %neg3A_884 = arith.constant 0.000000e+00 : f32
      %neg3A_885 = vector.broadcast %neg3A_884 : f32 to vector<16xf32>
      %neg3A_886 = arith.subf %neg3A_885, %get3A_883 : vector<16xf32>
      %exp3A_887 = math.exp %neg3A_886 : vector<16xf32>
      %add3A_888 = arith.constant 1.000000e+00 : f32
      %add3A_889 = vector.broadcast %add3A_888 : f32 to vector<16xf32>
      %add3A_890 = arith.addf %add3A_889, %exp3A_887 : vector<16xf32>
      %div3A_891 = arith.constant 1.000000e+00 : f32
      %div3A_892 = vector.broadcast %div3A_891 : f32 to vector<16xf32>
      %div3A_893 = arith.divf %div3A_892, %add3A_890 : vector<16xf32>
      %swap3A_894 = arith.index_cast %scan3A_332 : i32 to index
      %swap3A_895 = arith.constant 464 : index
      %swap3A_896 = tpu.vector_load %arg6[%swap3A_894, %swap3A_895] {strides = array<i32>} : memref<64x512xf32, #tpu.memory_space<vmem>>, vector<1x16xf32>,
      %swap3A_897 = vector.shape_cast %swap3A_896 : vector<1x16xf32> to vector<16xf32>
      %swap3A_898 = vector.shape_cast %div3A_893 : vector<16xf32> to vector<1x16xf32>
      tpu.vector_store %arg6[%swap3A_894, %swap3A_895], %swap3A_898 {strides = array<i32>} : memref<64x512xf32, #tpu.memory_space<vmem>>, vector<1x16xf32>,
      %get3A_899 = arith.index_cast %scan3A_332 : i32 to index
      %get3A_900 = arith.constant 480 : index
      %get3A_901 = tpu.vector_load %arg6[%get3A_899, %get3A_900] {strides = array<i32>} : memref<64x512xf32, #tpu.memory_space<vmem>>, vector<1x16xf32>,
      %get3A_902 = vector.shape_cast %get3A_901 : vector<1x16xf32> to vector<16xf32>
      %neg3A_903 = arith.constant 0.000000e+00 : f32
      %neg3A_904 = vector.broadcast %neg3A_903 : f32 to vector<16xf32>
      %neg3A_905 = arith.subf %neg3A_904, %get3A_902 : vector<16xf32>
      %exp3A_906 = math.exp %neg3A_905 : vector<16xf32>
      %add3A_907 = arith.constant 1.000000e+00 : f32
      %add3A_908 = vector.broadcast %add3A_907 : f32 to vector<16xf32>
      %add3A_909 = arith.addf %add3A_908, %exp3A_906 : vector<16xf32>
      %div3A_910 = arith.constant 1.000000e+00 : f32
      %div3A_911 = vector.broadcast %div3A_910 : f32 to vector<16xf32>
      %div3A_912 = arith.divf %div3A_911, %add3A_909 : vector<16xf32>
      %swap3A_913 = arith.index_cast %scan3A_332 : i32 to index
      %swap3A_914 = arith.constant 480 : index
      %swap3A_915 = tpu.vector_load %arg6[%swap3A_913, %swap3A_914] {strides = array<i32>} : memref<64x512xf32, #tpu.memory_space<vmem>>, vector<1x16xf32>,
      %swap3A_916 = vector.shape_cast %swap3A_915 : vector<1x16xf32> to vector<16xf32>
      %swap3A_917 = vector.shape_cast %div3A_912 : vector<16xf32> to vector<1x16xf32>
      tpu.vector_store %arg6[%swap3A_913, %swap3A_914], %swap3A_917 {strides = array<i32>} : memref<64x512xf32, #tpu.memory_space<vmem>>, vector<1x16xf32>,
      %get3A_918 = arith.index_cast %scan3A_332 : i32 to index
      %get3A_919 = arith.constant 496 : index
      %get3A_920 = tpu.vector_load %arg6[%get3A_918, %get3A_919] {strides = array<i32>} : memref<64x512xf32, #tpu.memory_space<vmem>>, vector<1x16xf32>,
      %get3A_921 = vector.shape_cast %get3A_920 : vector<1x16xf32> to vector<16xf32>
      %neg3A_922 = arith.constant 0.000000e+00 : f32
      %neg3A_923 = vector.broadcast %neg3A_922 : f32 to vector<16xf32>
      %neg3A_924 = arith.subf %neg3A_923, %get3A_921 : vector<16xf32>
      %exp3A_925 = math.exp %neg3A_924 : vector<16xf32>
      %add3A_926 = arith.constant 1.000000e+00 : f32
      %add3A_927 = vector.broadcast %add3A_926 : f32 to vector<16xf32>
      %add3A_928 = arith.addf %add3A_927, %exp3A_925 : vector<16xf32>
      %div3A_929 = arith.constant 1.000000e+00 : f32
      %div3A_930 = vector.broadcast %div3A_929 : f32 to vector<16xf32>
      %div3A_931 = arith.divf %div3A_930, %add3A_928 : vector<16xf32>
      %swap3A_932 = arith.index_cast %scan3A_332 : i32 to index
      %swap3A_933 = arith.constant 496 : index
      %swap3A_934 = tpu.vector_load %arg6[%swap3A_932, %swap3A_933] {strides = array<i32>} : memref<64x512xf32, #tpu.memory_space<vmem>>, vector<1x16xf32>,
      %swap3A_935 = vector.shape_cast %swap3A_934 : vector<1x16xf32> to vector<16xf32>
      %swap3A_936 = vector.shape_cast %div3A_931 : vector<16xf32> to vector<1x16xf32>
      tpu.vector_store %arg6[%swap3A_932, %swap3A_933], %swap3A_936 {strides = array<i32>} : memref<64x512xf32, #tpu.memory_space<vmem>>, vector<1x16xf32>,
    }
    %scan3A_267 = arith.constant 64 : i32
    %add3A_268 = arith.constant 80 : i32
    %add3A_269 = arith.addi %select_n3A_106, %add3A_268 : i32
    %mul3A_270 = arith.constant 64 : i32
    %mul3A_271 = arith.muli %select_n3A_122, %mul3A_270 : i32
    %dma_start3A_272 = arith.constant 0 : i32
    %dma_start3A_273 = tpu.memref_slice %arg3[%add3A_269, %mul3A_271, %dma_start3A_272] : memref<96x512x512xf32, #tpu.memory_space<hbm>> -> memref<1x64x512xf32, #tpu.memory_space<hbm>>
    %dma_start3A_274 = tpu.memref_squeeze %dma_start3A_273 : memref<1x64x512xf32, #tpu.memory_space<hbm>> -> memref<64x512xf32, #tpu.memory_space<hbm>>
    %dma_start3A_275 = arith.constant 0 : i32
    %dma_start3A_276 = tpu.memref_slice %arg3[%add3A_269, %mul3A_271, %dma_start3A_275] : memref<96x512x512xf32, #tpu.memory_space<hbm>> -> memref<1x64x512xf32, #tpu.memory_space<hbm>>
    %dma_start3A_277 = tpu.memref_squeeze %dma_start3A_276 : memref<1x64x512xf32, #tpu.memory_space<hbm>> -> memref<64x512xf32, #tpu.memory_space<hbm>>
    tpu.enqueue_dma source(%arg6 : memref<64x512xf32, #tpu.memory_space<vmem>>) target(%dma_start3A_277 : memref<64x512xf32, #tpu.memory_space<hbm>>) target_semaphore(%arg12 : memref<!tpu.dma_semaphore, #tpu.memory_space<semaphore_mem>>)
    %mul3A_278 = arith.constant 64 : i32
    %mul3A_279 = arith.muli %select_n3A_166, %mul3A_278 : i32
    %dma_wait3A_280 = arith.constant 0 : i32
    %dma_wait3A_281 = tpu.memref_slice %arg2[%select_n3A_150, %mul3A_279, %dma_wait3A_280] : memref<16x512x512xf32, #tpu.memory_space<hbm>> -> memref<1x64x512xf32, #tpu.memory_space<hbm>>
    %dma_wait3A_282 = tpu.memref_squeeze %dma_wait3A_281 : memref<1x64x512xf32, #tpu.memory_space<hbm>> -> memref<64x512xf32, #tpu.memory_space<hbm>>
    %dma_wait3A_283 = arith.constant 0 : i32
    %dma_wait3A_284 = tpu.memref_slice %arg2[%select_n3A_150, %mul3A_279, %dma_wait3A_283] : memref<16x512x512xf32, #tpu.memory_space<hbm>> -> memref<1x64x512xf32, #tpu.memory_space<hbm>>
    %dma_wait3A_285 = tpu.memref_squeeze %dma_wait3A_284 : memref<1x64x512xf32, #tpu.memory_space<hbm>> -> memref<64x512xf32, #tpu.memory_space<hbm>>
    tpu.wait_dma2 semaphore(%arg7 : memref<!tpu.dma_semaphore, #tpu.memory_space<semaphore_mem>>) src(%dma_wait3A_285 : memref<64x512xf32, #tpu.memory_space<hbm>>) dst(%arg4 : memref<64x512xf32, #tpu.memory_space<vmem>>)
    %scan3A_286 = arith.constant 0 : i32
    %scan3A_287 = arith.constant 0 : i32
    %scan3A_288 = arith.constant 64 : i32
    %scan3A_289 = arith.addi %scan3A_287, %scan3A_288 : i32
    %scan3A_290 = arith.constant 1 : i32
    scf.for %scan3A_332 = %scan3A_287 to %scan3A_289 step %scan3A_290  : i32 {
      %get3A = arith.index_cast %scan3A_332 : i32 to index
      %get3A_333 = arith.constant 0 : index
      %get3A_334 = tpu.vector_load %arg4[%get3A, %get3A_333] {strides = array<i32>} : memref<64x512xf32, #tpu.memory_space<vmem>>, vector<1x16xf32>,
      %get3A_335 = vector.shape_cast %get3A_334 : vector<1x16xf32> to vector<16xf32>
      %neg3A = arith.constant 0.000000e+00 : f32
      %neg3A_336 = vector.broadcast %neg3A : f32 to vector<16xf32>
      %neg3A_337 = arith.subf %neg3A_336, %get3A_335 : vector<16xf32>
      %exp3A = math.exp %neg3A_337 : vector<16xf32>
      %add3A_338 = arith.constant 1.000000e+00 : f32
      %add3A_339 = vector.broadcast %add3A_338 : f32 to vector<16xf32>
      %add3A_340 = arith.addf %add3A_339, %exp3A : vector<16xf32>
      %div3A_341 = arith.constant 1.000000e+00 : f32
      %div3A_342 = vector.broadcast %div3A_341 : f32 to vector<16xf32>
      %div3A_343 = arith.divf %div3A_342, %add3A_340 : vector<16xf32>
      %swap3A = arith.index_cast %scan3A_332 : i32 to index
      %swap3A_344 = arith.constant 0 : index
      %swap3A_345 = tpu.vector_load %arg4[%swap3A, %swap3A_344] {strides = array<i32>} : memref<64x512xf32, #tpu.memory_space<vmem>>, vector<1x16xf32>,
      %swap3A_346 = vector.shape_cast %swap3A_345 : vector<1x16xf32> to vector<16xf32>
      %swap3A_347 = vector.shape_cast %div3A_343 : vector<16xf32> to vector<1x16xf32>
      tpu.vector_store %arg4[%swap3A, %swap3A_344], %swap3A_347 {strides = array<i32>} : memref<64x512xf32, #tpu.memory_space<vmem>>, vector<1x16xf32>,
      %get3A_348 = arith.index_cast %scan3A_332 : i32 to index
      %get3A_349 = arith.constant 16 : index
      %get3A_350 = tpu.vector_load %arg4[%get3A_348, %get3A_349] {strides = array<i32>} : memref<64x512xf32, #tpu.memory_space<vmem>>, vector<1x16xf32>,
      %get3A_351 = vector.shape_cast %get3A_350 : vector<1x16xf32> to vector<16xf32>
      %neg3A_352 = arith.constant 0.000000e+00 : f32
      %neg3A_353 = vector.broadcast %neg3A_352 : f32 to vector<16xf32>
      %neg3A_354 = arith.subf %neg3A_353, %get3A_351 : vector<16xf32>
      %exp3A_355 = math.exp %neg3A_354 : vector<16xf32>
      %add3A_356 = arith.constant 1.000000e+00 : f32
      %add3A_357 = vector.broadcast %add3A_356 : f32 to vector<16xf32>
      %add3A_358 = arith.addf %add3A_357, %exp3A_355 : vector<16xf32>
      %div3A_359 = arith.constant 1.000000e+00 : f32
      %div3A_360 = vector.broadcast %div3A_359 : f32 to vector<16xf32>
      %div3A_361 = arith.divf %div3A_360, %add3A_358 : vector<16xf32>
      %swap3A_362 = arith.index_cast %scan3A_332 : i32 to index
      %swap3A_363 = arith.constant 16 : index
      %swap3A_364 = tpu.vector_load %arg4[%swap3A_362, %swap3A_363] {strides = array<i32>} : memref<64x512xf32, #tpu.memory_space<vmem>>, vector<1x16xf32>,
      %swap3A_365 = vector.shape_cast %swap3A_364 : vector<1x16xf32> to vector<16xf32>
      %swap3A_366 = vector.shape_cast %div3A_361 : vector<16xf32> to vector<1x16xf32>
      tpu.vector_store %arg4[%swap3A_362, %swap3A_363], %swap3A_366 {strides = array<i32>} : memref<64x512xf32, #tpu.memory_space<vmem>>, vector<1x16xf32>,
      %get3A_367 = arith.index_cast %scan3A_332 : i32 to index
      %get3A_368 = arith.constant 32 : index
      %get3A_369 = tpu.vector_load %arg4[%get3A_367, %get3A_368] {strides = array<i32>} : memref<64x512xf32, #tpu.memory_space<vmem>>, vector<1x16xf32>,
      %get3A_370 = vector.shape_cast %get3A_369 : vector<1x16xf32> to vector<16xf32>
      %neg3A_371 = arith.constant 0.000000e+00 : f32
      %neg3A_372 = vector.broadcast %neg3A_371 : f32 to vector<16xf32>
      %neg3A_373 = arith.subf %neg3A_372, %get3A_370 : vector<16xf32>
      %exp3A_374 = math.exp %neg3A_373 : vector<16xf32>
      %add3A_375 = arith.constant 1.000000e+00 : f32
      %add3A_376 = vector.broadcast %add3A_375 : f32 to vector<16xf32>
      %add3A_377 = arith.addf %add3A_376, %exp3A_374 : vector<16xf32>
      %div3A_378 = arith.constant 1.000000e+00 : f32
      %div3A_379 = vector.broadcast %div3A_378 : f32 to vector<16xf32>
      %div3A_380 = arith.divf %div3A_379, %add3A_377 : vector<16xf32>
      %swap3A_381 = arith.index_cast %scan3A_332 : i32 to index
      %swap3A_382 = arith.constant 32 : index
      %swap3A_383 = tpu.vector_load %arg4[%swap3A_381, %swap3A_382] {strides = array<i32>} : memref<64x512xf32, #tpu.memory_space<vmem>>, vector<1x16xf32>,
      %swap3A_384 = vector.shape_cast %swap3A_383 : vector<1x16xf32> to vector<16xf32>
      %swap3A_385 = vector.shape_cast %div3A_380 : vector<16xf32> to vector<1x16xf32>
      tpu.vector_store %arg4[%swap3A_381, %swap3A_382], %swap3A_385 {strides = array<i32>} : memref<64x512xf32, #tpu.memory_space<vmem>>, vector<1x16xf32>,
      %get3A_386 = arith.index_cast %scan3A_332 : i32 to index
      %get3A_387 = arith.constant 48 : index
      %get3A_388 = tpu.vector_load %arg4[%get3A_386, %get3A_387] {strides = array<i32>} : memref<64x512xf32, #tpu.memory_space<vmem>>, vector<1x16xf32>,
      %get3A_389 = vector.shape_cast %get3A_388 : vector<1x16xf32> to vector<16xf32>
      %neg3A_390 = arith.constant 0.000000e+00 : f32
      %neg3A_391 = vector.broadcast %neg3A_390 : f32 to vector<16xf32>
      %neg3A_392 = arith.subf %neg3A_391, %get3A_389 : vector<16xf32>
      %exp3A_393 = math.exp %neg3A_392 : vector<16xf32>
      %add3A_394 = arith.constant 1.000000e+00 : f32
      %add3A_395 = vector.broadcast %add3A_394 : f32 to vector<16xf32>
      %add3A_396 = arith.addf %add3A_395, %exp3A_393 : vector<16xf32>
      %div3A_397 = arith.constant 1.000000e+00 : f32
      %div3A_398 = vector.broadcast %div3A_397 : f32 to vector<16xf32>
      %div3A_399 = arith.divf %div3A_398, %add3A_396 : vector<16xf32>
      %swap3A_400 = arith.index_cast %scan3A_332 : i32 to index
      %swap3A_401 = arith.constant 48 : index
      %swap3A_402 = tpu.vector_load %arg4[%swap3A_400, %swap3A_401] {strides = array<i32>} : memref<64x512xf32, #tpu.memory_space<vmem>>, vector<1x16xf32>,
      %swap3A_403 = vector.shape_cast %swap3A_402 : vector<1x16xf32> to vector<16xf32>
      %swap3A_404 = vector.shape_cast %div3A_399 : vector<16xf32> to vector<1x16xf32>
      tpu.vector_store %arg4[%swap3A_400, %swap3A_401], %swap3A_404 {strides = array<i32>} : memref<64x512xf32, #tpu.memory_space<vmem>>, vector<1x16xf32>,
      %get3A_405 = arith.index_cast %scan3A_332 : i32 to index
      %get3A_406 = arith.constant 64 : index
      %get3A_407 = tpu.vector_load %arg4[%get3A_405, %get3A_406] {strides = array<i32>} : memref<64x512xf32, #tpu.memory_space<vmem>>, vector<1x16xf32>,
      %get3A_408 = vector.shape_cast %get3A_407 : vector<1x16xf32> to vector<16xf32>
      %neg3A_409 = arith.constant 0.000000e+00 : f32
      %neg3A_410 = vector.broadcast %neg3A_409 : f32 to vector<16xf32>
      %neg3A_411 = arith.subf %neg3A_410, %get3A_408 : vector<16xf32>
      %exp3A_412 = math.exp %neg3A_411 : vector<16xf32>
      %add3A_413 = arith.constant 1.000000e+00 : f32
      %add3A_414 = vector.broadcast %add3A_413 : f32 to vector<16xf32>
      %add3A_415 = arith.addf %add3A_414, %exp3A_412 : vector<16xf32>
      %div3A_416 = arith.constant 1.000000e+00 : f32
      %div3A_417 = vector.broadcast %div3A_416 : f32 to vector<16xf32>
      %div3A_418 = arith.divf %div3A_417, %add3A_415 : vector<16xf32>
      %swap3A_419 = arith.index_cast %scan3A_332 : i32 to index
      %swap3A_420 = arith.constant 64 : index
      %swap3A_421 = tpu.vector_load %arg4[%swap3A_419, %swap3A_420] {strides = array<i32>} : memref<64x512xf32, #tpu.memory_space<vmem>>, vector<1x16xf32>,
      %swap3A_422 = vector.shape_cast %swap3A_421 : vector<1x16xf32> to vector<16xf32>
      %swap3A_423 = vector.shape_cast %div3A_418 : vector<16xf32> to vector<1x16xf32>
      tpu.vector_store %arg4[%swap3A_419, %swap3A_420], %swap3A_423 {strides = array<i32>} : memref<64x512xf32, #tpu.memory_space<vmem>>, vector<1x16xf32>,
      %get3A_424 = arith.index_cast %scan3A_332 : i32 to index
      %get3A_425 = arith.constant 80 : index
      %get3A_426 = tpu.vector_load %arg4[%get3A_424, %get3A_425] {strides = array<i32>} : memref<64x512xf32, #tpu.memory_space<vmem>>, vector<1x16xf32>,
      %get3A_427 = vector.shape_cast %get3A_426 : vector<1x16xf32> to vector<16xf32>
      %neg3A_428 = arith.constant 0.000000e+00 : f32
      %neg3A_429 = vector.broadcast %neg3A_428 : f32 to vector<16xf32>
      %neg3A_430 = arith.subf %neg3A_429, %get3A_427 : vector<16xf32>
      %exp3A_431 = math.exp %neg3A_430 : vector<16xf32>
      %add3A_432 = arith.constant 1.000000e+00 : f32
      %add3A_433 = vector.broadcast %add3A_432 : f32 to vector<16xf32>
      %add3A_434 = arith.addf %add3A_433, %exp3A_431 : vector<16xf32>
      %div3A_435 = arith.constant 1.000000e+00 : f32
      %div3A_436 = vector.broadcast %div3A_435 : f32 to vector<16xf32>
      %div3A_437 = arith.divf %div3A_436, %add3A_434 : vector<16xf32>
      %swap3A_438 = arith.index_cast %scan3A_332 : i32 to index
      %swap3A_439 = arith.constant 80 : index
      %swap3A_440 = tpu.vector_load %arg4[%swap3A_438, %swap3A_439] {strides = array<i32>} : memref<64x512xf32, #tpu.memory_space<vmem>>, vector<1x16xf32>,
      %swap3A_441 = vector.shape_cast %swap3A_440 : vector<1x16xf32> to vector<16xf32>
      %swap3A_442 = vector.shape_cast %div3A_437 : vector<16xf32> to vector<1x16xf32>
      tpu.vector_store %arg4[%swap3A_438, %swap3A_439], %swap3A_442 {strides = array<i32>} : memref<64x512xf32, #tpu.memory_space<vmem>>, vector<1x16xf32>,
      %get3A_443 = arith.index_cast %scan3A_332 : i32 to index
      %get3A_444 = arith.constant 96 : index
      %get3A_445 = tpu.vector_load %arg4[%get3A_443, %get3A_444] {strides = array<i32>} : memref<64x512xf32, #tpu.memory_space<vmem>>, vector<1x16xf32>,
      %get3A_446 = vector.shape_cast %get3A_445 : vector<1x16xf32> to vector<16xf32>
      %neg3A_447 = arith.constant 0.000000e+00 : f32
      %neg3A_448 = vector.broadcast %neg3A_447 : f32 to vector<16xf32>
      %neg3A_449 = arith.subf %neg3A_448, %get3A_446 : vector<16xf32>
      %exp3A_450 = math.exp %neg3A_449 : vector<16xf32>
      %add3A_451 = arith.constant 1.000000e+00 : f32
      %add3A_452 = vector.broadcast %add3A_451 : f32 to vector<16xf32>
      %add3A_453 = arith.addf %add3A_452, %exp3A_450 : vector<16xf32>
      %div3A_454 = arith.constant 1.000000e+00 : f32
      %div3A_455 = vector.broadcast %div3A_454 : f32 to vector<16xf32>
      %div3A_456 = arith.divf %div3A_455, %add3A_453 : vector<16xf32>
      %swap3A_457 = arith.index_cast %scan3A_332 : i32 to index
      %swap3A_458 = arith.constant 96 : index
      %swap3A_459 = tpu.vector_load %arg4[%swap3A_457, %swap3A_458] {strides = array<i32>} : memref<64x512xf32, #tpu.memory_space<vmem>>, vector<1x16xf32>,
      %swap3A_460 = vector.shape_cast %swap3A_459 : vector<1x16xf32> to vector<16xf32>
      %swap3A_461 = vector.shape_cast %div3A_456 : vector<16xf32> to vector<1x16xf32>
      tpu.vector_store %arg4[%swap3A_457, %swap3A_458], %swap3A_461 {strides = array<i32>} : memref<64x512xf32, #tpu.memory_space<vmem>>, vector<1x16xf32>,
      %get3A_462 = arith.index_cast %scan3A_332 : i32 to index
      %get3A_463 = arith.constant 112 : index
      %get3A_464 = tpu.vector_load %arg4[%get3A_462, %get3A_463] {strides = array<i32>} : memref<64x512xf32, #tpu.memory_space<vmem>>, vector<1x16xf32>,
      %get3A_465 = vector.shape_cast %get3A_464 : vector<1x16xf32> to vector<16xf32>
      %neg3A_466 = arith.constant 0.000000e+00 : f32
      %neg3A_467 = vector.broadcast %neg3A_466 : f32 to vector<16xf32>
      %neg3A_468 = arith.subf %neg3A_467, %get3A_465 : vector<16xf32>
      %exp3A_469 = math.exp %neg3A_468 : vector<16xf32>
      %add3A_470 = arith.constant 1.000000e+00 : f32
      %add3A_471 = vector.broadcast %add3A_470 : f32 to vector<16xf32>
      %add3A_472 = arith.addf %add3A_471, %exp3A_469 : vector<16xf32>
      %div3A_473 = arith.constant 1.000000e+00 : f32
      %div3A_474 = vector.broadcast %div3A_473 : f32 to vector<16xf32>
      %div3A_475 = arith.divf %div3A_474, %add3A_472 : vector<16xf32>
      %swap3A_476 = arith.index_cast %scan3A_332 : i32 to index
      %swap3A_477 = arith.constant 112 : index
      %swap3A_478 = tpu.vector_load %arg4[%swap3A_476, %swap3A_477] {strides = array<i32>} : memref<64x512xf32, #tpu.memory_space<vmem>>, vector<1x16xf32>,
      %swap3A_479 = vector.shape_cast %swap3A_478 : vector<1x16xf32> to vector<16xf32>
      %swap3A_480 = vector.shape_cast %div3A_475 : vector<16xf32> to vector<1x16xf32>
      tpu.vector_store %arg4[%swap3A_476, %swap3A_477], %swap3A_480 {strides = array<i32>} : memref<64x512xf32, #tpu.memory_space<vmem>>, vector<1x16xf32>,
      %get3A_481 = arith.index_cast %scan3A_332 : i32 to index
      %get3A_482 = arith.constant 128 : index
      %get3A_483 = tpu.vector_load %arg4[%get3A_481, %get3A_482] {strides = array<i32>} : memref<64x512xf32, #tpu.memory_space<vmem>>, vector<1x16xf32>,
      %get3A_484 = vector.shape_cast %get3A_483 : vector<1x16xf32> to vector<16xf32>
      %neg3A_485 = arith.constant 0.000000e+00 : f32
      %neg3A_486 = vector.broadcast %neg3A_485 : f32 to vector<16xf32>
      %neg3A_487 = arith.subf %neg3A_486, %get3A_484 : vector<16xf32>
      %exp3A_488 = math.exp %neg3A_487 : vector<16xf32>
      %add3A_489 = arith.constant 1.000000e+00 : f32
      %add3A_490 = vector.broadcast %add3A_489 : f32 to vector<16xf32>
      %add3A_491 = arith.addf %add3A_490, %exp3A_488 : vector<16xf32>
      %div3A_492 = arith.constant 1.000000e+00 : f32
      %div3A_493 = vector.broadcast %div3A_492 : f32 to vector<16xf32>
      %div3A_494 = arith.divf %div3A_493, %add3A_491 : vector<16xf32>
      %swap3A_495 = arith.index_cast %scan3A_332 : i32 to index
      %swap3A_496 = arith.constant 128 : index
      %swap3A_497 = tpu.vector_load %arg4[%swap3A_495, %swap3A_496] {strides = array<i32>} : memref<64x512xf32, #tpu.memory_space<vmem>>, vector<1x16xf32>,
      %swap3A_498 = vector.shape_cast %swap3A_497 : vector<1x16xf32> to vector<16xf32>
      %swap3A_499 = vector.shape_cast %div3A_494 : vector<16xf32> to vector<1x16xf32>
      tpu.vector_store %arg4[%swap3A_495, %swap3A_496], %swap3A_499 {strides = array<i32>} : memref<64x512xf32, #tpu.memory_space<vmem>>, vector<1x16xf32>,
      %get3A_500 = arith.index_cast %scan3A_332 : i32 to index
      %get3A_501 = arith.constant 144 : index
      %get3A_502 = tpu.vector_load %arg4[%get3A_500, %get3A_501] {strides = array<i32>} : memref<64x512xf32, #tpu.memory_space<vmem>>, vector<1x16xf32>,
      %get3A_503 = vector.shape_cast %get3A_502 : vector<1x16xf32> to vector<16xf32>
      %neg3A_504 = arith.constant 0.000000e+00 : f32
      %neg3A_505 = vector.broadcast %neg3A_504 : f32 to vector<16xf32>
      %neg3A_506 = arith.subf %neg3A_505, %get3A_503 : vector<16xf32>
      %exp3A_507 = math.exp %neg3A_506 : vector<16xf32>
      %add3A_508 = arith.constant 1.000000e+00 : f32
      %add3A_509 = vector.broadcast %add3A_508 : f32 to vector<16xf32>
      %add3A_510 = arith.addf %add3A_509, %exp3A_507 : vector<16xf32>
      %div3A_511 = arith.constant 1.000000e+00 : f32
      %div3A_512 = vector.broadcast %div3A_511 : f32 to vector<16xf32>
      %div3A_513 = arith.divf %div3A_512, %add3A_510 : vector<16xf32>
      %swap3A_514 = arith.index_cast %scan3A_332 : i32 to index
      %swap3A_515 = arith.constant 144 : index
      %swap3A_516 = tpu.vector_load %arg4[%swap3A_514, %swap3A_515] {strides = array<i32>} : memref<64x512xf32, #tpu.memory_space<vmem>>, vector<1x16xf32>,
      %swap3A_517 = vector.shape_cast %swap3A_516 : vector<1x16xf32> to vector<16xf32>
      %swap3A_518 = vector.shape_cast %div3A_513 : vector<16xf32> to vector<1x16xf32>
      tpu.vector_store %arg4[%swap3A_514, %swap3A_515], %swap3A_518 {strides = array<i32>} : memref<64x512xf32, #tpu.memory_space<vmem>>, vector<1x16xf32>,
      %get3A_519 = arith.index_cast %scan3A_332 : i32 to index
      %get3A_520 = arith.constant 160 : index
      %get3A_521 = tpu.vector_load %arg4[%get3A_519, %get3A_520] {strides = array<i32>} : memref<64x512xf32, #tpu.memory_space<vmem>>, vector<1x16xf32>,
      %get3A_522 = vector.shape_cast %get3A_521 : vector<1x16xf32> to vector<16xf32>
      %neg3A_523 = arith.constant 0.000000e+00 : f32
      %neg3A_524 = vector.broadcast %neg3A_523 : f32 to vector<16xf32>
      %neg3A_525 = arith.subf %neg3A_524, %get3A_522 : vector<16xf32>
      %exp3A_526 = math.exp %neg3A_525 : vector<16xf32>
      %add3A_527 = arith.constant 1.000000e+00 : f32
      %add3A_528 = vector.broadcast %add3A_527 : f32 to vector<16xf32>
      %add3A_529 = arith.addf %add3A_528, %exp3A_526 : vector<16xf32>
      %div3A_530 = arith.constant 1.000000e+00 : f32
      %div3A_531 = vector.broadcast %div3A_530 : f32 to vector<16xf32>
      %div3A_532 = arith.divf %div3A_531, %add3A_529 : vector<16xf32>
      %swap3A_533 = arith.index_cast %scan3A_332 : i32 to index
      %swap3A_534 = arith.constant 160 : index
      %swap3A_535 = tpu.vector_load %arg4[%swap3A_533, %swap3A_534] {strides = array<i32>} : memref<64x512xf32, #tpu.memory_space<vmem>>, vector<1x16xf32>,
      %swap3A_536 = vector.shape_cast %swap3A_535 : vector<1x16xf32> to vector<16xf32>
      %swap3A_537 = vector.shape_cast %div3A_532 : vector<16xf32> to vector<1x16xf32>
      tpu.vector_store %arg4[%swap3A_533, %swap3A_534], %swap3A_537 {strides = array<i32>} : memref<64x512xf32, #tpu.memory_space<vmem>>, vector<1x16xf32>,
      %get3A_538 = arith.index_cast %scan3A_332 : i32 to index
      %get3A_539 = arith.constant 176 : index
      %get3A_540 = tpu.vector_load %arg4[%get3A_538, %get3A_539] {strides = array<i32>} : memref<64x512xf32, #tpu.memory_space<vmem>>, vector<1x16xf32>,
      %get3A_541 = vector.shape_cast %get3A_540 : vector<1x16xf32> to vector<16xf32>
      %neg3A_542 = arith.constant 0.000000e+00 : f32
      %neg3A_543 = vector.broadcast %neg3A_542 : f32 to vector<16xf32>
      %neg3A_544 = arith.subf %neg3A_543, %get3A_541 : vector<16xf32>
      %exp3A_545 = math.exp %neg3A_544 : vector<16xf32>
      %add3A_546 = arith.constant 1.000000e+00 : f32
      %add3A_547 = vector.broadcast %add3A_546 : f32 to vector<16xf32>
      %add3A_548 = arith.addf %add3A_547, %exp3A_545 : vector<16xf32>
      %div3A_549 = arith.constant 1.000000e+00 : f32
      %div3A_550 = vector.broadcast %div3A_549 : f32 to vector<16xf32>
      %div3A_551 = arith.divf %div3A_550, %add3A_548 : vector<16xf32>
      %swap3A_552 = arith.index_cast %scan3A_332 : i32 to index
      %swap3A_553 = arith.constant 176 : index
      %swap3A_554 = tpu.vector_load %arg4[%swap3A_552, %swap3A_553] {strides = array<i32>} : memref<64x512xf32, #tpu.memory_space<vmem>>, vector<1x16xf32>,
      %swap3A_555 = vector.shape_cast %swap3A_554 : vector<1x16xf32> to vector<16xf32>
      %swap3A_556 = vector.shape_cast %div3A_551 : vector<16xf32> to vector<1x16xf32>
      tpu.vector_store %arg4[%swap3A_552, %swap3A_553], %swap3A_556 {strides = array<i32>} : memref<64x512xf32, #tpu.memory_space<vmem>>, vector<1x16xf32>,
      %get3A_557 = arith.index_cast %scan3A_332 : i32 to index
      %get3A_558 = arith.constant 192 : index
      %get3A_559 = tpu.vector_load %arg4[%get3A_557, %get3A_558] {strides = array<i32>} : memref<64x512xf32, #tpu.memory_space<vmem>>, vector<1x16xf32>,
      %get3A_560 = vector.shape_cast %get3A_559 : vector<1x16xf32> to vector<16xf32>
      %neg3A_561 = arith.constant 0.000000e+00 : f32
      %neg3A_562 = vector.broadcast %neg3A_561 : f32 to vector<16xf32>
      %neg3A_563 = arith.subf %neg3A_562, %get3A_560 : vector<16xf32>
      %exp3A_564 = math.exp %neg3A_563 : vector<16xf32>
      %add3A_565 = arith.constant 1.000000e+00 : f32
      %add3A_566 = vector.broadcast %add3A_565 : f32 to vector<16xf32>
      %add3A_567 = arith.addf %add3A_566, %exp3A_564 : vector<16xf32>
      %div3A_568 = arith.constant 1.000000e+00 : f32
      %div3A_569 = vector.broadcast %div3A_568 : f32 to vector<16xf32>
      %div3A_570 = arith.divf %div3A_569, %add3A_567 : vector<16xf32>
      %swap3A_571 = arith.index_cast %scan3A_332 : i32 to index
      %swap3A_572 = arith.constant 192 : index
      %swap3A_573 = tpu.vector_load %arg4[%swap3A_571, %swap3A_572] {strides = array<i32>} : memref<64x512xf32, #tpu.memory_space<vmem>>, vector<1x16xf32>,
      %swap3A_574 = vector.shape_cast %swap3A_573 : vector<1x16xf32> to vector<16xf32>
      %swap3A_575 = vector.shape_cast %div3A_570 : vector<16xf32> to vector<1x16xf32>
      tpu.vector_store %arg4[%swap3A_571, %swap3A_572], %swap3A_575 {strides = array<i32>} : memref<64x512xf32, #tpu.memory_space<vmem>>, vector<1x16xf32>,
      %get3A_576 = arith.index_cast %scan3A_332 : i32 to index
      %get3A_577 = arith.constant 208 : index
      %get3A_578 = tpu.vector_load %arg4[%get3A_576, %get3A_577] {strides = array<i32>} : memref<64x512xf32, #tpu.memory_space<vmem>>, vector<1x16xf32>,
      %get3A_579 = vector.shape_cast %get3A_578 : vector<1x16xf32> to vector<16xf32>
      %neg3A_580 = arith.constant 0.000000e+00 : f32
      %neg3A_581 = vector.broadcast %neg3A_580 : f32 to vector<16xf32>
      %neg3A_582 = arith.subf %neg3A_581, %get3A_579 : vector<16xf32>
      %exp3A_583 = math.exp %neg3A_582 : vector<16xf32>
      %add3A_584 = arith.constant 1.000000e+00 : f32
      %add3A_585 = vector.broadcast %add3A_584 : f32 to vector<16xf32>
      %add3A_586 = arith.addf %add3A_585, %exp3A_583 : vector<16xf32>
      %div3A_587 = arith.constant 1.000000e+00 : f32
      %div3A_588 = vector.broadcast %div3A_587 : f32 to vector<16xf32>
      %div3A_589 = arith.divf %div3A_588, %add3A_586 : vector<16xf32>
      %swap3A_590 = arith.index_cast %scan3A_332 : i32 to index
      %swap3A_591 = arith.constant 208 : index
      %swap3A_592 = tpu.vector_load %arg4[%swap3A_590, %swap3A_591] {strides = array<i32>} : memref<64x512xf32, #tpu.memory_space<vmem>>, vector<1x16xf32>,
      %swap3A_593 = vector.shape_cast %swap3A_592 : vector<1x16xf32> to vector<16xf32>
      %swap3A_594 = vector.shape_cast %div3A_589 : vector<16xf32> to vector<1x16xf32>
      tpu.vector_store %arg4[%swap3A_590, %swap3A_591], %swap3A_594 {strides = array<i32>} : memref<64x512xf32, #tpu.memory_space<vmem>>, vector<1x16xf32>,
      %get3A_595 = arith.index_cast %scan3A_332 : i32 to index
      %get3A_596 = arith.constant 224 : index
      %get3A_597 = tpu.vector_load %arg4[%get3A_595, %get3A_596] {strides = array<i32>} : memref<64x512xf32, #tpu.memory_space<vmem>>, vector<1x16xf32>,
      %get3A_598 = vector.shape_cast %get3A_597 : vector<1x16xf32> to vector<16xf32>
      %neg3A_599 = arith.constant 0.000000e+00 : f32
      %neg3A_600 = vector.broadcast %neg3A_599 : f32 to vector<16xf32>
      %neg3A_601 = arith.subf %neg3A_600, %get3A_598 : vector<16xf32>
      %exp3A_602 = math.exp %neg3A_601 : vector<16xf32>
      %add3A_603 = arith.constant 1.000000e+00 : f32
      %add3A_604 = vector.broadcast %add3A_603 : f32 to vector<16xf32>
      %add3A_605 = arith.addf %add3A_604, %exp3A_602 : vector<16xf32>
      %div3A_606 = arith.constant 1.000000e+00 : f32
      %div3A_607 = vector.broadcast %div3A_606 : f32 to vector<16xf32>
      %div3A_608 = arith.divf %div3A_607, %add3A_605 : vector<16xf32>
      %swap3A_609 = arith.index_cast %scan3A_332 : i32 to index
      %swap3A_610 = arith.constant 224 : index
      %swap3A_611 = tpu.vector_load %arg4[%swap3A_609, %swap3A_610] {strides = array<i32>} : memref<64x512xf32, #tpu.memory_space<vmem>>, vector<1x16xf32>,
      %swap3A_612 = vector.shape_cast %swap3A_611 : vector<1x16xf32> to vector<16xf32>
      %swap3A_613 = vector.shape_cast %div3A_608 : vector<16xf32> to vector<1x16xf32>
      tpu.vector_store %arg4[%swap3A_609, %swap3A_610], %swap3A_613 {strides = array<i32>} : memref<64x512xf32, #tpu.memory_space<vmem>>, vector<1x16xf32>,
      %get3A_614 = arith.index_cast %scan3A_332 : i32 to index
      %get3A_615 = arith.constant 240 : index
      %get3A_616 = tpu.vector_load %arg4[%get3A_614, %get3A_615] {strides = array<i32>} : memref<64x512xf32, #tpu.memory_space<vmem>>, vector<1x16xf32>,
      %get3A_617 = vector.shape_cast %get3A_616 : vector<1x16xf32> to vector<16xf32>
      %neg3A_618 = arith.constant 0.000000e+00 : f32
      %neg3A_619 = vector.broadcast %neg3A_618 : f32 to vector<16xf32>
      %neg3A_620 = arith.subf %neg3A_619, %get3A_617 : vector<16xf32>
      %exp3A_621 = math.exp %neg3A_620 : vector<16xf32>
      %add3A_622 = arith.constant 1.000000e+00 : f32
      %add3A_623 = vector.broadcast %add3A_622 : f32 to vector<16xf32>
      %add3A_624 = arith.addf %add3A_623, %exp3A_621 : vector<16xf32>
      %div3A_625 = arith.constant 1.000000e+00 : f32
      %div3A_626 = vector.broadcast %div3A_625 : f32 to vector<16xf32>
      %div3A_627 = arith.divf %div3A_626, %add3A_624 : vector<16xf32>
      %swap3A_628 = arith.index_cast %scan3A_332 : i32 to index
      %swap3A_629 = arith.constant 240 : index
      %swap3A_630 = tpu.vector_load %arg4[%swap3A_628, %swap3A_629] {strides = array<i32>} : memref<64x512xf32, #tpu.memory_space<vmem>>, vector<1x16xf32>,
      %swap3A_631 = vector.shape_cast %swap3A_630 : vector<1x16xf32> to vector<16xf32>
      %swap3A_632 = vector.shape_cast %div3A_627 : vector<16xf32> to vector<1x16xf32>
      tpu.vector_store %arg4[%swap3A_628, %swap3A_629], %swap3A_632 {strides = array<i32>} : memref<64x512xf32, #tpu.memory_space<vmem>>, vector<1x16xf32>,
      %get3A_633 = arith.index_cast %scan3A_332 : i32 to index
      %get3A_634 = arith.constant 256 : index
      %get3A_635 = tpu.vector_load %arg4[%get3A_633, %get3A_634] {strides = array<i32>} : memref<64x512xf32, #tpu.memory_space<vmem>>, vector<1x16xf32>,
      %get3A_636 = vector.shape_cast %get3A_635 : vector<1x16xf32> to vector<16xf32>
      %neg3A_637 = arith.constant 0.000000e+00 : f32
      %neg3A_638 = vector.broadcast %neg3A_637 : f32 to vector<16xf32>
      %neg3A_639 = arith.subf %neg3A_638, %get3A_636 : vector<16xf32>
      %exp3A_640 = math.exp %neg3A_639 : vector<16xf32>
      %add3A_641 = arith.constant 1.000000e+00 : f32
      %add3A_642 = vector.broadcast %add3A_641 : f32 to vector<16xf32>
      %add3A_643 = arith.addf %add3A_642, %exp3A_640 : vector<16xf32>
      %div3A_644 = arith.constant 1.000000e+00 : f32
      %div3A_645 = vector.broadcast %div3A_644 : f32 to vector<16xf32>
      %div3A_646 = arith.divf %div3A_645, %add3A_643 : vector<16xf32>
      %swap3A_647 = arith.index_cast %scan3A_332 : i32 to index
      %swap3A_648 = arith.constant 256 : index
      %swap3A_649 = tpu.vector_load %arg4[%swap3A_647, %swap3A_648] {strides = array<i32>} : memref<64x512xf32, #tpu.memory_space<vmem>>, vector<1x16xf32>,
      %swap3A_650 = vector.shape_cast %swap3A_649 : vector<1x16xf32> to vector<16xf32>
      %swap3A_651 = vector.shape_cast %div3A_646 : vector<16xf32> to vector<1x16xf32>
      tpu.vector_store %arg4[%swap3A_647, %swap3A_648], %swap3A_651 {strides = array<i32>} : memref<64x512xf32, #tpu.memory_space<vmem>>, vector<1x16xf32>,
      %get3A_652 = arith.index_cast %scan3A_332 : i32 to index
      %get3A_653 = arith.constant 272 : index
      %get3A_654 = tpu.vector_load %arg4[%get3A_652, %get3A_653] {strides = array<i32>} : memref<64x512xf32, #tpu.memory_space<vmem>>, vector<1x16xf32>,
      %get3A_655 = vector.shape_cast %get3A_654 : vector<1x16xf32> to vector<16xf32>
      %neg3A_656 = arith.constant 0.000000e+00 : f32
      %neg3A_657 = vector.broadcast %neg3A_656 : f32 to vector<16xf32>
      %neg3A_658 = arith.subf %neg3A_657, %get3A_655 : vector<16xf32>
      %exp3A_659 = math.exp %neg3A_658 : vector<16xf32>
      %add3A_660 = arith.constant 1.000000e+00 : f32
      %add3A_661 = vector.broadcast %add3A_660 : f32 to vector<16xf32>
      %add3A_662 = arith.addf %add3A_661, %exp3A_659 : vector<16xf32>
      %div3A_663 = arith.constant 1.000000e+00 : f32
      %div3A_664 = vector.broadcast %div3A_663 : f32 to vector<16xf32>
      %div3A_665 = arith.divf %div3A_664, %add3A_662 : vector<16xf32>
      %swap3A_666 = arith.index_cast %scan3A_332 : i32 to index
      %swap3A_667 = arith.constant 272 : index
      %swap3A_668 = tpu.vector_load %arg4[%swap3A_666, %swap3A_667] {strides = array<i32>} : memref<64x512xf32, #tpu.memory_space<vmem>>, vector<1x16xf32>,
      %swap3A_669 = vector.shape_cast %swap3A_668 : vector<1x16xf32> to vector<16xf32>
      %swap3A_670 = vector.shape_cast %div3A_665 : vector<16xf32> to vector<1x16xf32>
      tpu.vector_store %arg4[%swap3A_666, %swap3A_667], %swap3A_670 {strides = array<i32>} : memref<64x512xf32, #tpu.memory_space<vmem>>, vector<1x16xf32>,
      %get3A_671 = arith.index_cast %scan3A_332 : i32 to index
      %get3A_672 = arith.constant 288 : index
      %get3A_673 = tpu.vector_load %arg4[%get3A_671, %get3A_672] {strides = array<i32>} : memref<64x512xf32, #tpu.memory_space<vmem>>, vector<1x16xf32>,
      %get3A_674 = vector.shape_cast %get3A_673 : vector<1x16xf32> to vector<16xf32>
      %neg3A_675 = arith.constant 0.000000e+00 : f32
      %neg3A_676 = vector.broadcast %neg3A_675 : f32 to vector<16xf32>
      %neg3A_677 = arith.subf %neg3A_676, %get3A_674 : vector<16xf32>
      %exp3A_678 = math.exp %neg3A_677 : vector<16xf32>
      %add3A_679 = arith.constant 1.000000e+00 : f32
      %add3A_680 = vector.broadcast %add3A_679 : f32 to vector<16xf32>
      %add3A_681 = arith.addf %add3A_680, %exp3A_678 : vector<16xf32>
      %div3A_682 = arith.constant 1.000000e+00 : f32
      %div3A_683 = vector.broadcast %div3A_682 : f32 to vector<16xf32>
      %div3A_684 = arith.divf %div3A_683, %add3A_681 : vector<16xf32>
      %swap3A_685 = arith.index_cast %scan3A_332 : i32 to index
      %swap3A_686 = arith.constant 288 : index
      %swap3A_687 = tpu.vector_load %arg4[%swap3A_685, %swap3A_686] {strides = array<i32>} : memref<64x512xf32, #tpu.memory_space<vmem>>, vector<1x16xf32>,
      %swap3A_688 = vector.shape_cast %swap3A_687 : vector<1x16xf32> to vector<16xf32>
      %swap3A_689 = vector.shape_cast %div3A_684 : vector<16xf32> to vector<1x16xf32>
      tpu.vector_store %arg4[%swap3A_685, %swap3A_686], %swap3A_689 {strides = array<i32>} : memref<64x512xf32, #tpu.memory_space<vmem>>, vector<1x16xf32>,
      %get3A_690 = arith.index_cast %scan3A_332 : i32 to index
      %get3A_691 = arith.constant 304 : index
      %get3A_692 = tpu.vector_load %arg4[%get3A_690, %get3A_691] {strides = array<i32>} : memref<64x512xf32, #tpu.memory_space<vmem>>, vector<1x16xf32>,
      %get3A_693 = vector.shape_cast %get3A_692 : vector<1x16xf32> to vector<16xf32>
      %neg3A_694 = arith.constant 0.000000e+00 : f32
      %neg3A_695 = vector.broadcast %neg3A_694 : f32 to vector<16xf32>
      %neg3A_696 = arith.subf %neg3A_695, %get3A_693 : vector<16xf32>
      %exp3A_697 = math.exp %neg3A_696 : vector<16xf32>
      %add3A_698 = arith.constant 1.000000e+00 : f32
      %add3A_699 = vector.broadcast %add3A_698 : f32 to vector<16xf32>
      %add3A_700 = arith.addf %add3A_699, %exp3A_697 : vector<16xf32>
      %div3A_701 = arith.constant 1.000000e+00 : f32
      %div3A_702 = vector.broadcast %div3A_701 : f32 to vector<16xf32>
      %div3A_703 = arith.divf %div3A_702, %add3A_700 : vector<16xf32>
      %swap3A_704 = arith.index_cast %scan3A_332 : i32 to index
      %swap3A_705 = arith.constant 304 : index
      %swap3A_706 = tpu.vector_load %arg4[%swap3A_704, %swap3A_705] {strides = array<i32>} : memref<64x512xf32, #tpu.memory_space<vmem>>, vector<1x16xf32>,
      %swap3A_707 = vector.shape_cast %swap3A_706 : vector<1x16xf32> to vector<16xf32>
      %swap3A_708 = vector.shape_cast %div3A_703 : vector<16xf32> to vector<1x16xf32>
      tpu.vector_store %arg4[%swap3A_704, %swap3A_705], %swap3A_708 {strides = array<i32>} : memref<64x512xf32, #tpu.memory_space<vmem>>, vector<1x16xf32>,
      %get3A_709 = arith.index_cast %scan3A_332 : i32 to index
      %get3A_710 = arith.constant 320 : index
      %get3A_711 = tpu.vector_load %arg4[%get3A_709, %get3A_710] {strides = array<i32>} : memref<64x512xf32, #tpu.memory_space<vmem>>, vector<1x16xf32>,
      %get3A_712 = vector.shape_cast %get3A_711 : vector<1x16xf32> to vector<16xf32>
      %neg3A_713 = arith.constant 0.000000e+00 : f32
      %neg3A_714 = vector.broadcast %neg3A_713 : f32 to vector<16xf32>
      %neg3A_715 = arith.subf %neg3A_714, %get3A_712 : vector<16xf32>
      %exp3A_716 = math.exp %neg3A_715 : vector<16xf32>
      %add3A_717 = arith.constant 1.000000e+00 : f32
      %add3A_718 = vector.broadcast %add3A_717 : f32 to vector<16xf32>
      %add3A_719 = arith.addf %add3A_718, %exp3A_716 : vector<16xf32>
      %div3A_720 = arith.constant 1.000000e+00 : f32
      %div3A_721 = vector.broadcast %div3A_720 : f32 to vector<16xf32>
      %div3A_722 = arith.divf %div3A_721, %add3A_719 : vector<16xf32>
      %swap3A_723 = arith.index_cast %scan3A_332 : i32 to index
      %swap3A_724 = arith.constant 320 : index
      %swap3A_725 = tpu.vector_load %arg4[%swap3A_723, %swap3A_724] {strides = array<i32>} : memref<64x512xf32, #tpu.memory_space<vmem>>, vector<1x16xf32>,
      %swap3A_726 = vector.shape_cast %swap3A_725 : vector<1x16xf32> to vector<16xf32>
      %swap3A_727 = vector.shape_cast %div3A_722 : vector<16xf32> to vector<1x16xf32>
      tpu.vector_store %arg4[%swap3A_723, %swap3A_724], %swap3A_727 {strides = array<i32>} : memref<64x512xf32, #tpu.memory_space<vmem>>, vector<1x16xf32>,
      %get3A_728 = arith.index_cast %scan3A_332 : i32 to index
      %get3A_729 = arith.constant 336 : index
      %get3A_730 = tpu.vector_load %arg4[%get3A_728, %get3A_729] {strides = array<i32>} : memref<64x512xf32, #tpu.memory_space<vmem>>, vector<1x16xf32>,
      %get3A_731 = vector.shape_cast %get3A_730 : vector<1x16xf32> to vector<16xf32>
      %neg3A_732 = arith.constant 0.000000e+00 : f32
      %neg3A_733 = vector.broadcast %neg3A_732 : f32 to vector<16xf32>
      %neg3A_734 = arith.subf %neg3A_733, %get3A_731 : vector<16xf32>
      %exp3A_735 = math.exp %neg3A_734 : vector<16xf32>
      %add3A_736 = arith.constant 1.000000e+00 : f32
      %add3A_737 = vector.broadcast %add3A_736 : f32 to vector<16xf32>
      %add3A_738 = arith.addf %add3A_737, %exp3A_735 : vector<16xf32>
      %div3A_739 = arith.constant 1.000000e+00 : f32
      %div3A_740 = vector.broadcast %div3A_739 : f32 to vector<16xf32>
      %div3A_741 = arith.divf %div3A_740, %add3A_738 : vector<16xf32>
      %swap3A_742 = arith.index_cast %scan3A_332 : i32 to index
      %swap3A_743 = arith.constant 336 : index
      %swap3A_744 = tpu.vector_load %arg4[%swap3A_742, %swap3A_743] {strides = array<i32>} : memref<64x512xf32, #tpu.memory_space<vmem>>, vector<1x16xf32>,
      %swap3A_745 = vector.shape_cast %swap3A_744 : vector<1x16xf32> to vector<16xf32>
      %swap3A_746 = vector.shape_cast %div3A_741 : vector<16xf32> to vector<1x16xf32>
      tpu.vector_store %arg4[%swap3A_742, %swap3A_743], %swap3A_746 {strides = array<i32>} : memref<64x512xf32, #tpu.memory_space<vmem>>, vector<1x16xf32>,
      %get3A_747 = arith.index_cast %scan3A_332 : i32 to index
      %get3A_748 = arith.constant 352 : index
      %get3A_749 = tpu.vector_load %arg4[%get3A_747, %get3A_748] {strides = array<i32>} : memref<64x512xf32, #tpu.memory_space<vmem>>, vector<1x16xf32>,
      %get3A_750 = vector.shape_cast %get3A_749 : vector<1x16xf32> to vector<16xf32>
      %neg3A_751 = arith.constant 0.000000e+00 : f32
      %neg3A_752 = vector.broadcast %neg3A_751 : f32 to vector<16xf32>
      %neg3A_753 = arith.subf %neg3A_752, %get3A_750 : vector<16xf32>
      %exp3A_754 = math.exp %neg3A_753 : vector<16xf32>
      %add3A_755 = arith.constant 1.000000e+00 : f32
      %add3A_756 = vector.broadcast %add3A_755 : f32 to vector<16xf32>
      %add3A_757 = arith.addf %add3A_756, %exp3A_754 : vector<16xf32>
      %div3A_758 = arith.constant 1.000000e+00 : f32
      %div3A_759 = vector.broadcast %div3A_758 : f32 to vector<16xf32>
      %div3A_760 = arith.divf %div3A_759, %add3A_757 : vector<16xf32>
      %swap3A_761 = arith.index_cast %scan3A_332 : i32 to index
      %swap3A_762 = arith.constant 352 : index
      %swap3A_763 = tpu.vector_load %arg4[%swap3A_761, %swap3A_762] {strides = array<i32>} : memref<64x512xf32, #tpu.memory_space<vmem>>, vector<1x16xf32>,
      %swap3A_764 = vector.shape_cast %swap3A_763 : vector<1x16xf32> to vector<16xf32>
      %swap3A_765 = vector.shape_cast %div3A_760 : vector<16xf32> to vector<1x16xf32>
      tpu.vector_store %arg4[%swap3A_761, %swap3A_762], %swap3A_765 {strides = array<i32>} : memref<64x512xf32, #tpu.memory_space<vmem>>, vector<1x16xf32>,
      %get3A_766 = arith.index_cast %scan3A_332 : i32 to index
      %get3A_767 = arith.constant 368 : index
      %get3A_768 = tpu.vector_load %arg4[%get3A_766, %get3A_767] {strides = array<i32>} : memref<64x512xf32, #tpu.memory_space<vmem>>, vector<1x16xf32>,
      %get3A_769 = vector.shape_cast %get3A_768 : vector<1x16xf32> to vector<16xf32>
      %neg3A_770 = arith.constant 0.000000e+00 : f32
      %neg3A_771 = vector.broadcast %neg3A_770 : f32 to vector<16xf32>
      %neg3A_772 = arith.subf %neg3A_771, %get3A_769 : vector<16xf32>
      %exp3A_773 = math.exp %neg3A_772 : vector<16xf32>
      %add3A_774 = arith.constant 1.000000e+00 : f32
      %add3A_775 = vector.broadcast %add3A_774 : f32 to vector<16xf32>
      %add3A_776 = arith.addf %add3A_775, %exp3A_773 : vector<16xf32>
      %div3A_777 = arith.constant 1.000000e+00 : f32
      %div3A_778 = vector.broadcast %div3A_777 : f32 to vector<16xf32>
      %div3A_779 = arith.divf %div3A_778, %add3A_776 : vector<16xf32>
      %swap3A_780 = arith.index_cast %scan3A_332 : i32 to index
      %swap3A_781 = arith.constant 368 : index
      %swap3A_782 = tpu.vector_load %arg4[%swap3A_780, %swap3A_781] {strides = array<i32>} : memref<64x512xf32, #tpu.memory_space<vmem>>, vector<1x16xf32>,
      %swap3A_783 = vector.shape_cast %swap3A_782 : vector<1x16xf32> to vector<16xf32>
      %swap3A_784 = vector.shape_cast %div3A_779 : vector<16xf32> to vector<1x16xf32>
      tpu.vector_store %arg4[%swap3A_780, %swap3A_781], %swap3A_784 {strides = array<i32>} : memref<64x512xf32, #tpu.memory_space<vmem>>, vector<1x16xf32>,
      %get3A_785 = arith.index_cast %scan3A_332 : i32 to index
      %get3A_786 = arith.constant 384 : index
      %get3A_787 = tpu.vector_load %arg4[%get3A_785, %get3A_786] {strides = array<i32>} : memref<64x512xf32, #tpu.memory_space<vmem>>, vector<1x16xf32>,
      %get3A_788 = vector.shape_cast %get3A_787 : vector<1x16xf32> to vector<16xf32>
      %neg3A_789 = arith.constant 0.000000e+00 : f32
      %neg3A_790 = vector.broadcast %neg3A_789 : f32 to vector<16xf32>
      %neg3A_791 = arith.subf %neg3A_790, %get3A_788 : vector<16xf32>
      %exp3A_792 = math.exp %neg3A_791 : vector<16xf32>
      %add3A_793 = arith.constant 1.000000e+00 : f32
      %add3A_794 = vector.broadcast %add3A_793 : f32 to vector<16xf32>
      %add3A_795 = arith.addf %add3A_794, %exp3A_792 : vector<16xf32>
      %div3A_796 = arith.constant 1.000000e+00 : f32
      %div3A_797 = vector.broadcast %div3A_796 : f32 to vector<16xf32>
      %div3A_798 = arith.divf %div3A_797, %add3A_795 : vector<16xf32>
      %swap3A_799 = arith.index_cast %scan3A_332 : i32 to index
      %swap3A_800 = arith.constant 384 : index
      %swap3A_801 = tpu.vector_load %arg4[%swap3A_799, %swap3A_800] {strides = array<i32>} : memref<64x512xf32, #tpu.memory_space<vmem>>, vector<1x16xf32>,
      %swap3A_802 = vector.shape_cast %swap3A_801 : vector<1x16xf32> to vector<16xf32>
      %swap3A_803 = vector.shape_cast %div3A_798 : vector<16xf32> to vector<1x16xf32>
      tpu.vector_store %arg4[%swap3A_799, %swap3A_800], %swap3A_803 {strides = array<i32>} : memref<64x512xf32, #tpu.memory_space<vmem>>, vector<1x16xf32>,
      %get3A_804 = arith.index_cast %scan3A_332 : i32 to index
      %get3A_805 = arith.constant 400 : index
      %get3A_806 = tpu.vector_load %arg4[%get3A_804, %get3A_805] {strides = array<i32>} : memref<64x512xf32, #tpu.memory_space<vmem>>, vector<1x16xf32>,
      %get3A_807 = vector.shape_cast %get3A_806 : vector<1x16xf32> to vector<16xf32>
      %neg3A_808 = arith.constant 0.000000e+00 : f32
      %neg3A_809 = vector.broadcast %neg3A_808 : f32 to vector<16xf32>
      %neg3A_810 = arith.subf %neg3A_809, %get3A_807 : vector<16xf32>
      %exp3A_811 = math.exp %neg3A_810 : vector<16xf32>
      %add3A_812 = arith.constant 1.000000e+00 : f32
      %add3A_813 = vector.broadcast %add3A_812 : f32 to vector<16xf32>
      %add3A_814 = arith.addf %add3A_813, %exp3A_811 : vector<16xf32>
      %div3A_815 = arith.constant 1.000000e+00 : f32
      %div3A_816 = vector.broadcast %div3A_815 : f32 to vector<16xf32>
      %div3A_817 = arith.divf %div3A_816, %add3A_814 : vector<16xf32>
      %swap3A_818 = arith.index_cast %scan3A_332 : i32 to index
      %swap3A_819 = arith.constant 400 : index
      %swap3A_820 = tpu.vector_load %arg4[%swap3A_818, %swap3A_819] {strides = array<i32>} : memref<64x512xf32, #tpu.memory_space<vmem>>, vector<1x16xf32>,
      %swap3A_821 = vector.shape_cast %swap3A_820 : vector<1x16xf32> to vector<16xf32>
      %swap3A_822 = vector.shape_cast %div3A_817 : vector<16xf32> to vector<1x16xf32>
      tpu.vector_store %arg4[%swap3A_818, %swap3A_819], %swap3A_822 {strides = array<i32>} : memref<64x512xf32, #tpu.memory_space<vmem>>, vector<1x16xf32>,
      %get3A_823 = arith.index_cast %scan3A_332 : i32 to index
      %get3A_824 = arith.constant 416 : index
      %get3A_825 = tpu.vector_load %arg4[%get3A_823, %get3A_824] {strides = array<i32>} : memref<64x512xf32, #tpu.memory_space<vmem>>, vector<1x16xf32>,
      %get3A_826 = vector.shape_cast %get3A_825 : vector<1x16xf32> to vector<16xf32>
      %neg3A_827 = arith.constant 0.000000e+00 : f32
      %neg3A_828 = vector.broadcast %neg3A_827 : f32 to vector<16xf32>
      %neg3A_829 = arith.subf %neg3A_828, %get3A_826 : vector<16xf32>
      %exp3A_830 = math.exp %neg3A_829 : vector<16xf32>
      %add3A_831 = arith.constant 1.000000e+00 : f32
      %add3A_832 = vector.broadcast %add3A_831 : f32 to vector<16xf32>
      %add3A_833 = arith.addf %add3A_832, %exp3A_830 : vector<16xf32>
      %div3A_834 = arith.constant 1.000000e+00 : f32
      %div3A_835 = vector.broadcast %div3A_834 : f32 to vector<16xf32>
      %div3A_836 = arith.divf %div3A_835, %add3A_833 : vector<16xf32>
      %swap3A_837 = arith.index_cast %scan3A_332 : i32 to index
      %swap3A_838 = arith.constant 416 : index
      %swap3A_839 = tpu.vector_load %arg4[%swap3A_837, %swap3A_838] {strides = array<i32>} : memref<64x512xf32, #tpu.memory_space<vmem>>, vector<1x16xf32>,
      %swap3A_840 = vector.shape_cast %swap3A_839 : vector<1x16xf32> to vector<16xf32>
      %swap3A_841 = vector.shape_cast %div3A_836 : vector<16xf32> to vector<1x16xf32>
      tpu.vector_store %arg4[%swap3A_837, %swap3A_838], %swap3A_841 {strides = array<i32>} : memref<64x512xf32, #tpu.memory_space<vmem>>, vector<1x16xf32>,
      %get3A_842 = arith.index_cast %scan3A_332 : i32 to index
      %get3A_843 = arith.constant 432 : index
      %get3A_844 = tpu.vector_load %arg4[%get3A_842, %get3A_843] {strides = array<i32>} : memref<64x512xf32, #tpu.memory_space<vmem>>, vector<1x16xf32>,
      %get3A_845 = vector.shape_cast %get3A_844 : vector<1x16xf32> to vector<16xf32>
      %neg3A_846 = arith.constant 0.000000e+00 : f32
      %neg3A_847 = vector.broadcast %neg3A_846 : f32 to vector<16xf32>
      %neg3A_848 = arith.subf %neg3A_847, %get3A_845 : vector<16xf32>
      %exp3A_849 = math.exp %neg3A_848 : vector<16xf32>
      %add3A_850 = arith.constant 1.000000e+00 : f32
      %add3A_851 = vector.broadcast %add3A_850 : f32 to vector<16xf32>
      %add3A_852 = arith.addf %add3A_851, %exp3A_849 : vector<16xf32>
      %div3A_853 = arith.constant 1.000000e+00 : f32
      %div3A_854 = vector.broadcast %div3A_853 : f32 to vector<16xf32>
      %div3A_855 = arith.divf %div3A_854, %add3A_852 : vector<16xf32>
      %swap3A_856 = arith.index_cast %scan3A_332 : i32 to index
      %swap3A_857 = arith.constant 432 : index
      %swap3A_858 = tpu.vector_load %arg4[%swap3A_856, %swap3A_857] {strides = array<i32>} : memref<64x512xf32, #tpu.memory_space<vmem>>, vector<1x16xf32>,
      %swap3A_859 = vector.shape_cast %swap3A_858 : vector<1x16xf32> to vector<16xf32>
      %swap3A_860 = vector.shape_cast %div3A_855 : vector<16xf32> to vector<1x16xf32>
      tpu.vector_store %arg4[%swap3A_856, %swap3A_857], %swap3A_860 {strides = array<i32>} : memref<64x512xf32, #tpu.memory_space<vmem>>, vector<1x16xf32>,
      %get3A_861 = arith.index_cast %scan3A_332 : i32 to index
      %get3A_862 = arith.constant 448 : index
      %get3A_863 = tpu.vector_load %arg4[%get3A_861, %get3A_862] {strides = array<i32>} : memref<64x512xf32, #tpu.memory_space<vmem>>, vector<1x16xf32>,
      %get3A_864 = vector.shape_cast %get3A_863 : vector<1x16xf32> to vector<16xf32>
      %neg3A_865 = arith.constant 0.000000e+00 : f32
      %neg3A_866 = vector.broadcast %neg3A_865 : f32 to vector<16xf32>
      %neg3A_867 = arith.subf %neg3A_866, %get3A_864 : vector<16xf32>
      %exp3A_868 = math.exp %neg3A_867 : vector<16xf32>
      %add3A_869 = arith.constant 1.000000e+00 : f32
      %add3A_870 = vector.broadcast %add3A_869 : f32 to vector<16xf32>
      %add3A_871 = arith.addf %add3A_870, %exp3A_868 : vector<16xf32>
      %div3A_872 = arith.constant 1.000000e+00 : f32
      %div3A_873 = vector.broadcast %div3A_872 : f32 to vector<16xf32>
      %div3A_874 = arith.divf %div3A_873, %add3A_871 : vector<16xf32>
      %swap3A_875 = arith.index_cast %scan3A_332 : i32 to index
      %swap3A_876 = arith.constant 448 : index
      %swap3A_877 = tpu.vector_load %arg4[%swap3A_875, %swap3A_876] {strides = array<i32>} : memref<64x512xf32, #tpu.memory_space<vmem>>, vector<1x16xf32>,
      %swap3A_878 = vector.shape_cast %swap3A_877 : vector<1x16xf32> to vector<16xf32>
      %swap3A_879 = vector.shape_cast %div3A_874 : vector<16xf32> to vector<1x16xf32>
      tpu.vector_store %arg4[%swap3A_875, %swap3A_876], %swap3A_879 {strides = array<i32>} : memref<64x512xf32, #tpu.memory_space<vmem>>, vector<1x16xf32>,
      %get3A_880 = arith.index_cast %scan3A_332 : i32 to index
      %get3A_881 = arith.constant 464 : index
      %get3A_882 = tpu.vector_load %arg4[%get3A_880, %get3A_881] {strides = array<i32>} : memref<64x512xf32, #tpu.memory_space<vmem>>, vector<1x16xf32>,
      %get3A_883 = vector.shape_cast %get3A_882 : vector<1x16xf32> to vector<16xf32>
      %neg3A_884 = arith.constant 0.000000e+00 : f32
      %neg3A_885 = vector.broadcast %neg3A_884 : f32 to vector<16xf32>
      %neg3A_886 = arith.subf %neg3A_885, %get3A_883 : vector<16xf32>
      %exp3A_887 = math.exp %neg3A_886 : vector<16xf32>
      %add3A_888 = arith.constant 1.000000e+00 : f32
      %add3A_889 = vector.broadcast %add3A_888 : f32 to vector<16xf32>
      %add3A_890 = arith.addf %add3A_889, %exp3A_887 : vector<16xf32>
      %div3A_891 = arith.constant 1.000000e+00 : f32
      %div3A_892 = vector.broadcast %div3A_891 : f32 to vector<16xf32>
      %div3A_893 = arith.divf %div3A_892, %add3A_890 : vector<16xf32>
      %swap3A_894 = arith.index_cast %scan3A_332 : i32 to index
      %swap3A_895 = arith.constant 464 : index
      %swap3A_896 = tpu.vector_load %arg4[%swap3A_894, %swap3A_895] {strides = array<i32>} : memref<64x512xf32, #tpu.memory_space<vmem>>, vector<1x16xf32>,
      %swap3A_897 = vector.shape_cast %swap3A_896 : vector<1x16xf32> to vector<16xf32>
      %swap3A_898 = vector.shape_cast %div3A_893 : vector<16xf32> to vector<1x16xf32>
      tpu.vector_store %arg4[%swap3A_894, %swap3A_895], %swap3A_898 {strides = array<i32>} : memref<64x512xf32, #tpu.memory_space<vmem>>, vector<1x16xf32>,
      %get3A_899 = arith.index_cast %scan3A_332 : i32 to index
      %get3A_900 = arith.constant 480 : index
      %get3A_901 = tpu.vector_load %arg4[%get3A_899, %get3A_900] {strides = array<i32>} : memref<64x512xf32, #tpu.memory_space<vmem>>, vector<1x16xf32>,
      %get3A_902 = vector.shape_cast %get3A_901 : vector<1x16xf32> to vector<16xf32>
      %neg3A_903 = arith.constant 0.000000e+00 : f32
      %neg3A_904 = vector.broadcast %neg3A_903 : f32 to vector<16xf32>
      %neg3A_905 = arith.subf %neg3A_904, %get3A_902 : vector<16xf32>
      %exp3A_906 = math.exp %neg3A_905 : vector<16xf32>
      %add3A_907 = arith.constant 1.000000e+00 : f32
      %add3A_908 = vector.broadcast %add3A_907 : f32 to vector<16xf32>
      %add3A_909 = arith.addf %add3A_908, %exp3A_906 : vector<16xf32>
      %div3A_910 = arith.constant 1.000000e+00 : f32
      %div3A_911 = vector.broadcast %div3A_910 : f32 to vector<16xf32>
      %div3A_912 = arith.divf %div3A_911, %add3A_909 : vector<16xf32>
      %swap3A_913 = arith.index_cast %scan3A_332 : i32 to index
      %swap3A_914 = arith.constant 480 : index
      %swap3A_915 = tpu.vector_load %arg4[%swap3A_913, %swap3A_914] {strides = array<i32>} : memref<64x512xf32, #tpu.memory_space<vmem>>, vector<1x16xf32>,
      %swap3A_916 = vector.shape_cast %swap3A_915 : vector<1x16xf32> to vector<16xf32>
      %swap3A_917 = vector.shape_cast %div3A_912 : vector<16xf32> to vector<1x16xf32>
      tpu.vector_store %arg4[%swap3A_913, %swap3A_914], %swap3A_917 {strides = array<i32>} : memref<64x512xf32, #tpu.memory_space<vmem>>, vector<1x16xf32>,
      %get3A_918 = arith.index_cast %scan3A_332 : i32 to index
      %get3A_919 = arith.constant 496 : index
      %get3A_920 = tpu.vector_load %arg4[%get3A_918, %get3A_919] {strides = array<i32>} : memref<64x512xf32, #tpu.memory_space<vmem>>, vector<1x16xf32>,
      %get3A_921 = vector.shape_cast %get3A_920 : vector<1x16xf32> to vector<16xf32>
      %neg3A_922 = arith.constant 0.000000e+00 : f32
      %neg3A_923 = vector.broadcast %neg3A_922 : f32 to vector<16xf32>
      %neg3A_924 = arith.subf %neg3A_923, %get3A_921 : vector<16xf32>
      %exp3A_925 = math.exp %neg3A_924 : vector<16xf32>
      %add3A_926 = arith.constant 1.000000e+00 : f32
      %add3A_927 = vector.broadcast %add3A_926 : f32 to vector<16xf32>
      %add3A_928 = arith.addf %add3A_927, %exp3A_925 : vector<16xf32>
      %div3A_929 = arith.constant 1.000000e+00 : f32
      %div3A_930 = vector.broadcast %div3A_929 : f32 to vector<16xf32>
      %div3A_931 = arith.divf %div3A_930, %add3A_928 : vector<16xf32>
      %swap3A_932 = arith.index_cast %scan3A_332 : i32 to index
      %swap3A_933 = arith.constant 496 : index
      %swap3A_934 = tpu.vector_load %arg4[%swap3A_932, %swap3A_933] {strides = array<i32>} : memref<64x512xf32, #tpu.memory_space<vmem>>, vector<1x16xf32>,
      %swap3A_935 = vector.shape_cast %swap3A_934 : vector<1x16xf32> to vector<16xf32>
      %swap3A_936 = vector.shape_cast %div3A_931 : vector<16xf32> to vector<1x16xf32>
      tpu.vector_store %arg4[%swap3A_932, %swap3A_933], %swap3A_936 {strides = array<i32>} : memref<64x512xf32, #tpu.memory_space<vmem>>, vector<1x16xf32>,
    }
    %scan3A_291 = arith.constant 64 : i32
    %add3A_292 = arith.constant 80 : i32
    %add3A_293 = arith.addi %select_n3A_150, %add3A_292 : i32
    %mul3A_294 = arith.constant 64 : i32
    %mul3A_295 = arith.muli %select_n3A_166, %mul3A_294 : i32
    %dma_start3A_296 = arith.constant 0 : i32
    %dma_start3A_297 = tpu.memref_slice %arg3[%add3A_293, %mul3A_295, %dma_start3A_296] : memref<96x512x512xf32, #tpu.memory_space<hbm>> -> memref<1x64x512xf32, #tpu.memory_space<hbm>>
    %dma_start3A_298 = tpu.memref_squeeze %dma_start3A_297 : memref<1x64x512xf32, #tpu.memory_space<hbm>> -> memref<64x512xf32, #tpu.memory_space<hbm>>
    %dma_start3A_299 = arith.constant 0 : i32
    %dma_start3A_300 = tpu.memref_slice %arg3[%add3A_293, %mul3A_295, %dma_start3A_299] : memref<96x512x512xf32, #tpu.memory_space<hbm>> -> memref<1x64x512xf32, #tpu.memory_space<hbm>>
    %dma_start3A_301 = tpu.memref_squeeze %dma_start3A_300 : memref<1x64x512xf32, #tpu.memory_space<hbm>> -> memref<64x512xf32, #tpu.memory_space<hbm>>
    tpu.enqueue_dma source(%arg4 : memref<64x512xf32, #tpu.memory_space<vmem>>) target(%dma_start3A_301 : memref<64x512xf32, #tpu.memory_space<hbm>>) target_semaphore(%arg10 : memref<!tpu.dma_semaphore, #tpu.memory_space<semaphore_mem>>)
    %add3A_302 = arith.constant 80 : i32
    %add3A_303 = arith.addi %select_n3A_62, %add3A_302 : i32
    %mul3A_304 = arith.constant 64 : i32
    %mul3A_305 = arith.muli %select_n3A_78, %mul3A_304 : i32
    %dma_wait3A_306 = arith.constant 0 : i32
    %dma_wait3A_307 = tpu.memref_slice %arg3[%add3A_303, %mul3A_305, %dma_wait3A_306] : memref<96x512x512xf32, #tpu.memory_space<hbm>> -> memref<1x64x512xf32, #tpu.memory_space<hbm>>
    %dma_wait3A_308 = tpu.memref_squeeze %dma_wait3A_307 : memref<1x64x512xf32, #tpu.memory_space<hbm>> -> memref<64x512xf32, #tpu.memory_space<hbm>>
    %dma_wait3A_309 = arith.constant 0 : i32
    %dma_wait3A_310 = tpu.memref_slice %arg3[%add3A_303, %mul3A_305, %dma_wait3A_309] : memref<96x512x512xf32, #tpu.memory_space<hbm>> -> memref<1x64x512xf32, #tpu.memory_space<hbm>>
    %dma_wait3A_311 = tpu.memref_squeeze %dma_wait3A_310 : memref<1x64x512xf32, #tpu.memory_space<hbm>> -> memref<64x512xf32, #tpu.memory_space<hbm>>
    tpu.wait_dma2 semaphore(%arg11 : memref<!tpu.dma_semaphore, #tpu.memory_space<semaphore_mem>>) src(%arg5 : memref<64x512xf32, #tpu.memory_space<vmem>>) dst(%dma_wait3A_311 : memref<64x512xf32, #tpu.memory_space<hbm>>)
    %add3A_312 = arith.constant 80 : i32
    %add3A_313 = arith.addi %select_n3A_106, %add3A_312 : i32
    %mul3A_314 = arith.constant 64 : i32
    %mul3A_315 = arith.muli %select_n3A_122, %mul3A_314 : i32
    %dma_wait3A_316 = arith.constant 0 : i32
    %dma_wait3A_317 = tpu.memref_slice %arg3[%add3A_313, %mul3A_315, %dma_wait3A_316] : memref<96x512x512xf32, #tpu.memory_space<hbm>> -> memref<1x64x512xf32, #tpu.memory_space<hbm>>
    %dma_wait3A_318 = tpu.memref_squeeze %dma_wait3A_317 : memref<1x64x512xf32, #tpu.memory_space<hbm>> -> memref<64x512xf32, #tpu.memory_space<hbm>>
    %dma_wait3A_319 = arith.constant 0 : i32
    %dma_wait3A_320 = tpu.memref_slice %arg3[%add3A_313, %mul3A_315, %dma_wait3A_319] : memref<96x512x512xf32, #tpu.memory_space<hbm>> -> memref<1x64x512xf32, #tpu.memory_space<hbm>>
    %dma_wait3A_321 = tpu.memref_squeeze %dma_wait3A_320 : memref<1x64x512xf32, #tpu.memory_space<hbm>> -> memref<64x512xf32, #tpu.memory_space<hbm>>
    tpu.wait_dma2 semaphore(%arg12 : memref<!tpu.dma_semaphore, #tpu.memory_space<semaphore_mem>>) src(%arg6 : memref<64x512xf32, #tpu.memory_space<vmem>>) dst(%dma_wait3A_321 : memref<64x512xf32, #tpu.memory_space<hbm>>)
    %add3A_322 = arith.constant 80 : i32
    %add3A_323 = arith.addi %select_n3A_150, %add3A_322 : i32
    %mul3A_324 = arith.constant 64 : i32
    %mul3A_325 = arith.muli %select_n3A_166, %mul3A_324 : i32
    %dma_wait3A_326 = arith.constant 0 : i32
    %dma_wait3A_327 = tpu.memref_slice %arg3[%add3A_323, %mul3A_325, %dma_wait3A_326] : memref<96x512x512xf32, #tpu.memory_space<hbm>> -> memref<1x64x512xf32, #tpu.memory_space<hbm>>
    %dma_wait3A_328 = tpu.memref_squeeze %dma_wait3A_327 : memref<1x64x512xf32, #tpu.memory_space<hbm>> -> memref<64x512xf32, #tpu.memory_space<hbm>>
    %dma_wait3A_329 = arith.constant 0 : i32
    %dma_wait3A_330 = tpu.memref_slice %arg3[%add3A_323, %mul3A_325, %dma_wait3A_329] : memref<96x512x512xf32, #tpu.memory_space<hbm>> -> memref<1x64x512xf32, #tpu.memory_space<hbm>>
    %dma_wait3A_331 = tpu.memref_squeeze %dma_wait3A_330 : memref<1x64x512xf32, #tpu.memory_space<hbm>> -> memref<64x512xf32, #tpu.memory_space<hbm>>
    tpu.wait_dma2 semaphore(%arg10 : memref<!tpu.dma_semaphore, #tpu.memory_space<semaphore_mem>>) src(%arg4 : memref<64x512xf32, #tpu.memory_space<vmem>>) dst(%dma_wait3A_331 : memref<64x512xf32, #tpu.memory_space<hbm>>)
    return
  }
}

module attributes {stable_mosaic.version = 14 : i64} {
  func.func @_tc_copy(%arg0: i32, %arg1: memref<8x512x512xf32, #tpu.memory_space<vmem>>, %arg2: memref<96x512x512xf32, #tpu.memory_space<hbm>>, %arg3: memref<8x512x512xf32, #tpu.memory_space<vmem>>) attributes {dimension_semantics = [#tpu.dimension_semantics<arbitrary>], iteration_bounds = array<i64: 10>, scalar_prefetch = 0 : i64, scratch_operands = 0 : i64, tpu.core_type = #tpu.core_type<tc>, window_params = [{transform_indices = @transform_0, window_bounds = array<i64: 8, 512, 512>}, {}, {transform_indices = @transform_2, window_bounds = array<i64: 8, 512, 512>}]} {
    %get3A = arith.constant 0 : index
    %get3A_0 = arith.constant 0 : index
    %get3A_1 = arith.constant 0 : index
    %get3A_2 = vector.load %arg1[%get3A, %get3A_0, %get3A_1] : memref<8x512x512xf32, #tpu.memory_space<vmem>>, vector<8x512x512xf32>
    %swap3A = arith.constant 0 : index
    %swap3A_3 = arith.constant 0 : index
    %swap3A_4 = arith.constant 0 : index
    %swap3A_5 = vector.load %arg3[%swap3A, %swap3A_3, %swap3A_4] : memref<8x512x512xf32, #tpu.memory_space<vmem>>, vector<8x512x512xf32>
    tpu.vector_store %arg3[%swap3A, %swap3A_3, %swap3A_4], %get3A_2 {strides = array<i32>} : memref<8x512x512xf32, #tpu.memory_space<vmem>>, vector<8x512x512xf32>,
    return
  }
  func.func @transform_0(%arg0: i32) -> (i32, i32, i32) {
    %c0_i32 = arith.constant 0 : i32
    %c0_i32_0 = arith.constant 0 : i32
    %c0_i32_1 = arith.constant 0 : i32
    return %arg0, %c0_i32, %c0_i32_0 : i32, i32, i32
  }
  func.func @transform_2(%arg0: i32) -> (i32, i32, i32) {
    %c0_i32 = arith.constant 0 : i32
    %c0_i32_0 = arith.constant 0 : i32
    %c0_i32_1 = arith.constant 0 : i32
    return %arg0, %c0_i32, %c0_i32_0 : i32, i32, i32
  }
}

</mosaic_0001>

<sc_bundles>
// kernel: kernel.4.cloned.1.call-start
scs
__scs_entry_jumppad:
0x0: {  	(pc) =	sbr.rel $0x88, $3  }
0x1: {  	(tag) =	ssettag $0x0;
	lr =	simm.s32 $0x1  }
0x2: {  	[smem:$0x3F9F] =	sst lr;
	_ =	strace $0xD0000000  }
0x3: {  	_ = 	snop  }
0x4: {  	_ = 	snop  }
0x5: {  	_ = 	snop  }
0x6: {  	_ = 	snop  }
0x7: {  	_ = 	snop  }
__scs_overlays_trampoline_lowered:
0x8: {  	[smem:$0x3FAE] =	sst s0  }
0x9: {  	[smem:$0x3FAF] =	sst s1  }
0xa: {  	[smem:$0x3FB0] =	sst s2  }
0xb: {  	[smem:$0x3FB1] =	sst s3  }
0xc: {  	[smem:$0x3FB2] =	sst s4  }
0xd: {  	[smem:$0x3FB3] =	sst s5  }
0xe: {  	[smem:$0x3FB4] =	sst s6  }
0xf: {  	[smem:$0x3FB5] =	sst s7  }
0x10: {  	[smem:$0x3FB6] =	sst s8  }
0x11: {  	[smem:$0x3FB7] =	sst s9;
	s0 =	simm.s32 @!p0 $0x0  }
0x12: {  	s1 =	sld [smem:$0x3F9D];
	s0 =	simm.s32 @p0 $0x1  }
0x13: {  	[smem:$0x3FB8] =	sst s0;
	s0 =	simm.s32 @!p1 $0x0  }
0x14: {  	s2 =	sld [smem:$0x3F9C];
	s0 =	simm.s32 @p1 $0x1  }
0x15: {  	[smem:$0x3FB9] =	sst s0;
	s0 =	simm.s32 @!p2 $0x0  }
0x16: {  	s3 =	sld [smem:$0x3FDB];
	s0 =	simm.s32 @p2 $0x1  }
0x17: {  	s4 =	simm.s32 $0x1BF5;
	[smem:$0x3FBB] =	sst s0  }
0x18: {  	s0 =	sld [smem:$0x3F9E];
	_ =	swait.ge [sflag:s4], $0x0  }
0x19: {  	s7 =	sld [smem:$0x3F9F]  }
0x1a: {  	s8 =	sadd.s32 $0xFFFFE003, lr  }
0x1b: {  	s9 =	sadd.s32 $0xFFFFFEF7, lr;
	s5 =	simm.s32 $0xFFFFFFFF;
	p2 =	slt.u32 s8, $0xFFFFF086  }
0x1c: {  	p1 =	slt.u32 s9, $0xF7A;
	s5 =	simm.s32 @!p2 $0x0  }
0x1d: {  	s5 =	simm.s32 @p1 $0x1;
	p0 =	seq.s32 s7, s2  }
0x1e: {  	s7 =	smul.u32 @!p0 $0xF7A, s2;
	p2 =	seq.s32 @!p0 s5, $0x0  }
0x1f: {  	s9 =	smul.u32 $0xF7A, s1;
	s8 =	simm.s32 @!p0 $0x1BF5;
	p2 =	por !p2, p0  }
0x20: {  	[sflag:s8] =	ssyncset.s32 @!p0 $0xFFFFF086;
	s6 =	sadd.s32 @!p0 s3, s7;
	s7 =	simm.s32 @!p0 $0x108  }
0x21: {  	s3 =	sadd.s32 s3, s9;
	s6 =	sadd.s32 @!p0 $0x88, s6;
	s7 =	simm.s32 @p2 $0x1082  }
0x22: {  	[simem:s7], [sflag:s8] =	dma.local @!p0 [hbm:s6], $0xF7A  }
0x23: {  	s9 =	sor.u32 $0xD0000000, s2;
	s6 =	simm.s32 $0x108;
	_ =	swait.ge @!p0 [sflag:s8], $0x0  }
0x24: {  	s3 =	sadd.s32 $0x88, s3;
	s6 =	simm.s32 @!p1 $0x1082;
	[sflag:s4] =	ssyncset.s32 $0xFFFFF086  }
0x25: {  	[simem:s6], [sflag:s4] =	dma.local [hbm:s3], $0xF7A  }
0x26: {  	[smem:$0x3F9F] =	sst s1;
	(tag) =	ssettag s2;
	_ =	strace s9  }
0x27: {  	s1 =	sld [smem:$0x3FAF]  }
0x28: {  	s2 =	sld [smem:$0x3FB0]  }
0x29: {  	s4 =	sld [smem:$0x3FB2]  }
0x2a: {  	p0 =	seq.s32 s5, $0x0;
	s5 =	sld [smem:$0x3FB3]  }
0x2b: {  	s6 =	sld [smem:$0x3FB4]  }
0x2c: {  	s7 =	sld [smem:$0x3FB5]  }
0x2d: {  	s3 =	simm.s32 $0x108;
	s8 =	sld [smem:$0x3FB6]  }
0x2e: {  	s3 =	simm.s32 @!p0 $0x1082;
	s9 =	sld [smem:$0x3FB7]  }
0x2f: {  	lr =	sadd.s32 s0, s3;
	s0 =	sld [smem:$0x3FAE]  }
0x30: {  	s3 =	sld [smem:$0x3FB1]  }
0x31: {  	[smem:$0x3FBA] =	sst s10  }
0x32: {  	s10 =	sld [smem:$0x3FB8];
	_ =	sdelay $0x3  }
0x33: {  	p0 =	seq.s32 s10, $0x1;
	s10 =	sld [smem:$0x3FBA];
	_ =	sdelay $0x3  }
0x34: {  	[smem:$0x3FBA] =	sst s10  }
0x35: {  	s10 =	sld [smem:$0x3FB9];
	_ =	sdelay $0x3  }
0x36: {  	p1 =	seq.s32 s10, $0x1;
	s10 =	sld [smem:$0x3FBA];
	_ =	sdelay $0x3  }
0x37: {  	[smem:$0x3FBA] =	sst s10  }
0x38: {  	s10 =	sld [smem:$0x3FBB]  }
0x39: {  	_ = 	snop;
	(pc) =	sbr.ind lr, $3  }
0x3a: {  	_ = 	snop  }
0x3b: {  	_ = 	snop  }
0x3c: {  	p2 =	seq.s32 s10, $0x1;
	s10 =	sld [smem:$0x3FBA]  }
0x3d: {  	_ =	shalt  }
0x3e: {  	_ =	shalt  }
0x3f: {  	_ =	shalt  }
0x40: {  	_ =	shalt  }
0x41: {  	_ =	shalt  }
0x42: {  	_ =	shalt  }
0x43: {  	_ =	shalt  }
0x44: {  	_ =	shalt  }
0x45: {  	_ =	shalt  }
0x46: {  	_ =	shalt  }
0x47: {  	_ =	shalt  }
0x48: {  	_ =	shalt  }
0x49: {  	_ =	shalt  }
0x4a: {  	_ =	shalt  }
0x4b: {  	_ =	shalt  }
0x4c: {  	_ =	shalt  }
0x4d: {  	_ =	shalt  }
0x4e: {  	_ =	shalt  }
0x4f: {  	_ =	shalt  }
0x50: {  	_ =	shalt  }
0x51: {  	_ =	shalt  }
0x52: {  	_ =	shalt  }
0x53: {  	_ =	shalt  }
0x54: {  	_ =	shalt  }
0x55: {  	_ =	shalt  }
0x56: {  	_ =	shalt  }
0x57: {  	_ =	shalt  }
0x58: {  	_ =	shalt  }
0x59: {  	_ =	shalt  }
0x5a: {  	_ =	shalt  }
0x5b: {  	_ =	shalt  }
0x5c: {  	_ =	shalt  }
0x5d: {  	_ =	shalt  }
0x5e: {  	_ =	shalt  }
0x5f: {  	_ =	shalt  }
0x60: {  	_ =	shalt  }
0x61: {  	_ =	shalt  }
0x62: {  	_ =	shalt  }
0x63: {  	_ =	shalt  }
0x64: {  	_ =	shalt  }
0x65: {  	_ =	shalt  }
0x66: {  	_ =	shalt  }
0x67: {  	_ =	shalt  }
0x68: {  	_ =	shalt  }
0x69: {  	_ =	shalt  }
0x6a: {  	_ =	shalt  }
0x6b: {  	_ =	shalt  }
0x6c: {  	_ =	shalt  }
0x6d: {  	_ =	shalt  }
0x6e: {  	_ =	shalt  }
0x6f: {  	_ =	shalt  }
0x70: {  	_ =	shalt  }
0x71: {  	_ =	shalt  }
0x72: {  	_ =	shalt  }
0x73: {  	_ =	shalt  }
0x74: {  	_ =	shalt  }
0x75: {  	_ =	shalt  }
0x76: {  	_ =	shalt  }
0x77: {  	_ =	shalt  }
0x78: {  	_ =	shalt  }
0x79: {  	_ =	shalt  }
0x7a: {  	_ =	shalt  }
0x7b: {  	_ =	shalt  }
0x7c: {  	_ =	shalt  }
0x7d: {  	_ =	shalt  }
0x7e: {  	_ =	shalt  }
0x7f: {  	_ =	shalt  }
0x80: {  	_ =	shalt  }
0x81: {  	_ =	shalt  }
0x82: {  	_ =	shalt  }
0x83: {  	_ =	shalt  }
0x84: {  	_ =	shalt  }
0x85: {  	_ =	shalt  }
0x86: {  	_ =	shalt  }
0x87: {  	_ =	shalt  }
.Lfunc_end0:
.L_simem_size_0:
called_computation_lowered:
.L_overlay_start_0:
0x88: {  	s2 =	sld [smem:$0x3FD9]  }
0x89: {  	s3 =	sld [smem:$0x3FFE];
	_ =	sdelay $0x1  }
0x8a: {  	s1 =	srdreg.scid  }
0x8b: {  	s0 =	sand.u32 $0x1, s1  }
0x8c: {  	s18 =	sshll.u32 s0, $0xA;
	s2 =	sadd.s32 s3, s2  }
0x8d: {  	s2 =	sadd.s32 s2, s18  }
0x8e: {  	[smem:$0x3FC6] =	sst s2  }
0x8f: {  	_ = 	snop  }
0x90: {  	s2 =	sld [smem:$0x3FC8]  }
0x91: {  	s19 =	sld [smem:$0x3FD0];
	(tm) =	ssettm $0x1  }
0x92: {  	s4 =	sld [smem:$0x3FFB];
	_ =	sdelay $0x3  }
0x93: {  	_ =	strace s4  }
0x94: {  	s4 =	sld [smem:$0x3FFC];
	_ =	sdelay $0x3  }
0x95: {  	_ =	strace s4  }
0x96: {  	s4 =	sld [smem:$0x3FFD];
	_ =	sdelay $0x3  }
0x97: {  	_ =	strace s4  }
0x98: {  	_ =	strace $0x8FFFFFFF  }
0x99: {  	s20 =	sld [smem:$0x3FDB];
	_ =	sdelay $0x1  }
0x9a: {  	s5 =	simm.s32 $_scs_section_size  }
0x9b: {  	s6 =	simm.s32 $_size__tile_overlayer_lowered;
	s7 =	simm.s32 $_tile_overlayer_lowered  }
0x9c: {  	s23 =	simm.s32 $0x1BFF;
	s22 =	sshll.u32 s7, $0x1;
	s4 =	sadd.s32 s5, s20  }
0x9d: {  	s8 =	simm.s32 $0x0;
	s21 =	sshll.u32 s6, $0x1;
	s6 =	sadd.s32 s22, s4  }
0x9e: {  	[timem:s8], [sflag:s23] =	dma.local [hbm:s6], s21  }
0x9f: {  	_ =	swait.ge [sflag:s23], s21  }
0xa0: {  	s5 =	ssub.s32 $0x0, s21;
	[sflag:s23] =	ssyncset.done $0x0  }
0xa1: {  	[sflag:s23] =	ssyncadd.s32 s5;
	_ =	sdelay $0x1  }
0xa2: {  	s24 =	simm.s32 $0x1B8B  }
0xa3: {  	_ =	swait.ge [sflag:s24], $0x1  }
0xa4: {  	[sflag:s24] =	ssyncset.done $0x0  }
0xa5: {  	s25 =	simm.s32 $0x1B8E;
	[sflag:s24] =	ssyncadd.s32 $0xFFFFFFFF  }
0xa6: {  	s26 =	simm.s32 $execute0_lowered;
	[smem:$0x3FD2] =	sst s25  }
0xa7: {  	s5 =	sshll.u32 s26, $0x1;
	_ =	strace $0x80000046;
	[dreg:$0x1] =	wrdreg $0xFFFFFFFF  }
0xa8: {  	s28 =	simm.s32 $_size_execute0_lowered;
	s4 =	sadd.s32 s4, s5;
	[dreg:$0x0] =	wrdreg $0x0  }
0xa9: {  	s5 =	sshll.u32 s28, $0x1;
	[dreg:$0x2] =	wrdreg s4  }
0xaa: {  	[dreg:$0x3] =	wrdreg s5  }
0xab: {  	[dreg:$0x4] =	wrdreg $0xC0  }
0xac: {  	_ =	task [dreg:s8], $0x5FFFF  }
0xad: {  	[dreg:$0x1] =	wrdreg $0xFFFFFFFF  }
0xae: {  	[dreg:$0x0] =	wrdreg $0x60  }
0xaf: {  	[dreg:$0x2] =	wrdreg s2  }
0xb0: {  	[dreg:$0x3] =	wrdreg s19  }
0xb1: {  	[dreg:$0x4] =	wrdreg $0x9  }
0xb2: {  	_ =	task.clear_ibuf [dreg:s8], $0x5FFFF;
	_ =	strace $0x90000046  }
0xb3: {  	s29 =	simm.s32 $0x9;
	_ =	strace $0x80000048  }
0xb4: {  	_ =	swait.ge [sflag:s29], $0x1  }
0xb5: {  	[sflag:s29] =	ssyncadd.s32 $0xFFFFFFFF  }
0xb6: {  	_ =	strace $0x90000048  }
0xb7: {  	_ =	sfence  }
0xb8: {  	s30 =	sld [smem:$0x0];
	_ =	sdelay $0x2  }
0xb9: {  	s31 =	sshll.u32 s1, $0xD;
	s1 =	sshrl.u32 s1, $0x2  }
0xba: {  	s3 =	sand.u32 $0x4000, s31;
	s1 =	sadd.s32 s1, s30  }
0xbb: {  	s0 =	sor.u32 s3, s0;
	s1 =	sshll.u32 s1, $0x11  }
0xbc: {  	s0 =	sor.u32 s1, s0  }
0xbd: {  	s0 =	sadd.s32 $0x8F2B, s0  }
0xbe: {  	[sflag:s0] =	ssyncadd.remote.s32 $0x1  }
0xbf: {  	_ =	sfence.sel $0xFFFF  }
0xc0: {  	[dreg:$0x0] =	wrdreg $0xFFFFFFFF;
	(pc) =	sbr.abs _section_cstart, $3  }
0xc1: {  	[dreg:$0x1] =	wrdreg $0xFFFFFFFF  }
0xc2: {  	_ =	task.clear_ibuf [dreg:s8], $0x2FFFF;
	_ =	strace $0x9FFFFFFF  }
0xc3: {  	(tm) =	ssettm $0x7FFFFFFF  }
tec
execute0_lowered:
.L_overlay_start_1:
0x0: {  	(tag) =	ssettag $0x1  }
0x1: {  	s1 =	srdreg.scid;
	s9 =	rddreg [dreg:$0x0]  }
0x2: {  	s0 =	stileid.u32;
	s11 =	rddreg [dreg:$0x1]  }
0x3: {  	s2 =	simm.s32 $0x0;
	s4 =	simm.s32 $0x1;
	s17 =	simm.s32 $0x3  }
0x4: {  	s18 =	simm.s32 $0x5;
	s19 =	simm.s32 $0x6;
	s20 =	simm.s32 $0x0  }
0x5: {  	s3 =	sand.u32 $0x1, s1;
	[smem:$0x7FF] =	sst s2;
	s12 =	sshll.u32 s0, $0x12  }
0x6: {  	s1 =	sor.u32 s3, s0;
	p1 =	seq.s32 s3, $0x1;
	s5 =	ssub.s32 $0x2, s3  }
0x7: {  	s10 =	sshll.u32 s3, $0x11;
	s3 =	simm.s32 $0x1;
	s15 =	sor.u32 $0x1400000, s12  }
0x8: {  	p0 =	seq.s32 s1, $0x0;
	s1 =	rddreg [dreg:$0x2];
	_ =	strace $0x80000047  }
0x9: {  	s6 =	sor.u32 $0x8000, s10;
	s25 =	sshrl.u32 s5, $0x1;
	s14 =	sor.u32 $0x10000, s10  }
0xa: {  	p0 =	por !p0, !p1;
	s26 =	sor.u32 s12, s6;
	s13 =	ssub.s32 s5, s25  }
0xb: {  	s8 =	sor.u32 s12, s14;
	s16 =	sor.u32 s6, s15;
	p0 =	por !p0, !p0  }
0xc: {  	s14 =	sor.u32 s14, s15;
	s29 =	sshrl.u32 s26, $0x3;
	s4 =	simm.s32 @!p0 $0x0  }
0xd: {  	s30 =	sshrl.u32 s8, $0x3;
	s31 =	sshrl.u32 s16, $0x3;
	s4 =	ssub.s32 s0, s4  }
0xe: {  	s14 =	sshrl.u32 s14, $0x3;
	s16 =	simm.s32 $0x4;
	s24 =	sshll.u32 s4, $0x12  }
0xf: {  	s5 =	sadd.s32 s9, s29;
	s8 =	sadd.s32 s11, s31;
	s7 =	sor.u32 s10, s24  }
0x10: {  	s10 =	sor.u32 $0x18000, s10;
	s28 =	sshrl.u32 s7, $0x3;
	s7 =	sadd.s32 $0x1400000, s7  }
0x11: {  	s12 =	sor.u32 s12, s10;
	s10 =	sor.u32 s10, s15;
	s4 =	sadd.s32 s9, s28  }
0x12: {  	s7 =	sshrl.u32 s7, $0x3;
	s12 =	sshrl.u32 s12, $0x3;
	s15 =	sshrl.u32 s10, $0x3  }
0x13: {  	s10 =	sadd.s32 s11, s14;
	s14 =	simm.s32 $0x10000;
	s6 =	sadd.s32 s11, s7  }
0x14: {  	s7 =	sadd.s32 s9, s30;
	s9 =	sadd.s32 s9, s12;
	s11 =	sadd.s32 s11, s15  }
0x15: {  	s12 =	smax.u32 s13, $0x1;
	s13 =	simm.s32 $0x8000;
	s15 =	simm.s32 $0x2  }
.LBB2_1:
0x16: {  	[tilespmem:s2], [sflag:$0x1] =	stream.linear.gather [hbm4b:s4+s2], $0x8000, $0x38;
	[tilespmem:$0x18000] =	vst v63  }
0x17: {  	_ = 	snop  }
0x18: {  	[tilespmem:s13], [sflag:$0x2] =	stream.linear.gather [hbm4b:s5+s2], $0x8000, $0x38;
	[tilespmem:$0x18000] =	vst v63  }
0x19: {  	_ =	swait.ge [sflag:s3], $0x8000  }
0x1a: {  	s21 =	sand.u32 $0x7000, s2;
	s22 =	sand.u32 $0x380, s2;
	[sflag:s3] =	ssyncset.done $0x0  }
0x1b: {  	s21 =	sor.u32 s22, s21;
	[sflag:s3] =	ssyncadd.s32 $0xFFFF8000  }
0x1c: {  	v0 =	vld [tilespmem:s21+$0x0]  }
0x1d: {  	v1 =	vld [tilespmem:s21+$0x10];
	_ =	sdelay $0x1  }
0x1e: {  	v2 =	vld [tilespmem:s21+$0x20]  }
0x1f: {  	v3 =	vld [tilespmem:s21+$0x30]  }
0x20: {  	v4 =	vld [tilespmem:s21+$0x40];
	v0 =	vsub.f32 $0.0e+00, v0  }
0x21: {  	v5 =	vld [tilespmem:s21+$0x50];
	v1 =	vsub.f32 $0.0e+00, v1  }
0x22: {  	v6 =	vld [tilespmem:s21+$0x60];
	v0 =	vmul.f32 $1.442695020e+00, v0  }
0x23: {  	v7 =	vld [tilespmem:s21+$0x70];
	v1 =	vmul.f32 $1.442695020e+00, v1  }
0x24: {  	v2 =	vsub.f32 $0.0e+00, v2;
	v3 =	vsub.f32 $0.0e+00, v3;
	(erf) = vpow2.f32 v0  }
0x25: {  	v4 =	vsub.f32 $0.0e+00, v4;
	(erf) = vpow2.f32 v1  }
0x26: {  	v2 =	vmul.f32 $1.442695020e+00, v2;
	v0 =	vmul.f32 $1.442695020e+00, v3;
	v3 =	vsub.f32 $0.0e+00, v5  }
0x27: {  	v1 =	vmul.f32 $1.442695020e+00, v4;
	v4 =	vsub.f32 $0.0e+00, v6  }
0x28: {  	(erf) = vpow2.f32 v2;
	v2 =	vmul.f32 $1.442695020e+00, v3;
	v3 =	vsub.f32 $0.0e+00, v7  }
0x29: {  	(erf) = vpow2.f32 v0;
	v0 =	vmul.f32 $1.442695020e+00, v4  }
0x2a: {  	(erf) = vpow2.f32 v1;
	v1 =	vmul.f32 $1.442695020e+00, v3;
	_ =	sdelay $0x1  }
0x2b: {  	(erf) = vpow2.f32 v2  }
0x2c: {  	(erf) = vpow2.f32 v0;
	v0 =	vpop (erf)  }
0x2d: {  	(erf) = vpow2.f32 v1;
	v0 =	vadd.f32 $1.000000000e+00, v0;
	v1 =	vpop (erf)  }
0x2e: {  	v1 =	vadd.f32 $1.000000000e+00, v1;
	_ =	sdelay $0x1  }
0x2f: {  	v3 =	vpop (erf)  }
0x30: {  	v8 =	vld [tilespmem:s21+$0x450];
	v3 =	vadd.f32 $1.000000000e+00, v3;
	(erf) = vrcp.f32 v0;
	v0 =	vpop (erf)  }
0x31: {  	v2 =	vld [tilespmem:s21+$0x400];
	(erf) = vrcp.f32 v1;
	v0 =	vadd.f32 $1.000000000e+00, v0;
	v1 =	vpop (erf)  }
0x32: {  	v4 =	vld [tilespmem:s21+$0x410];
	v1 =	vadd.f32 $1.000000000e+00, v1  }
0x33: {  	v5 =	vld [tilespmem:s21+$0x420]  }
0x34: {  	v6 =	vld [tilespmem:s21+$0x430];
	(erf) = vrcp.f32 v3;
	v3 =	vpop (erf)  }
0x35: {  	v7 =	vld [tilespmem:s21+$0x440];
	v3 =	vadd.f32 $1.000000000e+00, v3;
	(erf) = vrcp.f32 v0;
	v0 =	vpop (erf)  }
0x36: {  	v9 =	vld [tilespmem:s21+$0x460];
	v2 =	vsub.f32 $0.0e+00, v2;
	(erf) = vrcp.f32 v1;
	v0 =	vadd.f32 $1.000000000e+00, v0;
	v1 =	vpop (erf)  }
0x37: {  	v10 =	vld [tilespmem:s21+$0x800];
	v4 =	vsub.f32 $0.0e+00, v4;
	(erf) = vrcp.f32 v3;
	v1 =	vadd.f32 $1.000000000e+00, v1  }
0x38: {  	v2 =	vmul.f32 $1.442695020e+00, v2;
	v3 =	vsub.f32 $0.0e+00, v5;
	v5 =	vld [tilespmem:s21+$0x470];
	(erf) = vrcp.f32 v0  }
0x39: {  	v0 =	vmul.f32 $1.442695020e+00, v4;
	v4 =	vsub.f32 $0.0e+00, v6;
	(erf) = vrcp.f32 v1  }
0x3a: {  	v1 =	vmul.f32 $1.442695020e+00, v3;
	v3 =	vsub.f32 $0.0e+00, v7;
	(erf) = vpow2.f32 v2  }
0x3b: {  	v11 =	vld [tilespmem:s21+$0x810];
	v2 =	vmul.f32 $1.442695020e+00, v4;
	v4 =	vsub.f32 $0.0e+00, v8;
	(erf) = vpow2.f32 v0  }
0x3c: {  	v7 =	vpop (erf);
	v0 =	vmul.f32 $1.442695020e+00, v3;
	v3 =	vsub.f32 $0.0e+00, v9;
	(erf) = vpow2.f32 v1  }
0x3d: {  	v8 =	vld [tilespmem:s21+$0x820];
	v6 =	vpop (erf);
	v12 =	vsub.f32 $0.0e+00, v5;
	(erf) = vpow2.f32 v2;
	v2 =	vsub.f32 $0.0e+00, v10  }
0x3e: {  	v5 =	vpop (erf);
	v1 =	vmul.f32 $1.442695020e+00, v4  }
0x3f: {  	v9 =	vld [tilespmem:s21+$0x830];
	v4 =	vpop (erf);
	(erf) = vpow2.f32 v0;
	v0 =	vmul.f32 $1.442695020e+00, v12  }
0x40: {  	v13 =	vmul.f32 $1.442695020e+00, v3;
	v10 =	vsub.f32 $0.0e+00, v11;
	v3 =	vpop (erf);
	v11 =	vmul.f32 $1.442695020e+00, v2  }
0x41: {  	(erf) = vpow2.f32 v1;
	v2 =	vpop (erf)  }
0x42: {  	v8 =	vsub.f32 $0.0e+00, v8;
	(erf) = vpow2.f32 v13;
	v1 =	vpop (erf)  }
0x43: {  	v10 =	vmul.f32 $1.442695020e+00, v10;
	(erf) = vpow2.f32 v0;
	v0 =	vpop (erf)  }
0x44: {  	v9 =	vsub.f32 $0.0e+00, v9;
	v8 =	vmul.f32 $1.442695020e+00, v8;
	(erf) = vpow2.f32 v11;
	v11 =	vpop (erf)  }
0x45: {  	(erf) = vpow2.f32 v10;
	v10 =	vadd.f32 $1.000000000e+00, v11;
	v11 =	vpop (erf)  }
0x46: {  	v9 =	vmul.f32 $1.442695020e+00, v9;
	(erf) = vpow2.f32 v8;
	v8 =	vadd.f32 $1.000000000e+00, v11;
	_ =	sdelay $0x1  }
0x47: {  	v11 =	vpop (erf);
	(erf) = vpow2.f32 v9  }
0x48: {  	v9 =	vadd.f32 $1.000000000e+00, v11;
	(erf) = vrcp.f32 v10;
	v10 =	vpop (erf)  }
0x49: {  	(erf) = vrcp.f32 v8;
	v10 =	vadd.f32 $1.000000000e+00, v10;
	v8 =	vpop (erf)  }
0x4a: {  	v8 =	vadd.f32 $1.000000000e+00, v8;
	_ =	sdelay $0x1  }
0x4b: {  	v11 =	vld [tilespmem:s21+$0x840];
	(erf) = vrcp.f32 v9;
	v9 =	vpop (erf)  }
0x4c: {  	v9 =	vadd.f32 $1.000000000e+00, v9;
	(erf) = vrcp.f32 v10;
	v10 =	vpop (erf)  }
0x4d: {  	(erf) = vrcp.f32 v8;
	v10 =	vadd.f32 $1.000000000e+00, v10;
	v8 =	vpop (erf)  }
0x4e: {  	v13 =	vld [tilespmem:s21+$0x860];
	v8 =	vadd.f32 $1.000000000e+00, v8  }
0x4f: {  	v12 =	vld [tilespmem:s21+$0x850]  }
0x50: {  	v11 =	vsub.f32 $0.0e+00, v11;
	(erf) = vrcp.f32 v9;
	v9 =	vpop (erf)  }
0x51: {  	v14 =	vld [tilespmem:s21+$0x870];
	v9 =	vadd.f32 $1.000000000e+00, v9;
	(erf) = vrcp.f32 v10;
	v10 =	vpop (erf)  }
0x52: {  	v19 =	vld [tilespmem:s21+$0xC00];
	v22 =	vmul.f32 $1.442695020e+00, v11;
	(erf) = vrcp.f32 v8;
	v10 =	vadd.f32 $1.000000000e+00, v10;
	v8 =	vpop (erf)  }
0x53: {  	v16 =	vld [tilespmem:s21+$0xC10];
	v11 =	vsub.f32 $0.0e+00, v13;
	(erf) = vrcp.f32 v9;
	v17 =	vadd.f32 $1.000000000e+00, v8;
	v8 =	vpop (erf)  }
0x54: {  	v15 =	vld [tilespmem:s21+$0xC20];
	v18 =	vsub.f32 $0.0e+00, v12;
	v21 =	vadd.f32 $1.000000000e+00, v8;
	v8 =	vpop (erf);
	(erf) = vrcp.f32 v10  }
0x55: {  	v12 =	vld [tilespmem:s21+$0xC30];
	v9 =	vpop (erf);
	(erf) = vrcp.f32 v17  }
0x56: {  	v20 =	vsub.f32 $0.0e+00, v14;
	v18 =	vmul.f32 $1.442695020e+00, v18;
	v13 =	vld [tilespmem:s21+$0xC40];
	v10 =	vpop (erf);
	(erf) = vrcp.f32 v21  }
0x57: {  	s23 =	simm.s32 $0x0;
	s22 =	simm.s32 $0x200;
	v19 =	vsub.f32 $0.0e+00, v19;
	v14 =	vld [tilespmem:s21+$0xC50];
	v17 =	vmul.f32 $1.442695020e+00, v11;
	v11 =	vpop (erf);
	(erf) = vpow2.f32 v22  }
.LBB2_2:
0x58: {  	p0 =	sne.s32 s22, $0x7E00;
	v20 =	vmul.f32 $1.442695020e+00, v20;
	v23 =	vsub.f32 $0.0e+00, v16;
	v21 =	vld [tilespmem:s21+$0xC60];
	v22 =	vpop (erf);
	(erf) = vpow2.f32 v18  }
0x59: {  	[tilespmem:s21+$0x0] =	vst v7;
	v7 =	vmul.f32 $1.442695020e+00, v19;
	v24 =	vsub.f32 $0.0e+00, v15;
	v18 =	vld [tilespmem:s21+$0xC70];
	v19 =	vpop (erf);
	(erf) = vpow2.f32 v17  }
0x5a: {  	[tilespmem:s21+$0x10] =	vst v6;
	v6 =	vmul.f32 $1.442695020e+00, v23;
	v17 =	vsub.f32 $0.0e+00, v12;
	v16 =	vpop (erf);
	(erf) = vpow2.f32 v20  }
0x5b: {  	[tilespmem:s21+$0x20] =	vst v5;
	v5 =	vmul.f32 $1.442695020e+00, v24;
	v20 =	vsub.f32 $0.0e+00, v13;
	v15 =	vpop (erf);
	(erf) = vpow2.f32 v7  }
0x5c: {  	[tilespmem:s21+$0x30] =	vst v4;
	v17 =	vmul.f32 $1.442695020e+00, v17;
	v14 =	vsub.f32 $0.0e+00, v14;
	v12 =	vpop (erf);
	(erf) = vpow2.f32 v6  }
0x5d: {  	[tilespmem:s21+$0x40] =	vst v3;
	v20 =	vmul.f32 $1.442695020e+00, v20;
	v6 =	vsub.f32 $0.0e+00, v21;
	v13 =	vpop (erf);
	(erf) = vpow2.f32 v5  }
0x5e: {  	[tilespmem:s21+$0x50] =	vst v2;
	v2 =	vmul.f32 $1.442695020e+00, v14;
	v5 =	vsub.f32 $0.0e+00, v18;
	v7 =	vpop (erf);
	(erf) = vpow2.f32 v17  }
0x5f: {  	[tilespmem:s21+$0x60] =	vst v1;
	v1 =	vmul.f32 $1.442695020e+00, v6;
	v4 =	vpop (erf);
	(erf) = vpow2.f32 v20  }
0x60: {  	[tilespmem:s21+$0x70] =	vst v0;
	v0 =	vmul.f32 $1.442695020e+00, v5;
	v3 =	vpop (erf);
	(erf) = vpow2.f32 v2  }
0x61: {  	[tilespmem:s21+$0x400] =	vst v8;
	v5 =	vadd.f32 $1.000000000e+00, v3;
	v3 =	vpop (erf);
	(erf) = vpow2.f32 v1  }
0x62: {  	[tilespmem:s21+$0x410] =	vst v9;
	v6 =	vadd.f32 $1.000000000e+00, v3;
	v3 =	vpop (erf);
	(erf) = vpow2.f32 v0  }
0x63: {  	s23 =	sadd.s32 $0x80, s23;
	[tilespmem:s21+$0x420] =	vst v10;
	v3 =	vadd.f32 $1.000000000e+00, v3;
	(erf) = vrcp.f32 v5;
	v2 =	vpop (erf)  }
0x64: {  	s24 =	sand.u32 $0x7000, s22;
	s25 =	sand.u32 $0x380, s23;
	[tilespmem:s21+$0x430] =	vst v11;
	v5 =	vadd.f32 $1.000000000e+00, v2;
	(erf) = vrcp.f32 v6;
	v1 =	vpop (erf)  }
0x65: {  	s24 =	sor.u32 s25, s24;
	[tilespmem:s21+$0x440] =	vst v22;
	v6 =	vadd.f32 $1.000000000e+00, v1;
	(erf) = vrcp.f32 v3;
	v0 =	vpop (erf)  }
0x66: {  	v3 =	vld [tilespmem:s24+$0x0];
	[tilespmem:s21+$0x450] =	vst v19;
	v8 =	vadd.f32 $1.000000000e+00, v0;
	(erf) = vrcp.f32 v5;
	v2 =	vpop (erf)  }
0x67: {  	v5 =	vld [tilespmem:s24+$0x10];
	[tilespmem:s21+$0x460] =	vst v16;
	v9 =	vadd.f32 $1.000000000e+00, v2;
	(erf) = vrcp.f32 v6;
	v1 =	vpop (erf)  }
0x68: {  	v6 =	vld [tilespmem:s24+$0x20];
	[tilespmem:s21+$0x470] =	vst v15;
	v10 =	vadd.f32 $1.000000000e+00, v1;
	(erf) = vrcp.f32 v8;
	v0 =	vpop (erf)  }
0x69: {  	v8 =	vld [tilespmem:s24+$0x30];
	[tilespmem:s21+$0x800] =	vst v12;
	v11 =	vadd.f32 $1.000000000e+00, v0;
	(erf) = vrcp.f32 v9;
	v2 =	vpop (erf)  }
0x6a: {  	v9 =	vld [tilespmem:s24+$0x40];
	[tilespmem:s21+$0x810] =	vst v13;
	v2 =	vadd.f32 $1.000000000e+00, v2;
	(erf) = vrcp.f32 v10;
	v1 =	vpop (erf)  }
0x6b: {  	v3 =	vsub.f32 $0.0e+00, v3;
	v10 =	vld [tilespmem:s24+$0x50];
	[tilespmem:s21+$0x820] =	vst v7;
	v1 =	vadd.f32 $1.000000000e+00, v1;
	(erf) = vrcp.f32 v11;
	v0 =	vpop (erf)  }
0x6c: {  	v5 =	vsub.f32 $0.0e+00, v5;
	v7 =	vld [tilespmem:s24+$0x60];
	[tilespmem:s21+$0x830] =	vst v4;
	v0 =	vadd.f32 $1.000000000e+00, v0;
	v4 =	vpop (erf);
	(erf) = vrcp.f32 v2  }
0x6d: {  	v11 =	vmul.f32 $1.442695020e+00, v3;
	v3 =	vsub.f32 $0.0e+00, v6;
	v6 =	vld [tilespmem:s24+$0x70];
	[tilespmem:s21+$0x840] =	vst v4;
	v4 =	vpop (erf);
	(erf) = vrcp.f32 v1  }
0x6e: {  	v12 =	vmul.f32 $1.442695020e+00, v5;
	v5 =	vsub.f32 $0.0e+00, v8;
	[tilespmem:s21+$0x850] =	vst v4;
	v4 =	vpop (erf);
	(erf) = vrcp.f32 v0  }
0x6f: {  	v8 =	vmul.f32 $1.442695020e+00, v3;
	v3 =	vsub.f32 $0.0e+00, v9;
	(erf) = vpow2.f32 v11;
	[tilespmem:s21+$0x860] =	vst v4;
	v2 =	vpop (erf)  }
0x70: {  	v4 =	vmul.f32 $1.442695020e+00, v5;
	v5 =	vsub.f32 $0.0e+00, v10;
	(erf) = vpow2.f32 v12;
	[tilespmem:s21+$0x870] =	vst v2;
	v1 =	vpop (erf)  }
0x71: {  	v2 =	vmul.f32 $1.442695020e+00, v3;
	v3 =	vsub.f32 $0.0e+00, v7;
	(erf) = vpow2.f32 v8;
	[tilespmem:s21+$0xC00] =	vst v1;
	v0 =	vpop (erf)  }
0x72: {  	v1 =	vmul.f32 $1.442695020e+00, v5;
	v5 =	vsub.f32 $0.0e+00, v6;
	(erf) = vpow2.f32 v4;
	[tilespmem:s21+$0xC10] =	vst v0;
	v0 =	vpop (erf)  }
0x73: {  	v3 =	vmul.f32 $1.442695020e+00, v3;
	(erf) = vpow2.f32 v2;
	[tilespmem:s21+$0xC20] =	vst v0;
	v0 =	vpop (erf)  }
0x74: {  	v2 =	vmul.f32 $1.442695020e+00, v5;
	(erf) = vpow2.f32 v1;
	[tilespmem:s21+$0xC30] =	vst v0;
	v0 =	vpop (erf)  }
0x75: {  	(erf) = vpow2.f32 v3;
	[tilespmem:s21+$0xC40] =	vst v0;
	v0 =	vpop (erf)  }
0x76: {  	(erf) = vpow2.f32 v2;
	[tilespmem:s21+$0xC50] =	vst v0;
	v0 =	vpop (erf)  }
0x77: {  	[tilespmem:s21+$0xC60] =	vst v0;
	v0 =	vpop (erf)  }
0x78: {  	v1 =	vpop (erf);
	[tilespmem:s21+$0xC70] =	vst v0;
	s21 =	smov.u32 s24  }
0x79: {  	v5 =	vadd.f32 $1.000000000e+00, v1;
	v1 =	vpop (erf)  }
0x7a: {  	v6 =	vadd.f32 $1.000000000e+00, v1;
	v2 =	vld [tilespmem:s21+$0x400];
	v3 =	vpop (erf)  }
0x7b: {  	v7 =	vadd.f32 $1.000000000e+00, v3;
	v4 =	vld [tilespmem:s21+$0x410];
	(erf) = vrcp.f32 v5;
	v0 =	vpop (erf)  }
0x7c: {  	v8 =	vadd.f32 $1.000000000e+00, v0;
	v5 =	vld [tilespmem:s21+$0x420];
	(erf) = vrcp.f32 v6;
	v1 =	vpop (erf)  }
0x7d: {  	v9 =	vadd.f32 $1.000000000e+00, v1;
	v6 =	vld [tilespmem:s21+$0x430];
	(erf) = vrcp.f32 v7;
	v3 =	vpop (erf)  }
0x7e: {  	v3 =	vadd.f32 $1.000000000e+00, v3;
	v7 =	vld [tilespmem:s21+$0x440];
	(erf) = vrcp.f32 v8;
	v0 =	vpop (erf)  }
0x7f: {  	v0 =	vadd.f32 $1.000000000e+00, v0;
	v2 =	vsub.f32 $0.0e+00, v2;
	v8 =	vld [tilespmem:s21+$0x450];
	(erf) = vrcp.f32 v9;
	v1 =	vpop (erf)  }
0x80: {  	v1 =	vadd.f32 $1.000000000e+00, v1;
	v4 =	vsub.f32 $0.0e+00, v4;
	v9 =	vld [tilespmem:s21+$0x460];
	(erf) = vrcp.f32 v3  }
0x81: {  	v2 =	vmul.f32 $1.442695020e+00, v2;
	v3 =	vsub.f32 $0.0e+00, v5;
	v5 =	vld [tilespmem:s21+$0x470];
	(erf) = vrcp.f32 v0  }
0x82: {  	v0 =	vmul.f32 $1.442695020e+00, v4;
	v4 =	vsub.f32 $0.0e+00, v6;
	v10 =	vld [tilespmem:s21+$0x800];
	(erf) = vrcp.f32 v1  }
0x83: {  	v1 =	vmul.f32 $1.442695020e+00, v3;
	v3 =	vsub.f32 $0.0e+00, v7;
	v11 =	vld [tilespmem:s21+$0x810];
	(erf) = vpow2.f32 v2  }
0x84: {  	v2 =	vmul.f32 $1.442695020e+00, v4;
	v14 =	vsub.f32 $0.0e+00, v8;
	v8 =	vld [tilespmem:s21+$0x820];
	v7 =	vpop (erf);
	(erf) = vpow2.f32 v0  }
0x85: {  	v0 =	vmul.f32 $1.442695020e+00, v3;
	v15 =	vsub.f32 $0.0e+00, v9;
	v9 =	vld [tilespmem:s21+$0x830];
	v6 =	vpop (erf);
	(erf) = vpow2.f32 v1  }
0x86: {  	v1 =	vmul.f32 $1.442695020e+00, v14;
	v12 =	vsub.f32 $0.0e+00, v5;
	v5 =	vpop (erf);
	(erf) = vpow2.f32 v2  }
0x87: {  	v13 =	vmul.f32 $1.442695020e+00, v15;
	v14 =	vsub.f32 $0.0e+00, v10;
	v4 =	vpop (erf);
	(erf) = vpow2.f32 v0  }
0x88: {  	v12 =	vmul.f32 $1.442695020e+00, v12;
	v10 =	vsub.f32 $0.0e+00, v11;
	v3 =	vpop (erf);
	(erf) = vpow2.f32 v1  }
0x89: {  	v14 =	vmul.f32 $1.442695020e+00, v14;
	v8 =	vsub.f32 $0.0e+00, v8;
	v2 =	vpop (erf);
	(erf) = vpow2.f32 v13  }
0x8a: {  	v10 =	vmul.f32 $1.442695020e+00, v10;
	v9 =	vsub.f32 $0.0e+00, v9;
	v1 =	vpop (erf);
	(erf) = vpow2.f32 v12  }
0x8b: {  	v8 =	vmul.f32 $1.442695020e+00, v8;
	v0 =	vpop (erf);
	(erf) = vpow2.f32 v14  }
0x8c: {  	v9 =	vmul.f32 $1.442695020e+00, v9;
	v11 =	vpop (erf);
	(erf) = vpow2.f32 v10  }
0x8d: {  	v12 =	vadd.f32 $1.000000000e+00, v11;
	v11 =	vpop (erf);
	(erf) = vpow2.f32 v8  }
0x8e: {  	v13 =	vadd.f32 $1.000000000e+00, v11;
	v11 =	vpop (erf);
	(erf) = vpow2.f32 v9  }
0x8f: {  	v11 =	vadd.f32 $1.000000000e+00, v11;
	(erf) = vrcp.f32 v12;
	v10 =	vpop (erf)  }
0x90: {  	v12 =	vadd.f32 $1.000000000e+00, v10;
	(erf) = vrcp.f32 v13;
	v8 =	vpop (erf)  }
0x91: {  	v13 =	vadd.f32 $1.000000000e+00, v8;
	(erf) = vrcp.f32 v11;
	v9 =	vpop (erf)  }
0x92: {  	v14 =	vadd.f32 $1.000000000e+00, v9;
	v11 =	vld [tilespmem:s21+$0x840];
	(erf) = vrcp.f32 v12;
	v10 =	vpop (erf)  }
0x93: {  	v15 =	vadd.f32 $1.000000000e+00, v10;
	v12 =	vld [tilespmem:s21+$0x850];
	(erf) = vrcp.f32 v13;
	v8 =	vpop (erf)  }
0x94: {  	v16 =	vadd.f32 $1.000000000e+00, v8;
	v13 =	vld [tilespmem:s21+$0x860];
	(erf) = vrcp.f32 v14;
	v9 =	vpop (erf)  }
0x95: {  	v9 =	vadd.f32 $1.000000000e+00, v9;
	v14 =	vld [tilespmem:s21+$0x870];
	(erf) = vrcp.f32 v15;
	v10 =	vpop (erf)  }
0x96: {  	v10 =	vadd.f32 $1.000000000e+00, v10;
	v19 =	vld [tilespmem:s21+$0xC00];
	(erf) = vrcp.f32 v16;
	v8 =	vpop (erf)  }
.Ltmp0:
0x97: {  	v17 =	vadd.f32 $1.000000000e+00, v8;
	v11 =	vsub.f32 $0.0e+00, v11;
	v16 =	vld [tilespmem:s21+$0xC10];
	(erf) = vrcp.f32 v9;
	v8 =	vpop (erf);
	(pc) =	sbr.rel @p0 .LBB2_2-.Ltmp0, $4  }
0x98: {  	v21 =	vadd.f32 $1.000000000e+00, v8;
	v18 =	vsub.f32 $0.0e+00, v12;
	v15 =	vld [tilespmem:s21+$0xC20];
	v8 =	vpop (erf);
	(erf) = vrcp.f32 v10  }
0x99: {  	v22 =	vmul.f32 $1.442695020e+00, v11;
	v23 =	vsub.f32 $0.0e+00, v13;
	v12 =	vld [tilespmem:s21+$0xC30];
	v9 =	vpop (erf);
	(erf) = vrcp.f32 v17  }
0x9a: {  	v18 =	vmul.f32 $1.442695020e+00, v18;
	v20 =	vsub.f32 $0.0e+00, v14;
	v13 =	vld [tilespmem:s21+$0xC40];
	v10 =	vpop (erf);
	(erf) = vrcp.f32 v21  }
0x9b: {  	s22 =	sadd.s32 $0x200, s22;
	v17 =	vmul.f32 $1.442695020e+00, v23;
	v19 =	vsub.f32 $0.0e+00, v19;
	v14 =	vld [tilespmem:s21+$0xC50];
	v11 =	vpop (erf);
	(erf) = vpow2.f32 v22  }
0x9c: {  	v16 =	vsub.f32 $0.0e+00, v16  }
0x9d: {  	v20 =	vmul.f32 $1.442695020e+00, v20;
	(erf) = vpow2.f32 v18;
	v15 =	vsub.f32 $0.0e+00, v15  }
0x9e: {  	v22 =	vpop (erf);
	[tilespmem:s21+$0x0] =	vst v7;
	v7 =	vmul.f32 $1.442695020e+00, v19;
	(erf) = vpow2.f32 v17;
	v12 =	vsub.f32 $0.0e+00, v12  }
0x9f: {  	v21 =	vld [tilespmem:s21+$0xC60];
	[tilespmem:s21+$0x10] =	vst v6;
	v19 =	vpop (erf);
	(erf) = vpow2.f32 v20;
	v13 =	vsub.f32 $0.0e+00, v13  }
0xa0: {  	v18 =	vld [tilespmem:s21+$0xC70];
	[tilespmem:s21+$0x20] =	vst v5;
	v6 =	vmul.f32 $1.442695020e+00, v16;
	(erf) = vpow2.f32 v7;
	v16 =	vpop (erf);
	v7 =	vsub.f32 $0.0e+00, v14  }
0xa1: {  	[tilespmem:s21+$0x30] =	vst v4;
	v5 =	vmul.f32 $1.442695020e+00, v15;
	v4 =	vmul.f32 $1.442695020e+00, v12;
	v15 =	vpop (erf)  }
0xa2: {  	[tilespmem:s21+$0x40] =	vst v3;
	v3 =	vmul.f32 $1.442695020e+00, v13;
	v12 =	vpop (erf)  }
0xa3: {  	(erf) = vpow2.f32 v6;
	v13 =	vpop (erf)  }
0xa4: {  	[tilespmem:s21+$0x50] =	vst v2;
	v6 =	vsub.f32 $0.0e+00, v21;
	v2 =	vmul.f32 $1.442695020e+00, v7;
	(erf) = vpow2.f32 v5;
	v7 =	vpop (erf)  }
0xa5: {  	v5 =	vsub.f32 $0.0e+00, v18;
	(erf) = vpow2.f32 v4;
	v4 =	vpop (erf)  }
0xa6: {  	[tilespmem:s21+$0x60] =	vst v1;
	v1 =	vmul.f32 $1.442695020e+00, v6;
	(erf) = vpow2.f32 v3;
	v3 =	vpop (erf)  }
0xa7: {  	[tilespmem:s21+$0x70] =	vst v0;
	v0 =	vmul.f32 $1.442695020e+00, v5;
	(erf) = vpow2.f32 v2;
	v2 =	vadd.f32 $1.000000000e+00, v3;
	v3 =	vpop (erf)  }
0xa8: {  	(erf) = vpow2.f32 v1;
	v1 =	vadd.f32 $1.000000000e+00, v3;
	v3 =	vpop (erf)  }
0xa9: {  	(erf) = vpow2.f32 v0;
	v0 =	vadd.f32 $1.000000000e+00, v3;
	_ =	sdelay $0x1  }
0xaa: {  	(erf) = vrcp.f32 v2;
	v2 =	vpop (erf)  }
0xab: {  	(erf) = vrcp.f32 v1;
	v2 =	vadd.f32 $1.000000000e+00, v2;
	v1 =	vpop (erf)  }
0xac: {  	(erf) = vrcp.f32 v0;
	v1 =	vadd.f32 $1.000000000e+00, v1;
	v0 =	vpop (erf)  }
0xad: {  	[tilespmem:s21+$0x400] =	vst v8;
	v0 =	vadd.f32 $1.000000000e+00, v0  }
0xae: {  	[tilespmem:s21+$0x410] =	vst v9  }
0xaf: {  	[tilespmem:s21+$0x420] =	vst v10;
	(erf) = vrcp.f32 v2;
	v2 =	vpop (erf)  }
0xb0: {  	[tilespmem:s21+$0x430] =	vst v11;
	(erf) = vrcp.f32 v1;
	v2 =	vadd.f32 $1.000000000e+00, v2;
	v1 =	vpop (erf)  }
0xb1: {  	[tilespmem:s21+$0x440] =	vst v22;
	(erf) = vrcp.f32 v0;
	v1 =	vadd.f32 $1.000000000e+00, v1;
	v0 =	vpop (erf)  }
0xb2: {  	[tilespmem:s21+$0x450] =	vst v19;
	v0 =	vadd.f32 $1.000000000e+00, v0  }
0xb3: {  	[tilespmem:s21+$0x460] =	vst v16  }
0xb4: {  	[tilespmem:s21+$0x470] =	vst v15;
	(erf) = vrcp.f32 v2;
	v2 =	vpop (erf)  }
0xb5: {  	[tilespmem:s21+$0x800] =	vst v12;
	(erf) = vrcp.f32 v1;
	v2 =	vadd.f32 $1.000000000e+00, v2;
	v1 =	vpop (erf)  }
0xb6: {  	[tilespmem:s21+$0x810] =	vst v13;
	(erf) = vrcp.f32 v0;
	v1 =	vadd.f32 $1.000000000e+00, v1;
	v0 =	vpop (erf)  }
0xb7: {  	[tilespmem:s21+$0x820] =	vst v7;
	v0 =	vadd.f32 $1.000000000e+00, v0  }
0xb8: {  	[tilespmem:s21+$0x830] =	vst v4;
	v3 =	vpop (erf);
	(erf) = vrcp.f32 v2  }
0xb9: {  	[tilespmem:s21+$0x840] =	vst v3;
	v2 =	vpop (erf);
	(erf) = vrcp.f32 v1  }
0xba: {  	[tilespmem:s21+$0x850] =	vst v2;
	v1 =	vpop (erf);
	(erf) = vrcp.f32 v0  }
0xbb: {  	[tilespmem:s21+$0x860] =	vst v1;
	v0 =	vpop (erf)  }
0xbc: {  	[tilespmem:s21+$0x870] =	vst v0;
	v0 =	vpop (erf)  }
0xbd: {  	[tilespmem:s21+$0xC00] =	vst v0;
	v0 =	vpop (erf)  }
0xbe: {  	[tilespmem:s21+$0xC10] =	vst v0;
	v0 =	vpop (erf)  }
0xbf: {  	[tilespmem:s21+$0xC20] =	vst v0;
	v0 =	vpop (erf)  }
0xc0: {  	[tilespmem:s21+$0xC30] =	vst v0;
	v0 =	vpop (erf)  }
0xc1: {  	[tilespmem:s21+$0xC40] =	vst v0;
	v0 =	vpop (erf)  }
0xc2: {  	[tilespmem:s21+$0xC50] =	vst v0;
	v0 =	vpop (erf)  }
0xc3: {  	[tilespmem:s21+$0xC60] =	vst v0;
	v0 =	vpop (erf)  }
0xc4: {  	s22 =	simm.s32 $0x0;
	[tilespmem:s21+$0xC70] =	vst v0  }
0xc5: {  	[hbm4b:s6+s22] =	stream.linear.scatter [tilespmem:s22], [sflag:$0x4], $0x8000, $0x38;
	[tilespmem:$0x18000] =	vst v63  }
0xc6: {  	_ = 	snop  }
0xc7: {  	[tilespmem:s14], [sflag:$0x3] =	stream.linear.gather [hbm4b:s7+s22], $0x8000, $0x38;
	[tilespmem:$0x18000] =	vst v63  }
0xc8: {  	_ =	swait.ge [sflag:s15], $0x8000  }
0xc9: {  	s31 =	sand.u32 $0x7000, s22;
	s23 =	sand.u32 $0x380, s22;
	[sflag:s15] =	ssyncset.done $0x0  }
0xca: {  	s21 =	sor.u32 s23, s31;
	[sflag:s15] =	ssyncadd.s32 $0xFFFF8000  }
0xcb: {  	v0 =	vld [tilespmem:s21+$0x8000]  }
0xcc: {  	v1 =	vld [tilespmem:s21+$0x8010];
	_ =	sdelay $0x1  }
0xcd: {  	v2 =	vld [tilespmem:s21+$0x8020]  }
0xce: {  	v3 =	vld [tilespmem:s21+$0x8030]  }
0xcf: {  	v4 =	vld [tilespmem:s21+$0x8040];
	v0 =	vsub.f32 $0.0e+00, v0  }
0xd0: {  	v5 =	vld [tilespmem:s21+$0x8050];
	v1 =	vsub.f32 $0.0e+00, v1  }
0xd1: {  	v6 =	vld [tilespmem:s21+$0x8060];
	v0 =	vmul.f32 $1.442695020e+00, v0  }
0xd2: {  	v7 =	vld [tilespmem:s21+$0x8070];
	v1 =	vmul.f32 $1.442695020e+00, v1  }
0xd3: {  	v2 =	vsub.f32 $0.0e+00, v2;
	v3 =	vsub.f32 $0.0e+00, v3;
	(erf) = vpow2.f32 v0  }
0xd4: {  	v4 =	vsub.f32 $0.0e+00, v4;
	(erf) = vpow2.f32 v1  }
0xd5: {  	v2 =	vmul.f32 $1.442695020e+00, v2;
	v0 =	vmul.f32 $1.442695020e+00, v3;
	v3 =	vsub.f32 $0.0e+00, v5  }
0xd6: {  	v1 =	vmul.f32 $1.442695020e+00, v4;
	v4 =	vsub.f32 $0.0e+00, v6  }
0xd7: {  	(erf) = vpow2.f32 v2;
	v2 =	vmul.f32 $1.442695020e+00, v3;
	v3 =	vsub.f32 $0.0e+00, v7  }
0xd8: {  	(erf) = vpow2.f32 v0;
	v0 =	vmul.f32 $1.442695020e+00, v4  }
0xd9: {  	(erf) = vpow2.f32 v1;
	v1 =	vmul.f32 $1.442695020e+00, v3;
	_ =	sdelay $0x1  }
0xda: {  	(erf) = vpow2.f32 v2  }
0xdb: {  	(erf) = vpow2.f32 v0;
	v0 =	vpop (erf)  }
0xdc: {  	(erf) = vpow2.f32 v1;
	v0 =	vadd.f32 $1.000000000e+00, v0;
	v1 =	vpop (erf)  }
0xdd: {  	v1 =	vadd.f32 $1.000000000e+00, v1;
	_ =	sdelay $0x1  }
0xde: {  	v3 =	vpop (erf)  }
0xdf: {  	v8 =	vld [tilespmem:s21+$0x8450];
	v3 =	vadd.f32 $1.000000000e+00, v3;
	(erf) = vrcp.f32 v0;
	v0 =	vpop (erf)  }
0xe0: {  	v2 =	vld [tilespmem:s21+$0x8400];
	(erf) = vrcp.f32 v1;
	v0 =	vadd.f32 $1.000000000e+00, v0;
	v1 =	vpop (erf)  }
0xe1: {  	v4 =	vld [tilespmem:s21+$0x8410];
	v1 =	vadd.f32 $1.000000000e+00, v1  }
0xe2: {  	v5 =	vld [tilespmem:s21+$0x8420]  }
0xe3: {  	v6 =	vld [tilespmem:s21+$0x8430];
	(erf) = vrcp.f32 v3;
	v3 =	vpop (erf)  }
0xe4: {  	v7 =	vld [tilespmem:s21+$0x8440];
	v3 =	vadd.f32 $1.000000000e+00, v3;
	(erf) = vrcp.f32 v0;
	v0 =	vpop (erf)  }
0xe5: {  	v9 =	vld [tilespmem:s21+$0x8460];
	v2 =	vsub.f32 $0.0e+00, v2;
	(erf) = vrcp.f32 v1;
	v0 =	vadd.f32 $1.000000000e+00, v0;
	v1 =	vpop (erf)  }
0xe6: {  	v10 =	vld [tilespmem:s21+$0x8800];
	v4 =	vsub.f32 $0.0e+00, v4;
	(erf) = vrcp.f32 v3;
	v1 =	vadd.f32 $1.000000000e+00, v1  }
0xe7: {  	v2 =	vmul.f32 $1.442695020e+00, v2;
	v3 =	vsub.f32 $0.0e+00, v5;
	v5 =	vld [tilespmem:s21+$0x8470];
	(erf) = vrcp.f32 v0  }
0xe8: {  	v0 =	vmul.f32 $1.442695020e+00, v4;
	v4 =	vsub.f32 $0.0e+00, v6;
	(erf) = vrcp.f32 v1  }
0xe9: {  	v1 =	vmul.f32 $1.442695020e+00, v3;
	v3 =	vsub.f32 $0.0e+00, v7;
	(erf) = vpow2.f32 v2  }
0xea: {  	v11 =	vld [tilespmem:s21+$0x8810];
	v2 =	vmul.f32 $1.442695020e+00, v4;
	v4 =	vsub.f32 $0.0e+00, v8;
	(erf) = vpow2.f32 v0  }
0xeb: {  	v7 =	vpop (erf);
	v0 =	vmul.f32 $1.442695020e+00, v3;
	v3 =	vsub.f32 $0.0e+00, v9;
	(erf) = vpow2.f32 v1  }
0xec: {  	v8 =	vld [tilespmem:s21+$0x8820];
	v6 =	vpop (erf);
	v12 =	vsub.f32 $0.0e+00, v5;
	(erf) = vpow2.f32 v2;
	v2 =	vsub.f32 $0.0e+00, v10  }
0xed: {  	v5 =	vpop (erf);
	v1 =	vmul.f32 $1.442695020e+00, v4  }
0xee: {  	v9 =	vld [tilespmem:s21+$0x8830];
	v4 =	vpop (erf);
	(erf) = vpow2.f32 v0;
	v0 =	vmul.f32 $1.442695020e+00, v12  }
0xef: {  	v13 =	vmul.f32 $1.442695020e+00, v3;
	v10 =	vsub.f32 $0.0e+00, v11;
	v3 =	vpop (erf);
	v11 =	vmul.f32 $1.442695020e+00, v2  }
0xf0: {  	(erf) = vpow2.f32 v1;
	v2 =	vpop (erf)  }
0xf1: {  	v8 =	vsub.f32 $0.0e+00, v8;
	(erf) = vpow2.f32 v13;
	v1 =	vpop (erf)  }
0xf2: {  	v10 =	vmul.f32 $1.442695020e+00, v10;
	(erf) = vpow2.f32 v0;
	v0 =	vpop (erf)  }
0xf3: {  	v9 =	vsub.f32 $0.0e+00, v9;
	v8 =	vmul.f32 $1.442695020e+00, v8;
	(erf) = vpow2.f32 v11;
	v11 =	vpop (erf)  }
0xf4: {  	(erf) = vpow2.f32 v10;
	v10 =	vadd.f32 $1.000000000e+00, v11;
	v11 =	vpop (erf)  }
0xf5: {  	v9 =	vmul.f32 $1.442695020e+00, v9;
	(erf) = vpow2.f32 v8;
	v8 =	vadd.f32 $1.000000000e+00, v11;
	_ =	sdelay $0x1  }
0xf6: {  	v11 =	vpop (erf);
	(erf) = vpow2.f32 v9  }
0xf7: {  	v9 =	vadd.f32 $1.000000000e+00, v11;
	(erf) = vrcp.f32 v10;
	v10 =	vpop (erf)  }
0xf8: {  	(erf) = vrcp.f32 v8;
	v10 =	vadd.f32 $1.000000000e+00, v10;
	v8 =	vpop (erf)  }
0xf9: {  	v8 =	vadd.f32 $1.000000000e+00, v8;
	_ =	sdelay $0x1  }
0xfa: {  	v11 =	vld [tilespmem:s21+$0x8840];
	(erf) = vrcp.f32 v9;
	v9 =	vpop (erf)  }
0xfb: {  	v9 =	vadd.f32 $1.000000000e+00, v9;
	(erf) = vrcp.f32 v10;
	v10 =	vpop (erf)  }
0xfc: {  	(erf) = vrcp.f32 v8;
	v10 =	vadd.f32 $1.000000000e+00, v10;
	v8 =	vpop (erf)  }
0xfd: {  	v13 =	vld [tilespmem:s21+$0x8860];
	v8 =	vadd.f32 $1.000000000e+00, v8  }
0xfe: {  	v12 =	vld [tilespmem:s21+$0x8850]  }
0xff: {  	v11 =	vsub.f32 $0.0e+00, v11;
	(erf) = vrcp.f32 v9;
	v9 =	vpop (erf)  }
0x100: {  	v14 =	vld [tilespmem:s21+$0x8870];
	v9 =	vadd.f32 $1.000000000e+00, v9;
	(erf) = vrcp.f32 v10;
	v10 =	vpop (erf)  }
0x101: {  	v19 =	vld [tilespmem:s21+$0x8C00];
	v22 =	vmul.f32 $1.442695020e+00, v11;
	(erf) = vrcp.f32 v8;
	v10 =	vadd.f32 $1.000000000e+00, v10;
	v8 =	vpop (erf)  }
0x102: {  	v16 =	vld [tilespmem:s21+$0x8C10];
	v11 =	vsub.f32 $0.0e+00, v13;
	(erf) = vrcp.f32 v9;
	v17 =	vadd.f32 $1.000000000e+00, v8;
	v8 =	vpop (erf)  }
0x103: {  	v15 =	vld [tilespmem:s21+$0x8C20];
	v18 =	vsub.f32 $0.0e+00, v12;
	v21 =	vadd.f32 $1.000000000e+00, v8;
	v8 =	vpop (erf);
	(erf) = vrcp.f32 v10  }
0x104: {  	v12 =	vld [tilespmem:s21+$0x8C30];
	v9 =	vpop (erf);
	(erf) = vrcp.f32 v17  }
0x105: {  	v20 =	vsub.f32 $0.0e+00, v14;
	v18 =	vmul.f32 $1.442695020e+00, v18;
	v13 =	vld [tilespmem:s21+$0x8C40];
	v10 =	vpop (erf);
	(erf) = vrcp.f32 v21  }
0x106: {  	s23 =	simm.s32 $0x200;
	v19 =	vsub.f32 $0.0e+00, v19;
	v14 =	vld [tilespmem:s21+$0x8C50];
	v17 =	vmul.f32 $1.442695020e+00, v11;
	v11 =	vpop (erf);
	(erf) = vpow2.f32 v22  }
.LBB2_4:
0x107: {  	p0 =	sne.s32 s23, $0x7E00;
	v20 =	vmul.f32 $1.442695020e+00, v20;
	v23 =	vsub.f32 $0.0e+00, v16;
	v21 =	vld [tilespmem:s21+$0x8C60];
	v22 =	vpop (erf);
	(erf) = vpow2.f32 v18  }
0x108: {  	[tilespmem:s21+$0x8000] =	vst v7;
	v7 =	vmul.f32 $1.442695020e+00, v19;
	v24 =	vsub.f32 $0.0e+00, v15;
	v18 =	vld [tilespmem:s21+$0x8C70];
	v19 =	vpop (erf);
	(erf) = vpow2.f32 v17  }
0x109: {  	[tilespmem:s21+$0x8010] =	vst v6;
	v6 =	vmul.f32 $1.442695020e+00, v23;
	v17 =	vsub.f32 $0.0e+00, v12;
	v16 =	vpop (erf);
	(erf) = vpow2.f32 v20  }
0x10a: {  	[tilespmem:s21+$0x8020] =	vst v5;
	v5 =	vmul.f32 $1.442695020e+00, v24;
	v20 =	vsub.f32 $0.0e+00, v13;
	v15 =	vpop (erf);
	(erf) = vpow2.f32 v7  }
0x10b: {  	[tilespmem:s21+$0x8030] =	vst v4;
	v17 =	vmul.f32 $1.442695020e+00, v17;
	v14 =	vsub.f32 $0.0e+00, v14;
	v12 =	vpop (erf);
	(erf) = vpow2.f32 v6  }
0x10c: {  	[tilespmem:s21+$0x8040] =	vst v3;
	v20 =	vmul.f32 $1.442695020e+00, v20;
	v6 =	vsub.f32 $0.0e+00, v21;
	v13 =	vpop (erf);
	(erf) = vpow2.f32 v5  }
0x10d: {  	[tilespmem:s21+$0x8050] =	vst v2;
	v2 =	vmul.f32 $1.442695020e+00, v14;
	v5 =	vsub.f32 $0.0e+00, v18;
	v7 =	vpop (erf);
	(erf) = vpow2.f32 v17  }
0x10e: {  	[tilespmem:s21+$0x8060] =	vst v1;
	v1 =	vmul.f32 $1.442695020e+00, v6;
	v4 =	vpop (erf);
	(erf) = vpow2.f32 v20  }
0x10f: {  	[tilespmem:s21+$0x8070] =	vst v0;
	v0 =	vmul.f32 $1.442695020e+00, v5;
	v3 =	vpop (erf);
	(erf) = vpow2.f32 v2  }
0x110: {  	[tilespmem:s21+$0x8400] =	vst v8;
	v5 =	vadd.f32 $1.000000000e+00, v3;
	v3 =	vpop (erf);
	(erf) = vpow2.f32 v1  }
0x111: {  	[tilespmem:s21+$0x8410] =	vst v9;
	v6 =	vadd.f32 $1.000000000e+00, v3;
	v3 =	vpop (erf);
	(erf) = vpow2.f32 v0  }
0x112: {  	s22 =	sadd.s32 $0x80, s22;
	[tilespmem:s21+$0x8420] =	vst v10;
	v3 =	vadd.f32 $1.000000000e+00, v3;
	(erf) = vrcp.f32 v5;
	v2 =	vpop (erf)  }
0x113: {  	s24 =	sand.u32 $0x7000, s23;
	s25 =	sand.u32 $0x380, s22;
	[tilespmem:s21+$0x8430] =	vst v11;
	v5 =	vadd.f32 $1.000000000e+00, v2;
	(erf) = vrcp.f32 v6;
	v1 =	vpop (erf)  }
0x114: {  	s24 =	sor.u32 s25, s24;
	[tilespmem:s21+$0x8440] =	vst v22;
	v6 =	vadd.f32 $1.000000000e+00, v1;
	(erf) = vrcp.f32 v3;
	v0 =	vpop (erf)  }
0x115: {  	v3 =	vld [tilespmem:s24+$0x8000];
	[tilespmem:s21+$0x8450] =	vst v19;
	v8 =	vadd.f32 $1.000000000e+00, v0;
	(erf) = vrcp.f32 v5;
	v2 =	vpop (erf)  }
0x116: {  	v5 =	vld [tilespmem:s24+$0x8010];
	[tilespmem:s21+$0x8460] =	vst v16;
	v9 =	vadd.f32 $1.000000000e+00, v2;
	(erf) = vrcp.f32 v6;
	v1 =	vpop (erf)  }
0x117: {  	v6 =	vld [tilespmem:s24+$0x8020];
	[tilespmem:s21+$0x8470] =	vst v15;
	v10 =	vadd.f32 $1.000000000e+00, v1;
	(erf) = vrcp.f32 v8;
	v0 =	vpop (erf)  }
0x118: {  	v8 =	vld [tilespmem:s24+$0x8030];
	[tilespmem:s21+$0x8800] =	vst v12;
	v11 =	vadd.f32 $1.000000000e+00, v0;
	(erf) = vrcp.f32 v9;
	v2 =	vpop (erf)  }
0x119: {  	v9 =	vld [tilespmem:s24+$0x8040];
	[tilespmem:s21+$0x8810] =	vst v13;
	v2 =	vadd.f32 $1.000000000e+00, v2;
	(erf) = vrcp.f32 v10;
	v1 =	vpop (erf)  }
0x11a: {  	v3 =	vsub.f32 $0.0e+00, v3;
	v10 =	vld [tilespmem:s24+$0x8050];
	[tilespmem:s21+$0x8820] =	vst v7;
	v1 =	vadd.f32 $1.000000000e+00, v1;
	(erf) = vrcp.f32 v11;
	v0 =	vpop (erf)  }
0x11b: {  	v5 =	vsub.f32 $0.0e+00, v5;
	v7 =	vld [tilespmem:s24+$0x8060];
	[tilespmem:s21+$0x8830] =	vst v4;
	v0 =	vadd.f32 $1.000000000e+00, v0;
	v4 =	vpop (erf);
	(erf) = vrcp.f32 v2  }
0x11c: {  	v11 =	vmul.f32 $1.442695020e+00, v3;
	v3 =	vsub.f32 $0.0e+00, v6;
	v6 =	vld [tilespmem:s24+$0x8070];
	[tilespmem:s21+$0x8840] =	vst v4;
	v4 =	vpop (erf);
	(erf) = vrcp.f32 v1  }
0x11d: {  	v12 =	vmul.f32 $1.442695020e+00, v5;
	v5 =	vsub.f32 $0.0e+00, v8;
	[tilespmem:s21+$0x8850] =	vst v4;
	v4 =	vpop (erf);
	(erf) = vrcp.f32 v0  }
0x11e: {  	v8 =	vmul.f32 $1.442695020e+00, v3;
	v3 =	vsub.f32 $0.0e+00, v9;
	(erf) = vpow2.f32 v11;
	[tilespmem:s21+$0x8860] =	vst v4;
	v2 =	vpop (erf)  }
0x11f: {  	v4 =	vmul.f32 $1.442695020e+00, v5;
	v5 =	vsub.f32 $0.0e+00, v10;
	(erf) = vpow2.f32 v12;
	[tilespmem:s21+$0x8870] =	vst v2;
	v1 =	vpop (erf)  }
0x120: {  	v2 =	vmul.f32 $1.442695020e+00, v3;
	v3 =	vsub.f32 $0.0e+00, v7;
	(erf) = vpow2.f32 v8;
	[tilespmem:s21+$0x8C00] =	vst v1;
	v0 =	vpop (erf)  }
0x121: {  	v1 =	vmul.f32 $1.442695020e+00, v5;
	v5 =	vsub.f32 $0.0e+00, v6;
	(erf) = vpow2.f32 v4;
	[tilespmem:s21+$0x8C10] =	vst v0;
	v0 =	vpop (erf)  }
0x122: {  	v3 =	vmul.f32 $1.442695020e+00, v3;
	(erf) = vpow2.f32 v2;
	[tilespmem:s21+$0x8C20] =	vst v0;
	v0 =	vpop (erf)  }
0x123: {  	v2 =	vmul.f32 $1.442695020e+00, v5;
	(erf) = vpow2.f32 v1;
	[tilespmem:s21+$0x8C30] =	vst v0;
	v0 =	vpop (erf)  }
0x124: {  	(erf) = vpow2.f32 v3;
	[tilespmem:s21+$0x8C40] =	vst v0;
	v0 =	vpop (erf)  }
0x125: {  	(erf) = vpow2.f32 v2;
	[tilespmem:s21+$0x8C50] =	vst v0;
	v0 =	vpop (erf)  }
0x126: {  	[tilespmem:s21+$0x8C60] =	vst v0;
	v0 =	vpop (erf)  }
0x127: {  	v1 =	vpop (erf);
	[tilespmem:s21+$0x8C70] =	vst v0;
	s21 =	smov.u32 s24  }
0x128: {  	v5 =	vadd.f32 $1.000000000e+00, v1;
	v1 =	vpop (erf)  }
0x129: {  	v6 =	vadd.f32 $1.000000000e+00, v1;
	v2 =	vld [tilespmem:s21+$0x8400];
	v3 =	vpop (erf)  }
0x12a: {  	v7 =	vadd.f32 $1.000000000e+00, v3;
	v4 =	vld [tilespmem:s21+$0x8410];
	(erf) = vrcp.f32 v5;
	v0 =	vpop (erf)  }
0x12b: {  	v8 =	vadd.f32 $1.000000000e+00, v0;
	v5 =	vld [tilespmem:s21+$0x8420];
	(erf) = vrcp.f32 v6;
	v1 =	vpop (erf)  }
0x12c: {  	v9 =	vadd.f32 $1.000000000e+00, v1;
	v6 =	vld [tilespmem:s21+$0x8430];
	(erf) = vrcp.f32 v7;
	v3 =	vpop (erf)  }
0x12d: {  	v3 =	vadd.f32 $1.000000000e+00, v3;
	v7 =	vld [tilespmem:s21+$0x8440];
	(erf) = vrcp.f32 v8;
	v0 =	vpop (erf)  }
0x12e: {  	v0 =	vadd.f32 $1.000000000e+00, v0;
	v2 =	vsub.f32 $0.0e+00, v2;
	v8 =	vld [tilespmem:s21+$0x8450];
	(erf) = vrcp.f32 v9;
	v1 =	vpop (erf)  }
0x12f: {  	v1 =	vadd.f32 $1.000000000e+00, v1;
	v4 =	vsub.f32 $0.0e+00, v4;
	v9 =	vld [tilespmem:s21+$0x8460];
	(erf) = vrcp.f32 v3  }
0x130: {  	v2 =	vmul.f32 $1.442695020e+00, v2;
	v3 =	vsub.f32 $0.0e+00, v5;
	v5 =	vld [tilespmem:s21+$0x8470];
	(erf) = vrcp.f32 v0  }
0x131: {  	v0 =	vmul.f32 $1.442695020e+00, v4;
	v4 =	vsub.f32 $0.0e+00, v6;
	v10 =	vld [tilespmem:s21+$0x8800];
	(erf) = vrcp.f32 v1  }
0x132: {  	v1 =	vmul.f32 $1.442695020e+00, v3;
	v3 =	vsub.f32 $0.0e+00, v7;
	v11 =	vld [tilespmem:s21+$0x8810];
	(erf) = vpow2.f32 v2  }
0x133: {  	v2 =	vmul.f32 $1.442695020e+00, v4;
	v14 =	vsub.f32 $0.0e+00, v8;
	v8 =	vld [tilespmem:s21+$0x8820];
	v7 =	vpop (erf);
	(erf) = vpow2.f32 v0  }
0x134: {  	v0 =	vmul.f32 $1.442695020e+00, v3;
	v15 =	vsub.f32 $0.0e+00, v9;
	v9 =	vld [tilespmem:s21+$0x8830];
	v6 =	vpop (erf);
	(erf) = vpow2.f32 v1  }
0x135: {  	v1 =	vmul.f32 $1.442695020e+00, v14;
	v12 =	vsub.f32 $0.0e+00, v5;
	v5 =	vpop (erf);
	(erf) = vpow2.f32 v2  }
0x136: {  	v13 =	vmul.f32 $1.442695020e+00, v15;
	v14 =	vsub.f32 $0.0e+00, v10;
	v4 =	vpop (erf);
	(erf) = vpow2.f32 v0  }
0x137: {  	v12 =	vmul.f32 $1.442695020e+00, v12;
	v10 =	vsub.f32 $0.0e+00, v11;
	v3 =	vpop (erf);
	(erf) = vpow2.f32 v1  }
0x138: {  	v14 =	vmul.f32 $1.442695020e+00, v14;
	v8 =	vsub.f32 $0.0e+00, v8;
	v2 =	vpop (erf);
	(erf) = vpow2.f32 v13  }
0x139: {  	v10 =	vmul.f32 $1.442695020e+00, v10;
	v9 =	vsub.f32 $0.0e+00, v9;
	v1 =	vpop (erf);
	(erf) = vpow2.f32 v12  }
0x13a: {  	v8 =	vmul.f32 $1.442695020e+00, v8;
	v0 =	vpop (erf);
	(erf) = vpow2.f32 v14  }
0x13b: {  	v9 =	vmul.f32 $1.442695020e+00, v9;
	v11 =	vpop (erf);
	(erf) = vpow2.f32 v10  }
0x13c: {  	v12 =	vadd.f32 $1.000000000e+00, v11;
	v11 =	vpop (erf);
	(erf) = vpow2.f32 v8  }
0x13d: {  	v13 =	vadd.f32 $1.000000000e+00, v11;
	v11 =	vpop (erf);
	(erf) = vpow2.f32 v9  }
0x13e: {  	v11 =	vadd.f32 $1.000000000e+00, v11;
	(erf) = vrcp.f32 v12;
	v10 =	vpop (erf)  }
0x13f: {  	v12 =	vadd.f32 $1.000000000e+00, v10;
	(erf) = vrcp.f32 v13;
	v8 =	vpop (erf)  }
0x140: {  	v13 =	vadd.f32 $1.000000000e+00, v8;
	(erf) = vrcp.f32 v11;
	v9 =	vpop (erf)  }
0x141: {  	v14 =	vadd.f32 $1.000000000e+00, v9;
	v11 =	vld [tilespmem:s21+$0x8840];
	(erf) = vrcp.f32 v12;
	v10 =	vpop (erf)  }
0x142: {  	v15 =	vadd.f32 $1.000000000e+00, v10;
	v12 =	vld [tilespmem:s21+$0x8850];
	(erf) = vrcp.f32 v13;
	v8 =	vpop (erf)  }
0x143: {  	v16 =	vadd.f32 $1.000000000e+00, v8;
	v13 =	vld [tilespmem:s21+$0x8860];
	(erf) = vrcp.f32 v14;
	v9 =	vpop (erf)  }
0x144: {  	v9 =	vadd.f32 $1.000000000e+00, v9;
	v14 =	vld [tilespmem:s21+$0x8870];
	(erf) = vrcp.f32 v15;
	v10 =	vpop (erf)  }
0x145: {  	v10 =	vadd.f32 $1.000000000e+00, v10;
	v19 =	vld [tilespmem:s21+$0x8C00];
	(erf) = vrcp.f32 v16;
	v8 =	vpop (erf)  }
.Ltmp1:
0x146: {  	v17 =	vadd.f32 $1.000000000e+00, v8;
	v11 =	vsub.f32 $0.0e+00, v11;
	v16 =	vld [tilespmem:s21+$0x8C10];
	(erf) = vrcp.f32 v9;
	v8 =	vpop (erf);
	(pc) =	sbr.rel @p0 .LBB2_4-.Ltmp1, $4  }
0x147: {  	v21 =	vadd.f32 $1.000000000e+00, v8;
	v18 =	vsub.f32 $0.0e+00, v12;
	v15 =	vld [tilespmem:s21+$0x8C20];
	v8 =	vpop (erf);
	(erf) = vrcp.f32 v10  }
0x148: {  	v22 =	vmul.f32 $1.442695020e+00, v11;
	v23 =	vsub.f32 $0.0e+00, v13;
	v12 =	vld [tilespmem:s21+$0x8C30];
	v9 =	vpop (erf);
	(erf) = vrcp.f32 v17  }
0x149: {  	v18 =	vmul.f32 $1.442695020e+00, v18;
	v20 =	vsub.f32 $0.0e+00, v14;
	v13 =	vld [tilespmem:s21+$0x8C40];
	v10 =	vpop (erf);
	(erf) = vrcp.f32 v21  }
0x14a: {  	s23 =	sadd.s32 $0x200, s23;
	v17 =	vmul.f32 $1.442695020e+00, v23;
	v19 =	vsub.f32 $0.0e+00, v19;
	v14 =	vld [tilespmem:s21+$0x8C50];
	v11 =	vpop (erf);
	(erf) = vpow2.f32 v22  }
0x14b: {  	v16 =	vsub.f32 $0.0e+00, v16  }
0x14c: {  	v20 =	vmul.f32 $1.442695020e+00, v20;
	(erf) = vpow2.f32 v18;
	v15 =	vsub.f32 $0.0e+00, v15  }
0x14d: {  	v22 =	vpop (erf);
	[tilespmem:s21+$0x8000] =	vst v7;
	v7 =	vmul.f32 $1.442695020e+00, v19;
	(erf) = vpow2.f32 v17;
	v12 =	vsub.f32 $0.0e+00, v12  }
0x14e: {  	v21 =	vld [tilespmem:s21+$0x8C60];
	[tilespmem:s21+$0x8010] =	vst v6;
	v19 =	vpop (erf);
	(erf) = vpow2.f32 v20;
	v13 =	vsub.f32 $0.0e+00, v13  }
0x14f: {  	v18 =	vld [tilespmem:s21+$0x8C70];
	[tilespmem:s21+$0x8020] =	vst v5;
	v6 =	vmul.f32 $1.442695020e+00, v16;
	(erf) = vpow2.f32 v7;
	v16 =	vpop (erf);
	v7 =	vsub.f32 $0.0e+00, v14  }
0x150: {  	[tilespmem:s21+$0x8030] =	vst v4;
	v5 =	vmul.f32 $1.442695020e+00, v15;
	v4 =	vmul.f32 $1.442695020e+00, v12;
	v15 =	vpop (erf)  }
0x151: {  	[tilespmem:s21+$0x8040] =	vst v3;
	v3 =	vmul.f32 $1.442695020e+00, v13;
	v12 =	vpop (erf)  }
0x152: {  	(erf) = vpow2.f32 v6;
	v13 =	vpop (erf)  }
0x153: {  	[tilespmem:s21+$0x8050] =	vst v2;
	v6 =	vsub.f32 $0.0e+00, v21;
	v2 =	vmul.f32 $1.442695020e+00, v7;
	(erf) = vpow2.f32 v5;
	v7 =	vpop (erf)  }
0x154: {  	v5 =	vsub.f32 $0.0e+00, v18;
	(erf) = vpow2.f32 v4;
	v4 =	vpop (erf)  }
0x155: {  	[tilespmem:s21+$0x8060] =	vst v1;
	v1 =	vmul.f32 $1.442695020e+00, v6;
	(erf) = vpow2.f32 v3;
	v3 =	vpop (erf)  }
0x156: {  	[tilespmem:s21+$0x8070] =	vst v0;
	v0 =	vmul.f32 $1.442695020e+00, v5;
	(erf) = vpow2.f32 v2;
	v2 =	vadd.f32 $1.000000000e+00, v3;
	v3 =	vpop (erf)  }
0x157: {  	(erf) = vpow2.f32 v1;
	v1 =	vadd.f32 $1.000000000e+00, v3;
	v3 =	vpop (erf)  }
0x158: {  	(erf) = vpow2.f32 v0;
	v0 =	vadd.f32 $1.000000000e+00, v3;
	_ =	sdelay $0x1  }
0x159: {  	(erf) = vrcp.f32 v2;
	v2 =	vpop (erf)  }
0x15a: {  	(erf) = vrcp.f32 v1;
	v2 =	vadd.f32 $1.000000000e+00, v2;
	v1 =	vpop (erf)  }
0x15b: {  	(erf) = vrcp.f32 v0;
	v1 =	vadd.f32 $1.000000000e+00, v1;
	v0 =	vpop (erf)  }
0x15c: {  	[tilespmem:s21+$0x8400] =	vst v8;
	v0 =	vadd.f32 $1.000000000e+00, v0  }
0x15d: {  	[tilespmem:s21+$0x8410] =	vst v9  }
0x15e: {  	[tilespmem:s21+$0x8420] =	vst v10;
	(erf) = vrcp.f32 v2;
	v2 =	vpop (erf)  }
0x15f: {  	[tilespmem:s21+$0x8430] =	vst v11;
	(erf) = vrcp.f32 v1;
	v2 =	vadd.f32 $1.000000000e+00, v2;
	v1 =	vpop (erf)  }
0x160: {  	[tilespmem:s21+$0x8440] =	vst v22;
	(erf) = vrcp.f32 v0;
	v1 =	vadd.f32 $1.000000000e+00, v1;
	v0 =	vpop (erf)  }
0x161: {  	[tilespmem:s21+$0x8450] =	vst v19;
	v0 =	vadd.f32 $1.000000000e+00, v0  }
0x162: {  	[tilespmem:s21+$0x8460] =	vst v16  }
0x163: {  	[tilespmem:s21+$0x8470] =	vst v15;
	(erf) = vrcp.f32 v2;
	v2 =	vpop (erf)  }
0x164: {  	[tilespmem:s21+$0x8800] =	vst v12;
	(erf) = vrcp.f32 v1;
	v2 =	vadd.f32 $1.000000000e+00, v2;
	v1 =	vpop (erf)  }
0x165: {  	[tilespmem:s21+$0x8810] =	vst v13;
	(erf) = vrcp.f32 v0;
	v1 =	vadd.f32 $1.000000000e+00, v1;
	v0 =	vpop (erf)  }
0x166: {  	[tilespmem:s21+$0x8820] =	vst v7;
	v0 =	vadd.f32 $1.000000000e+00, v0  }
0x167: {  	[tilespmem:s21+$0x8830] =	vst v4;
	v3 =	vpop (erf);
	(erf) = vrcp.f32 v2  }
0x168: {  	[tilespmem:s21+$0x8840] =	vst v3;
	v2 =	vpop (erf);
	(erf) = vrcp.f32 v1  }
0x169: {  	[tilespmem:s21+$0x8850] =	vst v2;
	v1 =	vpop (erf);
	(erf) = vrcp.f32 v0  }
0x16a: {  	[tilespmem:s21+$0x8860] =	vst v1;
	v0 =	vpop (erf)  }
0x16b: {  	[tilespmem:s21+$0x8870] =	vst v0;
	v0 =	vpop (erf)  }
0x16c: {  	[tilespmem:s21+$0x8C00] =	vst v0;
	v0 =	vpop (erf)  }
0x16d: {  	[tilespmem:s21+$0x8C10] =	vst v0;
	v0 =	vpop (erf)  }
0x16e: {  	[tilespmem:s21+$0x8C20] =	vst v0;
	v0 =	vpop (erf)  }
0x16f: {  	[tilespmem:s21+$0x8C30] =	vst v0;
	v0 =	vpop (erf)  }
0x170: {  	[tilespmem:s21+$0x8C40] =	vst v0;
	v0 =	vpop (erf)  }
0x171: {  	[tilespmem:s21+$0x8C50] =	vst v0;
	v0 =	vpop (erf)  }
0x172: {  	[tilespmem:s21+$0x8C60] =	vst v0;
	v0 =	vpop (erf)  }
0x173: {  	s22 =	simm.s32 $0x0;
	[tilespmem:s21+$0x8C70] =	vst v0  }
0x174: {  	[hbm4b:s8+s22] =	stream.linear.scatter [tilespmem:s13], [sflag:$0x5], $0x8000, $0x38;
	[tilespmem:$0x18000] =	vst v63  }
0x175: {  	_ =	swait.ge [sflag:s16], $0x8000  }
0x176: {  	[sflag:s16] =	ssyncset.done $0x0  }
0x177: {  	[sflag:s16] =	ssyncadd.s32 $0xFFFF8000  }
0x178: {  	[tilespmem:s22], [sflag:$0x1] =	stream.linear.gather [hbm4b:s9+s22], $0x8000, $0x38;
	[tilespmem:$0x18000] =	vst v63  }
0x179: {  	_ =	swait.ge [sflag:s17], $0x8000  }
0x17a: {  	s31 =	sand.u32 $0x7000, s22;
	s23 =	sand.u32 $0x380, s22;
	[sflag:s17] =	ssyncset.done $0x0  }
0x17b: {  	s21 =	sor.u32 s23, s31;
	[sflag:s17] =	ssyncadd.s32 $0xFFFF8000  }
0x17c: {  	v0 =	vld [tilespmem:s21+$0x10000]  }
0x17d: {  	v1 =	vld [tilespmem:s21+$0x10010];
	_ =	sdelay $0x1  }
0x17e: {  	v2 =	vld [tilespmem:s21+$0x10020]  }
0x17f: {  	v3 =	vld [tilespmem:s21+$0x10030]  }
0x180: {  	v4 =	vld [tilespmem:s21+$0x10040];
	v0 =	vsub.f32 $0.0e+00, v0  }
0x181: {  	v5 =	vld [tilespmem:s21+$0x10050];
	v1 =	vsub.f32 $0.0e+00, v1  }
0x182: {  	v6 =	vld [tilespmem:s21+$0x10060];
	v0 =	vmul.f32 $1.442695020e+00, v0  }
0x183: {  	v7 =	vld [tilespmem:s21+$0x10070];
	v1 =	vmul.f32 $1.442695020e+00, v1  }
0x184: {  	v2 =	vsub.f32 $0.0e+00, v2;
	v3 =	vsub.f32 $0.0e+00, v3;
	(erf) = vpow2.f32 v0  }
0x185: {  	v4 =	vsub.f32 $0.0e+00, v4;
	(erf) = vpow2.f32 v1  }
0x186: {  	v2 =	vmul.f32 $1.442695020e+00, v2;
	v0 =	vmul.f32 $1.442695020e+00, v3;
	v3 =	vsub.f32 $0.0e+00, v5  }
0x187: {  	v1 =	vmul.f32 $1.442695020e+00, v4;
	v4 =	vsub.f32 $0.0e+00, v6  }
0x188: {  	(erf) = vpow2.f32 v2;
	v2 =	vmul.f32 $1.442695020e+00, v3;
	v3 =	vsub.f32 $0.0e+00, v7  }
0x189: {  	(erf) = vpow2.f32 v0;
	v0 =	vmul.f32 $1.442695020e+00, v4  }
0x18a: {  	(erf) = vpow2.f32 v1;
	v1 =	vmul.f32 $1.442695020e+00, v3;
	_ =	sdelay $0x1  }
0x18b: {  	(erf) = vpow2.f32 v2  }
0x18c: {  	(erf) = vpow2.f32 v0;
	v0 =	vpop (erf)  }
0x18d: {  	(erf) = vpow2.f32 v1;
	v0 =	vadd.f32 $1.000000000e+00, v0;
	v1 =	vpop (erf)  }
0x18e: {  	v1 =	vadd.f32 $1.000000000e+00, v1;
	_ =	sdelay $0x1  }
0x18f: {  	v3 =	vpop (erf)  }
0x190: {  	v8 =	vld [tilespmem:s21+$0x10450];
	v3 =	vadd.f32 $1.000000000e+00, v3;
	(erf) = vrcp.f32 v0;
	v0 =	vpop (erf)  }
0x191: {  	v2 =	vld [tilespmem:s21+$0x10400];
	(erf) = vrcp.f32 v1;
	v0 =	vadd.f32 $1.000000000e+00, v0;
	v1 =	vpop (erf)  }
0x192: {  	v4 =	vld [tilespmem:s21+$0x10410];
	v1 =	vadd.f32 $1.000000000e+00, v1  }
0x193: {  	v5 =	vld [tilespmem:s21+$0x10420]  }
0x194: {  	v6 =	vld [tilespmem:s21+$0x10430];
	(erf) = vrcp.f32 v3;
	v3 =	vpop (erf)  }
0x195: {  	v7 =	vld [tilespmem:s21+$0x10440];
	v3 =	vadd.f32 $1.000000000e+00, v3;
	(erf) = vrcp.f32 v0;
	v0 =	vpop (erf)  }
0x196: {  	v9 =	vld [tilespmem:s21+$0x10460];
	v2 =	vsub.f32 $0.0e+00, v2;
	(erf) = vrcp.f32 v1;
	v0 =	vadd.f32 $1.000000000e+00, v0;
	v1 =	vpop (erf)  }
0x197: {  	v10 =	vld [tilespmem:s21+$0x10800];
	v4 =	vsub.f32 $0.0e+00, v4;
	(erf) = vrcp.f32 v3;
	v1 =	vadd.f32 $1.000000000e+00, v1  }
0x198: {  	v2 =	vmul.f32 $1.442695020e+00, v2;
	v3 =	vsub.f32 $0.0e+00, v5;
	v5 =	vld [tilespmem:s21+$0x10470];
	(erf) = vrcp.f32 v0  }
0x199: {  	v0 =	vmul.f32 $1.442695020e+00, v4;
	v4 =	vsub.f32 $0.0e+00, v6;
	(erf) = vrcp.f32 v1  }
0x19a: {  	v1 =	vmul.f32 $1.442695020e+00, v3;
	v3 =	vsub.f32 $0.0e+00, v7;
	(erf) = vpow2.f32 v2  }
0x19b: {  	v11 =	vld [tilespmem:s21+$0x10810];
	v2 =	vmul.f32 $1.442695020e+00, v4;
	v4 =	vsub.f32 $0.0e+00, v8;
	(erf) = vpow2.f32 v0  }
0x19c: {  	v7 =	vpop (erf);
	v0 =	vmul.f32 $1.442695020e+00, v3;
	v3 =	vsub.f32 $0.0e+00, v9;
	(erf) = vpow2.f32 v1  }
0x19d: {  	v8 =	vld [tilespmem:s21+$0x10820];
	v6 =	vpop (erf);
	v12 =	vsub.f32 $0.0e+00, v5;
	(erf) = vpow2.f32 v2;
	v2 =	vsub.f32 $0.0e+00, v10  }
0x19e: {  	v5 =	vpop (erf);
	v1 =	vmul.f32 $1.442695020e+00, v4  }
0x19f: {  	v9 =	vld [tilespmem:s21+$0x10830];
	v4 =	vpop (erf);
	(erf) = vpow2.f32 v0;
	v0 =	vmul.f32 $1.442695020e+00, v12  }
0x1a0: {  	v13 =	vmul.f32 $1.442695020e+00, v3;
	v10 =	vsub.f32 $0.0e+00, v11;
	v3 =	vpop (erf);
	v11 =	vmul.f32 $1.442695020e+00, v2  }
0x1a1: {  	(erf) = vpow2.f32 v1;
	v2 =	vpop (erf)  }
0x1a2: {  	v8 =	vsub.f32 $0.0e+00, v8;
	(erf) = vpow2.f32 v13;
	v1 =	vpop (erf)  }
0x1a3: {  	v10 =	vmul.f32 $1.442695020e+00, v10;
	(erf) = vpow2.f32 v0;
	v0 =	vpop (erf)  }
0x1a4: {  	v9 =	vsub.f32 $0.0e+00, v9;
	v8 =	vmul.f32 $1.442695020e+00, v8;
	(erf) = vpow2.f32 v11;
	v11 =	vpop (erf)  }
0x1a5: {  	(erf) = vpow2.f32 v10;
	v10 =	vadd.f32 $1.000000000e+00, v11;
	v11 =	vpop (erf)  }
0x1a6: {  	v9 =	vmul.f32 $1.442695020e+00, v9;
	(erf) = vpow2.f32 v8;
	v8 =	vadd.f32 $1.000000000e+00, v11;
	_ =	sdelay $0x1  }
0x1a7: {  	v11 =	vpop (erf);
	(erf) = vpow2.f32 v9  }
0x1a8: {  	v9 =	vadd.f32 $1.000000000e+00, v11;
	(erf) = vrcp.f32 v10;
	v10 =	vpop (erf)  }
0x1a9: {  	(erf) = vrcp.f32 v8;
	v10 =	vadd.f32 $1.000000000e+00, v10;
	v8 =	vpop (erf)  }
0x1aa: {  	v8 =	vadd.f32 $1.000000000e+00, v8;
	_ =	sdelay $0x1  }
0x1ab: {  	v11 =	vld [tilespmem:s21+$0x10840];
	(erf) = vrcp.f32 v9;
	v9 =	vpop (erf)  }
0x1ac: {  	v9 =	vadd.f32 $1.000000000e+00, v9;
	(erf) = vrcp.f32 v10;
	v10 =	vpop (erf)  }
0x1ad: {  	(erf) = vrcp.f32 v8;
	v10 =	vadd.f32 $1.000000000e+00, v10;
	v8 =	vpop (erf)  }
0x1ae: {  	v13 =	vld [tilespmem:s21+$0x10860];
	v8 =	vadd.f32 $1.000000000e+00, v8  }
0x1af: {  	v12 =	vld [tilespmem:s21+$0x10850]  }
0x1b0: {  	v11 =	vsub.f32 $0.0e+00, v11;
	(erf) = vrcp.f32 v9;
	v9 =	vpop (erf)  }
0x1b1: {  	v14 =	vld [tilespmem:s21+$0x10870];
	v9 =	vadd.f32 $1.000000000e+00, v9;
	(erf) = vrcp.f32 v10;
	v10 =	vpop (erf)  }
0x1b2: {  	v19 =	vld [tilespmem:s21+$0x10C00];
	v22 =	vmul.f32 $1.442695020e+00, v11;
	(erf) = vrcp.f32 v8;
	v10 =	vadd.f32 $1.000000000e+00, v10;
	v8 =	vpop (erf)  }
0x1b3: {  	v16 =	vld [tilespmem:s21+$0x10C10];
	v11 =	vsub.f32 $0.0e+00, v13;
	(erf) = vrcp.f32 v9;
	v17 =	vadd.f32 $1.000000000e+00, v8;
	v8 =	vpop (erf)  }
0x1b4: {  	v15 =	vld [tilespmem:s21+$0x10C20];
	v18 =	vsub.f32 $0.0e+00, v12;
	v21 =	vadd.f32 $1.000000000e+00, v8;
	v8 =	vpop (erf);
	(erf) = vrcp.f32 v10  }
0x1b5: {  	v12 =	vld [tilespmem:s21+$0x10C30];
	v9 =	vpop (erf);
	(erf) = vrcp.f32 v17  }
0x1b6: {  	v20 =	vsub.f32 $0.0e+00, v14;
	v18 =	vmul.f32 $1.442695020e+00, v18;
	v13 =	vld [tilespmem:s21+$0x10C40];
	v10 =	vpop (erf);
	(erf) = vrcp.f32 v21  }
0x1b7: {  	s23 =	simm.s32 $0x200;
	v19 =	vsub.f32 $0.0e+00, v19;
	v14 =	vld [tilespmem:s21+$0x10C50];
	v17 =	vmul.f32 $1.442695020e+00, v11;
	v11 =	vpop (erf);
	(erf) = vpow2.f32 v22  }
.LBB2_6:
0x1b8: {  	p0 =	sne.s32 s23, $0x7E00;
	v20 =	vmul.f32 $1.442695020e+00, v20;
	v23 =	vsub.f32 $0.0e+00, v16;
	v21 =	vld [tilespmem:s21+$0x10C60];
	v22 =	vpop (erf);
	(erf) = vpow2.f32 v18  }
0x1b9: {  	[tilespmem:s21+$0x10000] =	vst v7;
	v7 =	vmul.f32 $1.442695020e+00, v19;
	v24 =	vsub.f32 $0.0e+00, v15;
	v18 =	vld [tilespmem:s21+$0x10C70];
	v19 =	vpop (erf);
	(erf) = vpow2.f32 v17  }
0x1ba: {  	[tilespmem:s21+$0x10010] =	vst v6;
	v6 =	vmul.f32 $1.442695020e+00, v23;
	v17 =	vsub.f32 $0.0e+00, v12;
	v16 =	vpop (erf);
	(erf) = vpow2.f32 v20  }
0x1bb: {  	[tilespmem:s21+$0x10020] =	vst v5;
	v5 =	vmul.f32 $1.442695020e+00, v24;
	v20 =	vsub.f32 $0.0e+00, v13;
	v15 =	vpop (erf);
	(erf) = vpow2.f32 v7  }
0x1bc: {  	[tilespmem:s21+$0x10030] =	vst v4;
	v17 =	vmul.f32 $1.442695020e+00, v17;
	v14 =	vsub.f32 $0.0e+00, v14;
	v12 =	vpop (erf);
	(erf) = vpow2.f32 v6  }
0x1bd: {  	[tilespmem:s21+$0x10040] =	vst v3;
	v20 =	vmul.f32 $1.442695020e+00, v20;
	v6 =	vsub.f32 $0.0e+00, v21;
	v13 =	vpop (erf);
	(erf) = vpow2.f32 v5  }
0x1be: {  	[tilespmem:s21+$0x10050] =	vst v2;
	v2 =	vmul.f32 $1.442695020e+00, v14;
	v5 =	vsub.f32 $0.0e+00, v18;
	v7 =	vpop (erf);
	(erf) = vpow2.f32 v17  }
0x1bf: {  	[tilespmem:s21+$0x10060] =	vst v1;
	v1 =	vmul.f32 $1.442695020e+00, v6;
	v4 =	vpop (erf);
	(erf) = vpow2.f32 v20  }
0x1c0: {  	[tilespmem:s21+$0x10070] =	vst v0;
	v0 =	vmul.f32 $1.442695020e+00, v5;
	v3 =	vpop (erf);
	(erf) = vpow2.f32 v2  }
0x1c1: {  	[tilespmem:s21+$0x10400] =	vst v8;
	v5 =	vadd.f32 $1.000000000e+00, v3;
	v3 =	vpop (erf);
	(erf) = vpow2.f32 v1  }
0x1c2: {  	[tilespmem:s21+$0x10410] =	vst v9;
	v6 =	vadd.f32 $1.000000000e+00, v3;
	v3 =	vpop (erf);
	(erf) = vpow2.f32 v0  }
0x1c3: {  	s22 =	sadd.s32 $0x80, s22;
	[tilespmem:s21+$0x10420] =	vst v10;
	v3 =	vadd.f32 $1.000000000e+00, v3;
	(erf) = vrcp.f32 v5;
	v2 =	vpop (erf)  }
0x1c4: {  	s24 =	sand.u32 $0x7000, s23;
	s25 =	sand.u32 $0x380, s22;
	[tilespmem:s21+$0x10430] =	vst v11;
	v5 =	vadd.f32 $1.000000000e+00, v2;
	(erf) = vrcp.f32 v6;
	v1 =	vpop (erf)  }
0x1c5: {  	s24 =	sor.u32 s25, s24;
	[tilespmem:s21+$0x10440] =	vst v22;
	v6 =	vadd.f32 $1.000000000e+00, v1;
	(erf) = vrcp.f32 v3;
	v0 =	vpop (erf)  }
0x1c6: {  	v3 =	vld [tilespmem:s24+$0x10000];
	[tilespmem:s21+$0x10450] =	vst v19;
	v8 =	vadd.f32 $1.000000000e+00, v0;
	(erf) = vrcp.f32 v5;
	v2 =	vpop (erf)  }
0x1c7: {  	v5 =	vld [tilespmem:s24+$0x10010];
	[tilespmem:s21+$0x10460] =	vst v16;
	v9 =	vadd.f32 $1.000000000e+00, v2;
	(erf) = vrcp.f32 v6;
	v1 =	vpop (erf)  }
0x1c8: {  	v6 =	vld [tilespmem:s24+$0x10020];
	[tilespmem:s21+$0x10470] =	vst v15;
	v10 =	vadd.f32 $1.000000000e+00, v1;
	(erf) = vrcp.f32 v8;
	v0 =	vpop (erf)  }
0x1c9: {  	v8 =	vld [tilespmem:s24+$0x10030];
	[tilespmem:s21+$0x10800] =	vst v12;
	v11 =	vadd.f32 $1.000000000e+00, v0;
	(erf) = vrcp.f32 v9;
	v2 =	vpop (erf)  }
0x1ca: {  	v9 =	vld [tilespmem:s24+$0x10040];
	[tilespmem:s21+$0x10810] =	vst v13;
	v2 =	vadd.f32 $1.000000000e+00, v2;
	(erf) = vrcp.f32 v10;
	v1 =	vpop (erf)  }
0x1cb: {  	v3 =	vsub.f32 $0.0e+00, v3;
	v10 =	vld [tilespmem:s24+$0x10050];
	[tilespmem:s21+$0x10820] =	vst v7;
	v1 =	vadd.f32 $1.000000000e+00, v1;
	(erf) = vrcp.f32 v11;
	v0 =	vpop (erf)  }
0x1cc: {  	v5 =	vsub.f32 $0.0e+00, v5;
	v7 =	vld [tilespmem:s24+$0x10060];
	[tilespmem:s21+$0x10830] =	vst v4;
	v0 =	vadd.f32 $1.000000000e+00, v0;
	v4 =	vpop (erf);
	(erf) = vrcp.f32 v2  }
0x1cd: {  	v11 =	vmul.f32 $1.442695020e+00, v3;
	v3 =	vsub.f32 $0.0e+00, v6;
	v6 =	vld [tilespmem:s24+$0x10070];
	[tilespmem:s21+$0x10840] =	vst v4;
	v4 =	vpop (erf);
	(erf) = vrcp.f32 v1  }
0x1ce: {  	v12 =	vmul.f32 $1.442695020e+00, v5;
	v5 =	vsub.f32 $0.0e+00, v8;
	[tilespmem:s21+$0x10850] =	vst v4;
	v4 =	vpop (erf);
	(erf) = vrcp.f32 v0  }
0x1cf: {  	v8 =	vmul.f32 $1.442695020e+00, v3;
	v3 =	vsub.f32 $0.0e+00, v9;
	(erf) = vpow2.f32 v11;
	[tilespmem:s21+$0x10860] =	vst v4;
	v2 =	vpop (erf)  }
0x1d0: {  	v4 =	vmul.f32 $1.442695020e+00, v5;
	v5 =	vsub.f32 $0.0e+00, v10;
	(erf) = vpow2.f32 v12;
	[tilespmem:s21+$0x10870] =	vst v2;
	v1 =	vpop (erf)  }
0x1d1: {  	v2 =	vmul.f32 $1.442695020e+00, v3;
	v3 =	vsub.f32 $0.0e+00, v7;
	(erf) = vpow2.f32 v8;
	[tilespmem:s21+$0x10C00] =	vst v1;
	v0 =	vpop (erf)  }
0x1d2: {  	v1 =	vmul.f32 $1.442695020e+00, v5;
	v5 =	vsub.f32 $0.0e+00, v6;
	(erf) = vpow2.f32 v4;
	[tilespmem:s21+$0x10C10] =	vst v0;
	v0 =	vpop (erf)  }
0x1d3: {  	v3 =	vmul.f32 $1.442695020e+00, v3;
	(erf) = vpow2.f32 v2;
	[tilespmem:s21+$0x10C20] =	vst v0;
	v0 =	vpop (erf)  }
0x1d4: {  	v2 =	vmul.f32 $1.442695020e+00, v5;
	(erf) = vpow2.f32 v1;
	[tilespmem:s21+$0x10C30] =	vst v0;
	v0 =	vpop (erf)  }
0x1d5: {  	(erf) = vpow2.f32 v3;
	[tilespmem:s21+$0x10C40] =	vst v0;
	v0 =	vpop (erf)  }
0x1d6: {  	(erf) = vpow2.f32 v2;
	[tilespmem:s21+$0x10C50] =	vst v0;
	v0 =	vpop (erf)  }
0x1d7: {  	[tilespmem:s21+$0x10C60] =	vst v0;
	v0 =	vpop (erf)  }
0x1d8: {  	v1 =	vpop (erf);
	[tilespmem:s21+$0x10C70] =	vst v0;
	s21 =	smov.u32 s24  }
0x1d9: {  	v5 =	vadd.f32 $1.000000000e+00, v1;
	v1 =	vpop (erf)  }
0x1da: {  	v6 =	vadd.f32 $1.000000000e+00, v1;
	v2 =	vld [tilespmem:s21+$0x10400];
	v3 =	vpop (erf)  }
0x1db: {  	v7 =	vadd.f32 $1.000000000e+00, v3;
	v4 =	vld [tilespmem:s21+$0x10410];
	(erf) = vrcp.f32 v5;
	v0 =	vpop (erf)  }
0x1dc: {  	v8 =	vadd.f32 $1.000000000e+00, v0;
	v5 =	vld [tilespmem:s21+$0x10420];
	(erf) = vrcp.f32 v6;
	v1 =	vpop (erf)  }
0x1dd: {  	v9 =	vadd.f32 $1.000000000e+00, v1;
	v6 =	vld [tilespmem:s21+$0x10430];
	(erf) = vrcp.f32 v7;
	v3 =	vpop (erf)  }
0x1de: {  	v3 =	vadd.f32 $1.000000000e+00, v3;
	v7 =	vld [tilespmem:s21+$0x10440];
	(erf) = vrcp.f32 v8;
	v0 =	vpop (erf)  }
0x1df: {  	v0 =	vadd.f32 $1.000000000e+00, v0;
	v2 =	vsub.f32 $0.0e+00, v2;
	v8 =	vld [tilespmem:s21+$0x10450];
	(erf) = vrcp.f32 v9;
	v1 =	vpop (erf)  }
0x1e0: {  	v1 =	vadd.f32 $1.000000000e+00, v1;
	v4 =	vsub.f32 $0.0e+00, v4;
	v9 =	vld [tilespmem:s21+$0x10460];
	(erf) = vrcp.f32 v3  }
0x1e1: {  	v2 =	vmul.f32 $1.442695020e+00, v2;
	v3 =	vsub.f32 $0.0e+00, v5;
	v5 =	vld [tilespmem:s21+$0x10470];
	(erf) = vrcp.f32 v0  }
0x1e2: {  	v0 =	vmul.f32 $1.442695020e+00, v4;
	v4 =	vsub.f32 $0.0e+00, v6;
	v10 =	vld [tilespmem:s21+$0x10800];
	(erf) = vrcp.f32 v1  }
0x1e3: {  	v1 =	vmul.f32 $1.442695020e+00, v3;
	v3 =	vsub.f32 $0.0e+00, v7;
	v11 =	vld [tilespmem:s21+$0x10810];
	(erf) = vpow2.f32 v2  }
0x1e4: {  	v2 =	vmul.f32 $1.442695020e+00, v4;
	v14 =	vsub.f32 $0.0e+00, v8;
	v8 =	vld [tilespmem:s21+$0x10820];
	v7 =	vpop (erf);
	(erf) = vpow2.f32 v0  }
0x1e5: {  	v0 =	vmul.f32 $1.442695020e+00, v3;
	v15 =	vsub.f32 $0.0e+00, v9;
	v9 =	vld [tilespmem:s21+$0x10830];
	v6 =	vpop (erf);
	(erf) = vpow2.f32 v1  }
0x1e6: {  	v1 =	vmul.f32 $1.442695020e+00, v14;
	v12 =	vsub.f32 $0.0e+00, v5;
	v5 =	vpop (erf);
	(erf) = vpow2.f32 v2  }
0x1e7: {  	v13 =	vmul.f32 $1.442695020e+00, v15;
	v14 =	vsub.f32 $0.0e+00, v10;
	v4 =	vpop (erf);
	(erf) = vpow2.f32 v0  }
0x1e8: {  	v12 =	vmul.f32 $1.442695020e+00, v12;
	v10 =	vsub.f32 $0.0e+00, v11;
	v3 =	vpop (erf);
	(erf) = vpow2.f32 v1  }
0x1e9: {  	v14 =	vmul.f32 $1.442695020e+00, v14;
	v8 =	vsub.f32 $0.0e+00, v8;
	v2 =	vpop (erf);
	(erf) = vpow2.f32 v13  }
0x1ea: {  	v10 =	vmul.f32 $1.442695020e+00, v10;
	v9 =	vsub.f32 $0.0e+00, v9;
	v1 =	vpop (erf);
	(erf) = vpow2.f32 v12  }
0x1eb: {  	v8 =	vmul.f32 $1.442695020e+00, v8;
	v0 =	vpop (erf);
	(erf) = vpow2.f32 v14  }
0x1ec: {  	v9 =	vmul.f32 $1.442695020e+00, v9;
	v11 =	vpop (erf);
	(erf) = vpow2.f32 v10  }
0x1ed: {  	v12 =	vadd.f32 $1.000000000e+00, v11;
	v11 =	vpop (erf);
	(erf) = vpow2.f32 v8  }
0x1ee: {  	v13 =	vadd.f32 $1.000000000e+00, v11;
	v11 =	vpop (erf);
	(erf) = vpow2.f32 v9  }
0x1ef: {  	v11 =	vadd.f32 $1.000000000e+00, v11;
	(erf) = vrcp.f32 v12;
	v10 =	vpop (erf)  }
0x1f0: {  	v12 =	vadd.f32 $1.000000000e+00, v10;
	(erf) = vrcp.f32 v13;
	v8 =	vpop (erf)  }
0x1f1: {  	v13 =	vadd.f32 $1.000000000e+00, v8;
	(erf) = vrcp.f32 v11;
	v9 =	vpop (erf)  }
0x1f2: {  	v14 =	vadd.f32 $1.000000000e+00, v9;
	v11 =	vld [tilespmem:s21+$0x10840];
	(erf) = vrcp.f32 v12;
	v10 =	vpop (erf)  }
0x1f3: {  	v15 =	vadd.f32 $1.000000000e+00, v10;
	v12 =	vld [tilespmem:s21+$0x10850];
	(erf) = vrcp.f32 v13;
	v8 =	vpop (erf)  }
0x1f4: {  	v16 =	vadd.f32 $1.000000000e+00, v8;
	v13 =	vld [tilespmem:s21+$0x10860];
	(erf) = vrcp.f32 v14;
	v9 =	vpop (erf)  }
0x1f5: {  	v9 =	vadd.f32 $1.000000000e+00, v9;
	v14 =	vld [tilespmem:s21+$0x10870];
	(erf) = vrcp.f32 v15;
	v10 =	vpop (erf)  }
0x1f6: {  	v10 =	vadd.f32 $1.000000000e+00, v10;
	v19 =	vld [tilespmem:s21+$0x10C00];
	(erf) = vrcp.f32 v16;
	v8 =	vpop (erf)  }
.Ltmp2:
0x1f7: {  	v17 =	vadd.f32 $1.000000000e+00, v8;
	v11 =	vsub.f32 $0.0e+00, v11;
	v16 =	vld [tilespmem:s21+$0x10C10];
	(erf) = vrcp.f32 v9;
	v8 =	vpop (erf);
	(pc) =	sbr.rel @p0 .LBB2_6-.Ltmp2, $4  }
0x1f8: {  	v21 =	vadd.f32 $1.000000000e+00, v8;
	v18 =	vsub.f32 $0.0e+00, v12;
	v15 =	vld [tilespmem:s21+$0x10C20];
	v8 =	vpop (erf);
	(erf) = vrcp.f32 v10  }
0x1f9: {  	v22 =	vmul.f32 $1.442695020e+00, v11;
	v23 =	vsub.f32 $0.0e+00, v13;
	v12 =	vld [tilespmem:s21+$0x10C30];
	v9 =	vpop (erf);
	(erf) = vrcp.f32 v17  }
0x1fa: {  	v18 =	vmul.f32 $1.442695020e+00, v18;
	v20 =	vsub.f32 $0.0e+00, v14;
	v13 =	vld [tilespmem:s21+$0x10C40];
	v10 =	vpop (erf);
	(erf) = vrcp.f32 v21  }
0x1fb: {  	s23 =	sadd.s32 $0x200, s23;
	v17 =	vmul.f32 $1.442695020e+00, v23;
	v19 =	vsub.f32 $0.0e+00, v19;
	v14 =	vld [tilespmem:s21+$0x10C50];
	v11 =	vpop (erf);
	(erf) = vpow2.f32 v22  }
0x1fc: {  	v16 =	vsub.f32 $0.0e+00, v16  }
0x1fd: {  	v20 =	vmul.f32 $1.442695020e+00, v20;
	(erf) = vpow2.f32 v18;
	v15 =	vsub.f32 $0.0e+00, v15  }
0x1fe: {  	v22 =	vpop (erf);
	[tilespmem:s21+$0x10000] =	vst v7;
	v7 =	vmul.f32 $1.442695020e+00, v19;
	(erf) = vpow2.f32 v17;
	v12 =	vsub.f32 $0.0e+00, v12  }
0x1ff: {  	v21 =	vld [tilespmem:s21+$0x10C60];
	[tilespmem:s21+$0x10010] =	vst v6;
	v19 =	vpop (erf);
	(erf) = vpow2.f32 v20;
	v13 =	vsub.f32 $0.0e+00, v13  }
0x200: {  	v18 =	vld [tilespmem:s21+$0x10C70];
	[tilespmem:s21+$0x10020] =	vst v5;
	v6 =	vmul.f32 $1.442695020e+00, v16;
	(erf) = vpow2.f32 v7;
	v16 =	vpop (erf);
	v7 =	vsub.f32 $0.0e+00, v14  }
0x201: {  	[tilespmem:s21+$0x10030] =	vst v4;
	v5 =	vmul.f32 $1.442695020e+00, v15;
	v4 =	vmul.f32 $1.442695020e+00, v12;
	v15 =	vpop (erf)  }
0x202: {  	[tilespmem:s21+$0x10040] =	vst v3;
	v3 =	vmul.f32 $1.442695020e+00, v13;
	v12 =	vpop (erf)  }
0x203: {  	(erf) = vpow2.f32 v6;
	v13 =	vpop (erf)  }
0x204: {  	[tilespmem:s21+$0x10050] =	vst v2;
	v6 =	vsub.f32 $0.0e+00, v21;
	v2 =	vmul.f32 $1.442695020e+00, v7;
	(erf) = vpow2.f32 v5;
	v7 =	vpop (erf)  }
0x205: {  	v5 =	vsub.f32 $0.0e+00, v18;
	(erf) = vpow2.f32 v4;
	v4 =	vpop (erf)  }
0x206: {  	[tilespmem:s21+$0x10060] =	vst v1;
	v1 =	vmul.f32 $1.442695020e+00, v6;
	(erf) = vpow2.f32 v3;
	v3 =	vpop (erf)  }
0x207: {  	[tilespmem:s21+$0x10070] =	vst v0;
	v0 =	vmul.f32 $1.442695020e+00, v5;
	(erf) = vpow2.f32 v2;
	v2 =	vadd.f32 $1.000000000e+00, v3;
	v3 =	vpop (erf)  }
0x208: {  	(erf) = vpow2.f32 v1;
	v1 =	vadd.f32 $1.000000000e+00, v3;
	v3 =	vpop (erf)  }
0x209: {  	(erf) = vpow2.f32 v0;
	v0 =	vadd.f32 $1.000000000e+00, v3;
	_ =	sdelay $0x1  }
0x20a: {  	(erf) = vrcp.f32 v2;
	v2 =	vpop (erf)  }
0x20b: {  	(erf) = vrcp.f32 v1;
	v2 =	vadd.f32 $1.000000000e+00, v2;
	v1 =	vpop (erf)  }
0x20c: {  	(erf) = vrcp.f32 v0;
	v1 =	vadd.f32 $1.000000000e+00, v1;
	v0 =	vpop (erf)  }
0x20d: {  	[tilespmem:s21+$0x10400] =	vst v8;
	v0 =	vadd.f32 $1.000000000e+00, v0  }
0x20e: {  	[tilespmem:s21+$0x10410] =	vst v9  }
0x20f: {  	[tilespmem:s21+$0x10420] =	vst v10;
	(erf) = vrcp.f32 v2;
	v2 =	vpop (erf)  }
0x210: {  	[tilespmem:s21+$0x10430] =	vst v11;
	(erf) = vrcp.f32 v1;
	v2 =	vadd.f32 $1.000000000e+00, v2;
	v1 =	vpop (erf)  }
0x211: {  	[tilespmem:s21+$0x10440] =	vst v22;
	(erf) = vrcp.f32 v0;
	v1 =	vadd.f32 $1.000000000e+00, v1;
	v0 =	vpop (erf)  }
0x212: {  	[tilespmem:s21+$0x10450] =	vst v19;
	v0 =	vadd.f32 $1.000000000e+00, v0  }
0x213: {  	[tilespmem:s21+$0x10460] =	vst v16  }
0x214: {  	[tilespmem:s21+$0x10470] =	vst v15;
	(erf) = vrcp.f32 v2;
	v2 =	vpop (erf)  }
0x215: {  	[tilespmem:s21+$0x10800] =	vst v12;
	(erf) = vrcp.f32 v1;
	v2 =	vadd.f32 $1.000000000e+00, v2;
	v1 =	vpop (erf)  }
0x216: {  	[tilespmem:s21+$0x10810] =	vst v13;
	(erf) = vrcp.f32 v0;
	v1 =	vadd.f32 $1.000000000e+00, v1;
	v0 =	vpop (erf)  }
0x217: {  	[tilespmem:s21+$0x10820] =	vst v7;
	v0 =	vadd.f32 $1.000000000e+00, v0  }
0x218: {  	[tilespmem:s21+$0x10830] =	vst v4;
	v3 =	vpop (erf);
	(erf) = vrcp.f32 v2  }
0x219: {  	[tilespmem:s21+$0x10840] =	vst v3;
	v2 =	vpop (erf);
	(erf) = vrcp.f32 v1  }
0x21a: {  	[tilespmem:s21+$0x10850] =	vst v2;
	v1 =	vpop (erf);
	(erf) = vrcp.f32 v0  }
0x21b: {  	[tilespmem:s21+$0x10860] =	vst v1;
	v0 =	vpop (erf)  }
0x21c: {  	[tilespmem:s21+$0x10870] =	vst v0;
	v0 =	vpop (erf)  }
0x21d: {  	[tilespmem:s21+$0x10C00] =	vst v0;
	v0 =	vpop (erf)  }
0x21e: {  	[tilespmem:s21+$0x10C10] =	vst v0;
	v0 =	vpop (erf)  }
0x21f: {  	[tilespmem:s21+$0x10C20] =	vst v0;
	v0 =	vpop (erf)  }
0x220: {  	[tilespmem:s21+$0x10C30] =	vst v0;
	v0 =	vpop (erf)  }
0x221: {  	[tilespmem:s21+$0x10C40] =	vst v0;
	v0 =	vpop (erf)  }
0x222: {  	[tilespmem:s21+$0x10C50] =	vst v0;
	v0 =	vpop (erf)  }
0x223: {  	[tilespmem:s21+$0x10C60] =	vst v0;
	v0 =	vpop (erf)  }
0x224: {  	s22 =	simm.s32 $0x0;
	[tilespmem:s21+$0x10C70] =	vst v0  }
0x225: {  	[hbm4b:s10+s22] =	stream.linear.scatter [tilespmem:s14], [sflag:$0x6], $0x8000, $0x38;
	[tilespmem:$0x18000] =	vst v63  }
0x226: {  	_ =	swait.ge [sflag:s3], $0x8000  }
0x227: {  	s31 =	sand.u32 $0x7000, s22;
	s23 =	sand.u32 $0x380, s22;
	[sflag:s3] =	ssyncset.done $0x0  }
0x228: {  	s21 =	sor.u32 s23, s31;
	[sflag:s3] =	ssyncadd.s32 $0xFFFF8000  }
0x229: {  	v0 =	vld [tilespmem:s21+$0x0]  }
0x22a: {  	v1 =	vld [tilespmem:s21+$0x10];
	_ =	sdelay $0x1  }
0x22b: {  	v2 =	vld [tilespmem:s21+$0x20]  }
0x22c: {  	v3 =	vld [tilespmem:s21+$0x30]  }
0x22d: {  	v4 =	vld [tilespmem:s21+$0x40];
	v0 =	vsub.f32 $0.0e+00, v0  }
0x22e: {  	v5 =	vld [tilespmem:s21+$0x50];
	v1 =	vsub.f32 $0.0e+00, v1  }
0x22f: {  	v6 =	vld [tilespmem:s21+$0x60];
	v0 =	vmul.f32 $1.442695020e+00, v0  }
0x230: {  	v7 =	vld [tilespmem:s21+$0x70];
	v1 =	vmul.f32 $1.442695020e+00, v1  }
0x231: {  	v2 =	vsub.f32 $0.0e+00, v2;
	v3 =	vsub.f32 $0.0e+00, v3;
	(erf) = vpow2.f32 v0  }
0x232: {  	v4 =	vsub.f32 $0.0e+00, v4;
	(erf) = vpow2.f32 v1  }
0x233: {  	v2 =	vmul.f32 $1.442695020e+00, v2;
	v0 =	vmul.f32 $1.442695020e+00, v3;
	v3 =	vsub.f32 $0.0e+00, v5  }
0x234: {  	v1 =	vmul.f32 $1.442695020e+00, v4;
	v4 =	vsub.f32 $0.0e+00, v6  }
0x235: {  	(erf) = vpow2.f32 v2;
	v2 =	vmul.f32 $1.442695020e+00, v3;
	v3 =	vsub.f32 $0.0e+00, v7  }
0x236: {  	(erf) = vpow2.f32 v0;
	v0 =	vmul.f32 $1.442695020e+00, v4  }
0x237: {  	(erf) = vpow2.f32 v1;
	v1 =	vmul.f32 $1.442695020e+00, v3;
	_ =	sdelay $0x1  }
0x238: {  	(erf) = vpow2.f32 v2  }
0x239: {  	(erf) = vpow2.f32 v0;
	v0 =	vpop (erf)  }
0x23a: {  	(erf) = vpow2.f32 v1;
	v0 =	vadd.f32 $1.000000000e+00, v0;
	v1 =	vpop (erf)  }
0x23b: {  	v1 =	vadd.f32 $1.000000000e+00, v1;
	_ =	sdelay $0x1  }
0x23c: {  	v3 =	vpop (erf)  }
0x23d: {  	v8 =	vld [tilespmem:s21+$0x450];
	v3 =	vadd.f32 $1.000000000e+00, v3;
	(erf) = vrcp.f32 v0;
	v0 =	vpop (erf)  }
0x23e: {  	v2 =	vld [tilespmem:s21+$0x400];
	(erf) = vrcp.f32 v1;
	v0 =	vadd.f32 $1.000000000e+00, v0;
	v1 =	vpop (erf)  }
0x23f: {  	v4 =	vld [tilespmem:s21+$0x410];
	v1 =	vadd.f32 $1.000000000e+00, v1  }
0x240: {  	v5 =	vld [tilespmem:s21+$0x420]  }
0x241: {  	v6 =	vld [tilespmem:s21+$0x430];
	(erf) = vrcp.f32 v3;
	v3 =	vpop (erf)  }
0x242: {  	v7 =	vld [tilespmem:s21+$0x440];
	v3 =	vadd.f32 $1.000000000e+00, v3;
	(erf) = vrcp.f32 v0;
	v0 =	vpop (erf)  }
0x243: {  	v9 =	vld [tilespmem:s21+$0x460];
	v2 =	vsub.f32 $0.0e+00, v2;
	(erf) = vrcp.f32 v1;
	v0 =	vadd.f32 $1.000000000e+00, v0;
	v1 =	vpop (erf)  }
0x244: {  	v10 =	vld [tilespmem:s21+$0x800];
	v4 =	vsub.f32 $0.0e+00, v4;
	(erf) = vrcp.f32 v3;
	v1 =	vadd.f32 $1.000000000e+00, v1  }
0x245: {  	v2 =	vmul.f32 $1.442695020e+00, v2;
	v3 =	vsub.f32 $0.0e+00, v5;
	v5 =	vld [tilespmem:s21+$0x470];
	(erf) = vrcp.f32 v0  }
0x246: {  	v0 =	vmul.f32 $1.442695020e+00, v4;
	v4 =	vsub.f32 $0.0e+00, v6;
	(erf) = vrcp.f32 v1  }
0x247: {  	v1 =	vmul.f32 $1.442695020e+00, v3;
	v3 =	vsub.f32 $0.0e+00, v7;
	(erf) = vpow2.f32 v2  }
0x248: {  	v11 =	vld [tilespmem:s21+$0x810];
	v2 =	vmul.f32 $1.442695020e+00, v4;
	v4 =	vsub.f32 $0.0e+00, v8;
	(erf) = vpow2.f32 v0  }
0x249: {  	v7 =	vpop (erf);
	v0 =	vmul.f32 $1.442695020e+00, v3;
	v3 =	vsub.f32 $0.0e+00, v9;
	(erf) = vpow2.f32 v1  }
0x24a: {  	v8 =	vld [tilespmem:s21+$0x820];
	v6 =	vpop (erf);
	v12 =	vsub.f32 $0.0e+00, v5;
	(erf) = vpow2.f32 v2;
	v2 =	vsub.f32 $0.0e+00, v10  }
0x24b: {  	v5 =	vpop (erf);
	v1 =	vmul.f32 $1.442695020e+00, v4  }
0x24c: {  	v9 =	vld [tilespmem:s21+$0x830];
	v4 =	vpop (erf);
	(erf) = vpow2.f32 v0;
	v0 =	vmul.f32 $1.442695020e+00, v12  }
0x24d: {  	v13 =	vmul.f32 $1.442695020e+00, v3;
	v10 =	vsub.f32 $0.0e+00, v11;
	v3 =	vpop (erf);
	v11 =	vmul.f32 $1.442695020e+00, v2  }
0x24e: {  	(erf) = vpow2.f32 v1;
	v2 =	vpop (erf)  }
0x24f: {  	v8 =	vsub.f32 $0.0e+00, v8;
	(erf) = vpow2.f32 v13;
	v1 =	vpop (erf)  }
0x250: {  	v10 =	vmul.f32 $1.442695020e+00, v10;
	(erf) = vpow2.f32 v0;
	v0 =	vpop (erf)  }
0x251: {  	v9 =	vsub.f32 $0.0e+00, v9;
	v8 =	vmul.f32 $1.442695020e+00, v8;
	(erf) = vpow2.f32 v11;
	v11 =	vpop (erf)  }
0x252: {  	(erf) = vpow2.f32 v10;
	v10 =	vadd.f32 $1.000000000e+00, v11;
	v11 =	vpop (erf)  }
0x253: {  	v9 =	vmul.f32 $1.442695020e+00, v9;
	(erf) = vpow2.f32 v8;
	v8 =	vadd.f32 $1.000000000e+00, v11;
	_ =	sdelay $0x1  }
0x254: {  	v11 =	vpop (erf);
	(erf) = vpow2.f32 v9  }
0x255: {  	v9 =	vadd.f32 $1.000000000e+00, v11;
	(erf) = vrcp.f32 v10;
	v10 =	vpop (erf)  }
0x256: {  	(erf) = vrcp.f32 v8;
	v10 =	vadd.f32 $1.000000000e+00, v10;
	v8 =	vpop (erf)  }
0x257: {  	v8 =	vadd.f32 $1.000000000e+00, v8;
	_ =	sdelay $0x1  }
0x258: {  	v11 =	vld [tilespmem:s21+$0x840];
	(erf) = vrcp.f32 v9;
	v9 =	vpop (erf)  }
0x259: {  	v9 =	vadd.f32 $1.000000000e+00, v9;
	(erf) = vrcp.f32 v10;
	v10 =	vpop (erf)  }
0x25a: {  	(erf) = vrcp.f32 v8;
	v10 =	vadd.f32 $1.000000000e+00, v10;
	v8 =	vpop (erf)  }
0x25b: {  	v13 =	vld [tilespmem:s21+$0x860];
	v8 =	vadd.f32 $1.000000000e+00, v8  }
0x25c: {  	v12 =	vld [tilespmem:s21+$0x850]  }
0x25d: {  	v11 =	vsub.f32 $0.0e+00, v11;
	(erf) = vrcp.f32 v9;
	v9 =	vpop (erf)  }
0x25e: {  	v14 =	vld [tilespmem:s21+$0x870];
	v9 =	vadd.f32 $1.000000000e+00, v9;
	(erf) = vrcp.f32 v10;
	v10 =	vpop (erf)  }
0x25f: {  	v19 =	vld [tilespmem:s21+$0xC00];
	v22 =	vmul.f32 $1.442695020e+00, v11;
	(erf) = vrcp.f32 v8;
	v10 =	vadd.f32 $1.000000000e+00, v10;
	v8 =	vpop (erf)  }
0x260: {  	v16 =	vld [tilespmem:s21+$0xC10];
	v11 =	vsub.f32 $0.0e+00, v13;
	(erf) = vrcp.f32 v9;
	v17 =	vadd.f32 $1.000000000e+00, v8;
	v8 =	vpop (erf)  }
0x261: {  	v15 =	vld [tilespmem:s21+$0xC20];
	v18 =	vsub.f32 $0.0e+00, v12;
	v21 =	vadd.f32 $1.000000000e+00, v8;
	v8 =	vpop (erf);
	(erf) = vrcp.f32 v10  }
0x262: {  	v12 =	vld [tilespmem:s21+$0xC30];
	v9 =	vpop (erf);
	(erf) = vrcp.f32 v17  }
0x263: {  	v20 =	vsub.f32 $0.0e+00, v14;
	v18 =	vmul.f32 $1.442695020e+00, v18;
	v13 =	vld [tilespmem:s21+$0xC40];
	v10 =	vpop (erf);
	(erf) = vrcp.f32 v21  }
0x264: {  	s23 =	simm.s32 $0x200;
	v19 =	vsub.f32 $0.0e+00, v19;
	v14 =	vld [tilespmem:s21+$0xC50];
	v17 =	vmul.f32 $1.442695020e+00, v11;
	v11 =	vpop (erf);
	(erf) = vpow2.f32 v22  }
.LBB2_8:
0x265: {  	p0 =	sne.s32 s23, $0x7E00;
	v20 =	vmul.f32 $1.442695020e+00, v20;
	v23 =	vsub.f32 $0.0e+00, v16;
	v21 =	vld [tilespmem:s21+$0xC60];
	v22 =	vpop (erf);
	(erf) = vpow2.f32 v18  }
0x266: {  	[tilespmem:s21+$0x0] =	vst v7;
	v7 =	vmul.f32 $1.442695020e+00, v19;
	v24 =	vsub.f32 $0.0e+00, v15;
	v18 =	vld [tilespmem:s21+$0xC70];
	v19 =	vpop (erf);
	(erf) = vpow2.f32 v17  }
0x267: {  	[tilespmem:s21+$0x10] =	vst v6;
	v6 =	vmul.f32 $1.442695020e+00, v23;
	v17 =	vsub.f32 $0.0e+00, v12;
	v16 =	vpop (erf);
	(erf) = vpow2.f32 v20  }
0x268: {  	[tilespmem:s21+$0x20] =	vst v5;
	v5 =	vmul.f32 $1.442695020e+00, v24;
	v20 =	vsub.f32 $0.0e+00, v13;
	v15 =	vpop (erf);
	(erf) = vpow2.f32 v7  }
0x269: {  	[tilespmem:s21+$0x30] =	vst v4;
	v17 =	vmul.f32 $1.442695020e+00, v17;
	v14 =	vsub.f32 $0.0e+00, v14;
	v12 =	vpop (erf);
	(erf) = vpow2.f32 v6  }
0x26a: {  	[tilespmem:s21+$0x40] =	vst v3;
	v20 =	vmul.f32 $1.442695020e+00, v20;
	v6 =	vsub.f32 $0.0e+00, v21;
	v13 =	vpop (erf);
	(erf) = vpow2.f32 v5  }
0x26b: {  	[tilespmem:s21+$0x50] =	vst v2;
	v2 =	vmul.f32 $1.442695020e+00, v14;
	v5 =	vsub.f32 $0.0e+00, v18;
	v7 =	vpop (erf);
	(erf) = vpow2.f32 v17  }
0x26c: {  	[tilespmem:s21+$0x60] =	vst v1;
	v1 =	vmul.f32 $1.442695020e+00, v6;
	v4 =	vpop (erf);
	(erf) = vpow2.f32 v20  }
0x26d: {  	[tilespmem:s21+$0x70] =	vst v0;
	v0 =	vmul.f32 $1.442695020e+00, v5;
	v3 =	vpop (erf);
	(erf) = vpow2.f32 v2  }
0x26e: {  	[tilespmem:s21+$0x400] =	vst v8;
	v5 =	vadd.f32 $1.000000000e+00, v3;
	v3 =	vpop (erf);
	(erf) = vpow2.f32 v1  }
0x26f: {  	[tilespmem:s21+$0x410] =	vst v9;
	v6 =	vadd.f32 $1.000000000e+00, v3;
	v3 =	vpop (erf);
	(erf) = vpow2.f32 v0  }
0x270: {  	s22 =	sadd.s32 $0x80, s22;
	[tilespmem:s21+$0x420] =	vst v10;
	v3 =	vadd.f32 $1.000000000e+00, v3;
	(erf) = vrcp.f32 v5;
	v2 =	vpop (erf)  }
0x271: {  	s24 =	sand.u32 $0x7000, s23;
	s25 =	sand.u32 $0x380, s22;
	[tilespmem:s21+$0x430] =	vst v11;
	v5 =	vadd.f32 $1.000000000e+00, v2;
	(erf) = vrcp.f32 v6;
	v1 =	vpop (erf)  }
0x272: {  	s24 =	sor.u32 s25, s24;
	[tilespmem:s21+$0x440] =	vst v22;
	v6 =	vadd.f32 $1.000000000e+00, v1;
	(erf) = vrcp.f32 v3;
	v0 =	vpop (erf)  }
0x273: {  	v3 =	vld [tilespmem:s24+$0x0];
	[tilespmem:s21+$0x450] =	vst v19;
	v8 =	vadd.f32 $1.000000000e+00, v0;
	(erf) = vrcp.f32 v5;
	v2 =	vpop (erf)  }
0x274: {  	v5 =	vld [tilespmem:s24+$0x10];
	[tilespmem:s21+$0x460] =	vst v16;
	v9 =	vadd.f32 $1.000000000e+00, v2;
	(erf) = vrcp.f32 v6;
	v1 =	vpop (erf)  }
0x275: {  	v6 =	vld [tilespmem:s24+$0x20];
	[tilespmem:s21+$0x470] =	vst v15;
	v10 =	vadd.f32 $1.000000000e+00, v1;
	(erf) = vrcp.f32 v8;
	v0 =	vpop (erf)  }
0x276: {  	v8 =	vld [tilespmem:s24+$0x30];
	[tilespmem:s21+$0x800] =	vst v12;
	v11 =	vadd.f32 $1.000000000e+00, v0;
	(erf) = vrcp.f32 v9;
	v2 =	vpop (erf)  }
0x277: {  	v9 =	vld [tilespmem:s24+$0x40];
	[tilespmem:s21+$0x810] =	vst v13;
	v2 =	vadd.f32 $1.000000000e+00, v2;
	(erf) = vrcp.f32 v10;
	v1 =	vpop (erf)  }
0x278: {  	v3 =	vsub.f32 $0.0e+00, v3;
	v10 =	vld [tilespmem:s24+$0x50];
	[tilespmem:s21+$0x820] =	vst v7;
	v1 =	vadd.f32 $1.000000000e+00, v1;
	(erf) = vrcp.f32 v11;
	v0 =	vpop (erf)  }
0x279: {  	v5 =	vsub.f32 $0.0e+00, v5;
	v7 =	vld [tilespmem:s24+$0x60];
	[tilespmem:s21+$0x830] =	vst v4;
	v0 =	vadd.f32 $1.000000000e+00, v0;
	v4 =	vpop (erf);
	(erf) = vrcp.f32 v2  }
0x27a: {  	v11 =	vmul.f32 $1.442695020e+00, v3;
	v3 =	vsub.f32 $0.0e+00, v6;
	v6 =	vld [tilespmem:s24+$0x70];
	[tilespmem:s21+$0x840] =	vst v4;
	v4 =	vpop (erf);
	(erf) = vrcp.f32 v1  }
0x27b: {  	v12 =	vmul.f32 $1.442695020e+00, v5;
	v5 =	vsub.f32 $0.0e+00, v8;
	[tilespmem:s21+$0x850] =	vst v4;
	v4 =	vpop (erf);
	(erf) = vrcp.f32 v0  }
0x27c: {  	v8 =	vmul.f32 $1.442695020e+00, v3;
	v3 =	vsub.f32 $0.0e+00, v9;
	(erf) = vpow2.f32 v11;
	[tilespmem:s21+$0x860] =	vst v4;
	v2 =	vpop (erf)  }
0x27d: {  	v4 =	vmul.f32 $1.442695020e+00, v5;
	v5 =	vsub.f32 $0.0e+00, v10;
	(erf) = vpow2.f32 v12;
	[tilespmem:s21+$0x870] =	vst v2;
	v1 =	vpop (erf)  }
0x27e: {  	v2 =	vmul.f32 $1.442695020e+00, v3;
	v3 =	vsub.f32 $0.0e+00, v7;
	(erf) = vpow2.f32 v8;
	[tilespmem:s21+$0xC00] =	vst v1;
	v0 =	vpop (erf)  }
0x27f: {  	v1 =	vmul.f32 $1.442695020e+00, v5;
	v5 =	vsub.f32 $0.0e+00, v6;
	(erf) = vpow2.f32 v4;
	[tilespmem:s21+$0xC10] =	vst v0;
	v0 =	vpop (erf)  }
0x280: {  	v3 =	vmul.f32 $1.442695020e+00, v3;
	(erf) = vpow2.f32 v2;
	[tilespmem:s21+$0xC20] =	vst v0;
	v0 =	vpop (erf)  }
0x281: {  	v2 =	vmul.f32 $1.442695020e+00, v5;
	(erf) = vpow2.f32 v1;
	[tilespmem:s21+$0xC30] =	vst v0;
	v0 =	vpop (erf)  }
0x282: {  	(erf) = vpow2.f32 v3;
	[tilespmem:s21+$0xC40] =	vst v0;
	v0 =	vpop (erf)  }
0x283: {  	(erf) = vpow2.f32 v2;
	[tilespmem:s21+$0xC50] =	vst v0;
	v0 =	vpop (erf)  }
0x284: {  	[tilespmem:s21+$0xC60] =	vst v0;
	v0 =	vpop (erf)  }
0x285: {  	v1 =	vpop (erf);
	[tilespmem:s21+$0xC70] =	vst v0;
	s21 =	smov.u32 s24  }
0x286: {  	v5 =	vadd.f32 $1.000000000e+00, v1;
	v1 =	vpop (erf)  }
0x287: {  	v6 =	vadd.f32 $1.000000000e+00, v1;
	v2 =	vld [tilespmem:s21+$0x400];
	v3 =	vpop (erf)  }
0x288: {  	v7 =	vadd.f32 $1.000000000e+00, v3;
	v4 =	vld [tilespmem:s21+$0x410];
	(erf) = vrcp.f32 v5;
	v0 =	vpop (erf)  }
0x289: {  	v8 =	vadd.f32 $1.000000000e+00, v0;
	v5 =	vld [tilespmem:s21+$0x420];
	(erf) = vrcp.f32 v6;
	v1 =	vpop (erf)  }
0x28a: {  	v9 =	vadd.f32 $1.000000000e+00, v1;
	v6 =	vld [tilespmem:s21+$0x430];
	(erf) = vrcp.f32 v7;
	v3 =	vpop (erf)  }
0x28b: {  	v3 =	vadd.f32 $1.000000000e+00, v3;
	v7 =	vld [tilespmem:s21+$0x440];
	(erf) = vrcp.f32 v8;
	v0 =	vpop (erf)  }
0x28c: {  	v0 =	vadd.f32 $1.000000000e+00, v0;
	v2 =	vsub.f32 $0.0e+00, v2;
	v8 =	vld [tilespmem:s21+$0x450];
	(erf) = vrcp.f32 v9;
	v1 =	vpop (erf)  }
0x28d: {  	v1 =	vadd.f32 $1.000000000e+00, v1;
	v4 =	vsub.f32 $0.0e+00, v4;
	v9 =	vld [tilespmem:s21+$0x460];
	(erf) = vrcp.f32 v3  }
0x28e: {  	v2 =	vmul.f32 $1.442695020e+00, v2;
	v3 =	vsub.f32 $0.0e+00, v5;
	v5 =	vld [tilespmem:s21+$0x470];
	(erf) = vrcp.f32 v0  }
0x28f: {  	v0 =	vmul.f32 $1.442695020e+00, v4;
	v4 =	vsub.f32 $0.0e+00, v6;
	v10 =	vld [tilespmem:s21+$0x800];
	(erf) = vrcp.f32 v1  }
0x290: {  	v1 =	vmul.f32 $1.442695020e+00, v3;
	v3 =	vsub.f32 $0.0e+00, v7;
	v11 =	vld [tilespmem:s21+$0x810];
	(erf) = vpow2.f32 v2  }
0x291: {  	v2 =	vmul.f32 $1.442695020e+00, v4;
	v14 =	vsub.f32 $0.0e+00, v8;
	v8 =	vld [tilespmem:s21+$0x820];
	v7 =	vpop (erf);
	(erf) = vpow2.f32 v0  }
0x292: {  	v0 =	vmul.f32 $1.442695020e+00, v3;
	v15 =	vsub.f32 $0.0e+00, v9;
	v9 =	vld [tilespmem:s21+$0x830];
	v6 =	vpop (erf);
	(erf) = vpow2.f32 v1  }
0x293: {  	v1 =	vmul.f32 $1.442695020e+00, v14;
	v12 =	vsub.f32 $0.0e+00, v5;
	v5 =	vpop (erf);
	(erf) = vpow2.f32 v2  }
0x294: {  	v13 =	vmul.f32 $1.442695020e+00, v15;
	v14 =	vsub.f32 $0.0e+00, v10;
	v4 =	vpop (erf);
	(erf) = vpow2.f32 v0  }
0x295: {  	v12 =	vmul.f32 $1.442695020e+00, v12;
	v10 =	vsub.f32 $0.0e+00, v11;
	v3 =	vpop (erf);
	(erf) = vpow2.f32 v1  }
0x296: {  	v14 =	vmul.f32 $1.442695020e+00, v14;
	v8 =	vsub.f32 $0.0e+00, v8;
	v2 =	vpop (erf);
	(erf) = vpow2.f32 v13  }
0x297: {  	v10 =	vmul.f32 $1.442695020e+00, v10;
	v9 =	vsub.f32 $0.0e+00, v9;
	v1 =	vpop (erf);
	(erf) = vpow2.f32 v12  }
0x298: {  	v8 =	vmul.f32 $1.442695020e+00, v8;
	v0 =	vpop (erf);
	(erf) = vpow2.f32 v14  }
0x299: {  	v9 =	vmul.f32 $1.442695020e+00, v9;
	v11 =	vpop (erf);
	(erf) = vpow2.f32 v10  }
0x29a: {  	v12 =	vadd.f32 $1.000000000e+00, v11;
	v11 =	vpop (erf);
	(erf) = vpow2.f32 v8  }
0x29b: {  	v13 =	vadd.f32 $1.000000000e+00, v11;
	v11 =	vpop (erf);
	(erf) = vpow2.f32 v9  }
0x29c: {  	v11 =	vadd.f32 $1.000000000e+00, v11;
	(erf) = vrcp.f32 v12;
	v10 =	vpop (erf)  }
0x29d: {  	v12 =	vadd.f32 $1.000000000e+00, v10;
	(erf) = vrcp.f32 v13;
	v8 =	vpop (erf)  }
0x29e: {  	v13 =	vadd.f32 $1.000000000e+00, v8;
	(erf) = vrcp.f32 v11;
	v9 =	vpop (erf)  }
0x29f: {  	v14 =	vadd.f32 $1.000000000e+00, v9;
	v11 =	vld [tilespmem:s21+$0x840];
	(erf) = vrcp.f32 v12;
	v10 =	vpop (erf)  }
0x2a0: {  	v15 =	vadd.f32 $1.000000000e+00, v10;
	v12 =	vld [tilespmem:s21+$0x850];
	(erf) = vrcp.f32 v13;
	v8 =	vpop (erf)  }
0x2a1: {  	v16 =	vadd.f32 $1.000000000e+00, v8;
	v13 =	vld [tilespmem:s21+$0x860];
	(erf) = vrcp.f32 v14;
	v9 =	vpop (erf)  }
0x2a2: {  	v9 =	vadd.f32 $1.000000000e+00, v9;
	v14 =	vld [tilespmem:s21+$0x870];
	(erf) = vrcp.f32 v15;
	v10 =	vpop (erf)  }
0x2a3: {  	v10 =	vadd.f32 $1.000000000e+00, v10;
	v19 =	vld [tilespmem:s21+$0xC00];
	(erf) = vrcp.f32 v16;
	v8 =	vpop (erf)  }
.Ltmp3:
0x2a4: {  	v17 =	vadd.f32 $1.000000000e+00, v8;
	v11 =	vsub.f32 $0.0e+00, v11;
	v16 =	vld [tilespmem:s21+$0xC10];
	(erf) = vrcp.f32 v9;
	v8 =	vpop (erf);
	(pc) =	sbr.rel @p0 .LBB2_8-.Ltmp3, $4  }
0x2a5: {  	v21 =	vadd.f32 $1.000000000e+00, v8;
	v18 =	vsub.f32 $0.0e+00, v12;
	v15 =	vld [tilespmem:s21+$0xC20];
	v8 =	vpop (erf);
	(erf) = vrcp.f32 v10  }
0x2a6: {  	v22 =	vmul.f32 $1.442695020e+00, v11;
	v23 =	vsub.f32 $0.0e+00, v13;
	v12 =	vld [tilespmem:s21+$0xC30];
	v9 =	vpop (erf);
	(erf) = vrcp.f32 v17  }
0x2a7: {  	v18 =	vmul.f32 $1.442695020e+00, v18;
	v20 =	vsub.f32 $0.0e+00, v14;
	v13 =	vld [tilespmem:s21+$0xC40];
	v10 =	vpop (erf);
	(erf) = vrcp.f32 v21  }
0x2a8: {  	s23 =	sadd.s32 $0x200, s23;
	v17 =	vmul.f32 $1.442695020e+00, v23;
	v19 =	vsub.f32 $0.0e+00, v19;
	v14 =	vld [tilespmem:s21+$0xC50];
	v11 =	vpop (erf);
	(erf) = vpow2.f32 v22  }
0x2a9: {  	v20 =	vmul.f32 $1.442695020e+00, v20;
	v16 =	vsub.f32 $0.0e+00, v16;
	v21 =	vld [tilespmem:s21+$0xC60];
	v22 =	vpop (erf);
	(erf) = vpow2.f32 v18  }
0x2aa: {  	[tilespmem:s21+$0x0] =	vst v7;
	v60 =	vld [tilespmem:s21+$0xC70];
	v59 =	vmul.f32 $1.442695020e+00, v19;
	v15 =	vsub.f32 $0.0e+00, v15;
	v61 =	vpop (erf);
	(erf) = vpow2.f32 v17  }
0x2ab: {  	[tilespmem:s21+$0x10] =	vst v6;
	v62 =	vmul.f32 $1.442695020e+00, v16;
	v12 =	vsub.f32 $0.0e+00, v12;
	v63 =	vpop (erf);
	(erf) = vpow2.f32 v20  }
0x2ac: {  	[tilespmem:s21+$0x20] =	vst v5;
	v23 =	vmul.f32 $1.442695020e+00, v15;
	v13 =	vsub.f32 $0.0e+00, v13;
	v24 =	vpop (erf);
	(erf) = vpow2.f32 v59  }
0x2ad: {  	[tilespmem:s21+$0x30] =	vst v4;
	v25 =	vmul.f32 $1.442695020e+00, v12;
	v26 =	vsub.f32 $0.0e+00, v14;
	v27 =	vpop (erf);
	(erf) = vpow2.f32 v62  }
0x2ae: {  	[tilespmem:s21+$0x40] =	vst v3;
	v28 =	vmul.f32 $1.442695020e+00, v13;
	v29 =	vsub.f32 $0.0e+00, v21;
	v30 =	vpop (erf);
	(erf) = vpow2.f32 v23  }
0x2af: {  	[tilespmem:s21+$0x50] =	vst v2;
	v32 =	vsub.f32 $0.0e+00, v60;
	v31 =	vmul.f32 $1.442695020e+00, v26;
	v33 =	vpop (erf);
	(erf) = vpow2.f32 v25  }
0x2b0: {  	[tilespmem:s21+$0x60] =	vst v1;
	v34 =	vmul.f32 $1.442695020e+00, v29;
	v35 =	vpop (erf);
	(erf) = vpow2.f32 v28  }
0x2b1: {  	[tilespmem:s21+$0x70] =	vst v0;
	v36 =	vmul.f32 $1.442695020e+00, v32;
	v37 =	vpop (erf);
	(erf) = vpow2.f32 v31  }
0x2b2: {  	[tilespmem:s21+$0x400] =	vst v8;
	v38 =	vadd.f32 $1.000000000e+00, v37;
	v39 =	vpop (erf);
	(erf) = vpow2.f32 v34  }
0x2b3: {  	[tilespmem:s21+$0x410] =	vst v9;
	v40 =	vadd.f32 $1.000000000e+00, v39;
	v41 =	vpop (erf);
	(erf) = vpow2.f32 v36  }
0x2b4: {  	[tilespmem:s21+$0x420] =	vst v10;
	v42 =	vadd.f32 $1.000000000e+00, v41;
	(erf) = vrcp.f32 v38;
	v43 =	vpop (erf)  }
0x2b5: {  	[tilespmem:s21+$0x430] =	vst v11;
	v2 =	vadd.f32 $1.000000000e+00, v43;
	(erf) = vrcp.f32 v40;
	v44 =	vpop (erf)  }
0x2b6: {  	[tilespmem:s21+$0x440] =	vst v22;
	v1 =	vadd.f32 $1.000000000e+00, v44;
	(erf) = vrcp.f32 v42;
	v45 =	vpop (erf)  }
0x2b7: {  	[tilespmem:s21+$0x450] =	vst v61;
	v0 =	vadd.f32 $1.000000000e+00, v45;
	(erf) = vrcp.f32 v2;
	v46 =	vpop (erf)  }
0x2b8: {  	[tilespmem:s21+$0x460] =	vst v63;
	v2 =	vadd.f32 $1.000000000e+00, v46;
	(erf) = vrcp.f32 v1;
	v47 =	vpop (erf)  }
0x2b9: {  	[tilespmem:s21+$0x470] =	vst v24;
	v1 =	vadd.f32 $1.000000000e+00, v47;
	(erf) = vrcp.f32 v0;
	v48 =	vpop (erf)  }
0x2ba: {  	[tilespmem:s21+$0x800] =	vst v27;
	v0 =	vadd.f32 $1.000000000e+00, v48;
	(erf) = vrcp.f32 v2;
	v49 =	vpop (erf)  }
0x2bb: {  	[tilespmem:s21+$0x810] =	vst v30;
	v2 =	vadd.f32 $1.000000000e+00, v49;
	(erf) = vrcp.f32 v1;
	v50 =	vpop (erf)  }
0x2bc: {  	[tilespmem:s21+$0x820] =	vst v33;
	v1 =	vadd.f32 $1.000000000e+00, v50;
	(erf) = vrcp.f32 v0;
	v51 =	vpop (erf)  }
0x2bd: {  	[tilespmem:s21+$0x830] =	vst v35;
	v0 =	vadd.f32 $1.000000000e+00, v51;
	v52 =	vpop (erf);
	(erf) = vrcp.f32 v2  }
0x2be: {  	[tilespmem:s21+$0x840] =	vst v52;
	v53 =	vpop (erf);
	(erf) = vrcp.f32 v1  }
0x2bf: {  	[tilespmem:s21+$0x850] =	vst v53;
	v54 =	vpop (erf);
	(erf) = vrcp.f32 v0  }
0x2c0: {  	[tilespmem:s21+$0x860] =	vst v54;
	v55 =	vpop (erf)  }
0x2c1: {  	[tilespmem:s21+$0x870] =	vst v55;
	v56 =	vpop (erf)  }
0x2c2: {  	[tilespmem:s21+$0xC00] =	vst v56;
	v57 =	vpop (erf)  }
0x2c3: {  	[tilespmem:s21+$0xC10] =	vst v57;
	v58 =	vpop (erf)  }
0x2c4: {  	[tilespmem:s21+$0xC20] =	vst v58;
	v59 =	vpop (erf)  }
0x2c5: {  	[tilespmem:s21+$0xC30] =	vst v59;
	v60 =	vpop (erf)  }
0x2c6: {  	[tilespmem:s21+$0xC40] =	vst v60;
	v61 =	vpop (erf)  }
0x2c7: {  	[tilespmem:s21+$0xC50] =	vst v61;
	v62 =	vpop (erf)  }
0x2c8: {  	[tilespmem:s21+$0xC60] =	vst v62;
	v63 =	vpop (erf)  }
0x2c9: {  	[tilespmem:s21+$0xC70] =	vst v63  }
0x2ca: {  	[hbm4b:s11+s2] =	stream.linear.scatter [tilespmem:s2], [sflag:$0x4], $0x8000, $0x38;
	[tilespmem:$0x18000] =	vst v63  }
0x2cb: {  	_ =	swait.ge [sflag:s18], $0x8000  }
0x2cc: {  	[sflag:s18] =	ssyncset.done $0x0  }
0x2cd: {  	s20 =	sadd.s32 $0x1, s20;
	[sflag:s18] =	ssyncadd.s32 $0xFFFF8000  }
0x2ce: {  	p0 =	sne.s32 s20, s12;
	_ =	swait.ge [sflag:s19], $0x8000  }
.Ltmp4:
0x2cf: {  	[sflag:s19] =	ssyncset.done $0x0;
	(pc) =	sbr.rel @p0 .LBB2_1-.Ltmp4, $4  }
0x2d0: {  	[sflag:s19] =	ssyncadd.s32 $0xFFFF8000  }
0x2d1: {  	_ =	swait.ge [sflag:s16], $0x8000  }
0x2d2: {  	[sflag:s16] =	ssyncset.done $0x0  }
0x2d3: {  	[sflag:s16] =	ssyncadd.s32 $0xFFFF8000  }
0x2d4: {  	_ =	sfence.sel $0x180000  }
0x2d5: {  	[bflag:$0x0] =	sbarrier.arrive $0xFFFF  }
0x2d6: {  	p0 =	sne.s32 s0, $0x0;
	_ =	strace $0x90000047  }
0x2d7: {  	s0 =	sadd.s32 @!p0 $0x100000, s1;
	[bflag:$0x2] =	sbarrier.arrive $0xFFFF  }
0x2d8: {  	[sflag:s0] =	ssyncadd.tile.s32 @!p0 $0x1;
	_ =	shalt  }
.Lfunc_end2:
_tile_overlayer_lowered:
.L_overlay_start_2:
0x2d9: {  	(tag) =	ssettag $0x2  }
0x2da: {  	s0 =	rddreg [dreg:$0x0];
	s2 =	stileid.u32  }
0x2db: {  	s1 =	rddreg [dreg:$0x1];
	p0 =	sne.s32 s2, $0x0  }
0x2dc: {  	s3 =	rddreg [dreg:$0x2];
	[bflag:$0x3] =	sbarrier.arrive $0xFFFF;
	s2 =	simm.s32 @!p0 $0x1C07  }
0x2dd: {  	[timem:s3], [sflag:s2] =	dma.local @!p0 [hbm:s0], s1  }
0x2de: {  	s0 =	simm.s32 @!p0 $0x7  }
0x2df: {  	_ =	swait.ge @!p0 [sflag:s0], s1  }
0x2e0: {  	s1 =	ssub.s32 @!p0 $0x0, s1;
	[sflag:s0] =	ssyncset.done @!p0 $0x0  }
0x2e1: {  	[sflag:s0] =	ssyncadd.s32 @!p0 s1  }
0x2e2: {  	[bflag:$0x3] =	sbarrier.arrive $0xFFFF  }
0x2e3: {  	_ =	shalt  }

</sc_bundles>
